<compile_context>
chip_gen: v7x
topology: tpu7x:2x2x1
jax: 0.10.2.dev20260603
libtpu: 0.0.44.dev20260713+nightly
codegen_flags: <defaults>
</compile_context>

<pallas_src>
import functools

import numpy as np

import jax
import jax.numpy as jnp
from jax import lax
from jax.experimental import pallas as pl
from jax.experimental.pallas import tpu as pltpu
from jax.experimental.pallas import tpu_sc as plsc

N = 10000
E = 320000
D_IN = 128
D_HID = 128
D_OUT = 40
DH = 64

NC, NS, LANES = 2, 16, 16
NW = NC * NS
B = 125
NBLK = 80
NBLKH = 160
ACC_ROWS = 10240
RPT = ACC_ROWS // NS
ZR = 64

_MESH = dict(core_axis_name="c", subcore_axis_name="s",
             num_cores=NC, num_subcores=NS)
_SC_PARAMS = pltpu.CompilerParams(use_tc_tiling_on_sc=False)


def _fill_zero(zbuf, d):
    zero = jnp.zeros((LANES,), jnp.float32)

    def zrow(i, carry):
        for j in range(d // LANES):
            zbuf[i, pl.ds(j * LANES, LANES)] = zero
        return carry

    lax.fori_loop(0, ZR, zrow, 0)


NBUF = 4


def _edge_pipeline(g, idx_s, idx_d, rows, acc, gsem, ssem, nblk):

    def g_start(blk, b):
        pltpu.make_async_copy(g.at[idx_s.at[blk]], rows.at[b],
                              gsem[b]).start()

    def g_wait(b):
        pltpu.make_async_copy(g.at[idx_s.at[0]], rows.at[b], gsem[b]).wait()

    def s_start(blk, b):
        pltpu.async_copy(rows.at[b], acc.at[idx_d.at[blk]], ssem[b], add=True)

    def s_wait(b):
        pltpu.make_async_copy(rows.at[b], acc.at[idx_d.at[0]], ssem[b]).wait()

    for t in range(NBUF):
        g_start(t, t)

    def body(j, carry):
        e = NBUF * j
        for t in range(NBUF):
            g_wait(t)
            s_start(e + t, t)
        for t in range(NBUF):
            s_wait(t)

            @pl.when(j + 1 < nblk // NBUF)
            def _():
                g_start(e + NBUF + t, t)
        return carry

    lax.fori_loop(0, nblk // NBUF, body, 0)


@functools.partial(
    pl.kernel,
    out_type=jax.ShapeDtypeStruct((NC, ACC_ROWS, DH), jnp.float32),
    mesh=plsc.VectorSubcoreMesh(**_MESH),
    compiler_params=_SC_PARAMS,
    scratch_types=[
        pltpu.VMEM((NBLKH, B), jnp.int32),
        pltpu.VMEM((NBLKH, B), jnp.int32),
        pltpu.VMEM((NBUF, B, DH), jnp.float32),
        pltpu.VMEM((ZR, DH), jnp.float32),
        pltpu.VMEM_SHARED((ACC_ROWS, DH), jnp.float32),
    ] + [pltpu.SemaphoreType.DMA] * (2 * NBUF),
)
def _sc_scatter_cols(gl_hbm, gr_hbm, srcb_hbm, dstb_hbm, out_hbm,
                     idx_s, idx_d, rows, zbuf, acc, *sems):
    gsem, ssem = sems[:NBUF], sems[NBUF:]
    c = lax.axis_index("c")
    s = lax.axis_index("s")
    base = s * RPT

    pltpu.sync_copy(srcb_hbm.at[s], idx_s)
    pltpu.sync_copy(dstb_hbm.at[s], idx_d)
    _fill_zero(zbuf, DH)
    for t in range(RPT // ZR):
        pltpu.sync_copy(zbuf, acc.at[pl.ds(base + t * ZR, ZR)])
    plsc.subcore_barrier()

    for cc, g in ((0, gl_hbm), (1, gr_hbm)):
        @pl.when(c == cc)
        def _(g=g, cc=cc):
            _edge_pipeline(g, idx_s, idx_d, rows, acc, gsem, ssem, NBLKH)
            plsc.subcore_barrier()
            pltpu.sync_copy(acc.at[pl.ds(base, RPT)],
                            out_hbm.at[cc, pl.ds(base, RPT)])


@functools.partial(
    pl.kernel,
    out_type=jax.ShapeDtypeStruct((NC, ACC_ROWS, DH), jnp.float32),
    mesh=plsc.VectorSubcoreMesh(**_MESH),
    compiler_params=_SC_PARAMS,
    scratch_types=[
        pltpu.VMEM((NBLK, B), jnp.int32),
        pltpu.VMEM((NBLK, B), jnp.int32),
        pltpu.VMEM((NBUF, B, DH), jnp.float32),
        pltpu.VMEM((ZR, DH), jnp.float32),
        pltpu.VMEM_SHARED((ACC_ROWS, DH), jnp.float32),
    ] + [pltpu.SemaphoreType.DMA] * (2 * NBUF),
)
def _sc_scatter1(g_hbm, srcb_hbm, dstb_hbm, out_hbm,
                 idx_s, idx_d, rows, zbuf, acc, *sems):
    gsem, ssem = sems[:NBUF], sems[NBUF:]
    c = lax.axis_index("c")
    s = lax.axis_index("s")
    base = s * RPT

    pltpu.sync_copy(srcb_hbm.at[s, pl.ds(c * NBLK, NBLK)], idx_s)
    pltpu.sync_copy(dstb_hbm.at[s, pl.ds(c * NBLK, NBLK)], idx_d)
    _fill_zero(zbuf, DH)
    for t in range(RPT // ZR):
        pltpu.sync_copy(zbuf, acc.at[pl.ds(base + t * ZR, ZR)])
    plsc.subcore_barrier()

    _edge_pipeline(g_hbm, idx_s, idx_d, rows, acc, gsem, ssem, NBLK)
    plsc.subcore_barrier()
    pltpu.sync_copy(acc.at[pl.ds(base, RPT)], out_hbm.at[c, pl.ds(base, RPT)])


@functools.partial(
    pl.kernel,
    out_type=jax.ShapeDtypeStruct((NC, ACC_ROWS), jnp.float32),
    mesh=plsc.VectorSubcoreMesh(**_MESH),
    compiler_params=_SC_PARAMS,
    scratch_types=[
        pltpu.VMEM((NBLK, B), jnp.int32),
        pltpu.VMEM((128,), jnp.float32),
        pltpu.VMEM((RPT,), jnp.float32),
        pltpu.VMEM_SHARED((ACC_ROWS,), jnp.float32),
    ],
)
def _sc_degree(dstb_hbm, out_hbm, idx_d, ones, zbuf, acc):
    c = lax.axis_index("c")
    s = lax.axis_index("s")

    pltpu.sync_copy(dstb_hbm.at[s, pl.ds(c * NBLK, NBLK)], idx_d)

    one = jnp.full((LANES,), 1.0, jnp.float32)
    for j in range(128 // LANES):
        ones[pl.ds(j * LANES, LANES)] = one
    zero = jnp.zeros((LANES,), jnp.float32)

    def zrow(i, carry):
        zbuf[pl.ds(i * LANES, LANES)] = zero
        return carry

    lax.fori_loop(0, RPT // LANES, zrow, 0)
    base = s * RPT
    pltpu.sync_copy(zbuf, acc.at[pl.ds(base, RPT)])
    plsc.subcore_barrier()

    def body(blk, carry):
        pltpu.sync_copy(ones.at[pl.ds(0, B)], acc.at[idx_d.at[blk]], add=True)
        return carry

    lax.fori_loop(0, NBLK, body, 0)
    plsc.subcore_barrier()
    pltpu.sync_copy(acc.at[pl.ds(base, RPT)], out_hbm.at[c, pl.ds(base, RPT)])


_BN = 2048
_GRID = 5

_HALF = pl.BlockSpec((_BN, DH), lambda i: (i, 0))
_FULL = pl.BlockSpec((_BN, D_HID), lambda i: (i, 0))
_COL1 = pl.BlockSpec((_BN, 1), lambda i: (i, 0))


def _threefry2x32(key, x0, x1):
    def rotl(x, d):
        return ((x << np.uint32(d)) | (x >> np.uint32(32 - d))).astype(
            np.uint32)

    rots = [[13, 15, 26, 6], [17, 29, 16, 24]]
    ks = [np.uint32(key[0]), np.uint32(key[1]),
          np.uint32(key[0] ^ key[1] ^ np.uint32(0x1BD11BDA))]
    x0 = (x0.astype(np.uint32) + ks[0]).astype(np.uint32)
    x1 = (x1.astype(np.uint32) + ks[1]).astype(np.uint32)
    for i in range(5):
        for r in rots[i % 2]:
            x0 = (x0 + x1).astype(np.uint32)
            x1 = rotl(x1, r) ^ x0
        x0 = (x0 + ks[(i + 1) % 3]).astype(np.uint32)
        x1 = (x1 + ks[(i + 2) % 3] + np.uint32(i + 1)).astype(np.uint32)
    return x0, x1


def _masks():
    base = np.array([0, 1], np.uint32)
    out = []
    for layer in range(2):
        k0, k1 = _threefry2x32(base, np.zeros(1, np.uint32),
                               np.array([layer], np.uint32))
        key = np.array([k0[0], k1[0]], np.uint32)
        idx = np.arange(N * D_HID, dtype=np.uint64)
        c1 = (idx >> np.uint64(32)).astype(np.uint32)
        c2 = (idx & np.uint64(0xFFFFFFFF)).astype(np.uint32)
        b0, b1 = _threefry2x32(key, c1, c2)
        bits = b0 ^ b1
        u = (np.uint32(0x3F800000) | (bits >> np.uint32(9))).view(
            np.float32) - np.float32(1.0)
        mask = (u < np.float32(0.5)).astype(np.float32) * np.float32(2.0)
        out.append(mask.reshape(N, D_HID))
    return out


_M0, _M1 = _masks()


def _tc_first(degp, x, W0):

    def body(deg_ref, x_ref, w_ref, gl_ref, gr_ref, dinv_ref):
        deg = deg_ref[0, :] + deg_ref[1, :] + 1.0
        dinv = lax.rsqrt(deg)
        y = jnp.dot(x_ref[...], w_ref[...], preferred_element_type=jnp.float32)
        g = y * dinv[:, None]
        gl_ref[...] = g[:, :DH]
        gr_ref[...] = g[:, DH:]
        dinv_ref[...] = dinv[:, None]

    return pl.pallas_call(
        body,
        grid=(_GRID,),
        in_specs=[
            pl.BlockSpec((NC, _BN), lambda i: (0, i)),
            pl.BlockSpec((_BN, D_IN), lambda i: (i, 0)),
            pl.BlockSpec((D_IN, D_HID), lambda i: (0, 0)),
        ],
        out_specs=[_HALF, _HALF, _COL1],
        out_shape=[
            jax.ShapeDtypeStruct((N, DH), jnp.float32),
            jax.ShapeDtypeStruct((N, DH), jnp.float32),
            jax.ShapeDtypeStruct((N, 1), jnp.float32),
        ],
    )(degp, x, W0)


def _tc_mid(part, gl, gr, dinv, mask2, b_prev, W, n_out_halves):
    d_out = n_out_halves * DH

    def body(p_ref, gl_ref, gr_ref, dinv_ref, m_ref, b_ref, w_ref, *o_refs):
        dinv = dinv_ref[...]
        tl = dinv * (p_ref[0] + gl_ref[...]) + b_ref[:, :DH]
        tr = dinv * (p_ref[1] + gr_ref[...]) + b_ref[:, DH:]
        t = jnp.concatenate([tl, tr], axis=1)
        h = jnp.where(t > 0, t, jnp.exp(t) - 1.0) * m_ref[...]
        y = jnp.dot(h, w_ref[...], preferred_element_type=jnp.float32)
        g = y * dinv
        for k, o_ref in enumerate(o_refs):
            o_ref[...] = g[:, k * DH:(k + 1) * DH]

    return pl.pallas_call(
        body,
        grid=(_GRID,),
        in_specs=[
            pl.BlockSpec((NC, _BN, DH), lambda i: (0, i, 0)),
            _HALF, _HALF, _COL1, _FULL,
            pl.BlockSpec((1, D_HID), lambda i: (0, 0)),
            pl.BlockSpec((D_HID, d_out), lambda i: (0, 0)),
        ],
        out_specs=[_HALF] * n_out_halves,
        out_shape=[jax.ShapeDtypeStruct((N, DH), jnp.float32)] * n_out_halves,
    )(part, gl, gr, dinv, mask2, b_prev, W)


def _tc_final(part, g2, dinv, b2p):

    def body(p_ref, g_ref, dinv_ref, b_ref, o_ref):
        t = dinv_ref[...] * (p_ref[0] + p_ref[1] + g_ref[...]) + b_ref[...]
        m = jnp.max(t, axis=1, keepdims=True)
        lse = jnp.log(jnp.sum(jnp.exp(t - m), axis=1, keepdims=True)) + m
        o_ref[...] = (t - lse)[:, :D_OUT]

    return pl.pallas_call(
        body,
        grid=(_GRID,),
        in_specs=[
            pl.BlockSpec((NC, _BN, DH), lambda i: (0, i, 0)),
            _HALF, _COL1,
            pl.BlockSpec((1, DH), lambda i: (0, 0)),
        ],
        out_specs=pl.BlockSpec((_BN, D_OUT), lambda i: (i, 0)),
        out_shape=jax.ShapeDtypeStruct((N, D_OUT), jnp.float32),
    )(part, g2, dinv, b2p)


def kernel(x, edge_index, W0, b0, W1, b1, W2, b2):
    srcbh = edge_index[0].reshape(NS, NBLKH, B)
    dstbh = edge_index[1].reshape(NS, NBLKH, B)

    m0 = jnp.asarray(_M0)
    m1 = jnp.asarray(_M1)

    W2p = jnp.zeros((D_HID, DH), jnp.float32).at[:, :D_OUT].set(W2)
    b2p = jnp.full((1, DH), -1e30, jnp.float32).at[0, :D_OUT].set(b2)

    degp = _sc_degree(dstbh)
    g0l, g0r, dinv = _tc_first(degp, x, W0)
    p0 = _sc_scatter_cols(g0l, g0r, srcbh, dstbh)
    g1l, g1r = _tc_mid(p0, g0l, g0r, dinv, m0, b0.reshape(1, -1), W1, 2)
    p1 = _sc_scatter_cols(g1l, g1r, srcbh, dstbh)
    (g2,) = _tc_mid(p1, g1l, g1r, dinv, m1, b1.reshape(1, -1), W2p, 1)
    p2 = _sc_scatter1(g2, srcbh, dstbh)
    return _tc_final(p2, g2, dinv, b2p)

# --- scband reference (transcript-rebuilt; emitter-appended) ---
"""Pipeline reference for scband-node-gcn-82910048682339 (READ-ONLY COPY).

The authoritative reference and input builder live on the scoring server;
editing this copy changes nothing except your own understanding.
"""

import jax, jax.numpy as jnp
import numpy as np

N_NODES = 10000
N_EDGES = 320000
D_IN = 128
D_HID = 128
D_OUT = 40


def setup_inputs(seed: int = 0) -> dict:
    key = jax.random.key(seed)
    ks = jax.random.split(key, 8)
    x = jax.random.normal(ks[0], (N_NODES, D_IN), dtype=jnp.float32)
    edge_index = jax.random.randint(ks[1], (2, N_EDGES), 0, N_NODES, dtype=jnp.int32)
    W0 = jax.random.normal(ks[2], (D_IN, D_HID), dtype=jnp.float32) * (1.0 / np.sqrt(D_IN))
    b0 = jnp.zeros((D_HID,), dtype=jnp.float32)
    W1 = jax.random.normal(ks[3], (D_HID, D_HID), dtype=jnp.float32) * (1.0 / np.sqrt(D_HID))
    b1 = jnp.zeros((D_HID,), dtype=jnp.float32)
    W2 = jax.random.normal(ks[4], (D_HID, D_OUT), dtype=jnp.float32) * (1.0 / np.sqrt(D_HID))
    b2 = jnp.zeros((D_OUT,), dtype=jnp.float32)
    return {"x": x, "edge_index": edge_index, "W0": W0, "b0": b0, "W1": W1, "b1": b1, "W2": W2, "b2": b2}


def _dropout(h, key, p=0.5):
    mask = jax.random.bernoulli(key, 1.0 - p, h.shape)
    return jnp.where(mask, h / (1.0 - p), 0.0)


def reference(x, edge_index, W0, b0, W1, b1, W2, b2):
    N = x.shape[0]
    src = edge_index[0]
    dst = edge_index[1]
    # GCNConv: add self-loops, symmetric normalization (deg^-1/2 A_hat deg^-1/2)
    loop = jnp.arange(N, dtype=src.dtype)
    src = jnp.concatenate([src, loop])
    dst = jnp.concatenate([dst, loop])
    deg = jnp.zeros((N,), jnp.float32).at[dst].add(1.0)
    dinv = jnp.where(deg > 0, 1.0 / jnp.sqrt(deg), 0.0)
    norm = dinv[src] * dinv[dst]

    def conv(h, W, b):
        h = h @ W
        msg = h[src] * norm[:, None]
        out = jnp.zeros((N, W.shape[1]), h.dtype).at[dst].add(msg)
        return out + b

    dk = jax.random.key(1)
    h = conv(x, W0, b0)
    h = jax.nn.elu(h)
    h = _dropout(h, jax.random.fold_in(dk, 0))
    h = conv(h, W1, b1)
    h = jax.nn.elu(h)
    h = _dropout(h, jax.random.fold_in(dk, 1))
    h = conv(h, W2, b2)
    return jax.nn.log_softmax(h, axis=1)

if __name__ == "__main__":
    import jax
    _d = setup_inputs()
    print(jax.jit(kernel)(*tuple(_d.values())))

</pallas_src>

<mosaic_0001>
#map = affine_map<(d0, d1) -> (0, 0)>
#map1 = affine_map<(d0, d1) -> (0, 0, 0)>
module attributes {stable_mosaic.version = 14 : i64} {
  func.func @_sc_scatter_cols(%arg0: i32, %arg1: i32, %arg2: memref<10000x64xf32, #tpu.memory_space<hbm>>, %arg3: memref<10000x64xf32, #tpu.memory_space<hbm>>, %arg4: memref<16x160x125xi32, #tpu.memory_space<hbm>>, %arg5: memref<16x160x125xi32, #tpu.memory_space<hbm>>, %arg6: memref<2x10240x64xf32, #tpu.memory_space<hbm>>, %arg7: memref<160x125xi32, #tpu.memory_space<vmem>>, %arg8: memref<160x125xi32, #tpu.memory_space<vmem>>, %arg9: memref<4x125x64xf32, #tpu.memory_space<vmem>>, %arg10: memref<64x64xf32, #tpu.memory_space<vmem>>, %arg11: memref<10240x64xf32, #tpu.memory_space<vmem_shared>>, %arg12: memref<!tpu.dma_semaphore, #tpu.memory_space<semaphore_mem>>, %arg13: memref<!tpu.dma_semaphore, #tpu.memory_space<semaphore_mem>>, %arg14: memref<!tpu.dma_semaphore, #tpu.memory_space<semaphore_mem>>, %arg15: memref<!tpu.dma_semaphore, #tpu.memory_space<semaphore_mem>>, %arg16: memref<!tpu.dma_semaphore, #tpu.memory_space<semaphore_mem>>, %arg17: memref<!tpu.dma_semaphore, #tpu.memory_space<semaphore_mem>>, %arg18: memref<!tpu.dma_semaphore, #tpu.memory_space<semaphore_mem>>, %arg19: memref<!tpu.dma_semaphore, #tpu.memory_space<semaphore_mem>>) attributes {dimension_semantics = [#tpu.dimension_semantics<core_parallel>, #tpu.dimension_semantics<subcore_parallel>], iteration_bounds = array<i64: 2, 16>, scalar_prefetch = 0 : i64, scratch_operands = 13 : i64, tpu.core_type = #tpu.core_type<sc_vector_subcore>, window_params = [{transform_indices = #map}, {transform_indices = #map}, {transform_indices = #map1}, {transform_indices = #map1}, {transform_indices = #map1}]} {
    %mul3A = arith.constant 640 : i32
    %mul3A_0 = arith.muli %arg1, %mul3A : i32
    "tpu.region"() ({
      %run_scoped3A = tpu.sem_alloc : memref<!tpu.dma_semaphore, #tpu.memory_space<semaphore_mem>>
      %dma_start3A = arith.constant 0 : i32
      %dma_start3A_33 = arith.constant 0 : i32
      %dma_start3A_34 = tpu.memref_slice %arg4[%arg1, %dma_start3A, %dma_start3A_33] : memref<16x160x125xi32, #tpu.memory_space<hbm>> -> memref<1x160x125xi32, #tpu.memory_space<hbm>>
      %dma_start3A_35 = tpu.memref_squeeze %dma_start3A_34 : memref<1x160x125xi32, #tpu.memory_space<hbm>> -> memref<160x125xi32, #tpu.memory_space<hbm>>
      %dma_start3A_36 = arith.constant 0 : i32
      %dma_start3A_37 = arith.constant 0 : i32
      %dma_start3A_38 = tpu.memref_slice %arg4[%arg1, %dma_start3A_36, %dma_start3A_37] : memref<16x160x125xi32, #tpu.memory_space<hbm>> -> memref<1x160x125xi32, #tpu.memory_space<hbm>>
      %dma_start3A_39 = tpu.memref_squeeze %dma_start3A_38 : memref<1x160x125xi32, #tpu.memory_space<hbm>> -> memref<160x125xi32, #tpu.memory_space<hbm>>
      tpu.enqueue_dma source(%dma_start3A_39 : memref<160x125xi32, #tpu.memory_space<hbm>>) target(%arg7 : memref<160x125xi32, #tpu.memory_space<vmem>>) target_semaphore(%run_scoped3A : memref<!tpu.dma_semaphore, #tpu.memory_space<semaphore_mem>>)
      %dma_wait3A = arith.constant 0 : i32
      %dma_wait3A_40 = arith.constant 0 : i32
      %dma_wait3A_41 = tpu.memref_slice %arg4[%arg1, %dma_wait3A, %dma_wait3A_40] : memref<16x160x125xi32, #tpu.memory_space<hbm>> -> memref<1x160x125xi32, #tpu.memory_space<hbm>>
      %dma_wait3A_42 = tpu.memref_squeeze %dma_wait3A_41 : memref<1x160x125xi32, #tpu.memory_space<hbm>> -> memref<160x125xi32, #tpu.memory_space<hbm>>
      %dma_wait3A_43 = arith.constant 0 : i32
      %dma_wait3A_44 = arith.constant 0 : i32
      %dma_wait3A_45 = tpu.memref_slice %arg4[%arg1, %dma_wait3A_43, %dma_wait3A_44] : memref<16x160x125xi32, #tpu.memory_space<hbm>> -> memref<1x160x125xi32, #tpu.memory_space<hbm>>
      %dma_wait3A_46 = tpu.memref_squeeze %dma_wait3A_45 : memref<1x160x125xi32, #tpu.memory_space<hbm>> -> memref<160x125xi32, #tpu.memory_space<hbm>>
      tpu.wait_dma2 semaphore(%run_scoped3A : memref<!tpu.dma_semaphore, #tpu.memory_space<semaphore_mem>>) src(%dma_wait3A_46 : memref<160x125xi32, #tpu.memory_space<hbm>>) dst(%arg7 : memref<160x125xi32, #tpu.memory_space<vmem>>)
      tpu.yield
    }) : () -> ()
    "tpu.region"() ({
      %run_scoped3A = tpu.sem_alloc : memref<!tpu.dma_semaphore, #tpu.memory_space<semaphore_mem>>
      %dma_start3A = arith.constant 0 : i32
      %dma_start3A_33 = arith.constant 0 : i32
      %dma_start3A_34 = tpu.memref_slice %arg5[%arg1, %dma_start3A, %dma_start3A_33] : memref<16x160x125xi32, #tpu.memory_space<hbm>> -> memref<1x160x125xi32, #tpu.memory_space<hbm>>
      %dma_start3A_35 = tpu.memref_squeeze %dma_start3A_34 : memref<1x160x125xi32, #tpu.memory_space<hbm>> -> memref<160x125xi32, #tpu.memory_space<hbm>>
      %dma_start3A_36 = arith.constant 0 : i32
      %dma_start3A_37 = arith.constant 0 : i32
      %dma_start3A_38 = tpu.memref_slice %arg5[%arg1, %dma_start3A_36, %dma_start3A_37] : memref<16x160x125xi32, #tpu.memory_space<hbm>> -> memref<1x160x125xi32, #tpu.memory_space<hbm>>
      %dma_start3A_39 = tpu.memref_squeeze %dma_start3A_38 : memref<1x160x125xi32, #tpu.memory_space<hbm>> -> memref<160x125xi32, #tpu.memory_space<hbm>>
      tpu.enqueue_dma source(%dma_start3A_39 : memref<160x125xi32, #tpu.memory_space<hbm>>) target(%arg8 : memref<160x125xi32, #tpu.memory_space<vmem>>) target_semaphore(%run_scoped3A : memref<!tpu.dma_semaphore, #tpu.memory_space<semaphore_mem>>)
      %dma_wait3A = arith.constant 0 : i32
      %dma_wait3A_40 = arith.constant 0 : i32
      %dma_wait3A_41 = tpu.memref_slice %arg5[%arg1, %dma_wait3A, %dma_wait3A_40] : memref<16x160x125xi32, #tpu.memory_space<hbm>> -> memref<1x160x125xi32, #tpu.memory_space<hbm>>
      %dma_wait3A_42 = tpu.memref_squeeze %dma_wait3A_41 : memref<1x160x125xi32, #tpu.memory_space<hbm>> -> memref<160x125xi32, #tpu.memory_space<hbm>>
      %dma_wait3A_43 = arith.constant 0 : i32
      %dma_wait3A_44 = arith.constant 0 : i32
      %dma_wait3A_45 = tpu.memref_slice %arg5[%arg1, %dma_wait3A_43, %dma_wait3A_44] : memref<16x160x125xi32, #tpu.memory_space<hbm>> -> memref<1x160x125xi32, #tpu.memory_space<hbm>>
      %dma_wait3A_46 = tpu.memref_squeeze %dma_wait3A_45 : memref<1x160x125xi32, #tpu.memory_space<hbm>> -> memref<160x125xi32, #tpu.memory_space<hbm>>
      tpu.wait_dma2 semaphore(%run_scoped3A : memref<!tpu.dma_semaphore, #tpu.memory_space<semaphore_mem>>) src(%dma_wait3A_46 : memref<160x125xi32, #tpu.memory_space<hbm>>) dst(%arg8 : memref<160x125xi32, #tpu.memory_space<vmem>>)
      tpu.yield
    }) : () -> ()
    %broadcast_in_dim3A = arith.constant 0.000000e+00 : f32
    %broadcast_in_dim3A_1 = vector.broadcast %broadcast_in_dim3A : f32 to vector<16xf32>
    %scan3A = arith.constant 0 : i32
    %scan3A_2 = arith.constant 0 : i32
    %scan3A_3 = arith.constant 64 : i32
    %scan3A_4 = arith.addi %scan3A_2, %scan3A_3 : i32
    %scan3A_5 = arith.constant 1 : i32
    scf.for %scan3A_33 = %scan3A_2 to %scan3A_4 step %scan3A_5  : i32 {
      %swap3A = arith.index_cast %scan3A_33 : i32 to index
      %swap3A_34 = arith.constant 0 : index
      %swap3A_35 = tpu.vector_load %arg10[%swap3A, %swap3A_34] {strides = array<i32>} : memref<64x64xf32, #tpu.memory_space<vmem>>, vector<1x16xf32>,
      %swap3A_36 = vector.shape_cast %swap3A_35 : vector<1x16xf32> to vector<16xf32>
      %swap3A_37 = vector.shape_cast %broadcast_in_dim3A_1 : vector<16xf32> to vector<1x16xf32>
      tpu.vector_store %arg10[%swap3A, %swap3A_34], %swap3A_37 {strides = array<i32>} : memref<64x64xf32, #tpu.memory_space<vmem>>, vector<1x16xf32>,
      %swap3A_38 = arith.index_cast %scan3A_33 : i32 to index
      %swap3A_39 = arith.constant 16 : index
      %swap3A_40 = tpu.vector_load %arg10[%swap3A_38, %swap3A_39] {strides = array<i32>} : memref<64x64xf32, #tpu.memory_space<vmem>>, vector<1x16xf32>,
      %swap3A_41 = vector.shape_cast %swap3A_40 : vector<1x16xf32> to vector<16xf32>
      %swap3A_42 = vector.shape_cast %broadcast_in_dim3A_1 : vector<16xf32> to vector<1x16xf32>
      tpu.vector_store %arg10[%swap3A_38, %swap3A_39], %swap3A_42 {strides = array<i32>} : memref<64x64xf32, #tpu.memory_space<vmem>>, vector<1x16xf32>,
      %swap3A_43 = arith.index_cast %scan3A_33 : i32 to index
      %swap3A_44 = arith.constant 32 : index
      %swap3A_45 = tpu.vector_load %arg10[%swap3A_43, %swap3A_44] {strides = array<i32>} : memref<64x64xf32, #tpu.memory_space<vmem>>, vector<1x16xf32>,
      %swap3A_46 = vector.shape_cast %swap3A_45 : vector<1x16xf32> to vector<16xf32>
      %swap3A_47 = vector.shape_cast %broadcast_in_dim3A_1 : vector<16xf32> to vector<1x16xf32>
      tpu.vector_store %arg10[%swap3A_43, %swap3A_44], %swap3A_47 {strides = array<i32>} : memref<64x64xf32, #tpu.memory_space<vmem>>, vector<1x16xf32>,
      %swap3A_48 = arith.index_cast %scan3A_33 : i32 to index
      %swap3A_49 = arith.constant 48 : index
      %swap3A_50 = tpu.vector_load %arg10[%swap3A_48, %swap3A_49] {strides = array<i32>} : memref<64x64xf32, #tpu.memory_space<vmem>>, vector<1x16xf32>,
      %swap3A_51 = vector.shape_cast %swap3A_50 : vector<1x16xf32> to vector<16xf32>
      %swap3A_52 = vector.shape_cast %broadcast_in_dim3A_1 : vector<16xf32> to vector<1x16xf32>
      tpu.vector_store %arg10[%swap3A_48, %swap3A_49], %swap3A_52 {strides = array<i32>} : memref<64x64xf32, #tpu.memory_space<vmem>>, vector<1x16xf32>,
    }
    %scan3A_6 = arith.constant 64 : i32
    %add3A = arith.constant 0 : i32
    %add3A_7 = arith.addi %mul3A_0, %add3A : i32
    "tpu.region"() ({
      %run_scoped3A = tpu.sem_alloc : memref<!tpu.dma_semaphore, #tpu.memory_space<semaphore_mem>>
      %dma_start3A = arith.constant 0 : i32
      %dma_start3A_33 = tpu.memref_slice %arg11[%add3A_7, %dma_start3A] : memref<10240x64xf32, #tpu.memory_space<vmem_shared>> -> memref<64x64xf32, #tpu.memory_space<vmem_shared>>
      %dma_start3A_34 = arith.constant 0 : i32
      %dma_start3A_35 = tpu.memref_slice %arg11[%add3A_7, %dma_start3A_34] : memref<10240x64xf32, #tpu.memory_space<vmem_shared>> -> memref<64x64xf32, #tpu.memory_space<vmem_shared>>
      tpu.enqueue_dma source(%arg10 : memref<64x64xf32, #tpu.memory_space<vmem>>) target(%dma_start3A_35 : memref<64x64xf32, #tpu.memory_space<vmem_shared>>) target_semaphore(%run_scoped3A : memref<!tpu.dma_semaphore, #tpu.memory_space<semaphore_mem>>)
      %dma_wait3A = arith.constant 0 : i32
      %dma_wait3A_36 = tpu.memref_slice %arg11[%add3A_7, %dma_wait3A] : memref<10240x64xf32, #tpu.memory_space<vmem_shared>> -> memref<64x64xf32, #tpu.memory_space<vmem_shared>>
      %dma_wait3A_37 = arith.constant 0 : i32
      %dma_wait3A_38 = tpu.memref_slice %arg11[%add3A_7, %dma_wait3A_37] : memref<10240x64xf32, #tpu.memory_space<vmem_shared>> -> memref<64x64xf32, #tpu.memory_space<vmem_shared>>
      tpu.wait_dma2 semaphore(%run_scoped3A : memref<!tpu.dma_semaphore, #tpu.memory_space<semaphore_mem>>) src(%arg10 : memref<64x64xf32, #tpu.memory_space<vmem>>) dst(%dma_wait3A_38 : memref<64x64xf32, #tpu.memory_space<vmem_shared>>)
      tpu.yield
    }) : () -> ()
    %add3A_8 = arith.constant 64 : i32
    %add3A_9 = arith.addi %mul3A_0, %add3A_8 : i32
    "tpu.region"() ({
      %run_scoped3A = tpu.sem_alloc : memref<!tpu.dma_semaphore, #tpu.memory_space<semaphore_mem>>
      %dma_start3A = arith.constant 0 : i32
      %dma_start3A_33 = tpu.memref_slice %arg11[%add3A_9, %dma_start3A] : memref<10240x64xf32, #tpu.memory_space<vmem_shared>> -> memref<64x64xf32, #tpu.memory_space<vmem_shared>>
      %dma_start3A_34 = arith.constant 0 : i32
      %dma_start3A_35 = tpu.memref_slice %arg11[%add3A_9, %dma_start3A_34] : memref<10240x64xf32, #tpu.memory_space<vmem_shared>> -> memref<64x64xf32, #tpu.memory_space<vmem_shared>>
      tpu.enqueue_dma source(%arg10 : memref<64x64xf32, #tpu.memory_space<vmem>>) target(%dma_start3A_35 : memref<64x64xf32, #tpu.memory_space<vmem_shared>>) target_semaphore(%run_scoped3A : memref<!tpu.dma_semaphore, #tpu.memory_space<semaphore_mem>>)
      %dma_wait3A = arith.constant 0 : i32
      %dma_wait3A_36 = tpu.memref_slice %arg11[%add3A_9, %dma_wait3A] : memref<10240x64xf32, #tpu.memory_space<vmem_shared>> -> memref<64x64xf32, #tpu.memory_space<vmem_shared>>
      %dma_wait3A_37 = arith.constant 0 : i32
      %dma_wait3A_38 = tpu.memref_slice %arg11[%add3A_9, %dma_wait3A_37] : memref<10240x64xf32, #tpu.memory_space<vmem_shared>> -> memref<64x64xf32, #tpu.memory_space<vmem_shared>>
      tpu.wait_dma2 semaphore(%run_scoped3A : memref<!tpu.dma_semaphore, #tpu.memory_space<semaphore_mem>>) src(%arg10 : memref<64x64xf32, #tpu.memory_space<vmem>>) dst(%dma_wait3A_38 : memref<64x64xf32, #tpu.memory_space<vmem_shared>>)
      tpu.yield
    }) : () -> ()
    %add3A_10 = arith.constant 128 : i32
    %add3A_11 = arith.addi %mul3A_0, %add3A_10 : i32
    "tpu.region"() ({
      %run_scoped3A = tpu.sem_alloc : memref<!tpu.dma_semaphore, #tpu.memory_space<semaphore_mem>>
      %dma_start3A = arith.constant 0 : i32
      %dma_start3A_33 = tpu.memref_slice %arg11[%add3A_11, %dma_start3A] : memref<10240x64xf32, #tpu.memory_space<vmem_shared>> -> memref<64x64xf32, #tpu.memory_space<vmem_shared>>
      %dma_start3A_34 = arith.constant 0 : i32
      %dma_start3A_35 = tpu.memref_slice %arg11[%add3A_11, %dma_start3A_34] : memref<10240x64xf32, #tpu.memory_space<vmem_shared>> -> memref<64x64xf32, #tpu.memory_space<vmem_shared>>
      tpu.enqueue_dma source(%arg10 : memref<64x64xf32, #tpu.memory_space<vmem>>) target(%dma_start3A_35 : memref<64x64xf32, #tpu.memory_space<vmem_shared>>) target_semaphore(%run_scoped3A : memref<!tpu.dma_semaphore, #tpu.memory_space<semaphore_mem>>)
      %dma_wait3A = arith.constant 0 : i32
      %dma_wait3A_36 = tpu.memref_slice %arg11[%add3A_11, %dma_wait3A] : memref<10240x64xf32, #tpu.memory_space<vmem_shared>> -> memref<64x64xf32, #tpu.memory_space<vmem_shared>>
      %dma_wait3A_37 = arith.constant 0 : i32
      %dma_wait3A_38 = tpu.memref_slice %arg11[%add3A_11, %dma_wait3A_37] : memref<10240x64xf32, #tpu.memory_space<vmem_shared>> -> memref<64x64xf32, #tpu.memory_space<vmem_shared>>
      tpu.wait_dma2 semaphore(%run_scoped3A : memref<!tpu.dma_semaphore, #tpu.memory_space<semaphore_mem>>) src(%arg10 : memref<64x64xf32, #tpu.memory_space<vmem>>) dst(%dma_wait3A_38 : memref<64x64xf32, #tpu.memory_space<vmem_shared>>)
      tpu.yield
    }) : () -> ()
    %add3A_12 = arith.constant 192 : i32
    %add3A_13 = arith.addi %mul3A_0, %add3A_12 : i32
    "tpu.region"() ({
      %run_scoped3A = tpu.sem_alloc : memref<!tpu.dma_semaphore, #tpu.memory_space<semaphore_mem>>
      %dma_start3A = arith.constant 0 : i32
      %dma_start3A_33 = tpu.memref_slice %arg11[%add3A_13, %dma_start3A] : memref<10240x64xf32, #tpu.memory_space<vmem_shared>> -> memref<64x64xf32, #tpu.memory_space<vmem_shared>>
      %dma_start3A_34 = arith.constant 0 : i32
      %dma_start3A_35 = tpu.memref_slice %arg11[%add3A_13, %dma_start3A_34] : memref<10240x64xf32, #tpu.memory_space<vmem_shared>> -> memref<64x64xf32, #tpu.memory_space<vmem_shared>>
      tpu.enqueue_dma source(%arg10 : memref<64x64xf32, #tpu.memory_space<vmem>>) target(%dma_start3A_35 : memref<64x64xf32, #tpu.memory_space<vmem_shared>>) target_semaphore(%run_scoped3A : memref<!tpu.dma_semaphore, #tpu.memory_space<semaphore_mem>>)
      %dma_wait3A = arith.constant 0 : i32
      %dma_wait3A_36 = tpu.memref_slice %arg11[%add3A_13, %dma_wait3A] : memref<10240x64xf32, #tpu.memory_space<vmem_shared>> -> memref<64x64xf32, #tpu.memory_space<vmem_shared>>
      %dma_wait3A_37 = arith.constant 0 : i32
      %dma_wait3A_38 = tpu.memref_slice %arg11[%add3A_13, %dma_wait3A_37] : memref<10240x64xf32, #tpu.memory_space<vmem_shared>> -> memref<64x64xf32, #tpu.memory_space<vmem_shared>>
      tpu.wait_dma2 semaphore(%run_scoped3A : memref<!tpu.dma_semaphore, #tpu.memory_space<semaphore_mem>>) src(%arg10 : memref<64x64xf32, #tpu.memory_space<vmem>>) dst(%dma_wait3A_38 : memref<64x64xf32, #tpu.memory_space<vmem_shared>>)
      tpu.yield
    }) : () -> ()
    %add3A_14 = arith.constant 256 : i32
    %add3A_15 = arith.addi %mul3A_0, %add3A_14 : i32
    "tpu.region"() ({
      %run_scoped3A = tpu.sem_alloc : memref<!tpu.dma_semaphore, #tpu.memory_space<semaphore_mem>>
      %dma_start3A = arith.constant 0 : i32
      %dma_start3A_33 = tpu.memref_slice %arg11[%add3A_15, %dma_start3A] : memref<10240x64xf32, #tpu.memory_space<vmem_shared>> -> memref<64x64xf32, #tpu.memory_space<vmem_shared>>
      %dma_start3A_34 = arith.constant 0 : i32
      %dma_start3A_35 = tpu.memref_slice %arg11[%add3A_15, %dma_start3A_34] : memref<10240x64xf32, #tpu.memory_space<vmem_shared>> -> memref<64x64xf32, #tpu.memory_space<vmem_shared>>
      tpu.enqueue_dma source(%arg10 : memref<64x64xf32, #tpu.memory_space<vmem>>) target(%dma_start3A_35 : memref<64x64xf32, #tpu.memory_space<vmem_shared>>) target_semaphore(%run_scoped3A : memref<!tpu.dma_semaphore, #tpu.memory_space<semaphore_mem>>)
      %dma_wait3A = arith.constant 0 : i32
      %dma_wait3A_36 = tpu.memref_slice %arg11[%add3A_15, %dma_wait3A] : memref<10240x64xf32, #tpu.memory_space<vmem_shared>> -> memref<64x64xf32, #tpu.memory_space<vmem_shared>>
      %dma_wait3A_37 = arith.constant 0 : i32
      %dma_wait3A_38 = tpu.memref_slice %arg11[%add3A_15, %dma_wait3A_37] : memref<10240x64xf32, #tpu.memory_space<vmem_shared>> -> memref<64x64xf32, #tpu.memory_space<vmem_shared>>
      tpu.wait_dma2 semaphore(%run_scoped3A : memref<!tpu.dma_semaphore, #tpu.memory_space<semaphore_mem>>) src(%arg10 : memref<64x64xf32, #tpu.memory_space<vmem>>) dst(%dma_wait3A_38 : memref<64x64xf32, #tpu.memory_space<vmem_shared>>)
      tpu.yield
    }) : () -> ()
    %add3A_16 = arith.constant 320 : i32
    %add3A_17 = arith.addi %mul3A_0, %add3A_16 : i32
    "tpu.region"() ({
      %run_scoped3A = tpu.sem_alloc : memref<!tpu.dma_semaphore, #tpu.memory_space<semaphore_mem>>
      %dma_start3A = arith.constant 0 : i32
      %dma_start3A_33 = tpu.memref_slice %arg11[%add3A_17, %dma_start3A] : memref<10240x64xf32, #tpu.memory_space<vmem_shared>> -> memref<64x64xf32, #tpu.memory_space<vmem_shared>>
      %dma_start3A_34 = arith.constant 0 : i32
      %dma_start3A_35 = tpu.memref_slice %arg11[%add3A_17, %dma_start3A_34] : memref<10240x64xf32, #tpu.memory_space<vmem_shared>> -> memref<64x64xf32, #tpu.memory_space<vmem_shared>>
      tpu.enqueue_dma source(%arg10 : memref<64x64xf32, #tpu.memory_space<vmem>>) target(%dma_start3A_35 : memref<64x64xf32, #tpu.memory_space<vmem_shared>>) target_semaphore(%run_scoped3A : memref<!tpu.dma_semaphore, #tpu.memory_space<semaphore_mem>>)
      %dma_wait3A = arith.constant 0 : i32
      %dma_wait3A_36 = tpu.memref_slice %arg11[%add3A_17, %dma_wait3A] : memref<10240x64xf32, #tpu.memory_space<vmem_shared>> -> memref<64x64xf32, #tpu.memory_space<vmem_shared>>
      %dma_wait3A_37 = arith.constant 0 : i32
      %dma_wait3A_38 = tpu.memref_slice %arg11[%add3A_17, %dma_wait3A_37] : memref<10240x64xf32, #tpu.memory_space<vmem_shared>> -> memref<64x64xf32, #tpu.memory_space<vmem_shared>>
      tpu.wait_dma2 semaphore(%run_scoped3A : memref<!tpu.dma_semaphore, #tpu.memory_space<semaphore_mem>>) src(%arg10 : memref<64x64xf32, #tpu.memory_space<vmem>>) dst(%dma_wait3A_38 : memref<64x64xf32, #tpu.memory_space<vmem_shared>>)
      tpu.yield
    }) : () -> ()
    %add3A_18 = arith.constant 384 : i32
    %add3A_19 = arith.addi %mul3A_0, %add3A_18 : i32
    "tpu.region"() ({
      %run_scoped3A = tpu.sem_alloc : memref<!tpu.dma_semaphore, #tpu.memory_space<semaphore_mem>>
      %dma_start3A = arith.constant 0 : i32
      %dma_start3A_33 = tpu.memref_slice %arg11[%add3A_19, %dma_start3A] : memref<10240x64xf32, #tpu.memory_space<vmem_shared>> -> memref<64x64xf32, #tpu.memory_space<vmem_shared>>
      %dma_start3A_34 = arith.constant 0 : i32
      %dma_start3A_35 = tpu.memref_slice %arg11[%add3A_19, %dma_start3A_34] : memref<10240x64xf32, #tpu.memory_space<vmem_shared>> -> memref<64x64xf32, #tpu.memory_space<vmem_shared>>
      tpu.enqueue_dma source(%arg10 : memref<64x64xf32, #tpu.memory_space<vmem>>) target(%dma_start3A_35 : memref<64x64xf32, #tpu.memory_space<vmem_shared>>) target_semaphore(%run_scoped3A : memref<!tpu.dma_semaphore, #tpu.memory_space<semaphore_mem>>)
      %dma_wait3A = arith.constant 0 : i32
      %dma_wait3A_36 = tpu.memref_slice %arg11[%add3A_19, %dma_wait3A] : memref<10240x64xf32, #tpu.memory_space<vmem_shared>> -> memref<64x64xf32, #tpu.memory_space<vmem_shared>>
      %dma_wait3A_37 = arith.constant 0 : i32
      %dma_wait3A_38 = tpu.memref_slice %arg11[%add3A_19, %dma_wait3A_37] : memref<10240x64xf32, #tpu.memory_space<vmem_shared>> -> memref<64x64xf32, #tpu.memory_space<vmem_shared>>
      tpu.wait_dma2 semaphore(%run_scoped3A : memref<!tpu.dma_semaphore, #tpu.memory_space<semaphore_mem>>) src(%arg10 : memref<64x64xf32, #tpu.memory_space<vmem>>) dst(%dma_wait3A_38 : memref<64x64xf32, #tpu.memory_space<vmem_shared>>)
      tpu.yield
    }) : () -> ()
    %add3A_20 = arith.constant 448 : i32
    %add3A_21 = arith.addi %mul3A_0, %add3A_20 : i32
    "tpu.region"() ({
      %run_scoped3A = tpu.sem_alloc : memref<!tpu.dma_semaphore, #tpu.memory_space<semaphore_mem>>
      %dma_start3A = arith.constant 0 : i32
      %dma_start3A_33 = tpu.memref_slice %arg11[%add3A_21, %dma_start3A] : memref<10240x64xf32, #tpu.memory_space<vmem_shared>> -> memref<64x64xf32, #tpu.memory_space<vmem_shared>>
      %dma_start3A_34 = arith.constant 0 : i32
      %dma_start3A_35 = tpu.memref_slice %arg11[%add3A_21, %dma_start3A_34] : memref<10240x64xf32, #tpu.memory_space<vmem_shared>> -> memref<64x64xf32, #tpu.memory_space<vmem_shared>>
      tpu.enqueue_dma source(%arg10 : memref<64x64xf32, #tpu.memory_space<vmem>>) target(%dma_start3A_35 : memref<64x64xf32, #tpu.memory_space<vmem_shared>>) target_semaphore(%run_scoped3A : memref<!tpu.dma_semaphore, #tpu.memory_space<semaphore_mem>>)
      %dma_wait3A = arith.constant 0 : i32
      %dma_wait3A_36 = tpu.memref_slice %arg11[%add3A_21, %dma_wait3A] : memref<10240x64xf32, #tpu.memory_space<vmem_shared>> -> memref<64x64xf32, #tpu.memory_space<vmem_shared>>
      %dma_wait3A_37 = arith.constant 0 : i32
      %dma_wait3A_38 = tpu.memref_slice %arg11[%add3A_21, %dma_wait3A_37] : memref<10240x64xf32, #tpu.memory_space<vmem_shared>> -> memref<64x64xf32, #tpu.memory_space<vmem_shared>>
      tpu.wait_dma2 semaphore(%run_scoped3A : memref<!tpu.dma_semaphore, #tpu.memory_space<semaphore_mem>>) src(%arg10 : memref<64x64xf32, #tpu.memory_space<vmem>>) dst(%dma_wait3A_38 : memref<64x64xf32, #tpu.memory_space<vmem_shared>>)
      tpu.yield
    }) : () -> ()
    %add3A_22 = arith.constant 512 : i32
    %add3A_23 = arith.addi %mul3A_0, %add3A_22 : i32
    "tpu.region"() ({
      %run_scoped3A = tpu.sem_alloc : memref<!tpu.dma_semaphore, #tpu.memory_space<semaphore_mem>>
      %dma_start3A = arith.constant 0 : i32
      %dma_start3A_33 = tpu.memref_slice %arg11[%add3A_23, %dma_start3A] : memref<10240x64xf32, #tpu.memory_space<vmem_shared>> -> memref<64x64xf32, #tpu.memory_space<vmem_shared>>
      %dma_start3A_34 = arith.constant 0 : i32
      %dma_start3A_35 = tpu.memref_slice %arg11[%add3A_23, %dma_start3A_34] : memref<10240x64xf32, #tpu.memory_space<vmem_shared>> -> memref<64x64xf32, #tpu.memory_space<vmem_shared>>
      tpu.enqueue_dma source(%arg10 : memref<64x64xf32, #tpu.memory_space<vmem>>) target(%dma_start3A_35 : memref<64x64xf32, #tpu.memory_space<vmem_shared>>) target_semaphore(%run_scoped3A : memref<!tpu.dma_semaphore, #tpu.memory_space<semaphore_mem>>)
      %dma_wait3A = arith.constant 0 : i32
      %dma_wait3A_36 = tpu.memref_slice %arg11[%add3A_23, %dma_wait3A] : memref<10240x64xf32, #tpu.memory_space<vmem_shared>> -> memref<64x64xf32, #tpu.memory_space<vmem_shared>>
      %dma_wait3A_37 = arith.constant 0 : i32
      %dma_wait3A_38 = tpu.memref_slice %arg11[%add3A_23, %dma_wait3A_37] : memref<10240x64xf32, #tpu.memory_space<vmem_shared>> -> memref<64x64xf32, #tpu.memory_space<vmem_shared>>
      tpu.wait_dma2 semaphore(%run_scoped3A : memref<!tpu.dma_semaphore, #tpu.memory_space<semaphore_mem>>) src(%arg10 : memref<64x64xf32, #tpu.memory_space<vmem>>) dst(%dma_wait3A_38 : memref<64x64xf32, #tpu.memory_space<vmem_shared>>)
      tpu.yield
    }) : () -> ()
    %add3A_24 = arith.constant 576 : i32
    %add3A_25 = arith.addi %mul3A_0, %add3A_24 : i32
    "tpu.region"() ({
      %run_scoped3A = tpu.sem_alloc : memref<!tpu.dma_semaphore, #tpu.memory_space<semaphore_mem>>
      %dma_start3A = arith.constant 0 : i32
      %dma_start3A_33 = tpu.memref_slice %arg11[%add3A_25, %dma_start3A] : memref<10240x64xf32, #tpu.memory_space<vmem_shared>> -> memref<64x64xf32, #tpu.memory_space<vmem_shared>>
      %dma_start3A_34 = arith.constant 0 : i32
      %dma_start3A_35 = tpu.memref_slice %arg11[%add3A_25, %dma_start3A_34] : memref<10240x64xf32, #tpu.memory_space<vmem_shared>> -> memref<64x64xf32, #tpu.memory_space<vmem_shared>>
      tpu.enqueue_dma source(%arg10 : memref<64x64xf32, #tpu.memory_space<vmem>>) target(%dma_start3A_35 : memref<64x64xf32, #tpu.memory_space<vmem_shared>>) target_semaphore(%run_scoped3A : memref<!tpu.dma_semaphore, #tpu.memory_space<semaphore_mem>>)
      %dma_wait3A = arith.constant 0 : i32
      %dma_wait3A_36 = tpu.memref_slice %arg11[%add3A_25, %dma_wait3A] : memref<10240x64xf32, #tpu.memory_space<vmem_shared>> -> memref<64x64xf32, #tpu.memory_space<vmem_shared>>
      %dma_wait3A_37 = arith.constant 0 : i32
      %dma_wait3A_38 = tpu.memref_slice %arg11[%add3A_25, %dma_wait3A_37] : memref<10240x64xf32, #tpu.memory_space<vmem_shared>> -> memref<64x64xf32, #tpu.memory_space<vmem_shared>>
      tpu.wait_dma2 semaphore(%run_scoped3A : memref<!tpu.dma_semaphore, #tpu.memory_space<semaphore_mem>>) src(%arg10 : memref<64x64xf32, #tpu.memory_space<vmem>>) dst(%dma_wait3A_38 : memref<64x64xf32, #tpu.memory_space<vmem_shared>>)
      tpu.yield
    }) : () -> ()
    %barrier3A = arith.constant 0 : index
    tpu.barrier barrier_id(%barrier3A)
    %eq3A = arith.constant 0 : i32
    %eq3A_26 = arith.cmpi eq, %arg0, %eq3A : i32
    %convert_element_type3A = arith.extui %eq3A_26 : i1 to i32
    %cond3A = arith.constant 0 : i32
    %cond3A_27 = arith.cmpi ne, %convert_element_type3A, %cond3A : i32
    scf.if %cond3A_27 {
      %dma_start3A = arith.constant 0 : i32
      %dma_start3A_33 = arith.constant 0 : i32
      %dma_start3A_34 = arith.constant 0 : i32
      %dma_start3A_35 = arith.constant 0 : i32
      %dma_start3A_36 = tpu.memref_slice %arg9[%dma_start3A_33, %dma_start3A_34, %dma_start3A_35] : memref<4x125x64xf32, #tpu.memory_space<vmem>> -> memref<1x125x64xf32, #tpu.memory_space<vmem>>
      %dma_start3A_37 = tpu.memref_squeeze %dma_start3A_36 : memref<1x125x64xf32, #tpu.memory_space<vmem>> -> memref<125x64xf32, #tpu.memory_space<vmem>>
      %dma_start3A_38 = arith.constant 0 : i32
      %dma_start3A_39 = tpu.memref_slice %arg7[%dma_start3A, %dma_start3A_38] : memref<160x125xi32, #tpu.memory_space<vmem>> -> memref<1x125xi32, #tpu.memory_space<vmem>>
      %dma_start3A_40 = tpu.memref_squeeze %dma_start3A_39 : memref<1x125xi32, #tpu.memory_space<vmem>> -> memref<125xi32, #tpu.memory_space<vmem>>
      %dma_start3A_41 = arith.constant 0 : i32
      %dma_start3A_42 = arith.constant 0 : i32
      %dma_start3A_43 = tpu.memref_slice %arg2[%dma_start3A_41, %dma_start3A_42] : memref<10000x64xf32, #tpu.memory_space<hbm>> -> memref<10000x64xf32, #tpu.memory_space<hbm>>
      tpu.enqueue_indirect_dma source(%dma_start3A_43 : memref<10000x64xf32, #tpu.memory_space<hbm>>) target(%dma_start3A_37 : memref<125x64xf32, #tpu.memory_space<vmem>>) offsets(%dma_start3A_40 : memref<125xi32, #tpu.memory_space<vmem>>) semaphore(%arg12 : memref<!tpu.dma_semaphore, #tpu.memory_space<semaphore_mem>>)
      %dma_start3A_44 = arith.constant 1 : i32
      %dma_start3A_45 = arith.constant 1 : i32
      %dma_start3A_46 = arith.constant 0 : i32
      %dma_start3A_47 = arith.constant 0 : i32
      %dma_start3A_48 = tpu.memref_slice %arg9[%dma_start3A_45, %dma_start3A_46, %dma_start3A_47] : memref<4x125x64xf32, #tpu.memory_space<vmem>> -> memref<1x125x64xf32, #tpu.memory_space<vmem>>
      %dma_start3A_49 = tpu.memref_squeeze %dma_start3A_48 : memref<1x125x64xf32, #tpu.memory_space<vmem>> -> memref<125x64xf32, #tpu.memory_space<vmem>>
      %dma_start3A_50 = arith.constant 0 : i32
      %dma_start3A_51 = tpu.memref_slice %arg7[%dma_start3A_44, %dma_start3A_50] : memref<160x125xi32, #tpu.memory_space<vmem>> -> memref<1x125xi32, #tpu.memory_space<vmem>>
      %dma_start3A_52 = tpu.memref_squeeze %dma_start3A_51 : memref<1x125xi32, #tpu.memory_space<vmem>> -> memref<125xi32, #tpu.memory_space<vmem>>
      %dma_start3A_53 = arith.constant 0 : i32
      %dma_start3A_54 = arith.constant 0 : i32
      %dma_start3A_55 = tpu.memref_slice %arg2[%dma_start3A_53, %dma_start3A_54] : memref<10000x64xf32, #tpu.memory_space<hbm>> -> memref<10000x64xf32, #tpu.memory_space<hbm>>
      tpu.enqueue_indirect_dma source(%dma_start3A_55 : memref<10000x64xf32, #tpu.memory_space<hbm>>) target(%dma_start3A_49 : memref<125x64xf32, #tpu.memory_space<vmem>>) offsets(%dma_start3A_52 : memref<125xi32, #tpu.memory_space<vmem>>) semaphore(%arg13 : memref<!tpu.dma_semaphore, #tpu.memory_space<semaphore_mem>>)
      %dma_start3A_56 = arith.constant 2 : i32
      %dma_start3A_57 = arith.constant 2 : i32
      %dma_start3A_58 = arith.constant 0 : i32
      %dma_start3A_59 = arith.constant 0 : i32
      %dma_start3A_60 = tpu.memref_slice %arg9[%dma_start3A_57, %dma_start3A_58, %dma_start3A_59] : memref<4x125x64xf32, #tpu.memory_space<vmem>> -> memref<1x125x64xf32, #tpu.memory_space<vmem>>
      %dma_start3A_61 = tpu.memref_squeeze %dma_start3A_60 : memref<1x125x64xf32, #tpu.memory_space<vmem>> -> memref<125x64xf32, #tpu.memory_space<vmem>>
      %dma_start3A_62 = arith.constant 0 : i32
      %dma_start3A_63 = tpu.memref_slice %arg7[%dma_start3A_56, %dma_start3A_62] : memref<160x125xi32, #tpu.memory_space<vmem>> -> memref<1x125xi32, #tpu.memory_space<vmem>>
      %dma_start3A_64 = tpu.memref_squeeze %dma_start3A_63 : memref<1x125xi32, #tpu.memory_space<vmem>> -> memref<125xi32, #tpu.memory_space<vmem>>
      %dma_start3A_65 = arith.constant 0 : i32
      %dma_start3A_66 = arith.constant 0 : i32
      %dma_start3A_67 = tpu.memref_slice %arg2[%dma_start3A_65, %dma_start3A_66] : memref<10000x64xf32, #tpu.memory_space<hbm>> -> memref<10000x64xf32, #tpu.memory_space<hbm>>
      tpu.enqueue_indirect_dma source(%dma_start3A_67 : memref<10000x64xf32, #tpu.memory_space<hbm>>) target(%dma_start3A_61 : memref<125x64xf32, #tpu.memory_space<vmem>>) offsets(%dma_start3A_64 : memref<125xi32, #tpu.memory_space<vmem>>) semaphore(%arg14 : memref<!tpu.dma_semaphore, #tpu.memory_space<semaphore_mem>>)
      %dma_start3A_68 = arith.constant 3 : i32
      %dma_start3A_69 = arith.constant 3 : i32
      %dma_start3A_70 = arith.constant 0 : i32
      %dma_start3A_71 = arith.constant 0 : i32
      %dma_start3A_72 = tpu.memref_slice %arg9[%dma_start3A_69, %dma_start3A_70, %dma_start3A_71] : memref<4x125x64xf32, #tpu.memory_space<vmem>> -> memref<1x125x64xf32, #tpu.memory_space<vmem>>
      %dma_start3A_73 = tpu.memref_squeeze %dma_start3A_72 : memref<1x125x64xf32, #tpu.memory_space<vmem>> -> memref<125x64xf32, #tpu.memory_space<vmem>>
      %dma_start3A_74 = arith.constant 0 : i32
      %dma_start3A_75 = tpu.memref_slice %arg7[%dma_start3A_68, %dma_start3A_74] : memref<160x125xi32, #tpu.memory_space<vmem>> -> memref<1x125xi32, #tpu.memory_space<vmem>>
      %dma_start3A_76 = tpu.memref_squeeze %dma_start3A_75 : memref<1x125xi32, #tpu.memory_space<vmem>> -> memref<125xi32, #tpu.memory_space<vmem>>
      %dma_start3A_77 = arith.constant 0 : i32
      %dma_start3A_78 = arith.constant 0 : i32
      %dma_start3A_79 = tpu.memref_slice %arg2[%dma_start3A_77, %dma_start3A_78] : memref<10000x64xf32, #tpu.memory_space<hbm>> -> memref<10000x64xf32, #tpu.memory_space<hbm>>
      tpu.enqueue_indirect_dma source(%dma_start3A_79 : memref<10000x64xf32, #tpu.memory_space<hbm>>) target(%dma_start3A_73 : memref<125x64xf32, #tpu.memory_space<vmem>>) offsets(%dma_start3A_76 : memref<125xi32, #tpu.memory_space<vmem>>) semaphore(%arg15 : memref<!tpu.dma_semaphore, #tpu.memory_space<semaphore_mem>>)
      %scan3A_80 = arith.constant 0 : i32
      %scan3A_81 = arith.constant 0 : i32
      %scan3A_82 = arith.constant 40 : i32
      %scan3A_83 = arith.addi %scan3A_81, %scan3A_82 : i32
      %scan3A_84 = arith.constant 1 : i32
      scf.for %scan3A_87 = %scan3A_81 to %scan3A_83 step %scan3A_84  : i32 {
        %mul3A_88 = arith.constant 4 : i32
        %mul3A_89 = arith.muli %mul3A_88, %scan3A_87 : i32
        %dma_wait3A = arith.constant 0 : i32
        %dma_wait3A_90 = arith.constant 0 : i32
        %dma_wait3A_91 = arith.constant 0 : i32
        %dma_wait3A_92 = arith.constant 0 : i32
        %dma_wait3A_93 = tpu.memref_slice %arg9[%dma_wait3A_90, %dma_wait3A_91, %dma_wait3A_92] : memref<4x125x64xf32, #tpu.memory_space<vmem>> -> memref<1x125x64xf32, #tpu.memory_space<vmem>>
        %dma_wait3A_94 = tpu.memref_squeeze %dma_wait3A_93 : memref<1x125x64xf32, #tpu.memory_space<vmem>> -> memref<125x64xf32, #tpu.memory_space<vmem>>
        %dma_wait3A_95 = arith.constant 0 : i32
        %dma_wait3A_96 = tpu.memref_slice %arg7[%dma_wait3A, %dma_wait3A_95] : memref<160x125xi32, #tpu.memory_space<vmem>> -> memref<1x125xi32, #tpu.memory_space<vmem>>
        %dma_wait3A_97 = tpu.memref_squeeze %dma_wait3A_96 : memref<1x125xi32, #tpu.memory_space<vmem>> -> memref<125xi32, #tpu.memory_space<vmem>>
        %dma_wait3A_98 = arith.constant 0 : i32
        %dma_wait3A_99 = arith.constant 0 : i32
        %dma_wait3A_100 = tpu.memref_slice %arg2[%dma_wait3A_98, %dma_wait3A_99] : memref<10000x64xf32, #tpu.memory_space<hbm>> -> memref<10000x64xf32, #tpu.memory_space<hbm>>
        tpu.wait_indirect_dma semaphore(%arg12 : memref<!tpu.dma_semaphore, #tpu.memory_space<semaphore_mem>>) src(%dma_wait3A_100 : memref<10000x64xf32, #tpu.memory_space<hbm>>) dst(%dma_wait3A_94 : memref<125x64xf32, #tpu.memory_space<vmem>>)
        %add3A_101 = arith.constant 0 : i32
        %add3A_102 = arith.addi %mul3A_89, %add3A_101 : i32
        %dma_start3A_103 = arith.constant 0 : i32
        %dma_start3A_104 = arith.constant 0 : i32
        %dma_start3A_105 = arith.constant 0 : i32
        %dma_start3A_106 = tpu.memref_slice %arg9[%dma_start3A_103, %dma_start3A_104, %dma_start3A_105] : memref<4x125x64xf32, #tpu.memory_space<vmem>> -> memref<1x125x64xf32, #tpu.memory_space<vmem>>
        %dma_start3A_107 = tpu.memref_squeeze %dma_start3A_106 : memref<1x125x64xf32, #tpu.memory_space<vmem>> -> memref<125x64xf32, #tpu.memory_space<vmem>>
        %dma_start3A_108 = arith.constant 0 : i32
        %dma_start3A_109 = tpu.memref_slice %arg8[%add3A_102, %dma_start3A_108] : memref<160x125xi32, #tpu.memory_space<vmem>> -> memref<1x125xi32, #tpu.memory_space<vmem>>
        %dma_start3A_110 = tpu.memref_squeeze %dma_start3A_109 : memref<1x125xi32, #tpu.memory_space<vmem>> -> memref<125xi32, #tpu.memory_space<vmem>>
        %dma_start3A_111 = arith.constant 0 : i32
        %dma_start3A_112 = arith.constant 0 : i32
        %dma_start3A_113 = tpu.memref_slice %arg11[%dma_start3A_111, %dma_start3A_112] : memref<10240x64xf32, #tpu.memory_space<vmem_shared>> -> memref<10240x64xf32, #tpu.memory_space<vmem_shared>>
        tpu.enqueue_indirect_dma source(%dma_start3A_107 : memref<125x64xf32, #tpu.memory_space<vmem>>) target(%dma_start3A_113 : memref<10240x64xf32, #tpu.memory_space<vmem_shared>>) offsets(%dma_start3A_110 : memref<125xi32, #tpu.memory_space<vmem>>) semaphore(%arg16 : memref<!tpu.dma_semaphore, #tpu.memory_space<semaphore_mem>>) {add = true}
        %dma_wait3A_114 = arith.constant 0 : i32
        %dma_wait3A_115 = arith.constant 1 : i32
        %dma_wait3A_116 = arith.constant 0 : i32
        %dma_wait3A_117 = arith.constant 0 : i32
        %dma_wait3A_118 = tpu.memref_slice %arg9[%dma_wait3A_115, %dma_wait3A_116, %dma_wait3A_117] : memref<4x125x64xf32, #tpu.memory_space<vmem>> -> memref<1x125x64xf32, #tpu.memory_space<vmem>>
        %dma_wait3A_119 = tpu.memref_squeeze %dma_wait3A_118 : memref<1x125x64xf32, #tpu.memory_space<vmem>> -> memref<125x64xf32, #tpu.memory_space<vmem>>
        %dma_wait3A_120 = arith.constant 0 : i32
        %dma_wait3A_121 = tpu.memref_slice %arg7[%dma_wait3A_114, %dma_wait3A_120] : memref<160x125xi32, #tpu.memory_space<vmem>> -> memref<1x125xi32, #tpu.memory_space<vmem>>
        %dma_wait3A_122 = tpu.memref_squeeze %dma_wait3A_121 : memref<1x125xi32, #tpu.memory_space<vmem>> -> memref<125xi32, #tpu.memory_space<vmem>>
        %dma_wait3A_123 = arith.constant 0 : i32
        %dma_wait3A_124 = arith.constant 0 : i32
        %dma_wait3A_125 = tpu.memref_slice %arg2[%dma_wait3A_123, %dma_wait3A_124] : memref<10000x64xf32, #tpu.memory_space<hbm>> -> memref<10000x64xf32, #tpu.memory_space<hbm>>
        tpu.wait_indirect_dma semaphore(%arg13 : memref<!tpu.dma_semaphore, #tpu.memory_space<semaphore_mem>>) src(%dma_wait3A_125 : memref<10000x64xf32, #tpu.memory_space<hbm>>) dst(%dma_wait3A_119 : memref<125x64xf32, #tpu.memory_space<vmem>>)
        %add3A_126 = arith.constant 1 : i32
        %add3A_127 = arith.addi %mul3A_89, %add3A_126 : i32
        %dma_start3A_128 = arith.constant 1 : i32
        %dma_start3A_129 = arith.constant 0 : i32
        %dma_start3A_130 = arith.constant 0 : i32
        %dma_start3A_131 = tpu.memref_slice %arg9[%dma_start3A_128, %dma_start3A_129, %dma_start3A_130] : memref<4x125x64xf32, #tpu.memory_space<vmem>> -> memref<1x125x64xf32, #tpu.memory_space<vmem>>
        %dma_start3A_132 = tpu.memref_squeeze %dma_start3A_131 : memref<1x125x64xf32, #tpu.memory_space<vmem>> -> memref<125x64xf32, #tpu.memory_space<vmem>>
        %dma_start3A_133 = arith.constant 0 : i32
        %dma_start3A_134 = tpu.memref_slice %arg8[%add3A_127, %dma_start3A_133] : memref<160x125xi32, #tpu.memory_space<vmem>> -> memref<1x125xi32, #tpu.memory_space<vmem>>
        %dma_start3A_135 = tpu.memref_squeeze %dma_start3A_134 : memref<1x125xi32, #tpu.memory_space<vmem>> -> memref<125xi32, #tpu.memory_space<vmem>>
        %dma_start3A_136 = arith.constant 0 : i32
        %dma_start3A_137 = arith.constant 0 : i32
        %dma_start3A_138 = tpu.memref_slice %arg11[%dma_start3A_136, %dma_start3A_137] : memref<10240x64xf32, #tpu.memory_space<vmem_shared>> -> memref<10240x64xf32, #tpu.memory_space<vmem_shared>>
        tpu.enqueue_indirect_dma source(%dma_start3A_132 : memref<125x64xf32, #tpu.memory_space<vmem>>) target(%dma_start3A_138 : memref<10240x64xf32, #tpu.memory_space<vmem_shared>>) offsets(%dma_start3A_135 : memref<125xi32, #tpu.memory_space<vmem>>) semaphore(%arg17 : memref<!tpu.dma_semaphore, #tpu.memory_space<semaphore_mem>>) {add = true}
        %dma_wait3A_139 = arith.constant 0 : i32
        %dma_wait3A_140 = arith.constant 2 : i32
        %dma_wait3A_141 = arith.constant 0 : i32
        %dma_wait3A_142 = arith.constant 0 : i32
        %dma_wait3A_143 = tpu.memref_slice %arg9[%dma_wait3A_140, %dma_wait3A_141, %dma_wait3A_142] : memref<4x125x64xf32, #tpu.memory_space<vmem>> -> memref<1x125x64xf32, #tpu.memory_space<vmem>>
        %dma_wait3A_144 = tpu.memref_squeeze %dma_wait3A_143 : memref<1x125x64xf32, #tpu.memory_space<vmem>> -> memref<125x64xf32, #tpu.memory_space<vmem>>
        %dma_wait3A_145 = arith.constant 0 : i32
        %dma_wait3A_146 = tpu.memref_slice %arg7[%dma_wait3A_139, %dma_wait3A_145] : memref<160x125xi32, #tpu.memory_space<vmem>> -> memref<1x125xi32, #tpu.memory_space<vmem>>
        %dma_wait3A_147 = tpu.memref_squeeze %dma_wait3A_146 : memref<1x125xi32, #tpu.memory_space<vmem>> -> memref<125xi32, #tpu.memory_space<vmem>>
        %dma_wait3A_148 = arith.constant 0 : i32
        %dma_wait3A_149 = arith.constant 0 : i32
        %dma_wait3A_150 = tpu.memref_slice %arg2[%dma_wait3A_148, %dma_wait3A_149] : memref<10000x64xf32, #tpu.memory_space<hbm>> -> memref<10000x64xf32, #tpu.memory_space<hbm>>
        tpu.wait_indirect_dma semaphore(%arg14 : memref<!tpu.dma_semaphore, #tpu.memory_space<semaphore_mem>>) src(%dma_wait3A_150 : memref<10000x64xf32, #tpu.memory_space<hbm>>) dst(%dma_wait3A_144 : memref<125x64xf32, #tpu.memory_space<vmem>>)
        %add3A_151 = arith.constant 2 : i32
        %add3A_152 = arith.addi %mul3A_89, %add3A_151 : i32
        %dma_start3A_153 = arith.constant 2 : i32
        %dma_start3A_154 = arith.constant 0 : i32
        %dma_start3A_155 = arith.constant 0 : i32
        %dma_start3A_156 = tpu.memref_slice %arg9[%dma_start3A_153, %dma_start3A_154, %dma_start3A_155] : memref<4x125x64xf32, #tpu.memory_space<vmem>> -> memref<1x125x64xf32, #tpu.memory_space<vmem>>
        %dma_start3A_157 = tpu.memref_squeeze %dma_start3A_156 : memref<1x125x64xf32, #tpu.memory_space<vmem>> -> memref<125x64xf32, #tpu.memory_space<vmem>>
        %dma_start3A_158 = arith.constant 0 : i32
        %dma_start3A_159 = tpu.memref_slice %arg8[%add3A_152, %dma_start3A_158] : memref<160x125xi32, #tpu.memory_space<vmem>> -> memref<1x125xi32, #tpu.memory_space<vmem>>
        %dma_start3A_160 = tpu.memref_squeeze %dma_start3A_159 : memref<1x125xi32, #tpu.memory_space<vmem>> -> memref<125xi32, #tpu.memory_space<vmem>>
        %dma_start3A_161 = arith.constant 0 : i32
        %dma_start3A_162 = arith.constant 0 : i32
        %dma_start3A_163 = tpu.memref_slice %arg11[%dma_start3A_161, %dma_start3A_162] : memref<10240x64xf32, #tpu.memory_space<vmem_shared>> -> memref<10240x64xf32, #tpu.memory_space<vmem_shared>>
        tpu.enqueue_indirect_dma source(%dma_start3A_157 : memref<125x64xf32, #tpu.memory_space<vmem>>) target(%dma_start3A_163 : memref<10240x64xf32, #tpu.memory_space<vmem_shared>>) offsets(%dma_start3A_160 : memref<125xi32, #tpu.memory_space<vmem>>) semaphore(%arg18 : memref<!tpu.dma_semaphore, #tpu.memory_space<semaphore_mem>>) {add = true}
        %dma_wait3A_164 = arith.constant 0 : i32
        %dma_wait3A_165 = arith.constant 3 : i32
        %dma_wait3A_166 = arith.constant 0 : i32
        %dma_wait3A_167 = arith.constant 0 : i32
        %dma_wait3A_168 = tpu.memref_slice %arg9[%dma_wait3A_165, %dma_wait3A_166, %dma_wait3A_167] : memref<4x125x64xf32, #tpu.memory_space<vmem>> -> memref<1x125x64xf32, #tpu.memory_space<vmem>>
        %dma_wait3A_169 = tpu.memref_squeeze %dma_wait3A_168 : memref<1x125x64xf32, #tpu.memory_space<vmem>> -> memref<125x64xf32, #tpu.memory_space<vmem>>
        %dma_wait3A_170 = arith.constant 0 : i32
        %dma_wait3A_171 = tpu.memref_slice %arg7[%dma_wait3A_164, %dma_wait3A_170] : memref<160x125xi32, #tpu.memory_space<vmem>> -> memref<1x125xi32, #tpu.memory_space<vmem>>
        %dma_wait3A_172 = tpu.memref_squeeze %dma_wait3A_171 : memref<1x125xi32, #tpu.memory_space<vmem>> -> memref<125xi32, #tpu.memory_space<vmem>>
        %dma_wait3A_173 = arith.constant 0 : i32
        %dma_wait3A_174 = arith.constant 0 : i32
        %dma_wait3A_175 = tpu.memref_slice %arg2[%dma_wait3A_173, %dma_wait3A_174] : memref<10000x64xf32, #tpu.memory_space<hbm>> -> memref<10000x64xf32, #tpu.memory_space<hbm>>
        tpu.wait_indirect_dma semaphore(%arg15 : memref<!tpu.dma_semaphore, #tpu.memory_space<semaphore_mem>>) src(%dma_wait3A_175 : memref<10000x64xf32, #tpu.memory_space<hbm>>) dst(%dma_wait3A_169 : memref<125x64xf32, #tpu.memory_space<vmem>>)
        %add3A_176 = arith.constant 3 : i32
        %add3A_177 = arith.addi %mul3A_89, %add3A_176 : i32
        %dma_start3A_178 = arith.constant 3 : i32
        %dma_start3A_179 = arith.constant 0 : i32
        %dma_start3A_180 = arith.constant 0 : i32
        %dma_start3A_181 = tpu.memref_slice %arg9[%dma_start3A_178, %dma_start3A_179, %dma_start3A_180] : memref<4x125x64xf32, #tpu.memory_space<vmem>> -> memref<1x125x64xf32, #tpu.memory_space<vmem>>
        %dma_start3A_182 = tpu.memref_squeeze %dma_start3A_181 : memref<1x125x64xf32, #tpu.memory_space<vmem>> -> memref<125x64xf32, #tpu.memory_space<vmem>>
        %dma_start3A_183 = arith.constant 0 : i32
        %dma_start3A_184 = tpu.memref_slice %arg8[%add3A_177, %dma_start3A_183] : memref<160x125xi32, #tpu.memory_space<vmem>> -> memref<1x125xi32, #tpu.memory_space<vmem>>
        %dma_start3A_185 = tpu.memref_squeeze %dma_start3A_184 : memref<1x125xi32, #tpu.memory_space<vmem>> -> memref<125xi32, #tpu.memory_space<vmem>>
        %dma_start3A_186 = arith.constant 0 : i32
        %dma_start3A_187 = arith.constant 0 : i32
        %dma_start3A_188 = tpu.memref_slice %arg11[%dma_start3A_186, %dma_start3A_187] : memref<10240x64xf32, #tpu.memory_space<vmem_shared>> -> memref<10240x64xf32, #tpu.memory_space<vmem_shared>>
        tpu.enqueue_indirect_dma source(%dma_start3A_182 : memref<125x64xf32, #tpu.memory_space<vmem>>) target(%dma_start3A_188 : memref<10240x64xf32, #tpu.memory_space<vmem_shared>>) offsets(%dma_start3A_185 : memref<125xi32, #tpu.memory_space<vmem>>) semaphore(%arg19 : memref<!tpu.dma_semaphore, #tpu.memory_space<semaphore_mem>>) {add = true}
        %dma_wait3A_189 = arith.constant 0 : i32
        %dma_wait3A_190 = arith.constant 0 : i32
        %dma_wait3A_191 = arith.constant 0 : i32
        %dma_wait3A_192 = arith.constant 0 : i32
        %dma_wait3A_193 = tpu.memref_slice %arg9[%dma_wait3A_189, %dma_wait3A_191, %dma_wait3A_192] : memref<4x125x64xf32, #tpu.memory_space<vmem>> -> memref<1x125x64xf32, #tpu.memory_space<vmem>>
        %dma_wait3A_194 = tpu.memref_squeeze %dma_wait3A_193 : memref<1x125x64xf32, #tpu.memory_space<vmem>> -> memref<125x64xf32, #tpu.memory_space<vmem>>
        %dma_wait3A_195 = arith.constant 0 : i32
        %dma_wait3A_196 = tpu.memref_slice %arg8[%dma_wait3A_190, %dma_wait3A_195] : memref<160x125xi32, #tpu.memory_space<vmem>> -> memref<1x125xi32, #tpu.memory_space<vmem>>
        %dma_wait3A_197 = tpu.memref_squeeze %dma_wait3A_196 : memref<1x125xi32, #tpu.memory_space<vmem>> -> memref<125xi32, #tpu.memory_space<vmem>>
        %dma_wait3A_198 = arith.constant 0 : i32
        %dma_wait3A_199 = arith.constant 0 : i32
        %dma_wait3A_200 = tpu.memref_slice %arg11[%dma_wait3A_198, %dma_wait3A_199] : memref<10240x64xf32, #tpu.memory_space<vmem_shared>> -> memref<10240x64xf32, #tpu.memory_space<vmem_shared>>
        tpu.wait_indirect_dma semaphore(%arg16 : memref<!tpu.dma_semaphore, #tpu.memory_space<semaphore_mem>>) src(%dma_wait3A_194 : memref<125x64xf32, #tpu.memory_space<vmem>>) dst(%dma_wait3A_200 : memref<10240x64xf32, #tpu.memory_space<vmem_shared>>)
        %add3A_201 = arith.constant 1 : i32
        %add3A_202 = arith.addi %scan3A_87, %add3A_201 : i32
        %lt3A = arith.constant 40 : i32
        %lt3A_203 = arith.cmpi slt, %add3A_202, %lt3A : i32
        %convert_element_type3A_204 = arith.extui %lt3A_203 : i1 to i32
        %cond3A_205 = arith.constant 0 : i32
        %cond3A_206 = arith.cmpi ne, %convert_element_type3A_204, %cond3A_205 : i32
        scf.if %cond3A_206 {
          %add3A_264 = arith.constant 4 : i32
          %add3A_265 = arith.addi %mul3A_89, %add3A_264 : i32
          %add3A_266 = arith.constant 0 : i32
          %add3A_267 = arith.addi %add3A_265, %add3A_266 : i32
          %dma_start3A_268 = arith.constant 0 : i32
          %dma_start3A_269 = arith.constant 0 : i32
          %dma_start3A_270 = arith.constant 0 : i32
          %dma_start3A_271 = tpu.memref_slice %arg9[%dma_start3A_268, %dma_start3A_269, %dma_start3A_270] : memref<4x125x64xf32, #tpu.memory_space<vmem>> -> memref<1x125x64xf32, #tpu.memory_space<vmem>>
          %dma_start3A_272 = tpu.memref_squeeze %dma_start3A_271 : memref<1x125x64xf32, #tpu.memory_space<vmem>> -> memref<125x64xf32, #tpu.memory_space<vmem>>
          %dma_start3A_273 = arith.constant 0 : i32
          %dma_start3A_274 = tpu.memref_slice %arg7[%add3A_267, %dma_start3A_273] : memref<160x125xi32, #tpu.memory_space<vmem>> -> memref<1x125xi32, #tpu.memory_space<vmem>>
          %dma_start3A_275 = tpu.memref_squeeze %dma_start3A_274 : memref<1x125xi32, #tpu.memory_space<vmem>> -> memref<125xi32, #tpu.memory_space<vmem>>
          %dma_start3A_276 = arith.constant 0 : i32
          %dma_start3A_277 = arith.constant 0 : i32
          %dma_start3A_278 = tpu.memref_slice %arg2[%dma_start3A_276, %dma_start3A_277] : memref<10000x64xf32, #tpu.memory_space<hbm>> -> memref<10000x64xf32, #tpu.memory_space<hbm>>
          tpu.enqueue_indirect_dma source(%dma_start3A_278 : memref<10000x64xf32, #tpu.memory_space<hbm>>) target(%dma_start3A_272 : memref<125x64xf32, #tpu.memory_space<vmem>>) offsets(%dma_start3A_275 : memref<125xi32, #tpu.memory_space<vmem>>) semaphore(%arg12 : memref<!tpu.dma_semaphore, #tpu.memory_space<semaphore_mem>>)
        } else {
        }
        %dma_wait3A_207 = arith.constant 1 : i32
        %dma_wait3A_208 = arith.constant 0 : i32
        %dma_wait3A_209 = arith.constant 0 : i32
        %dma_wait3A_210 = arith.constant 0 : i32
        %dma_wait3A_211 = tpu.memref_slice %arg9[%dma_wait3A_207, %dma_wait3A_209, %dma_wait3A_210] : memref<4x125x64xf32, #tpu.memory_space<vmem>> -> memref<1x125x64xf32, #tpu.memory_space<vmem>>
        %dma_wait3A_212 = tpu.memref_squeeze %dma_wait3A_211 : memref<1x125x64xf32, #tpu.memory_space<vmem>> -> memref<125x64xf32, #tpu.memory_space<vmem>>
        %dma_wait3A_213 = arith.constant 0 : i32
        %dma_wait3A_214 = tpu.memref_slice %arg8[%dma_wait3A_208, %dma_wait3A_213] : memref<160x125xi32, #tpu.memory_space<vmem>> -> memref<1x125xi32, #tpu.memory_space<vmem>>
        %dma_wait3A_215 = tpu.memref_squeeze %dma_wait3A_214 : memref<1x125xi32, #tpu.memory_space<vmem>> -> memref<125xi32, #tpu.memory_space<vmem>>
        %dma_wait3A_216 = arith.constant 0 : i32
        %dma_wait3A_217 = arith.constant 0 : i32
        %dma_wait3A_218 = tpu.memref_slice %arg11[%dma_wait3A_216, %dma_wait3A_217] : memref<10240x64xf32, #tpu.memory_space<vmem_shared>> -> memref<10240x64xf32, #tpu.memory_space<vmem_shared>>
        tpu.wait_indirect_dma semaphore(%arg17 : memref<!tpu.dma_semaphore, #tpu.memory_space<semaphore_mem>>) src(%dma_wait3A_212 : memref<125x64xf32, #tpu.memory_space<vmem>>) dst(%dma_wait3A_218 : memref<10240x64xf32, #tpu.memory_space<vmem_shared>>)
        %add3A_219 = arith.constant 1 : i32
        %add3A_220 = arith.addi %scan3A_87, %add3A_219 : i32
        %lt3A_221 = arith.constant 40 : i32
        %lt3A_222 = arith.cmpi slt, %add3A_220, %lt3A_221 : i32
        %convert_element_type3A_223 = arith.extui %lt3A_222 : i1 to i32
        %cond3A_224 = arith.constant 0 : i32
        %cond3A_225 = arith.cmpi ne, %convert_element_type3A_223, %cond3A_224 : i32
        scf.if %cond3A_225 {
          %add3A_264 = arith.constant 4 : i32
          %add3A_265 = arith.addi %mul3A_89, %add3A_264 : i32
          %add3A_266 = arith.constant 1 : i32
          %add3A_267 = arith.addi %add3A_265, %add3A_266 : i32
          %dma_start3A_268 = arith.constant 1 : i32
          %dma_start3A_269 = arith.constant 0 : i32
          %dma_start3A_270 = arith.constant 0 : i32
          %dma_start3A_271 = tpu.memref_slice %arg9[%dma_start3A_268, %dma_start3A_269, %dma_start3A_270] : memref<4x125x64xf32, #tpu.memory_space<vmem>> -> memref<1x125x64xf32, #tpu.memory_space<vmem>>
          %dma_start3A_272 = tpu.memref_squeeze %dma_start3A_271 : memref<1x125x64xf32, #tpu.memory_space<vmem>> -> memref<125x64xf32, #tpu.memory_space<vmem>>
          %dma_start3A_273 = arith.constant 0 : i32
          %dma_start3A_274 = tpu.memref_slice %arg7[%add3A_267, %dma_start3A_273] : memref<160x125xi32, #tpu.memory_space<vmem>> -> memref<1x125xi32, #tpu.memory_space<vmem>>
          %dma_start3A_275 = tpu.memref_squeeze %dma_start3A_274 : memref<1x125xi32, #tpu.memory_space<vmem>> -> memref<125xi32, #tpu.memory_space<vmem>>
          %dma_start3A_276 = arith.constant 0 : i32
          %dma_start3A_277 = arith.constant 0 : i32
          %dma_start3A_278 = tpu.memref_slice %arg2[%dma_start3A_276, %dma_start3A_277] : memref<10000x64xf32, #tpu.memory_space<hbm>> -> memref<10000x64xf32, #tpu.memory_space<hbm>>
          tpu.enqueue_indirect_dma source(%dma_start3A_278 : memref<10000x64xf32, #tpu.memory_space<hbm>>) target(%dma_start3A_272 : memref<125x64xf32, #tpu.memory_space<vmem>>) offsets(%dma_start3A_275 : memref<125xi32, #tpu.memory_space<vmem>>) semaphore(%arg13 : memref<!tpu.dma_semaphore, #tpu.memory_space<semaphore_mem>>)
        } else {
        }
        %dma_wait3A_226 = arith.constant 2 : i32
        %dma_wait3A_227 = arith.constant 0 : i32
        %dma_wait3A_228 = arith.constant 0 : i32
        %dma_wait3A_229 = arith.constant 0 : i32
        %dma_wait3A_230 = tpu.memref_slice %arg9[%dma_wait3A_226, %dma_wait3A_228, %dma_wait3A_229] : memref<4x125x64xf32, #tpu.memory_space<vmem>> -> memref<1x125x64xf32, #tpu.memory_space<vmem>>
        %dma_wait3A_231 = tpu.memref_squeeze %dma_wait3A_230 : memref<1x125x64xf32, #tpu.memory_space<vmem>> -> memref<125x64xf32, #tpu.memory_space<vmem>>
        %dma_wait3A_232 = arith.constant 0 : i32
        %dma_wait3A_233 = tpu.memref_slice %arg8[%dma_wait3A_227, %dma_wait3A_232] : memref<160x125xi32, #tpu.memory_space<vmem>> -> memref<1x125xi32, #tpu.memory_space<vmem>>
        %dma_wait3A_234 = tpu.memref_squeeze %dma_wait3A_233 : memref<1x125xi32, #tpu.memory_space<vmem>> -> memref<125xi32, #tpu.memory_space<vmem>>
        %dma_wait3A_235 = arith.constant 0 : i32
        %dma_wait3A_236 = arith.constant 0 : i32
        %dma_wait3A_237 = tpu.memref_slice %arg11[%dma_wait3A_235, %dma_wait3A_236] : memref<10240x64xf32, #tpu.memory_space<vmem_shared>> -> memref<10240x64xf32, #tpu.memory_space<vmem_shared>>
        tpu.wait_indirect_dma semaphore(%arg18 : memref<!tpu.dma_semaphore, #tpu.memory_space<semaphore_mem>>) src(%dma_wait3A_231 : memref<125x64xf32, #tpu.memory_space<vmem>>) dst(%dma_wait3A_237 : memref<10240x64xf32, #tpu.memory_space<vmem_shared>>)
        %add3A_238 = arith.constant 1 : i32
        %add3A_239 = arith.addi %scan3A_87, %add3A_238 : i32
        %lt3A_240 = arith.constant 40 : i32
        %lt3A_241 = arith.cmpi slt, %add3A_239, %lt3A_240 : i32
        %convert_element_type3A_242 = arith.extui %lt3A_241 : i1 to i32
        %cond3A_243 = arith.constant 0 : i32
        %cond3A_244 = arith.cmpi ne, %convert_element_type3A_242, %cond3A_243 : i32
        scf.if %cond3A_244 {
          %add3A_264 = arith.constant 4 : i32
          %add3A_265 = arith.addi %mul3A_89, %add3A_264 : i32
          %add3A_266 = arith.constant 2 : i32
          %add3A_267 = arith.addi %add3A_265, %add3A_266 : i32
          %dma_start3A_268 = arith.constant 2 : i32
          %dma_start3A_269 = arith.constant 0 : i32
          %dma_start3A_270 = arith.constant 0 : i32
          %dma_start3A_271 = tpu.memref_slice %arg9[%dma_start3A_268, %dma_start3A_269, %dma_start3A_270] : memref<4x125x64xf32, #tpu.memory_space<vmem>> -> memref<1x125x64xf32, #tpu.memory_space<vmem>>
          %dma_start3A_272 = tpu.memref_squeeze %dma_start3A_271 : memref<1x125x64xf32, #tpu.memory_space<vmem>> -> memref<125x64xf32, #tpu.memory_space<vmem>>
          %dma_start3A_273 = arith.constant 0 : i32
          %dma_start3A_274 = tpu.memref_slice %arg7[%add3A_267, %dma_start3A_273] : memref<160x125xi32, #tpu.memory_space<vmem>> -> memref<1x125xi32, #tpu.memory_space<vmem>>
          %dma_start3A_275 = tpu.memref_squeeze %dma_start3A_274 : memref<1x125xi32, #tpu.memory_space<vmem>> -> memref<125xi32, #tpu.memory_space<vmem>>
          %dma_start3A_276 = arith.constant 0 : i32
          %dma_start3A_277 = arith.constant 0 : i32
          %dma_start3A_278 = tpu.memref_slice %arg2[%dma_start3A_276, %dma_start3A_277] : memref<10000x64xf32, #tpu.memory_space<hbm>> -> memref<10000x64xf32, #tpu.memory_space<hbm>>
          tpu.enqueue_indirect_dma source(%dma_start3A_278 : memref<10000x64xf32, #tpu.memory_space<hbm>>) target(%dma_start3A_272 : memref<125x64xf32, #tpu.memory_space<vmem>>) offsets(%dma_start3A_275 : memref<125xi32, #tpu.memory_space<vmem>>) semaphore(%arg14 : memref<!tpu.dma_semaphore, #tpu.memory_space<semaphore_mem>>)
        } else {
        }
        %dma_wait3A_245 = arith.constant 3 : i32
        %dma_wait3A_246 = arith.constant 0 : i32
        %dma_wait3A_247 = arith.constant 0 : i32
        %dma_wait3A_248 = arith.constant 0 : i32
        %dma_wait3A_249 = tpu.memref_slice %arg9[%dma_wait3A_245, %dma_wait3A_247, %dma_wait3A_248] : memref<4x125x64xf32, #tpu.memory_space<vmem>> -> memref<1x125x64xf32, #tpu.memory_space<vmem>>
        %dma_wait3A_250 = tpu.memref_squeeze %dma_wait3A_249 : memref<1x125x64xf32, #tpu.memory_space<vmem>> -> memref<125x64xf32, #tpu.memory_space<vmem>>
        %dma_wait3A_251 = arith.constant 0 : i32
        %dma_wait3A_252 = tpu.memref_slice %arg8[%dma_wait3A_246, %dma_wait3A_251] : memref<160x125xi32, #tpu.memory_space<vmem>> -> memref<1x125xi32, #tpu.memory_space<vmem>>
        %dma_wait3A_253 = tpu.memref_squeeze %dma_wait3A_252 : memref<1x125xi32, #tpu.memory_space<vmem>> -> memref<125xi32, #tpu.memory_space<vmem>>
        %dma_wait3A_254 = arith.constant 0 : i32
        %dma_wait3A_255 = arith.constant 0 : i32
        %dma_wait3A_256 = tpu.memref_slice %arg11[%dma_wait3A_254, %dma_wait3A_255] : memref<10240x64xf32, #tpu.memory_space<vmem_shared>> -> memref<10240x64xf32, #tpu.memory_space<vmem_shared>>
        tpu.wait_indirect_dma semaphore(%arg19 : memref<!tpu.dma_semaphore, #tpu.memory_space<semaphore_mem>>) src(%dma_wait3A_250 : memref<125x64xf32, #tpu.memory_space<vmem>>) dst(%dma_wait3A_256 : memref<10240x64xf32, #tpu.memory_space<vmem_shared>>)
        %add3A_257 = arith.constant 1 : i32
        %add3A_258 = arith.addi %scan3A_87, %add3A_257 : i32
        %lt3A_259 = arith.constant 40 : i32
        %lt3A_260 = arith.cmpi slt, %add3A_258, %lt3A_259 : i32
        %convert_element_type3A_261 = arith.extui %lt3A_260 : i1 to i32
        %cond3A_262 = arith.constant 0 : i32
        %cond3A_263 = arith.cmpi ne, %convert_element_type3A_261, %cond3A_262 : i32
        scf.if %cond3A_263 {
          %add3A_264 = arith.constant 4 : i32
          %add3A_265 = arith.addi %mul3A_89, %add3A_264 : i32
          %add3A_266 = arith.constant 3 : i32
          %add3A_267 = arith.addi %add3A_265, %add3A_266 : i32
          %dma_start3A_268 = arith.constant 3 : i32
          %dma_start3A_269 = arith.constant 0 : i32
          %dma_start3A_270 = arith.constant 0 : i32
          %dma_start3A_271 = tpu.memref_slice %arg9[%dma_start3A_268, %dma_start3A_269, %dma_start3A_270] : memref<4x125x64xf32, #tpu.memory_space<vmem>> -> memref<1x125x64xf32, #tpu.memory_space<vmem>>
          %dma_start3A_272 = tpu.memref_squeeze %dma_start3A_271 : memref<1x125x64xf32, #tpu.memory_space<vmem>> -> memref<125x64xf32, #tpu.memory_space<vmem>>
          %dma_start3A_273 = arith.constant 0 : i32
          %dma_start3A_274 = tpu.memref_slice %arg7[%add3A_267, %dma_start3A_273] : memref<160x125xi32, #tpu.memory_space<vmem>> -> memref<1x125xi32, #tpu.memory_space<vmem>>
          %dma_start3A_275 = tpu.memref_squeeze %dma_start3A_274 : memref<1x125xi32, #tpu.memory_space<vmem>> -> memref<125xi32, #tpu.memory_space<vmem>>
          %dma_start3A_276 = arith.constant 0 : i32
          %dma_start3A_277 = arith.constant 0 : i32
          %dma_start3A_278 = tpu.memref_slice %arg2[%dma_start3A_276, %dma_start3A_277] : memref<10000x64xf32, #tpu.memory_space<hbm>> -> memref<10000x64xf32, #tpu.memory_space<hbm>>
          tpu.enqueue_indirect_dma source(%dma_start3A_278 : memref<10000x64xf32, #tpu.memory_space<hbm>>) target(%dma_start3A_272 : memref<125x64xf32, #tpu.memory_space<vmem>>) offsets(%dma_start3A_275 : memref<125xi32, #tpu.memory_space<vmem>>) semaphore(%arg15 : memref<!tpu.dma_semaphore, #tpu.memory_space<semaphore_mem>>)
        } else {
        }
      }
      %scan3A_85 = arith.constant 40 : i32
      %barrier3A_86 = arith.constant 0 : index
      tpu.barrier barrier_id(%barrier3A_86)
      %run_scoped3A = arith.constant 0 : i32
      "tpu.region"() ({
        %run_scoped3A_87 = tpu.sem_alloc : memref<!tpu.dma_semaphore, #tpu.memory_space<semaphore_mem>>
        %dma_start3A_88 = arith.constant 0 : i32
        %dma_start3A_89 = tpu.memref_slice %arg6[%run_scoped3A, %mul3A_0, %dma_start3A_88] : memref<2x10240x64xf32, #tpu.memory_space<hbm>> -> memref<1x640x64xf32, #tpu.memory_space<hbm>>
        %dma_start3A_90 = tpu.memref_squeeze %dma_start3A_89 : memref<1x640x64xf32, #tpu.memory_space<hbm>> -> memref<640x64xf32, #tpu.memory_space<hbm>>
        %dma_start3A_91 = arith.constant 0 : i32
        %dma_start3A_92 = tpu.memref_slice %arg11[%mul3A_0, %dma_start3A_91] : memref<10240x64xf32, #tpu.memory_space<vmem_shared>> -> memref<640x64xf32, #tpu.memory_space<vmem_shared>>
        tpu.enqueue_dma source(%dma_start3A_92 : memref<640x64xf32, #tpu.memory_space<vmem_shared>>) target(%dma_start3A_90 : memref<640x64xf32, #tpu.memory_space<hbm>>) target_semaphore(%run_scoped3A_87 : memref<!tpu.dma_semaphore, #tpu.memory_space<semaphore_mem>>)
        %dma_wait3A = arith.constant 0 : i32
        %dma_wait3A_93 = tpu.memref_slice %arg6[%run_scoped3A, %mul3A_0, %dma_wait3A] : memref<2x10240x64xf32, #tpu.memory_space<hbm>> -> memref<1x640x64xf32, #tpu.memory_space<hbm>>
        %dma_wait3A_94 = tpu.memref_squeeze %dma_wait3A_93 : memref<1x640x64xf32, #tpu.memory_space<hbm>> -> memref<640x64xf32, #tpu.memory_space<hbm>>
        %dma_wait3A_95 = arith.constant 0 : i32
        %dma_wait3A_96 = tpu.memref_slice %arg11[%mul3A_0, %dma_wait3A_95] : memref<10240x64xf32, #tpu.memory_space<vmem_shared>> -> memref<640x64xf32, #tpu.memory_space<vmem_shared>>
        tpu.wait_dma2 semaphore(%run_scoped3A_87 : memref<!tpu.dma_semaphore, #tpu.memory_space<semaphore_mem>>) src(%dma_wait3A_96 : memref<640x64xf32, #tpu.memory_space<vmem_shared>>) dst(%dma_wait3A_94 : memref<640x64xf32, #tpu.memory_space<hbm>>)
        tpu.yield
      }) : () -> ()
    } else {
    }
    %eq3A_28 = arith.constant 1 : i32
    %eq3A_29 = arith.cmpi eq, %arg0, %eq3A_28 : i32
    %convert_element_type3A_30 = arith.extui %eq3A_29 : i1 to i32
    %cond3A_31 = arith.constant 0 : i32
    %cond3A_32 = arith.cmpi ne, %convert_element_type3A_30, %cond3A_31 : i32
    scf.if %cond3A_32 {
      %dma_start3A = arith.constant 0 : i32
      %dma_start3A_33 = arith.constant 0 : i32
      %dma_start3A_34 = arith.constant 0 : i32
      %dma_start3A_35 = arith.constant 0 : i32
      %dma_start3A_36 = tpu.memref_slice %arg9[%dma_start3A_33, %dma_start3A_34, %dma_start3A_35] : memref<4x125x64xf32, #tpu.memory_space<vmem>> -> memref<1x125x64xf32, #tpu.memory_space<vmem>>
      %dma_start3A_37 = tpu.memref_squeeze %dma_start3A_36 : memref<1x125x64xf32, #tpu.memory_space<vmem>> -> memref<125x64xf32, #tpu.memory_space<vmem>>
      %dma_start3A_38 = arith.constant 0 : i32
      %dma_start3A_39 = tpu.memref_slice %arg7[%dma_start3A, %dma_start3A_38] : memref<160x125xi32, #tpu.memory_space<vmem>> -> memref<1x125xi32, #tpu.memory_space<vmem>>
      %dma_start3A_40 = tpu.memref_squeeze %dma_start3A_39 : memref<1x125xi32, #tpu.memory_space<vmem>> -> memref<125xi32, #tpu.memory_space<vmem>>
      %dma_start3A_41 = arith.constant 0 : i32
      %dma_start3A_42 = arith.constant 0 : i32
      %dma_start3A_43 = tpu.memref_slice %arg3[%dma_start3A_41, %dma_start3A_42] : memref<10000x64xf32, #tpu.memory_space<hbm>> -> memref<10000x64xf32, #tpu.memory_space<hbm>>
      tpu.enqueue_indirect_dma source(%dma_start3A_43 : memref<10000x64xf32, #tpu.memory_space<hbm>>) target(%dma_start3A_37 : memref<125x64xf32, #tpu.memory_space<vmem>>) offsets(%dma_start3A_40 : memref<125xi32, #tpu.memory_space<vmem>>) semaphore(%arg12 : memref<!tpu.dma_semaphore, #tpu.memory_space<semaphore_mem>>)
      %dma_start3A_44 = arith.constant 1 : i32
      %dma_start3A_45 = arith.constant 1 : i32
      %dma_start3A_46 = arith.constant 0 : i32
      %dma_start3A_47 = arith.constant 0 : i32
      %dma_start3A_48 = tpu.memref_slice %arg9[%dma_start3A_45, %dma_start3A_46, %dma_start3A_47] : memref<4x125x64xf32, #tpu.memory_space<vmem>> -> memref<1x125x64xf32, #tpu.memory_space<vmem>>
      %dma_start3A_49 = tpu.memref_squeeze %dma_start3A_48 : memref<1x125x64xf32, #tpu.memory_space<vmem>> -> memref<125x64xf32, #tpu.memory_space<vmem>>
      %dma_start3A_50 = arith.constant 0 : i32
      %dma_start3A_51 = tpu.memref_slice %arg7[%dma_start3A_44, %dma_start3A_50] : memref<160x125xi32, #tpu.memory_space<vmem>> -> memref<1x125xi32, #tpu.memory_space<vmem>>
      %dma_start3A_52 = tpu.memref_squeeze %dma_start3A_51 : memref<1x125xi32, #tpu.memory_space<vmem>> -> memref<125xi32, #tpu.memory_space<vmem>>
      %dma_start3A_53 = arith.constant 0 : i32
      %dma_start3A_54 = arith.constant 0 : i32
      %dma_start3A_55 = tpu.memref_slice %arg3[%dma_start3A_53, %dma_start3A_54] : memref<10000x64xf32, #tpu.memory_space<hbm>> -> memref<10000x64xf32, #tpu.memory_space<hbm>>
      tpu.enqueue_indirect_dma source(%dma_start3A_55 : memref<10000x64xf32, #tpu.memory_space<hbm>>) target(%dma_start3A_49 : memref<125x64xf32, #tpu.memory_space<vmem>>) offsets(%dma_start3A_52 : memref<125xi32, #tpu.memory_space<vmem>>) semaphore(%arg13 : memref<!tpu.dma_semaphore, #tpu.memory_space<semaphore_mem>>)
      %dma_start3A_56 = arith.constant 2 : i32
      %dma_start3A_57 = arith.constant 2 : i32
      %dma_start3A_58 = arith.constant 0 : i32
      %dma_start3A_59 = arith.constant 0 : i32
      %dma_start3A_60 = tpu.memref_slice %arg9[%dma_start3A_57, %dma_start3A_58, %dma_start3A_59] : memref<4x125x64xf32, #tpu.memory_space<vmem>> -> memref<1x125x64xf32, #tpu.memory_space<vmem>>
      %dma_start3A_61 = tpu.memref_squeeze %dma_start3A_60 : memref<1x125x64xf32, #tpu.memory_space<vmem>> -> memref<125x64xf32, #tpu.memory_space<vmem>>
      %dma_start3A_62 = arith.constant 0 : i32
      %dma_start3A_63 = tpu.memref_slice %arg7[%dma_start3A_56, %dma_start3A_62] : memref<160x125xi32, #tpu.memory_space<vmem>> -> memref<1x125xi32, #tpu.memory_space<vmem>>
      %dma_start3A_64 = tpu.memref_squeeze %dma_start3A_63 : memref<1x125xi32, #tpu.memory_space<vmem>> -> memref<125xi32, #tpu.memory_space<vmem>>
      %dma_start3A_65 = arith.constant 0 : i32
      %dma_start3A_66 = arith.constant 0 : i32
      %dma_start3A_67 = tpu.memref_slice %arg3[%dma_start3A_65, %dma_start3A_66] : memref<10000x64xf32, #tpu.memory_space<hbm>> -> memref<10000x64xf32, #tpu.memory_space<hbm>>
      tpu.enqueue_indirect_dma source(%dma_start3A_67 : memref<10000x64xf32, #tpu.memory_space<hbm>>) target(%dma_start3A_61 : memref<125x64xf32, #tpu.memory_space<vmem>>) offsets(%dma_start3A_64 : memref<125xi32, #tpu.memory_space<vmem>>) semaphore(%arg14 : memref<!tpu.dma_semaphore, #tpu.memory_space<semaphore_mem>>)
      %dma_start3A_68 = arith.constant 3 : i32
      %dma_start3A_69 = arith.constant 3 : i32
      %dma_start3A_70 = arith.constant 0 : i32
      %dma_start3A_71 = arith.constant 0 : i32
      %dma_start3A_72 = tpu.memref_slice %arg9[%dma_start3A_69, %dma_start3A_70, %dma_start3A_71] : memref<4x125x64xf32, #tpu.memory_space<vmem>> -> memref<1x125x64xf32, #tpu.memory_space<vmem>>
      %dma_start3A_73 = tpu.memref_squeeze %dma_start3A_72 : memref<1x125x64xf32, #tpu.memory_space<vmem>> -> memref<125x64xf32, #tpu.memory_space<vmem>>
      %dma_start3A_74 = arith.constant 0 : i32
      %dma_start3A_75 = tpu.memref_slice %arg7[%dma_start3A_68, %dma_start3A_74] : memref<160x125xi32, #tpu.memory_space<vmem>> -> memref<1x125xi32, #tpu.memory_space<vmem>>
      %dma_start3A_76 = tpu.memref_squeeze %dma_start3A_75 : memref<1x125xi32, #tpu.memory_space<vmem>> -> memref<125xi32, #tpu.memory_space<vmem>>
      %dma_start3A_77 = arith.constant 0 : i32
      %dma_start3A_78 = arith.constant 0 : i32
      %dma_start3A_79 = tpu.memref_slice %arg3[%dma_start3A_77, %dma_start3A_78] : memref<10000x64xf32, #tpu.memory_space<hbm>> -> memref<10000x64xf32, #tpu.memory_space<hbm>>
      tpu.enqueue_indirect_dma source(%dma_start3A_79 : memref<10000x64xf32, #tpu.memory_space<hbm>>) target(%dma_start3A_73 : memref<125x64xf32, #tpu.memory_space<vmem>>) offsets(%dma_start3A_76 : memref<125xi32, #tpu.memory_space<vmem>>) semaphore(%arg15 : memref<!tpu.dma_semaphore, #tpu.memory_space<semaphore_mem>>)
      %scan3A_80 = arith.constant 0 : i32
      %scan3A_81 = arith.constant 0 : i32
      %scan3A_82 = arith.constant 40 : i32
      %scan3A_83 = arith.addi %scan3A_81, %scan3A_82 : i32
      %scan3A_84 = arith.constant 1 : i32
      scf.for %scan3A_87 = %scan3A_81 to %scan3A_83 step %scan3A_84  : i32 {
        %mul3A_88 = arith.constant 4 : i32
        %mul3A_89 = arith.muli %mul3A_88, %scan3A_87 : i32
        %dma_wait3A = arith.constant 0 : i32
        %dma_wait3A_90 = arith.constant 0 : i32
        %dma_wait3A_91 = arith.constant 0 : i32
        %dma_wait3A_92 = arith.constant 0 : i32
        %dma_wait3A_93 = tpu.memref_slice %arg9[%dma_wait3A_90, %dma_wait3A_91, %dma_wait3A_92] : memref<4x125x64xf32, #tpu.memory_space<vmem>> -> memref<1x125x64xf32, #tpu.memory_space<vmem>>
        %dma_wait3A_94 = tpu.memref_squeeze %dma_wait3A_93 : memref<1x125x64xf32, #tpu.memory_space<vmem>> -> memref<125x64xf32, #tpu.memory_space<vmem>>
        %dma_wait3A_95 = arith.constant 0 : i32
        %dma_wait3A_96 = tpu.memref_slice %arg7[%dma_wait3A, %dma_wait3A_95] : memref<160x125xi32, #tpu.memory_space<vmem>> -> memref<1x125xi32, #tpu.memory_space<vmem>>
        %dma_wait3A_97 = tpu.memref_squeeze %dma_wait3A_96 : memref<1x125xi32, #tpu.memory_space<vmem>> -> memref<125xi32, #tpu.memory_space<vmem>>
        %dma_wait3A_98 = arith.constant 0 : i32
        %dma_wait3A_99 = arith.constant 0 : i32
        %dma_wait3A_100 = tpu.memref_slice %arg3[%dma_wait3A_98, %dma_wait3A_99] : memref<10000x64xf32, #tpu.memory_space<hbm>> -> memref<10000x64xf32, #tpu.memory_space<hbm>>
        tpu.wait_indirect_dma semaphore(%arg12 : memref<!tpu.dma_semaphore, #tpu.memory_space<semaphore_mem>>) src(%dma_wait3A_100 : memref<10000x64xf32, #tpu.memory_space<hbm>>) dst(%dma_wait3A_94 : memref<125x64xf32, #tpu.memory_space<vmem>>)
        %add3A_101 = arith.constant 0 : i32
        %add3A_102 = arith.addi %mul3A_89, %add3A_101 : i32
        %dma_start3A_103 = arith.constant 0 : i32
        %dma_start3A_104 = arith.constant 0 : i32
        %dma_start3A_105 = arith.constant 0 : i32
        %dma_start3A_106 = tpu.memref_slice %arg9[%dma_start3A_103, %dma_start3A_104, %dma_start3A_105] : memref<4x125x64xf32, #tpu.memory_space<vmem>> -> memref<1x125x64xf32, #tpu.memory_space<vmem>>
        %dma_start3A_107 = tpu.memref_squeeze %dma_start3A_106 : memref<1x125x64xf32, #tpu.memory_space<vmem>> -> memref<125x64xf32, #tpu.memory_space<vmem>>
        %dma_start3A_108 = arith.constant 0 : i32
        %dma_start3A_109 = tpu.memref_slice %arg8[%add3A_102, %dma_start3A_108] : memref<160x125xi32, #tpu.memory_space<vmem>> -> memref<1x125xi32, #tpu.memory_space<vmem>>
        %dma_start3A_110 = tpu.memref_squeeze %dma_start3A_109 : memref<1x125xi32, #tpu.memory_space<vmem>> -> memref<125xi32, #tpu.memory_space<vmem>>
        %dma_start3A_111 = arith.constant 0 : i32
        %dma_start3A_112 = arith.constant 0 : i32
        %dma_start3A_113 = tpu.memref_slice %arg11[%dma_start3A_111, %dma_start3A_112] : memref<10240x64xf32, #tpu.memory_space<vmem_shared>> -> memref<10240x64xf32, #tpu.memory_space<vmem_shared>>
        tpu.enqueue_indirect_dma source(%dma_start3A_107 : memref<125x64xf32, #tpu.memory_space<vmem>>) target(%dma_start3A_113 : memref<10240x64xf32, #tpu.memory_space<vmem_shared>>) offsets(%dma_start3A_110 : memref<125xi32, #tpu.memory_space<vmem>>) semaphore(%arg16 : memref<!tpu.dma_semaphore, #tpu.memory_space<semaphore_mem>>) {add = true}
        %dma_wait3A_114 = arith.constant 0 : i32
        %dma_wait3A_115 = arith.constant 1 : i32
        %dma_wait3A_116 = arith.constant 0 : i32
        %dma_wait3A_117 = arith.constant 0 : i32
        %dma_wait3A_118 = tpu.memref_slice %arg9[%dma_wait3A_115, %dma_wait3A_116, %dma_wait3A_117] : memref<4x125x64xf32, #tpu.memory_space<vmem>> -> memref<1x125x64xf32, #tpu.memory_space<vmem>>
        %dma_wait3A_119 = tpu.memref_squeeze %dma_wait3A_118 : memref<1x125x64xf32, #tpu.memory_space<vmem>> -> memref<125x64xf32, #tpu.memory_space<vmem>>
        %dma_wait3A_120 = arith.constant 0 : i32
        %dma_wait3A_121 = tpu.memref_slice %arg7[%dma_wait3A_114, %dma_wait3A_120] : memref<160x125xi32, #tpu.memory_space<vmem>> -> memref<1x125xi32, #tpu.memory_space<vmem>>
        %dma_wait3A_122 = tpu.memref_squeeze %dma_wait3A_121 : memref<1x125xi32, #tpu.memory_space<vmem>> -> memref<125xi32, #tpu.memory_space<vmem>>
        %dma_wait3A_123 = arith.constant 0 : i32
        %dma_wait3A_124 = arith.constant 0 : i32
        %dma_wait3A_125 = tpu.memref_slice %arg3[%dma_wait3A_123, %dma_wait3A_124] : memref<10000x64xf32, #tpu.memory_space<hbm>> -> memref<10000x64xf32, #tpu.memory_space<hbm>>
        tpu.wait_indirect_dma semaphore(%arg13 : memref<!tpu.dma_semaphore, #tpu.memory_space<semaphore_mem>>) src(%dma_wait3A_125 : memref<10000x64xf32, #tpu.memory_space<hbm>>) dst(%dma_wait3A_119 : memref<125x64xf32, #tpu.memory_space<vmem>>)
        %add3A_126 = arith.constant 1 : i32
        %add3A_127 = arith.addi %mul3A_89, %add3A_126 : i32
        %dma_start3A_128 = arith.constant 1 : i32
        %dma_start3A_129 = arith.constant 0 : i32
        %dma_start3A_130 = arith.constant 0 : i32
        %dma_start3A_131 = tpu.memref_slice %arg9[%dma_start3A_128, %dma_start3A_129, %dma_start3A_130] : memref<4x125x64xf32, #tpu.memory_space<vmem>> -> memref<1x125x64xf32, #tpu.memory_space<vmem>>
        %dma_start3A_132 = tpu.memref_squeeze %dma_start3A_131 : memref<1x125x64xf32, #tpu.memory_space<vmem>> -> memref<125x64xf32, #tpu.memory_space<vmem>>
        %dma_start3A_133 = arith.constant 0 : i32
        %dma_start3A_134 = tpu.memref_slice %arg8[%add3A_127, %dma_start3A_133] : memref<160x125xi32, #tpu.memory_space<vmem>> -> memref<1x125xi32, #tpu.memory_space<vmem>>
        %dma_start3A_135 = tpu.memref_squeeze %dma_start3A_134 : memref<1x125xi32, #tpu.memory_space<vmem>> -> memref<125xi32, #tpu.memory_space<vmem>>
        %dma_start3A_136 = arith.constant 0 : i32
        %dma_start3A_137 = arith.constant 0 : i32
        %dma_start3A_138 = tpu.memref_slice %arg11[%dma_start3A_136, %dma_start3A_137] : memref<10240x64xf32, #tpu.memory_space<vmem_shared>> -> memref<10240x64xf32, #tpu.memory_space<vmem_shared>>
        tpu.enqueue_indirect_dma source(%dma_start3A_132 : memref<125x64xf32, #tpu.memory_space<vmem>>) target(%dma_start3A_138 : memref<10240x64xf32, #tpu.memory_space<vmem_shared>>) offsets(%dma_start3A_135 : memref<125xi32, #tpu.memory_space<vmem>>) semaphore(%arg17 : memref<!tpu.dma_semaphore, #tpu.memory_space<semaphore_mem>>) {add = true}
        %dma_wait3A_139 = arith.constant 0 : i32
        %dma_wait3A_140 = arith.constant 2 : i32
        %dma_wait3A_141 = arith.constant 0 : i32
        %dma_wait3A_142 = arith.constant 0 : i32
        %dma_wait3A_143 = tpu.memref_slice %arg9[%dma_wait3A_140, %dma_wait3A_141, %dma_wait3A_142] : memref<4x125x64xf32, #tpu.memory_space<vmem>> -> memref<1x125x64xf32, #tpu.memory_space<vmem>>
        %dma_wait3A_144 = tpu.memref_squeeze %dma_wait3A_143 : memref<1x125x64xf32, #tpu.memory_space<vmem>> -> memref<125x64xf32, #tpu.memory_space<vmem>>
        %dma_wait3A_145 = arith.constant 0 : i32
        %dma_wait3A_146 = tpu.memref_slice %arg7[%dma_wait3A_139, %dma_wait3A_145] : memref<160x125xi32, #tpu.memory_space<vmem>> -> memref<1x125xi32, #tpu.memory_space<vmem>>
        %dma_wait3A_147 = tpu.memref_squeeze %dma_wait3A_146 : memref<1x125xi32, #tpu.memory_space<vmem>> -> memref<125xi32, #tpu.memory_space<vmem>>
        %dma_wait3A_148 = arith.constant 0 : i32
        %dma_wait3A_149 = arith.constant 0 : i32
        %dma_wait3A_150 = tpu.memref_slice %arg3[%dma_wait3A_148, %dma_wait3A_149] : memref<10000x64xf32, #tpu.memory_space<hbm>> -> memref<10000x64xf32, #tpu.memory_space<hbm>>
        tpu.wait_indirect_dma semaphore(%arg14 : memref<!tpu.dma_semaphore, #tpu.memory_space<semaphore_mem>>) src(%dma_wait3A_150 : memref<10000x64xf32, #tpu.memory_space<hbm>>) dst(%dma_wait3A_144 : memref<125x64xf32, #tpu.memory_space<vmem>>)
        %add3A_151 = arith.constant 2 : i32
        %add3A_152 = arith.addi %mul3A_89, %add3A_151 : i32
        %dma_start3A_153 = arith.constant 2 : i32
        %dma_start3A_154 = arith.constant 0 : i32
        %dma_start3A_155 = arith.constant 0 : i32
        %dma_start3A_156 = tpu.memref_slice %arg9[%dma_start3A_153, %dma_start3A_154, %dma_start3A_155] : memref<4x125x64xf32, #tpu.memory_space<vmem>> -> memref<1x125x64xf32, #tpu.memory_space<vmem>>
        %dma_start3A_157 = tpu.memref_squeeze %dma_start3A_156 : memref<1x125x64xf32, #tpu.memory_space<vmem>> -> memref<125x64xf32, #tpu.memory_space<vmem>>
        %dma_start3A_158 = arith.constant 0 : i32
        %dma_start3A_159 = tpu.memref_slice %arg8[%add3A_152, %dma_start3A_158] : memref<160x125xi32, #tpu.memory_space<vmem>> -> memref<1x125xi32, #tpu.memory_space<vmem>>
        %dma_start3A_160 = tpu.memref_squeeze %dma_start3A_159 : memref<1x125xi32, #tpu.memory_space<vmem>> -> memref<125xi32, #tpu.memory_space<vmem>>
        %dma_start3A_161 = arith.constant 0 : i32
        %dma_start3A_162 = arith.constant 0 : i32
        %dma_start3A_163 = tpu.memref_slice %arg11[%dma_start3A_161, %dma_start3A_162] : memref<10240x64xf32, #tpu.memory_space<vmem_shared>> -> memref<10240x64xf32, #tpu.memory_space<vmem_shared>>
        tpu.enqueue_indirect_dma source(%dma_start3A_157 : memref<125x64xf32, #tpu.memory_space<vmem>>) target(%dma_start3A_163 : memref<10240x64xf32, #tpu.memory_space<vmem_shared>>) offsets(%dma_start3A_160 : memref<125xi32, #tpu.memory_space<vmem>>) semaphore(%arg18 : memref<!tpu.dma_semaphore, #tpu.memory_space<semaphore_mem>>) {add = true}
        %dma_wait3A_164 = arith.constant 0 : i32
        %dma_wait3A_165 = arith.constant 3 : i32
        %dma_wait3A_166 = arith.constant 0 : i32
        %dma_wait3A_167 = arith.constant 0 : i32
        %dma_wait3A_168 = tpu.memref_slice %arg9[%dma_wait3A_165, %dma_wait3A_166, %dma_wait3A_167] : memref<4x125x64xf32, #tpu.memory_space<vmem>> -> memref<1x125x64xf32, #tpu.memory_space<vmem>>
        %dma_wait3A_169 = tpu.memref_squeeze %dma_wait3A_168 : memref<1x125x64xf32, #tpu.memory_space<vmem>> -> memref<125x64xf32, #tpu.memory_space<vmem>>
        %dma_wait3A_170 = arith.constant 0 : i32
        %dma_wait3A_171 = tpu.memref_slice %arg7[%dma_wait3A_164, %dma_wait3A_170] : memref<160x125xi32, #tpu.memory_space<vmem>> -> memref<1x125xi32, #tpu.memory_space<vmem>>
        %dma_wait3A_172 = tpu.memref_squeeze %dma_wait3A_171 : memref<1x125xi32, #tpu.memory_space<vmem>> -> memref<125xi32, #tpu.memory_space<vmem>>
        %dma_wait3A_173 = arith.constant 0 : i32
        %dma_wait3A_174 = arith.constant 0 : i32
        %dma_wait3A_175 = tpu.memref_slice %arg3[%dma_wait3A_173, %dma_wait3A_174] : memref<10000x64xf32, #tpu.memory_space<hbm>> -> memref<10000x64xf32, #tpu.memory_space<hbm>>
        tpu.wait_indirect_dma semaphore(%arg15 : memref<!tpu.dma_semaphore, #tpu.memory_space<semaphore_mem>>) src(%dma_wait3A_175 : memref<10000x64xf32, #tpu.memory_space<hbm>>) dst(%dma_wait3A_169 : memref<125x64xf32, #tpu.memory_space<vmem>>)
        %add3A_176 = arith.constant 3 : i32
        %add3A_177 = arith.addi %mul3A_89, %add3A_176 : i32
        %dma_start3A_178 = arith.constant 3 : i32
        %dma_start3A_179 = arith.constant 0 : i32
        %dma_start3A_180 = arith.constant 0 : i32
        %dma_start3A_181 = tpu.memref_slice %arg9[%dma_start3A_178, %dma_start3A_179, %dma_start3A_180] : memref<4x125x64xf32, #tpu.memory_space<vmem>> -> memref<1x125x64xf32, #tpu.memory_space<vmem>>
        %dma_start3A_182 = tpu.memref_squeeze %dma_start3A_181 : memref<1x125x64xf32, #tpu.memory_space<vmem>> -> memref<125x64xf32, #tpu.memory_space<vmem>>
        %dma_start3A_183 = arith.constant 0 : i32
        %dma_start3A_184 = tpu.memref_slice %arg8[%add3A_177, %dma_start3A_183] : memref<160x125xi32, #tpu.memory_space<vmem>> -> memref<1x125xi32, #tpu.memory_space<vmem>>
        %dma_start3A_185 = tpu.memref_squeeze %dma_start3A_184 : memref<1x125xi32, #tpu.memory_space<vmem>> -> memref<125xi32, #tpu.memory_space<vmem>>
        %dma_start3A_186 = arith.constant 0 : i32
        %dma_start3A_187 = arith.constant 0 : i32
        %dma_start3A_188 = tpu.memref_slice %arg11[%dma_start3A_186, %dma_start3A_187] : memref<10240x64xf32, #tpu.memory_space<vmem_shared>> -> memref<10240x64xf32, #tpu.memory_space<vmem_shared>>
        tpu.enqueue_indirect_dma source(%dma_start3A_182 : memref<125x64xf32, #tpu.memory_space<vmem>>) target(%dma_start3A_188 : memref<10240x64xf32, #tpu.memory_space<vmem_shared>>) offsets(%dma_start3A_185 : memref<125xi32, #tpu.memory_space<vmem>>) semaphore(%arg19 : memref<!tpu.dma_semaphore, #tpu.memory_space<semaphore_mem>>) {add = true}
        %dma_wait3A_189 = arith.constant 0 : i32
        %dma_wait3A_190 = arith.constant 0 : i32
        %dma_wait3A_191 = arith.constant 0 : i32
        %dma_wait3A_192 = arith.constant 0 : i32
        %dma_wait3A_193 = tpu.memref_slice %arg9[%dma_wait3A_189, %dma_wait3A_191, %dma_wait3A_192] : memref<4x125x64xf32, #tpu.memory_space<vmem>> -> memref<1x125x64xf32, #tpu.memory_space<vmem>>
        %dma_wait3A_194 = tpu.memref_squeeze %dma_wait3A_193 : memref<1x125x64xf32, #tpu.memory_space<vmem>> -> memref<125x64xf32, #tpu.memory_space<vmem>>
        %dma_wait3A_195 = arith.constant 0 : i32
        %dma_wait3A_196 = tpu.memref_slice %arg8[%dma_wait3A_190, %dma_wait3A_195] : memref<160x125xi32, #tpu.memory_space<vmem>> -> memref<1x125xi32, #tpu.memory_space<vmem>>
        %dma_wait3A_197 = tpu.memref_squeeze %dma_wait3A_196 : memref<1x125xi32, #tpu.memory_space<vmem>> -> memref<125xi32, #tpu.memory_space<vmem>>
        %dma_wait3A_198 = arith.constant 0 : i32
        %dma_wait3A_199 = arith.constant 0 : i32
        %dma_wait3A_200 = tpu.memref_slice %arg11[%dma_wait3A_198, %dma_wait3A_199] : memref<10240x64xf32, #tpu.memory_space<vmem_shared>> -> memref<10240x64xf32, #tpu.memory_space<vmem_shared>>
        tpu.wait_indirect_dma semaphore(%arg16 : memref<!tpu.dma_semaphore, #tpu.memory_space<semaphore_mem>>) src(%dma_wait3A_194 : memref<125x64xf32, #tpu.memory_space<vmem>>) dst(%dma_wait3A_200 : memref<10240x64xf32, #tpu.memory_space<vmem_shared>>)
        %add3A_201 = arith.constant 1 : i32
        %add3A_202 = arith.addi %scan3A_87, %add3A_201 : i32
        %lt3A = arith.constant 40 : i32
        %lt3A_203 = arith.cmpi slt, %add3A_202, %lt3A : i32
        %convert_element_type3A_204 = arith.extui %lt3A_203 : i1 to i32
        %cond3A_205 = arith.constant 0 : i32
        %cond3A_206 = arith.cmpi ne, %convert_element_type3A_204, %cond3A_205 : i32
        scf.if %cond3A_206 {
          %add3A_264 = arith.constant 4 : i32
          %add3A_265 = arith.addi %mul3A_89, %add3A_264 : i32
          %add3A_266 = arith.constant 0 : i32
          %add3A_267 = arith.addi %add3A_265, %add3A_266 : i32
          %dma_start3A_268 = arith.constant 0 : i32
          %dma_start3A_269 = arith.constant 0 : i32
          %dma_start3A_270 = arith.constant 0 : i32
          %dma_start3A_271 = tpu.memref_slice %arg9[%dma_start3A_268, %dma_start3A_269, %dma_start3A_270] : memref<4x125x64xf32, #tpu.memory_space<vmem>> -> memref<1x125x64xf32, #tpu.memory_space<vmem>>
          %dma_start3A_272 = tpu.memref_squeeze %dma_start3A_271 : memref<1x125x64xf32, #tpu.memory_space<vmem>> -> memref<125x64xf32, #tpu.memory_space<vmem>>
          %dma_start3A_273 = arith.constant 0 : i32
          %dma_start3A_274 = tpu.memref_slice %arg7[%add3A_267, %dma_start3A_273] : memref<160x125xi32, #tpu.memory_space<vmem>> -> memref<1x125xi32, #tpu.memory_space<vmem>>
          %dma_start3A_275 = tpu.memref_squeeze %dma_start3A_274 : memref<1x125xi32, #tpu.memory_space<vmem>> -> memref<125xi32, #tpu.memory_space<vmem>>
          %dma_start3A_276 = arith.constant 0 : i32
          %dma_start3A_277 = arith.constant 0 : i32
          %dma_start3A_278 = tpu.memref_slice %arg3[%dma_start3A_276, %dma_start3A_277] : memref<10000x64xf32, #tpu.memory_space<hbm>> -> memref<10000x64xf32, #tpu.memory_space<hbm>>
          tpu.enqueue_indirect_dma source(%dma_start3A_278 : memref<10000x64xf32, #tpu.memory_space<hbm>>) target(%dma_start3A_272 : memref<125x64xf32, #tpu.memory_space<vmem>>) offsets(%dma_start3A_275 : memref<125xi32, #tpu.memory_space<vmem>>) semaphore(%arg12 : memref<!tpu.dma_semaphore, #tpu.memory_space<semaphore_mem>>)
        } else {
        }
        %dma_wait3A_207 = arith.constant 1 : i32
        %dma_wait3A_208 = arith.constant 0 : i32
        %dma_wait3A_209 = arith.constant 0 : i32
        %dma_wait3A_210 = arith.constant 0 : i32
        %dma_wait3A_211 = tpu.memref_slice %arg9[%dma_wait3A_207, %dma_wait3A_209, %dma_wait3A_210] : memref<4x125x64xf32, #tpu.memory_space<vmem>> -> memref<1x125x64xf32, #tpu.memory_space<vmem>>
        %dma_wait3A_212 = tpu.memref_squeeze %dma_wait3A_211 : memref<1x125x64xf32, #tpu.memory_space<vmem>> -> memref<125x64xf32, #tpu.memory_space<vmem>>
        %dma_wait3A_213 = arith.constant 0 : i32
        %dma_wait3A_214 = tpu.memref_slice %arg8[%dma_wait3A_208, %dma_wait3A_213] : memref<160x125xi32, #tpu.memory_space<vmem>> -> memref<1x125xi32, #tpu.memory_space<vmem>>
        %dma_wait3A_215 = tpu.memref_squeeze %dma_wait3A_214 : memref<1x125xi32, #tpu.memory_space<vmem>> -> memref<125xi32, #tpu.memory_space<vmem>>
        %dma_wait3A_216 = arith.constant 0 : i32
        %dma_wait3A_217 = arith.constant 0 : i32
        %dma_wait3A_218 = tpu.memref_slice %arg11[%dma_wait3A_216, %dma_wait3A_217] : memref<10240x64xf32, #tpu.memory_space<vmem_shared>> -> memref<10240x64xf32, #tpu.memory_space<vmem_shared>>
        tpu.wait_indirect_dma semaphore(%arg17 : memref<!tpu.dma_semaphore, #tpu.memory_space<semaphore_mem>>) src(%dma_wait3A_212 : memref<125x64xf32, #tpu.memory_space<vmem>>) dst(%dma_wait3A_218 : memref<10240x64xf32, #tpu.memory_space<vmem_shared>>)
        %add3A_219 = arith.constant 1 : i32
        %add3A_220 = arith.addi %scan3A_87, %add3A_219 : i32
        %lt3A_221 = arith.constant 40 : i32
        %lt3A_222 = arith.cmpi slt, %add3A_220, %lt3A_221 : i32
        %convert_element_type3A_223 = arith.extui %lt3A_222 : i1 to i32
        %cond3A_224 = arith.constant 0 : i32
        %cond3A_225 = arith.cmpi ne, %convert_element_type3A_223, %cond3A_224 : i32
        scf.if %cond3A_225 {
          %add3A_264 = arith.constant 4 : i32
          %add3A_265 = arith.addi %mul3A_89, %add3A_264 : i32
          %add3A_266 = arith.constant 1 : i32
          %add3A_267 = arith.addi %add3A_265, %add3A_266 : i32
          %dma_start3A_268 = arith.constant 1 : i32
          %dma_start3A_269 = arith.constant 0 : i32
          %dma_start3A_270 = arith.constant 0 : i32
          %dma_start3A_271 = tpu.memref_slice %arg9[%dma_start3A_268, %dma_start3A_269, %dma_start3A_270] : memref<4x125x64xf32, #tpu.memory_space<vmem>> -> memref<1x125x64xf32, #tpu.memory_space<vmem>>
          %dma_start3A_272 = tpu.memref_squeeze %dma_start3A_271 : memref<1x125x64xf32, #tpu.memory_space<vmem>> -> memref<125x64xf32, #tpu.memory_space<vmem>>
          %dma_start3A_273 = arith.constant 0 : i32
          %dma_start3A_274 = tpu.memref_slice %arg7[%add3A_267, %dma_start3A_273] : memref<160x125xi32, #tpu.memory_space<vmem>> -> memref<1x125xi32, #tpu.memory_space<vmem>>
          %dma_start3A_275 = tpu.memref_squeeze %dma_start3A_274 : memref<1x125xi32, #tpu.memory_space<vmem>> -> memref<125xi32, #tpu.memory_space<vmem>>
          %dma_start3A_276 = arith.constant 0 : i32
          %dma_start3A_277 = arith.constant 0 : i32
          %dma_start3A_278 = tpu.memref_slice %arg3[%dma_start3A_276, %dma_start3A_277] : memref<10000x64xf32, #tpu.memory_space<hbm>> -> memref<10000x64xf32, #tpu.memory_space<hbm>>
          tpu.enqueue_indirect_dma source(%dma_start3A_278 : memref<10000x64xf32, #tpu.memory_space<hbm>>) target(%dma_start3A_272 : memref<125x64xf32, #tpu.memory_space<vmem>>) offsets(%dma_start3A_275 : memref<125xi32, #tpu.memory_space<vmem>>) semaphore(%arg13 : memref<!tpu.dma_semaphore, #tpu.memory_space<semaphore_mem>>)
        } else {
        }
        %dma_wait3A_226 = arith.constant 2 : i32
        %dma_wait3A_227 = arith.constant 0 : i32
        %dma_wait3A_228 = arith.constant 0 : i32
        %dma_wait3A_229 = arith.constant 0 : i32
        %dma_wait3A_230 = tpu.memref_slice %arg9[%dma_wait3A_226, %dma_wait3A_228, %dma_wait3A_229] : memref<4x125x64xf32, #tpu.memory_space<vmem>> -> memref<1x125x64xf32, #tpu.memory_space<vmem>>
        %dma_wait3A_231 = tpu.memref_squeeze %dma_wait3A_230 : memref<1x125x64xf32, #tpu.memory_space<vmem>> -> memref<125x64xf32, #tpu.memory_space<vmem>>
        %dma_wait3A_232 = arith.constant 0 : i32
        %dma_wait3A_233 = tpu.memref_slice %arg8[%dma_wait3A_227, %dma_wait3A_232] : memref<160x125xi32, #tpu.memory_space<vmem>> -> memref<1x125xi32, #tpu.memory_space<vmem>>
        %dma_wait3A_234 = tpu.memref_squeeze %dma_wait3A_233 : memref<1x125xi32, #tpu.memory_space<vmem>> -> memref<125xi32, #tpu.memory_space<vmem>>
        %dma_wait3A_235 = arith.constant 0 : i32
        %dma_wait3A_236 = arith.constant 0 : i32
        %dma_wait3A_237 = tpu.memref_slice %arg11[%dma_wait3A_235, %dma_wait3A_236] : memref<10240x64xf32, #tpu.memory_space<vmem_shared>> -> memref<10240x64xf32, #tpu.memory_space<vmem_shared>>
        tpu.wait_indirect_dma semaphore(%arg18 : memref<!tpu.dma_semaphore, #tpu.memory_space<semaphore_mem>>) src(%dma_wait3A_231 : memref<125x64xf32, #tpu.memory_space<vmem>>) dst(%dma_wait3A_237 : memref<10240x64xf32, #tpu.memory_space<vmem_shared>>)
        %add3A_238 = arith.constant 1 : i32
        %add3A_239 = arith.addi %scan3A_87, %add3A_238 : i32
        %lt3A_240 = arith.constant 40 : i32
        %lt3A_241 = arith.cmpi slt, %add3A_239, %lt3A_240 : i32
        %convert_element_type3A_242 = arith.extui %lt3A_241 : i1 to i32
        %cond3A_243 = arith.constant 0 : i32
        %cond3A_244 = arith.cmpi ne, %convert_element_type3A_242, %cond3A_243 : i32
        scf.if %cond3A_244 {
          %add3A_264 = arith.constant 4 : i32
          %add3A_265 = arith.addi %mul3A_89, %add3A_264 : i32
          %add3A_266 = arith.constant 2 : i32
          %add3A_267 = arith.addi %add3A_265, %add3A_266 : i32
          %dma_start3A_268 = arith.constant 2 : i32
          %dma_start3A_269 = arith.constant 0 : i32
          %dma_start3A_270 = arith.constant 0 : i32
          %dma_start3A_271 = tpu.memref_slice %arg9[%dma_start3A_268, %dma_start3A_269, %dma_start3A_270] : memref<4x125x64xf32, #tpu.memory_space<vmem>> -> memref<1x125x64xf32, #tpu.memory_space<vmem>>
          %dma_start3A_272 = tpu.memref_squeeze %dma_start3A_271 : memref<1x125x64xf32, #tpu.memory_space<vmem>> -> memref<125x64xf32, #tpu.memory_space<vmem>>
          %dma_start3A_273 = arith.constant 0 : i32
          %dma_start3A_274 = tpu.memref_slice %arg7[%add3A_267, %dma_start3A_273] : memref<160x125xi32, #tpu.memory_space<vmem>> -> memref<1x125xi32, #tpu.memory_space<vmem>>
          %dma_start3A_275 = tpu.memref_squeeze %dma_start3A_274 : memref<1x125xi32, #tpu.memory_space<vmem>> -> memref<125xi32, #tpu.memory_space<vmem>>
          %dma_start3A_276 = arith.constant 0 : i32
          %dma_start3A_277 = arith.constant 0 : i32
          %dma_start3A_278 = tpu.memref_slice %arg3[%dma_start3A_276, %dma_start3A_277] : memref<10000x64xf32, #tpu.memory_space<hbm>> -> memref<10000x64xf32, #tpu.memory_space<hbm>>
          tpu.enqueue_indirect_dma source(%dma_start3A_278 : memref<10000x64xf32, #tpu.memory_space<hbm>>) target(%dma_start3A_272 : memref<125x64xf32, #tpu.memory_space<vmem>>) offsets(%dma_start3A_275 : memref<125xi32, #tpu.memory_space<vmem>>) semaphore(%arg14 : memref<!tpu.dma_semaphore, #tpu.memory_space<semaphore_mem>>)
        } else {
        }
        %dma_wait3A_245 = arith.constant 3 : i32
        %dma_wait3A_246 = arith.constant 0 : i32
        %dma_wait3A_247 = arith.constant 0 : i32
        %dma_wait3A_248 = arith.constant 0 : i32
        %dma_wait3A_249 = tpu.memref_slice %arg9[%dma_wait3A_245, %dma_wait3A_247, %dma_wait3A_248] : memref<4x125x64xf32, #tpu.memory_space<vmem>> -> memref<1x125x64xf32, #tpu.memory_space<vmem>>
        %dma_wait3A_250 = tpu.memref_squeeze %dma_wait3A_249 : memref<1x125x64xf32, #tpu.memory_space<vmem>> -> memref<125x64xf32, #tpu.memory_space<vmem>>
        %dma_wait3A_251 = arith.constant 0 : i32
        %dma_wait3A_252 = tpu.memref_slice %arg8[%dma_wait3A_246, %dma_wait3A_251] : memref<160x125xi32, #tpu.memory_space<vmem>> -> memref<1x125xi32, #tpu.memory_space<vmem>>
        %dma_wait3A_253 = tpu.memref_squeeze %dma_wait3A_252 : memref<1x125xi32, #tpu.memory_space<vmem>> -> memref<125xi32, #tpu.memory_space<vmem>>
        %dma_wait3A_254 = arith.constant 0 : i32
        %dma_wait3A_255 = arith.constant 0 : i32
        %dma_wait3A_256 = tpu.memref_slice %arg11[%dma_wait3A_254, %dma_wait3A_255] : memref<10240x64xf32, #tpu.memory_space<vmem_shared>> -> memref<10240x64xf32, #tpu.memory_space<vmem_shared>>
        tpu.wait_indirect_dma semaphore(%arg19 : memref<!tpu.dma_semaphore, #tpu.memory_space<semaphore_mem>>) src(%dma_wait3A_250 : memref<125x64xf32, #tpu.memory_space<vmem>>) dst(%dma_wait3A_256 : memref<10240x64xf32, #tpu.memory_space<vmem_shared>>)
        %add3A_257 = arith.constant 1 : i32
        %add3A_258 = arith.addi %scan3A_87, %add3A_257 : i32
        %lt3A_259 = arith.constant 40 : i32
        %lt3A_260 = arith.cmpi slt, %add3A_258, %lt3A_259 : i32
        %convert_element_type3A_261 = arith.extui %lt3A_260 : i1 to i32
        %cond3A_262 = arith.constant 0 : i32
        %cond3A_263 = arith.cmpi ne, %convert_element_type3A_261, %cond3A_262 : i32
        scf.if %cond3A_263 {
          %add3A_264 = arith.constant 4 : i32
          %add3A_265 = arith.addi %mul3A_89, %add3A_264 : i32
          %add3A_266 = arith.constant 3 : i32
          %add3A_267 = arith.addi %add3A_265, %add3A_266 : i32
          %dma_start3A_268 = arith.constant 3 : i32
          %dma_start3A_269 = arith.constant 0 : i32
          %dma_start3A_270 = arith.constant 0 : i32
          %dma_start3A_271 = tpu.memref_slice %arg9[%dma_start3A_268, %dma_start3A_269, %dma_start3A_270] : memref<4x125x64xf32, #tpu.memory_space<vmem>> -> memref<1x125x64xf32, #tpu.memory_space<vmem>>
          %dma_start3A_272 = tpu.memref_squeeze %dma_start3A_271 : memref<1x125x64xf32, #tpu.memory_space<vmem>> -> memref<125x64xf32, #tpu.memory_space<vmem>>
          %dma_start3A_273 = arith.constant 0 : i32
          %dma_start3A_274 = tpu.memref_slice %arg7[%add3A_267, %dma_start3A_273] : memref<160x125xi32, #tpu.memory_space<vmem>> -> memref<1x125xi32, #tpu.memory_space<vmem>>
          %dma_start3A_275 = tpu.memref_squeeze %dma_start3A_274 : memref<1x125xi32, #tpu.memory_space<vmem>> -> memref<125xi32, #tpu.memory_space<vmem>>
          %dma_start3A_276 = arith.constant 0 : i32
          %dma_start3A_277 = arith.constant 0 : i32
          %dma_start3A_278 = tpu.memref_slice %arg3[%dma_start3A_276, %dma_start3A_277] : memref<10000x64xf32, #tpu.memory_space<hbm>> -> memref<10000x64xf32, #tpu.memory_space<hbm>>
          tpu.enqueue_indirect_dma source(%dma_start3A_278 : memref<10000x64xf32, #tpu.memory_space<hbm>>) target(%dma_start3A_272 : memref<125x64xf32, #tpu.memory_space<vmem>>) offsets(%dma_start3A_275 : memref<125xi32, #tpu.memory_space<vmem>>) semaphore(%arg15 : memref<!tpu.dma_semaphore, #tpu.memory_space<semaphore_mem>>)
        } else {
        }
      }
      %scan3A_85 = arith.constant 40 : i32
      %barrier3A_86 = arith.constant 0 : index
      tpu.barrier barrier_id(%barrier3A_86)
      %run_scoped3A = arith.constant 1 : i32
      "tpu.region"() ({
        %run_scoped3A_87 = tpu.sem_alloc : memref<!tpu.dma_semaphore, #tpu.memory_space<semaphore_mem>>
        %dma_start3A_88 = arith.constant 0 : i32
        %dma_start3A_89 = tpu.memref_slice %arg6[%run_scoped3A, %mul3A_0, %dma_start3A_88] : memref<2x10240x64xf32, #tpu.memory_space<hbm>> -> memref<1x640x64xf32, #tpu.memory_space<hbm>>
        %dma_start3A_90 = tpu.memref_squeeze %dma_start3A_89 : memref<1x640x64xf32, #tpu.memory_space<hbm>> -> memref<640x64xf32, #tpu.memory_space<hbm>>
        %dma_start3A_91 = arith.constant 0 : i32
        %dma_start3A_92 = tpu.memref_slice %arg11[%mul3A_0, %dma_start3A_91] : memref<10240x64xf32, #tpu.memory_space<vmem_shared>> -> memref<640x64xf32, #tpu.memory_space<vmem_shared>>
        tpu.enqueue_dma source(%dma_start3A_92 : memref<640x64xf32, #tpu.memory_space<vmem_shared>>) target(%dma_start3A_90 : memref<640x64xf32, #tpu.memory_space<hbm>>) target_semaphore(%run_scoped3A_87 : memref<!tpu.dma_semaphore, #tpu.memory_space<semaphore_mem>>)
        %dma_wait3A = arith.constant 0 : i32
        %dma_wait3A_93 = tpu.memref_slice %arg6[%run_scoped3A, %mul3A_0, %dma_wait3A] : memref<2x10240x64xf32, #tpu.memory_space<hbm>> -> memref<1x640x64xf32, #tpu.memory_space<hbm>>
        %dma_wait3A_94 = tpu.memref_squeeze %dma_wait3A_93 : memref<1x640x64xf32, #tpu.memory_space<hbm>> -> memref<640x64xf32, #tpu.memory_space<hbm>>
        %dma_wait3A_95 = arith.constant 0 : i32
        %dma_wait3A_96 = tpu.memref_slice %arg11[%mul3A_0, %dma_wait3A_95] : memref<10240x64xf32, #tpu.memory_space<vmem_shared>> -> memref<640x64xf32, #tpu.memory_space<vmem_shared>>
        tpu.wait_dma2 semaphore(%run_scoped3A_87 : memref<!tpu.dma_semaphore, #tpu.memory_space<semaphore_mem>>) src(%dma_wait3A_96 : memref<640x64xf32, #tpu.memory_space<vmem_shared>>) dst(%dma_wait3A_94 : memref<640x64xf32, #tpu.memory_space<hbm>>)
        tpu.yield
      }) : () -> ()
    } else {
    }
    return
  }
}

#map = affine_map<(d0, d1) -> (0, 0, 0)>
#map1 = affine_map<(d0, d1) -> (0, 0)>
module attributes {stable_mosaic.version = 14 : i64} {
  func.func @_sc_degree(%arg0: i32, %arg1: i32, %arg2: memref<16x160x125xi32, #tpu.memory_space<hbm>>, %arg3: memref<2x10240xf32, #tpu.memory_space<hbm>>, %arg4: memref<80x125xi32, #tpu.memory_space<vmem>>, %arg5: memref<128xf32, #tpu.memory_space<vmem>>, %arg6: memref<640xf32, #tpu.memory_space<vmem>>, %arg7: memref<10240xf32, #tpu.memory_space<vmem_shared>>) attributes {dimension_semantics = [#tpu.dimension_semantics<core_parallel>, #tpu.dimension_semantics<subcore_parallel>], iteration_bounds = array<i64: 2, 16>, scalar_prefetch = 0 : i64, scratch_operands = 4 : i64, tpu.core_type = #tpu.core_type<sc_vector_subcore>, window_params = [{transform_indices = #map}, {transform_indices = #map1}]} {
    %mul3A = arith.constant 80 : i32
    %mul3A_0 = arith.muli %arg0, %mul3A : i32
    "tpu.region"() ({
      %run_scoped3A = tpu.sem_alloc : memref<!tpu.dma_semaphore, #tpu.memory_space<semaphore_mem>>
      %dma_start3A = arith.constant 0 : i32
      %dma_start3A_49 = tpu.memref_slice %arg2[%arg1, %mul3A_0, %dma_start3A] : memref<16x160x125xi32, #tpu.memory_space<hbm>> -> memref<1x80x125xi32, #tpu.memory_space<hbm>>
      %dma_start3A_50 = tpu.memref_squeeze %dma_start3A_49 : memref<1x80x125xi32, #tpu.memory_space<hbm>> -> memref<80x125xi32, #tpu.memory_space<hbm>>
      %dma_start3A_51 = arith.constant 0 : i32
      %dma_start3A_52 = tpu.memref_slice %arg2[%arg1, %mul3A_0, %dma_start3A_51] : memref<16x160x125xi32, #tpu.memory_space<hbm>> -> memref<1x80x125xi32, #tpu.memory_space<hbm>>
      %dma_start3A_53 = tpu.memref_squeeze %dma_start3A_52 : memref<1x80x125xi32, #tpu.memory_space<hbm>> -> memref<80x125xi32, #tpu.memory_space<hbm>>
      tpu.enqueue_dma source(%dma_start3A_53 : memref<80x125xi32, #tpu.memory_space<hbm>>) target(%arg4 : memref<80x125xi32, #tpu.memory_space<vmem>>) target_semaphore(%run_scoped3A : memref<!tpu.dma_semaphore, #tpu.memory_space<semaphore_mem>>)
      %dma_wait3A = arith.constant 0 : i32
      %dma_wait3A_54 = tpu.memref_slice %arg2[%arg1, %mul3A_0, %dma_wait3A] : memref<16x160x125xi32, #tpu.memory_space<hbm>> -> memref<1x80x125xi32, #tpu.memory_space<hbm>>
      %dma_wait3A_55 = tpu.memref_squeeze %dma_wait3A_54 : memref<1x80x125xi32, #tpu.memory_space<hbm>> -> memref<80x125xi32, #tpu.memory_space<hbm>>
      %dma_wait3A_56 = arith.constant 0 : i32
      %dma_wait3A_57 = tpu.memref_slice %arg2[%arg1, %mul3A_0, %dma_wait3A_56] : memref<16x160x125xi32, #tpu.memory_space<hbm>> -> memref<1x80x125xi32, #tpu.memory_space<hbm>>
      %dma_wait3A_58 = tpu.memref_squeeze %dma_wait3A_57 : memref<1x80x125xi32, #tpu.memory_space<hbm>> -> memref<80x125xi32, #tpu.memory_space<hbm>>
      tpu.wait_dma2 semaphore(%run_scoped3A : memref<!tpu.dma_semaphore, #tpu.memory_space<semaphore_mem>>) src(%dma_wait3A_58 : memref<80x125xi32, #tpu.memory_space<hbm>>) dst(%arg4 : memref<80x125xi32, #tpu.memory_space<vmem>>)
      tpu.yield
    }) : () -> ()
    %broadcast_in_dim3A = arith.constant 1.000000e+00 : f32
    %broadcast_in_dim3A_1 = vector.broadcast %broadcast_in_dim3A : f32 to vector<16xf32>
    %swap3A = arith.constant 0 : index
    %swap3A_2 = tpu.vector_load %arg5[%swap3A] {strides = array<i32>} : memref<128xf32, #tpu.memory_space<vmem>>, vector<16xf32>,
    %swap3A_3 = vector.shape_cast %swap3A_2 : vector<16xf32> to vector<16xf32>
    %swap3A_4 = vector.shape_cast %broadcast_in_dim3A_1 : vector<16xf32> to vector<16xf32>
    tpu.vector_store %arg5[%swap3A], %swap3A_4 {strides = array<i32>} : memref<128xf32, #tpu.memory_space<vmem>>, vector<16xf32>,
    %swap3A_5 = arith.constant 16 : index
    %swap3A_6 = tpu.vector_load %arg5[%swap3A_5] {strides = array<i32>} : memref<128xf32, #tpu.memory_space<vmem>>, vector<16xf32>,
    %swap3A_7 = vector.shape_cast %swap3A_6 : vector<16xf32> to vector<16xf32>
    %swap3A_8 = vector.shape_cast %broadcast_in_dim3A_1 : vector<16xf32> to vector<16xf32>
    tpu.vector_store %arg5[%swap3A_5], %swap3A_8 {strides = array<i32>} : memref<128xf32, #tpu.memory_space<vmem>>, vector<16xf32>,
    %swap3A_9 = arith.constant 32 : index
    %swap3A_10 = tpu.vector_load %arg5[%swap3A_9] {strides = array<i32>} : memref<128xf32, #tpu.memory_space<vmem>>, vector<16xf32>,
    %swap3A_11 = vector.shape_cast %swap3A_10 : vector<16xf32> to vector<16xf32>
    %swap3A_12 = vector.shape_cast %broadcast_in_dim3A_1 : vector<16xf32> to vector<16xf32>
    tpu.vector_store %arg5[%swap3A_9], %swap3A_12 {strides = array<i32>} : memref<128xf32, #tpu.memory_space<vmem>>, vector<16xf32>,
    %swap3A_13 = arith.constant 48 : index
    %swap3A_14 = tpu.vector_load %arg5[%swap3A_13] {strides = array<i32>} : memref<128xf32, #tpu.memory_space<vmem>>, vector<16xf32>,
    %swap3A_15 = vector.shape_cast %swap3A_14 : vector<16xf32> to vector<16xf32>
    %swap3A_16 = vector.shape_cast %broadcast_in_dim3A_1 : vector<16xf32> to vector<16xf32>
    tpu.vector_store %arg5[%swap3A_13], %swap3A_16 {strides = array<i32>} : memref<128xf32, #tpu.memory_space<vmem>>, vector<16xf32>,
    %swap3A_17 = arith.constant 64 : index
    %swap3A_18 = tpu.vector_load %arg5[%swap3A_17] {strides = array<i32>} : memref<128xf32, #tpu.memory_space<vmem>>, vector<16xf32>,
    %swap3A_19 = vector.shape_cast %swap3A_18 : vector<16xf32> to vector<16xf32>
    %swap3A_20 = vector.shape_cast %broadcast_in_dim3A_1 : vector<16xf32> to vector<16xf32>
    tpu.vector_store %arg5[%swap3A_17], %swap3A_20 {strides = array<i32>} : memref<128xf32, #tpu.memory_space<vmem>>, vector<16xf32>,
    %swap3A_21 = arith.constant 80 : index
    %swap3A_22 = tpu.vector_load %arg5[%swap3A_21] {strides = array<i32>} : memref<128xf32, #tpu.memory_space<vmem>>, vector<16xf32>,
    %swap3A_23 = vector.shape_cast %swap3A_22 : vector<16xf32> to vector<16xf32>
    %swap3A_24 = vector.shape_cast %broadcast_in_dim3A_1 : vector<16xf32> to vector<16xf32>
    tpu.vector_store %arg5[%swap3A_21], %swap3A_24 {strides = array<i32>} : memref<128xf32, #tpu.memory_space<vmem>>, vector<16xf32>,
    %swap3A_25 = arith.constant 96 : index
    %swap3A_26 = tpu.vector_load %arg5[%swap3A_25] {strides = array<i32>} : memref<128xf32, #tpu.memory_space<vmem>>, vector<16xf32>,
    %swap3A_27 = vector.shape_cast %swap3A_26 : vector<16xf32> to vector<16xf32>
    %swap3A_28 = vector.shape_cast %broadcast_in_dim3A_1 : vector<16xf32> to vector<16xf32>
    tpu.vector_store %arg5[%swap3A_25], %swap3A_28 {strides = array<i32>} : memref<128xf32, #tpu.memory_space<vmem>>, vector<16xf32>,
    %swap3A_29 = arith.constant 112 : index
    %swap3A_30 = tpu.vector_load %arg5[%swap3A_29] {strides = array<i32>} : memref<128xf32, #tpu.memory_space<vmem>>, vector<16xf32>,
    %swap3A_31 = vector.shape_cast %swap3A_30 : vector<16xf32> to vector<16xf32>
    %swap3A_32 = vector.shape_cast %broadcast_in_dim3A_1 : vector<16xf32> to vector<16xf32>
    tpu.vector_store %arg5[%swap3A_29], %swap3A_32 {strides = array<i32>} : memref<128xf32, #tpu.memory_space<vmem>>, vector<16xf32>,
    %broadcast_in_dim3A_33 = arith.constant 0.000000e+00 : f32
    %broadcast_in_dim3A_34 = vector.broadcast %broadcast_in_dim3A_33 : f32 to vector<16xf32>
    %scan3A = arith.constant 0 : i32
    %scan3A_35 = arith.constant 0 : i32
    %scan3A_36 = arith.constant 40 : i32
    %scan3A_37 = arith.addi %scan3A_35, %scan3A_36 : i32
    %scan3A_38 = arith.constant 1 : i32
    scf.for %scan3A_49 = %scan3A_35 to %scan3A_37 step %scan3A_38  : i32 {
      %mul3A_50 = arith.constant 16 : i32
      %mul3A_51 = arith.muli %scan3A_49, %mul3A_50 : i32
      %swap3A_52 = arith.index_cast %mul3A_51 : i32 to index
      %swap3A_53 = tpu.vector_load %arg6[%swap3A_52] {strides = array<i32>} : memref<640xf32, #tpu.memory_space<vmem>>, vector<16xf32>,
      %swap3A_54 = vector.shape_cast %swap3A_53 : vector<16xf32> to vector<16xf32>
      %swap3A_55 = vector.shape_cast %broadcast_in_dim3A_34 : vector<16xf32> to vector<16xf32>
      tpu.vector_store %arg6[%swap3A_52], %swap3A_55 {strides = array<i32>} : memref<640xf32, #tpu.memory_space<vmem>>, vector<16xf32>,
    }
    %scan3A_39 = arith.constant 40 : i32
    %mul3A_40 = arith.constant 640 : i32
    %mul3A_41 = arith.muli %arg1, %mul3A_40 : i32
    "tpu.region"() ({
      %run_scoped3A = tpu.sem_alloc : memref<!tpu.dma_semaphore, #tpu.memory_space<semaphore_mem>>
      %dma_start3A = tpu.memref_slice %arg7[%mul3A_41] : memref<10240xf32, #tpu.memory_space<vmem_shared>> -> memref<640xf32, #tpu.memory_space<vmem_shared>>
      %dma_start3A_49 = tpu.memref_slice %arg7[%mul3A_41] : memref<10240xf32, #tpu.memory_space<vmem_shared>> -> memref<640xf32, #tpu.memory_space<vmem_shared>>
      tpu.enqueue_dma source(%arg6 : memref<640xf32, #tpu.memory_space<vmem>>) target(%dma_start3A_49 : memref<640xf32, #tpu.memory_space<vmem_shared>>) target_semaphore(%run_scoped3A : memref<!tpu.dma_semaphore, #tpu.memory_space<semaphore_mem>>)
      %dma_wait3A = tpu.memref_slice %arg7[%mul3A_41] : memref<10240xf32, #tpu.memory_space<vmem_shared>> -> memref<640xf32, #tpu.memory_space<vmem_shared>>
      %dma_wait3A_50 = tpu.memref_slice %arg7[%mul3A_41] : memref<10240xf32, #tpu.memory_space<vmem_shared>> -> memref<640xf32, #tpu.memory_space<vmem_shared>>
      tpu.wait_dma2 semaphore(%run_scoped3A : memref<!tpu.dma_semaphore, #tpu.memory_space<semaphore_mem>>) src(%arg6 : memref<640xf32, #tpu.memory_space<vmem>>) dst(%dma_wait3A_50 : memref<640xf32, #tpu.memory_space<vmem_shared>>)
      tpu.yield
    }) : () -> ()
    %barrier3A = arith.constant 0 : index
    tpu.barrier barrier_id(%barrier3A)
    %scan3A_42 = arith.constant 0 : i32
    %scan3A_43 = arith.constant 0 : i32
    %scan3A_44 = arith.constant 80 : i32
    %scan3A_45 = arith.addi %scan3A_43, %scan3A_44 : i32
    %scan3A_46 = arith.constant 1 : i32
    scf.for %scan3A_49 = %scan3A_43 to %scan3A_45 step %scan3A_46  : i32 {
      "tpu.region"() ({
        %run_scoped3A = tpu.sem_alloc : memref<!tpu.dma_semaphore, #tpu.memory_space<semaphore_mem>>
        %dma_start3A = arith.constant 0 : i32
        %dma_start3A_50 = tpu.memref_slice %arg5[%dma_start3A] : memref<128xf32, #tpu.memory_space<vmem>> -> memref<125xf32, #tpu.memory_space<vmem>>
        %dma_start3A_51 = arith.constant 0 : i32
        %dma_start3A_52 = tpu.memref_slice %arg4[%scan3A_49, %dma_start3A_51] : memref<80x125xi32, #tpu.memory_space<vmem>> -> memref<1x125xi32, #tpu.memory_space<vmem>>
        %dma_start3A_53 = tpu.memref_squeeze %dma_start3A_52 : memref<1x125xi32, #tpu.memory_space<vmem>> -> memref<125xi32, #tpu.memory_space<vmem>>
        %dma_start3A_54 = arith.constant 0 : i32
        %dma_start3A_55 = tpu.memref_slice %arg7[%dma_start3A_54] : memref<10240xf32, #tpu.memory_space<vmem_shared>> -> memref<10240xf32, #tpu.memory_space<vmem_shared>>
        tpu.enqueue_indirect_dma source(%dma_start3A_50 : memref<125xf32, #tpu.memory_space<vmem>>) target(%dma_start3A_55 : memref<10240xf32, #tpu.memory_space<vmem_shared>>) offsets(%dma_start3A_53 : memref<125xi32, #tpu.memory_space<vmem>>) semaphore(%run_scoped3A : memref<!tpu.dma_semaphore, #tpu.memory_space<semaphore_mem>>) {add = true}
        %dma_wait3A = arith.constant 0 : i32
        %dma_wait3A_56 = tpu.memref_slice %arg5[%dma_wait3A] : memref<128xf32, #tpu.memory_space<vmem>> -> memref<125xf32, #tpu.memory_space<vmem>>
        %dma_wait3A_57 = arith.constant 0 : i32
        %dma_wait3A_58 = tpu.memref_slice %arg4[%scan3A_49, %dma_wait3A_57] : memref<80x125xi32, #tpu.memory_space<vmem>> -> memref<1x125xi32, #tpu.memory_space<vmem>>
        %dma_wait3A_59 = tpu.memref_squeeze %dma_wait3A_58 : memref<1x125xi32, #tpu.memory_space<vmem>> -> memref<125xi32, #tpu.memory_space<vmem>>
        %dma_wait3A_60 = arith.constant 0 : i32
        %dma_wait3A_61 = tpu.memref_slice %arg7[%dma_wait3A_60] : memref<10240xf32, #tpu.memory_space<vmem_shared>> -> memref<10240xf32, #tpu.memory_space<vmem_shared>>
        tpu.wait_indirect_dma semaphore(%run_scoped3A : memref<!tpu.dma_semaphore, #tpu.memory_space<semaphore_mem>>) src(%dma_wait3A_56 : memref<125xf32, #tpu.memory_space<vmem>>) dst(%dma_wait3A_61 : memref<10240xf32, #tpu.memory_space<vmem_shared>>)
        tpu.yield
      }) : () -> ()
    }
    %scan3A_47 = arith.constant 80 : i32
    %barrier3A_48 = arith.constant 0 : index
    tpu.barrier barrier_id(%barrier3A_48)
    "tpu.region"() ({
      %run_scoped3A = tpu.sem_alloc : memref<!tpu.dma_semaphore, #tpu.memory_space<semaphore_mem>>
      %dma_start3A = tpu.memref_slice %arg3[%arg0, %mul3A_41] : memref<2x10240xf32, #tpu.memory_space<hbm>> -> memref<1x640xf32, #tpu.memory_space<hbm>>
      %dma_start3A_49 = tpu.memref_squeeze %dma_start3A : memref<1x640xf32, #tpu.memory_space<hbm>> -> memref<640xf32, #tpu.memory_space<hbm>>
      %dma_start3A_50 = tpu.memref_slice %arg7[%mul3A_41] : memref<10240xf32, #tpu.memory_space<vmem_shared>> -> memref<640xf32, #tpu.memory_space<vmem_shared>>
      tpu.enqueue_dma source(%dma_start3A_50 : memref<640xf32, #tpu.memory_space<vmem_shared>>) target(%dma_start3A_49 : memref<640xf32, #tpu.memory_space<hbm>>) target_semaphore(%run_scoped3A : memref<!tpu.dma_semaphore, #tpu.memory_space<semaphore_mem>>)
      %dma_wait3A = tpu.memref_slice %arg3[%arg0, %mul3A_41] : memref<2x10240xf32, #tpu.memory_space<hbm>> -> memref<1x640xf32, #tpu.memory_space<hbm>>
      %dma_wait3A_51 = tpu.memref_squeeze %dma_wait3A : memref<1x640xf32, #tpu.memory_space<hbm>> -> memref<640xf32, #tpu.memory_space<hbm>>
      %dma_wait3A_52 = tpu.memref_slice %arg7[%mul3A_41] : memref<10240xf32, #tpu.memory_space<vmem_shared>> -> memref<640xf32, #tpu.memory_space<vmem_shared>>
      tpu.wait_dma2 semaphore(%run_scoped3A : memref<!tpu.dma_semaphore, #tpu.memory_space<semaphore_mem>>) src(%dma_wait3A_52 : memref<640xf32, #tpu.memory_space<vmem_shared>>) dst(%dma_wait3A_51 : memref<640xf32, #tpu.memory_space<hbm>>)
      tpu.yield
    }) : () -> ()
    return
  }
}

#map = affine_map<(d0, d1) -> (0, 0)>
#map1 = affine_map<(d0, d1) -> (0, 0, 0)>
module attributes {stable_mosaic.version = 14 : i64} {
  func.func @_sc_scatter_cols(%arg0: i32, %arg1: i32, %arg2: memref<10000x64xf32, #tpu.memory_space<hbm>>, %arg3: memref<10000x64xf32, #tpu.memory_space<hbm>>, %arg4: memref<16x160x125xi32, #tpu.memory_space<hbm>>, %arg5: memref<16x160x125xi32, #tpu.memory_space<hbm>>, %arg6: memref<2x10240x64xf32, #tpu.memory_space<hbm>>, %arg7: memref<160x125xi32, #tpu.memory_space<vmem>>, %arg8: memref<160x125xi32, #tpu.memory_space<vmem>>, %arg9: memref<4x125x64xf32, #tpu.memory_space<vmem>>, %arg10: memref<64x64xf32, #tpu.memory_space<vmem>>, %arg11: memref<10240x64xf32, #tpu.memory_space<vmem_shared>>, %arg12: memref<!tpu.dma_semaphore, #tpu.memory_space<semaphore_mem>>, %arg13: memref<!tpu.dma_semaphore, #tpu.memory_space<semaphore_mem>>, %arg14: memref<!tpu.dma_semaphore, #tpu.memory_space<semaphore_mem>>, %arg15: memref<!tpu.dma_semaphore, #tpu.memory_space<semaphore_mem>>, %arg16: memref<!tpu.dma_semaphore, #tpu.memory_space<semaphore_mem>>, %arg17: memref<!tpu.dma_semaphore, #tpu.memory_space<semaphore_mem>>, %arg18: memref<!tpu.dma_semaphore, #tpu.memory_space<semaphore_mem>>, %arg19: memref<!tpu.dma_semaphore, #tpu.memory_space<semaphore_mem>>) attributes {dimension_semantics = [#tpu.dimension_semantics<core_parallel>, #tpu.dimension_semantics<subcore_parallel>], iteration_bounds = array<i64: 2, 16>, scalar_prefetch = 0 : i64, scratch_operands = 13 : i64, tpu.core_type = #tpu.core_type<sc_vector_subcore>, window_params = [{transform_indices = #map}, {transform_indices = #map}, {transform_indices = #map1}, {transform_indices = #map1}, {transform_indices = #map1}]} {
    %mul3A = arith.constant 640 : i32
    %mul3A_0 = arith.muli %arg1, %mul3A : i32
    "tpu.region"() ({
      %run_scoped3A = tpu.sem_alloc : memref<!tpu.dma_semaphore, #tpu.memory_space<semaphore_mem>>
      %dma_start3A = arith.constant 0 : i32
      %dma_start3A_33 = arith.constant 0 : i32
      %dma_start3A_34 = tpu.memref_slice %arg4[%arg1, %dma_start3A, %dma_start3A_33] : memref<16x160x125xi32, #tpu.memory_space<hbm>> -> memref<1x160x125xi32, #tpu.memory_space<hbm>>
      %dma_start3A_35 = tpu.memref_squeeze %dma_start3A_34 : memref<1x160x125xi32, #tpu.memory_space<hbm>> -> memref<160x125xi32, #tpu.memory_space<hbm>>
      %dma_start3A_36 = arith.constant 0 : i32
      %dma_start3A_37 = arith.constant 0 : i32
      %dma_start3A_38 = tpu.memref_slice %arg4[%arg1, %dma_start3A_36, %dma_start3A_37] : memref<16x160x125xi32, #tpu.memory_space<hbm>> -> memref<1x160x125xi32, #tpu.memory_space<hbm>>
      %dma_start3A_39 = tpu.memref_squeeze %dma_start3A_38 : memref<1x160x125xi32, #tpu.memory_space<hbm>> -> memref<160x125xi32, #tpu.memory_space<hbm>>
      tpu.enqueue_dma source(%dma_start3A_39 : memref<160x125xi32, #tpu.memory_space<hbm>>) target(%arg7 : memref<160x125xi32, #tpu.memory_space<vmem>>) target_semaphore(%run_scoped3A : memref<!tpu.dma_semaphore, #tpu.memory_space<semaphore_mem>>)
      %dma_wait3A = arith.constant 0 : i32
      %dma_wait3A_40 = arith.constant 0 : i32
      %dma_wait3A_41 = tpu.memref_slice %arg4[%arg1, %dma_wait3A, %dma_wait3A_40] : memref<16x160x125xi32, #tpu.memory_space<hbm>> -> memref<1x160x125xi32, #tpu.memory_space<hbm>>
      %dma_wait3A_42 = tpu.memref_squeeze %dma_wait3A_41 : memref<1x160x125xi32, #tpu.memory_space<hbm>> -> memref<160x125xi32, #tpu.memory_space<hbm>>
      %dma_wait3A_43 = arith.constant 0 : i32
      %dma_wait3A_44 = arith.constant 0 : i32
      %dma_wait3A_45 = tpu.memref_slice %arg4[%arg1, %dma_wait3A_43, %dma_wait3A_44] : memref<16x160x125xi32, #tpu.memory_space<hbm>> -> memref<1x160x125xi32, #tpu.memory_space<hbm>>
      %dma_wait3A_46 = tpu.memref_squeeze %dma_wait3A_45 : memref<1x160x125xi32, #tpu.memory_space<hbm>> -> memref<160x125xi32, #tpu.memory_space<hbm>>
      tpu.wait_dma2 semaphore(%run_scoped3A : memref<!tpu.dma_semaphore, #tpu.memory_space<semaphore_mem>>) src(%dma_wait3A_46 : memref<160x125xi32, #tpu.memory_space<hbm>>) dst(%arg7 : memref<160x125xi32, #tpu.memory_space<vmem>>)
      tpu.yield
    }) : () -> ()
    "tpu.region"() ({
      %run_scoped3A = tpu.sem_alloc : memref<!tpu.dma_semaphore, #tpu.memory_space<semaphore_mem>>
      %dma_start3A = arith.constant 0 : i32
      %dma_start3A_33 = arith.constant 0 : i32
      %dma_start3A_34 = tpu.memref_slice %arg5[%arg1, %dma_start3A, %dma_start3A_33] : memref<16x160x125xi32, #tpu.memory_space<hbm>> -> memref<1x160x125xi32, #tpu.memory_space<hbm>>
      %dma_start3A_35 = tpu.memref_squeeze %dma_start3A_34 : memref<1x160x125xi32, #tpu.memory_space<hbm>> -> memref<160x125xi32, #tpu.memory_space<hbm>>
      %dma_start3A_36 = arith.constant 0 : i32
      %dma_start3A_37 = arith.constant 0 : i32
      %dma_start3A_38 = tpu.memref_slice %arg5[%arg1, %dma_start3A_36, %dma_start3A_37] : memref<16x160x125xi32, #tpu.memory_space<hbm>> -> memref<1x160x125xi32, #tpu.memory_space<hbm>>
      %dma_start3A_39 = tpu.memref_squeeze %dma_start3A_38 : memref<1x160x125xi32, #tpu.memory_space<hbm>> -> memref<160x125xi32, #tpu.memory_space<hbm>>
      tpu.enqueue_dma source(%dma_start3A_39 : memref<160x125xi32, #tpu.memory_space<hbm>>) target(%arg8 : memref<160x125xi32, #tpu.memory_space<vmem>>) target_semaphore(%run_scoped3A : memref<!tpu.dma_semaphore, #tpu.memory_space<semaphore_mem>>)
      %dma_wait3A = arith.constant 0 : i32
      %dma_wait3A_40 = arith.constant 0 : i32
      %dma_wait3A_41 = tpu.memref_slice %arg5[%arg1, %dma_wait3A, %dma_wait3A_40] : memref<16x160x125xi32, #tpu.memory_space<hbm>> -> memref<1x160x125xi32, #tpu.memory_space<hbm>>
      %dma_wait3A_42 = tpu.memref_squeeze %dma_wait3A_41 : memref<1x160x125xi32, #tpu.memory_space<hbm>> -> memref<160x125xi32, #tpu.memory_space<hbm>>
      %dma_wait3A_43 = arith.constant 0 : i32
      %dma_wait3A_44 = arith.constant 0 : i32
      %dma_wait3A_45 = tpu.memref_slice %arg5[%arg1, %dma_wait3A_43, %dma_wait3A_44] : memref<16x160x125xi32, #tpu.memory_space<hbm>> -> memref<1x160x125xi32, #tpu.memory_space<hbm>>
      %dma_wait3A_46 = tpu.memref_squeeze %dma_wait3A_45 : memref<1x160x125xi32, #tpu.memory_space<hbm>> -> memref<160x125xi32, #tpu.memory_space<hbm>>
      tpu.wait_dma2 semaphore(%run_scoped3A : memref<!tpu.dma_semaphore, #tpu.memory_space<semaphore_mem>>) src(%dma_wait3A_46 : memref<160x125xi32, #tpu.memory_space<hbm>>) dst(%arg8 : memref<160x125xi32, #tpu.memory_space<vmem>>)
      tpu.yield
    }) : () -> ()
    %broadcast_in_dim3A = arith.constant 0.000000e+00 : f32
    %broadcast_in_dim3A_1 = vector.broadcast %broadcast_in_dim3A : f32 to vector<16xf32>
    %scan3A = arith.constant 0 : i32
    %scan3A_2 = arith.constant 0 : i32
    %scan3A_3 = arith.constant 64 : i32
    %scan3A_4 = arith.addi %scan3A_2, %scan3A_3 : i32
    %scan3A_5 = arith.constant 1 : i32
    scf.for %scan3A_33 = %scan3A_2 to %scan3A_4 step %scan3A_5  : i32 {
      %swap3A = arith.index_cast %scan3A_33 : i32 to index
      %swap3A_34 = arith.constant 0 : index
      %swap3A_35 = tpu.vector_load %arg10[%swap3A, %swap3A_34] {strides = array<i32>} : memref<64x64xf32, #tpu.memory_space<vmem>>, vector<1x16xf32>,
      %swap3A_36 = vector.shape_cast %swap3A_35 : vector<1x16xf32> to vector<16xf32>
      %swap3A_37 = vector.shape_cast %broadcast_in_dim3A_1 : vector<16xf32> to vector<1x16xf32>
      tpu.vector_store %arg10[%swap3A, %swap3A_34], %swap3A_37 {strides = array<i32>} : memref<64x64xf32, #tpu.memory_space<vmem>>, vector<1x16xf32>,
      %swap3A_38 = arith.index_cast %scan3A_33 : i32 to index
      %swap3A_39 = arith.constant 16 : index
      %swap3A_40 = tpu.vector_load %arg10[%swap3A_38, %swap3A_39] {strides = array<i32>} : memref<64x64xf32, #tpu.memory_space<vmem>>, vector<1x16xf32>,
      %swap3A_41 = vector.shape_cast %swap3A_40 : vector<1x16xf32> to vector<16xf32>
      %swap3A_42 = vector.shape_cast %broadcast_in_dim3A_1 : vector<16xf32> to vector<1x16xf32>
      tpu.vector_store %arg10[%swap3A_38, %swap3A_39], %swap3A_42 {strides = array<i32>} : memref<64x64xf32, #tpu.memory_space<vmem>>, vector<1x16xf32>,
      %swap3A_43 = arith.index_cast %scan3A_33 : i32 to index
      %swap3A_44 = arith.constant 32 : index
      %swap3A_45 = tpu.vector_load %arg10[%swap3A_43, %swap3A_44] {strides = array<i32>} : memref<64x64xf32, #tpu.memory_space<vmem>>, vector<1x16xf32>,
      %swap3A_46 = vector.shape_cast %swap3A_45 : vector<1x16xf32> to vector<16xf32>
      %swap3A_47 = vector.shape_cast %broadcast_in_dim3A_1 : vector<16xf32> to vector<1x16xf32>
      tpu.vector_store %arg10[%swap3A_43, %swap3A_44], %swap3A_47 {strides = array<i32>} : memref<64x64xf32, #tpu.memory_space<vmem>>, vector<1x16xf32>,
      %swap3A_48 = arith.index_cast %scan3A_33 : i32 to index
      %swap3A_49 = arith.constant 48 : index
      %swap3A_50 = tpu.vector_load %arg10[%swap3A_48, %swap3A_49] {strides = array<i32>} : memref<64x64xf32, #tpu.memory_space<vmem>>, vector<1x16xf32>,
      %swap3A_51 = vector.shape_cast %swap3A_50 : vector<1x16xf32> to vector<16xf32>
      %swap3A_52 = vector.shape_cast %broadcast_in_dim3A_1 : vector<16xf32> to vector<1x16xf32>
      tpu.vector_store %arg10[%swap3A_48, %swap3A_49], %swap3A_52 {strides = array<i32>} : memref<64x64xf32, #tpu.memory_space<vmem>>, vector<1x16xf32>,
    }
    %scan3A_6 = arith.constant 64 : i32
    %add3A = arith.constant 0 : i32
    %add3A_7 = arith.addi %mul3A_0, %add3A : i32
    "tpu.region"() ({
      %run_scoped3A = tpu.sem_alloc : memref<!tpu.dma_semaphore, #tpu.memory_space<semaphore_mem>>
      %dma_start3A = arith.constant 0 : i32
      %dma_start3A_33 = tpu.memref_slice %arg11[%add3A_7, %dma_start3A] : memref<10240x64xf32, #tpu.memory_space<vmem_shared>> -> memref<64x64xf32, #tpu.memory_space<vmem_shared>>
      %dma_start3A_34 = arith.constant 0 : i32
      %dma_start3A_35 = tpu.memref_slice %arg11[%add3A_7, %dma_start3A_34] : memref<10240x64xf32, #tpu.memory_space<vmem_shared>> -> memref<64x64xf32, #tpu.memory_space<vmem_shared>>
      tpu.enqueue_dma source(%arg10 : memref<64x64xf32, #tpu.memory_space<vmem>>) target(%dma_start3A_35 : memref<64x64xf32, #tpu.memory_space<vmem_shared>>) target_semaphore(%run_scoped3A : memref<!tpu.dma_semaphore, #tpu.memory_space<semaphore_mem>>)
      %dma_wait3A = arith.constant 0 : i32
      %dma_wait3A_36 = tpu.memref_slice %arg11[%add3A_7, %dma_wait3A] : memref<10240x64xf32, #tpu.memory_space<vmem_shared>> -> memref<64x64xf32, #tpu.memory_space<vmem_shared>>
      %dma_wait3A_37 = arith.constant 0 : i32
      %dma_wait3A_38 = tpu.memref_slice %arg11[%add3A_7, %dma_wait3A_37] : memref<10240x64xf32, #tpu.memory_space<vmem_shared>> -> memref<64x64xf32, #tpu.memory_space<vmem_shared>>
      tpu.wait_dma2 semaphore(%run_scoped3A : memref<!tpu.dma_semaphore, #tpu.memory_space<semaphore_mem>>) src(%arg10 : memref<64x64xf32, #tpu.memory_space<vmem>>) dst(%dma_wait3A_38 : memref<64x64xf32, #tpu.memory_space<vmem_shared>>)
      tpu.yield
    }) : () -> ()
    %add3A_8 = arith.constant 64 : i32
    %add3A_9 = arith.addi %mul3A_0, %add3A_8 : i32
    "tpu.region"() ({
      %run_scoped3A = tpu.sem_alloc : memref<!tpu.dma_semaphore, #tpu.memory_space<semaphore_mem>>
      %dma_start3A = arith.constant 0 : i32
      %dma_start3A_33 = tpu.memref_slice %arg11[%add3A_9, %dma_start3A] : memref<10240x64xf32, #tpu.memory_space<vmem_shared>> -> memref<64x64xf32, #tpu.memory_space<vmem_shared>>
      %dma_start3A_34 = arith.constant 0 : i32
      %dma_start3A_35 = tpu.memref_slice %arg11[%add3A_9, %dma_start3A_34] : memref<10240x64xf32, #tpu.memory_space<vmem_shared>> -> memref<64x64xf32, #tpu.memory_space<vmem_shared>>
      tpu.enqueue_dma source(%arg10 : memref<64x64xf32, #tpu.memory_space<vmem>>) target(%dma_start3A_35 : memref<64x64xf32, #tpu.memory_space<vmem_shared>>) target_semaphore(%run_scoped3A : memref<!tpu.dma_semaphore, #tpu.memory_space<semaphore_mem>>)
      %dma_wait3A = arith.constant 0 : i32
      %dma_wait3A_36 = tpu.memref_slice %arg11[%add3A_9, %dma_wait3A] : memref<10240x64xf32, #tpu.memory_space<vmem_shared>> -> memref<64x64xf32, #tpu.memory_space<vmem_shared>>
      %dma_wait3A_37 = arith.constant 0 : i32
      %dma_wait3A_38 = tpu.memref_slice %arg11[%add3A_9, %dma_wait3A_37] : memref<10240x64xf32, #tpu.memory_space<vmem_shared>> -> memref<64x64xf32, #tpu.memory_space<vmem_shared>>
      tpu.wait_dma2 semaphore(%run_scoped3A : memref<!tpu.dma_semaphore, #tpu.memory_space<semaphore_mem>>) src(%arg10 : memref<64x64xf32, #tpu.memory_space<vmem>>) dst(%dma_wait3A_38 : memref<64x64xf32, #tpu.memory_space<vmem_shared>>)
      tpu.yield
    }) : () -> ()
    %add3A_10 = arith.constant 128 : i32
    %add3A_11 = arith.addi %mul3A_0, %add3A_10 : i32
    "tpu.region"() ({
      %run_scoped3A = tpu.sem_alloc : memref<!tpu.dma_semaphore, #tpu.memory_space<semaphore_mem>>
      %dma_start3A = arith.constant 0 : i32
      %dma_start3A_33 = tpu.memref_slice %arg11[%add3A_11, %dma_start3A] : memref<10240x64xf32, #tpu.memory_space<vmem_shared>> -> memref<64x64xf32, #tpu.memory_space<vmem_shared>>
      %dma_start3A_34 = arith.constant 0 : i32
      %dma_start3A_35 = tpu.memref_slice %arg11[%add3A_11, %dma_start3A_34] : memref<10240x64xf32, #tpu.memory_space<vmem_shared>> -> memref<64x64xf32, #tpu.memory_space<vmem_shared>>
      tpu.enqueue_dma source(%arg10 : memref<64x64xf32, #tpu.memory_space<vmem>>) target(%dma_start3A_35 : memref<64x64xf32, #tpu.memory_space<vmem_shared>>) target_semaphore(%run_scoped3A : memref<!tpu.dma_semaphore, #tpu.memory_space<semaphore_mem>>)
      %dma_wait3A = arith.constant 0 : i32
      %dma_wait3A_36 = tpu.memref_slice %arg11[%add3A_11, %dma_wait3A] : memref<10240x64xf32, #tpu.memory_space<vmem_shared>> -> memref<64x64xf32, #tpu.memory_space<vmem_shared>>
      %dma_wait3A_37 = arith.constant 0 : i32
      %dma_wait3A_38 = tpu.memref_slice %arg11[%add3A_11, %dma_wait3A_37] : memref<10240x64xf32, #tpu.memory_space<vmem_shared>> -> memref<64x64xf32, #tpu.memory_space<vmem_shared>>
      tpu.wait_dma2 semaphore(%run_scoped3A : memref<!tpu.dma_semaphore, #tpu.memory_space<semaphore_mem>>) src(%arg10 : memref<64x64xf32, #tpu.memory_space<vmem>>) dst(%dma_wait3A_38 : memref<64x64xf32, #tpu.memory_space<vmem_shared>>)
      tpu.yield
    }) : () -> ()
    %add3A_12 = arith.constant 192 : i32
    %add3A_13 = arith.addi %mul3A_0, %add3A_12 : i32
    "tpu.region"() ({
      %run_scoped3A = tpu.sem_alloc : memref<!tpu.dma_semaphore, #tpu.memory_space<semaphore_mem>>
      %dma_start3A = arith.constant 0 : i32
      %dma_start3A_33 = tpu.memref_slice %arg11[%add3A_13, %dma_start3A] : memref<10240x64xf32, #tpu.memory_space<vmem_shared>> -> memref<64x64xf32, #tpu.memory_space<vmem_shared>>
      %dma_start3A_34 = arith.constant 0 : i32
      %dma_start3A_35 = tpu.memref_slice %arg11[%add3A_13, %dma_start3A_34] : memref<10240x64xf32, #tpu.memory_space<vmem_shared>> -> memref<64x64xf32, #tpu.memory_space<vmem_shared>>
      tpu.enqueue_dma source(%arg10 : memref<64x64xf32, #tpu.memory_space<vmem>>) target(%dma_start3A_35 : memref<64x64xf32, #tpu.memory_space<vmem_shared>>) target_semaphore(%run_scoped3A : memref<!tpu.dma_semaphore, #tpu.memory_space<semaphore_mem>>)
      %dma_wait3A = arith.constant 0 : i32
      %dma_wait3A_36 = tpu.memref_slice %arg11[%add3A_13, %dma_wait3A] : memref<10240x64xf32, #tpu.memory_space<vmem_shared>> -> memref<64x64xf32, #tpu.memory_space<vmem_shared>>
      %dma_wait3A_37 = arith.constant 0 : i32
      %dma_wait3A_38 = tpu.memref_slice %arg11[%add3A_13, %dma_wait3A_37] : memref<10240x64xf32, #tpu.memory_space<vmem_shared>> -> memref<64x64xf32, #tpu.memory_space<vmem_shared>>
      tpu.wait_dma2 semaphore(%run_scoped3A : memref<!tpu.dma_semaphore, #tpu.memory_space<semaphore_mem>>) src(%arg10 : memref<64x64xf32, #tpu.memory_space<vmem>>) dst(%dma_wait3A_38 : memref<64x64xf32, #tpu.memory_space<vmem_shared>>)
      tpu.yield
    }) : () -> ()
    %add3A_14 = arith.constant 256 : i32
    %add3A_15 = arith.addi %mul3A_0, %add3A_14 : i32
    "tpu.region"() ({
      %run_scoped3A = tpu.sem_alloc : memref<!tpu.dma_semaphore, #tpu.memory_space<semaphore_mem>>
      %dma_start3A = arith.constant 0 : i32
      %dma_start3A_33 = tpu.memref_slice %arg11[%add3A_15, %dma_start3A] : memref<10240x64xf32, #tpu.memory_space<vmem_shared>> -> memref<64x64xf32, #tpu.memory_space<vmem_shared>>
      %dma_start3A_34 = arith.constant 0 : i32
      %dma_start3A_35 = tpu.memref_slice %arg11[%add3A_15, %dma_start3A_34] : memref<10240x64xf32, #tpu.memory_space<vmem_shared>> -> memref<64x64xf32, #tpu.memory_space<vmem_shared>>
      tpu.enqueue_dma source(%arg10 : memref<64x64xf32, #tpu.memory_space<vmem>>) target(%dma_start3A_35 : memref<64x64xf32, #tpu.memory_space<vmem_shared>>) target_semaphore(%run_scoped3A : memref<!tpu.dma_semaphore, #tpu.memory_space<semaphore_mem>>)
      %dma_wait3A = arith.constant 0 : i32
      %dma_wait3A_36 = tpu.memref_slice %arg11[%add3A_15, %dma_wait3A] : memref<10240x64xf32, #tpu.memory_space<vmem_shared>> -> memref<64x64xf32, #tpu.memory_space<vmem_shared>>
      %dma_wait3A_37 = arith.constant 0 : i32
      %dma_wait3A_38 = tpu.memref_slice %arg11[%add3A_15, %dma_wait3A_37] : memref<10240x64xf32, #tpu.memory_space<vmem_shared>> -> memref<64x64xf32, #tpu.memory_space<vmem_shared>>
      tpu.wait_dma2 semaphore(%run_scoped3A : memref<!tpu.dma_semaphore, #tpu.memory_space<semaphore_mem>>) src(%arg10 : memref<64x64xf32, #tpu.memory_space<vmem>>) dst(%dma_wait3A_38 : memref<64x64xf32, #tpu.memory_space<vmem_shared>>)
      tpu.yield
    }) : () -> ()
    %add3A_16 = arith.constant 320 : i32
    %add3A_17 = arith.addi %mul3A_0, %add3A_16 : i32
    "tpu.region"() ({
      %run_scoped3A = tpu.sem_alloc : memref<!tpu.dma_semaphore, #tpu.memory_space<semaphore_mem>>
      %dma_start3A = arith.constant 0 : i32
      %dma_start3A_33 = tpu.memref_slice %arg11[%add3A_17, %dma_start3A] : memref<10240x64xf32, #tpu.memory_space<vmem_shared>> -> memref<64x64xf32, #tpu.memory_space<vmem_shared>>
      %dma_start3A_34 = arith.constant 0 : i32
      %dma_start3A_35 = tpu.memref_slice %arg11[%add3A_17, %dma_start3A_34] : memref<10240x64xf32, #tpu.memory_space<vmem_shared>> -> memref<64x64xf32, #tpu.memory_space<vmem_shared>>
      tpu.enqueue_dma source(%arg10 : memref<64x64xf32, #tpu.memory_space<vmem>>) target(%dma_start3A_35 : memref<64x64xf32, #tpu.memory_space<vmem_shared>>) target_semaphore(%run_scoped3A : memref<!tpu.dma_semaphore, #tpu.memory_space<semaphore_mem>>)
      %dma_wait3A = arith.constant 0 : i32
      %dma_wait3A_36 = tpu.memref_slice %arg11[%add3A_17, %dma_wait3A] : memref<10240x64xf32, #tpu.memory_space<vmem_shared>> -> memref<64x64xf32, #tpu.memory_space<vmem_shared>>
      %dma_wait3A_37 = arith.constant 0 : i32
      %dma_wait3A_38 = tpu.memref_slice %arg11[%add3A_17, %dma_wait3A_37] : memref<10240x64xf32, #tpu.memory_space<vmem_shared>> -> memref<64x64xf32, #tpu.memory_space<vmem_shared>>
      tpu.wait_dma2 semaphore(%run_scoped3A : memref<!tpu.dma_semaphore, #tpu.memory_space<semaphore_mem>>) src(%arg10 : memref<64x64xf32, #tpu.memory_space<vmem>>) dst(%dma_wait3A_38 : memref<64x64xf32, #tpu.memory_space<vmem_shared>>)
      tpu.yield
    }) : () -> ()
    %add3A_18 = arith.constant 384 : i32
    %add3A_19 = arith.addi %mul3A_0, %add3A_18 : i32
    "tpu.region"() ({
      %run_scoped3A = tpu.sem_alloc : memref<!tpu.dma_semaphore, #tpu.memory_space<semaphore_mem>>
      %dma_start3A = arith.constant 0 : i32
      %dma_start3A_33 = tpu.memref_slice %arg11[%add3A_19, %dma_start3A] : memref<10240x64xf32, #tpu.memory_space<vmem_shared>> -> memref<64x64xf32, #tpu.memory_space<vmem_shared>>
      %dma_start3A_34 = arith.constant 0 : i32
      %dma_start3A_35 = tpu.memref_slice %arg11[%add3A_19, %dma_start3A_34] : memref<10240x64xf32, #tpu.memory_space<vmem_shared>> -> memref<64x64xf32, #tpu.memory_space<vmem_shared>>
      tpu.enqueue_dma source(%arg10 : memref<64x64xf32, #tpu.memory_space<vmem>>) target(%dma_start3A_35 : memref<64x64xf32, #tpu.memory_space<vmem_shared>>) target_semaphore(%run_scoped3A : memref<!tpu.dma_semaphore, #tpu.memory_space<semaphore_mem>>)
      %dma_wait3A = arith.constant 0 : i32
      %dma_wait3A_36 = tpu.memref_slice %arg11[%add3A_19, %dma_wait3A] : memref<10240x64xf32, #tpu.memory_space<vmem_shared>> -> memref<64x64xf32, #tpu.memory_space<vmem_shared>>
      %dma_wait3A_37 = arith.constant 0 : i32
      %dma_wait3A_38 = tpu.memref_slice %arg11[%add3A_19, %dma_wait3A_37] : memref<10240x64xf32, #tpu.memory_space<vmem_shared>> -> memref<64x64xf32, #tpu.memory_space<vmem_shared>>
      tpu.wait_dma2 semaphore(%run_scoped3A : memref<!tpu.dma_semaphore, #tpu.memory_space<semaphore_mem>>) src(%arg10 : memref<64x64xf32, #tpu.memory_space<vmem>>) dst(%dma_wait3A_38 : memref<64x64xf32, #tpu.memory_space<vmem_shared>>)
      tpu.yield
    }) : () -> ()
    %add3A_20 = arith.constant 448 : i32
    %add3A_21 = arith.addi %mul3A_0, %add3A_20 : i32
    "tpu.region"() ({
      %run_scoped3A = tpu.sem_alloc : memref<!tpu.dma_semaphore, #tpu.memory_space<semaphore_mem>>
      %dma_start3A = arith.constant 0 : i32
      %dma_start3A_33 = tpu.memref_slice %arg11[%add3A_21, %dma_start3A] : memref<10240x64xf32, #tpu.memory_space<vmem_shared>> -> memref<64x64xf32, #tpu.memory_space<vmem_shared>>
      %dma_start3A_34 = arith.constant 0 : i32
      %dma_start3A_35 = tpu.memref_slice %arg11[%add3A_21, %dma_start3A_34] : memref<10240x64xf32, #tpu.memory_space<vmem_shared>> -> memref<64x64xf32, #tpu.memory_space<vmem_shared>>
      tpu.enqueue_dma source(%arg10 : memref<64x64xf32, #tpu.memory_space<vmem>>) target(%dma_start3A_35 : memref<64x64xf32, #tpu.memory_space<vmem_shared>>) target_semaphore(%run_scoped3A : memref<!tpu.dma_semaphore, #tpu.memory_space<semaphore_mem>>)
      %dma_wait3A = arith.constant 0 : i32
      %dma_wait3A_36 = tpu.memref_slice %arg11[%add3A_21, %dma_wait3A] : memref<10240x64xf32, #tpu.memory_space<vmem_shared>> -> memref<64x64xf32, #tpu.memory_space<vmem_shared>>
      %dma_wait3A_37 = arith.constant 0 : i32
      %dma_wait3A_38 = tpu.memref_slice %arg11[%add3A_21, %dma_wait3A_37] : memref<10240x64xf32, #tpu.memory_space<vmem_shared>> -> memref<64x64xf32, #tpu.memory_space<vmem_shared>>
      tpu.wait_dma2 semaphore(%run_scoped3A : memref<!tpu.dma_semaphore, #tpu.memory_space<semaphore_mem>>) src(%arg10 : memref<64x64xf32, #tpu.memory_space<vmem>>) dst(%dma_wait3A_38 : memref<64x64xf32, #tpu.memory_space<vmem_shared>>)
      tpu.yield
    }) : () -> ()
    %add3A_22 = arith.constant 512 : i32
    %add3A_23 = arith.addi %mul3A_0, %add3A_22 : i32
    "tpu.region"() ({
      %run_scoped3A = tpu.sem_alloc : memref<!tpu.dma_semaphore, #tpu.memory_space<semaphore_mem>>
      %dma_start3A = arith.constant 0 : i32
      %dma_start3A_33 = tpu.memref_slice %arg11[%add3A_23, %dma_start3A] : memref<10240x64xf32, #tpu.memory_space<vmem_shared>> -> memref<64x64xf32, #tpu.memory_space<vmem_shared>>
      %dma_start3A_34 = arith.constant 0 : i32
      %dma_start3A_35 = tpu.memref_slice %arg11[%add3A_23, %dma_start3A_34] : memref<10240x64xf32, #tpu.memory_space<vmem_shared>> -> memref<64x64xf32, #tpu.memory_space<vmem_shared>>
      tpu.enqueue_dma source(%arg10 : memref<64x64xf32, #tpu.memory_space<vmem>>) target(%dma_start3A_35 : memref<64x64xf32, #tpu.memory_space<vmem_shared>>) target_semaphore(%run_scoped3A : memref<!tpu.dma_semaphore, #tpu.memory_space<semaphore_mem>>)
      %dma_wait3A = arith.constant 0 : i32
      %dma_wait3A_36 = tpu.memref_slice %arg11[%add3A_23, %dma_wait3A] : memref<10240x64xf32, #tpu.memory_space<vmem_shared>> -> memref<64x64xf32, #tpu.memory_space<vmem_shared>>
      %dma_wait3A_37 = arith.constant 0 : i32
      %dma_wait3A_38 = tpu.memref_slice %arg11[%add3A_23, %dma_wait3A_37] : memref<10240x64xf32, #tpu.memory_space<vmem_shared>> -> memref<64x64xf32, #tpu.memory_space<vmem_shared>>
      tpu.wait_dma2 semaphore(%run_scoped3A : memref<!tpu.dma_semaphore, #tpu.memory_space<semaphore_mem>>) src(%arg10 : memref<64x64xf32, #tpu.memory_space<vmem>>) dst(%dma_wait3A_38 : memref<64x64xf32, #tpu.memory_space<vmem_shared>>)
      tpu.yield
    }) : () -> ()
    %add3A_24 = arith.constant 576 : i32
    %add3A_25 = arith.addi %mul3A_0, %add3A_24 : i32
    "tpu.region"() ({
      %run_scoped3A = tpu.sem_alloc : memref<!tpu.dma_semaphore, #tpu.memory_space<semaphore_mem>>
      %dma_start3A = arith.constant 0 : i32
      %dma_start3A_33 = tpu.memref_slice %arg11[%add3A_25, %dma_start3A] : memref<10240x64xf32, #tpu.memory_space<vmem_shared>> -> memref<64x64xf32, #tpu.memory_space<vmem_shared>>
      %dma_start3A_34 = arith.constant 0 : i32
      %dma_start3A_35 = tpu.memref_slice %arg11[%add3A_25, %dma_start3A_34] : memref<10240x64xf32, #tpu.memory_space<vmem_shared>> -> memref<64x64xf32, #tpu.memory_space<vmem_shared>>
      tpu.enqueue_dma source(%arg10 : memref<64x64xf32, #tpu.memory_space<vmem>>) target(%dma_start3A_35 : memref<64x64xf32, #tpu.memory_space<vmem_shared>>) target_semaphore(%run_scoped3A : memref<!tpu.dma_semaphore, #tpu.memory_space<semaphore_mem>>)
      %dma_wait3A = arith.constant 0 : i32
      %dma_wait3A_36 = tpu.memref_slice %arg11[%add3A_25, %dma_wait3A] : memref<10240x64xf32, #tpu.memory_space<vmem_shared>> -> memref<64x64xf32, #tpu.memory_space<vmem_shared>>
      %dma_wait3A_37 = arith.constant 0 : i32
      %dma_wait3A_38 = tpu.memref_slice %arg11[%add3A_25, %dma_wait3A_37] : memref<10240x64xf32, #tpu.memory_space<vmem_shared>> -> memref<64x64xf32, #tpu.memory_space<vmem_shared>>
      tpu.wait_dma2 semaphore(%run_scoped3A : memref<!tpu.dma_semaphore, #tpu.memory_space<semaphore_mem>>) src(%arg10 : memref<64x64xf32, #tpu.memory_space<vmem>>) dst(%dma_wait3A_38 : memref<64x64xf32, #tpu.memory_space<vmem_shared>>)
      tpu.yield
    }) : () -> ()
    %barrier3A = arith.constant 0 : index
    tpu.barrier barrier_id(%barrier3A)
    %eq3A = arith.constant 0 : i32
    %eq3A_26 = arith.cmpi eq, %arg0, %eq3A : i32
    %convert_element_type3A = arith.extui %eq3A_26 : i1 to i32
    %cond3A = arith.constant 0 : i32
    %cond3A_27 = arith.cmpi ne, %convert_element_type3A, %cond3A : i32
    scf.if %cond3A_27 {
      %dma_start3A = arith.constant 0 : i32
      %dma_start3A_33 = arith.constant 0 : i32
      %dma_start3A_34 = arith.constant 0 : i32
      %dma_start3A_35 = arith.constant 0 : i32
      %dma_start3A_36 = tpu.memref_slice %arg9[%dma_start3A_33, %dma_start3A_34, %dma_start3A_35] : memref<4x125x64xf32, #tpu.memory_space<vmem>> -> memref<1x125x64xf32, #tpu.memory_space<vmem>>
      %dma_start3A_37 = tpu.memref_squeeze %dma_start3A_36 : memref<1x125x64xf32, #tpu.memory_space<vmem>> -> memref<125x64xf32, #tpu.memory_space<vmem>>
      %dma_start3A_38 = arith.constant 0 : i32
      %dma_start3A_39 = tpu.memref_slice %arg7[%dma_start3A, %dma_start3A_38] : memref<160x125xi32, #tpu.memory_space<vmem>> -> memref<1x125xi32, #tpu.memory_space<vmem>>
      %dma_start3A_40 = tpu.memref_squeeze %dma_start3A_39 : memref<1x125xi32, #tpu.memory_space<vmem>> -> memref<125xi32, #tpu.memory_space<vmem>>
      %dma_start3A_41 = arith.constant 0 : i32
      %dma_start3A_42 = arith.constant 0 : i32
      %dma_start3A_43 = tpu.memref_slice %arg2[%dma_start3A_41, %dma_start3A_42] : memref<10000x64xf32, #tpu.memory_space<hbm>> -> memref<10000x64xf32, #tpu.memory_space<hbm>>
      tpu.enqueue_indirect_dma source(%dma_start3A_43 : memref<10000x64xf32, #tpu.memory_space<hbm>>) target(%dma_start3A_37 : memref<125x64xf32, #tpu.memory_space<vmem>>) offsets(%dma_start3A_40 : memref<125xi32, #tpu.memory_space<vmem>>) semaphore(%arg12 : memref<!tpu.dma_semaphore, #tpu.memory_space<semaphore_mem>>)
      %dma_start3A_44 = arith.constant 1 : i32
      %dma_start3A_45 = arith.constant 1 : i32
      %dma_start3A_46 = arith.constant 0 : i32
      %dma_start3A_47 = arith.constant 0 : i32
      %dma_start3A_48 = tpu.memref_slice %arg9[%dma_start3A_45, %dma_start3A_46, %dma_start3A_47] : memref<4x125x64xf32, #tpu.memory_space<vmem>> -> memref<1x125x64xf32, #tpu.memory_space<vmem>>
      %dma_start3A_49 = tpu.memref_squeeze %dma_start3A_48 : memref<1x125x64xf32, #tpu.memory_space<vmem>> -> memref<125x64xf32, #tpu.memory_space<vmem>>
      %dma_start3A_50 = arith.constant 0 : i32
      %dma_start3A_51 = tpu.memref_slice %arg7[%dma_start3A_44, %dma_start3A_50] : memref<160x125xi32, #tpu.memory_space<vmem>> -> memref<1x125xi32, #tpu.memory_space<vmem>>
      %dma_start3A_52 = tpu.memref_squeeze %dma_start3A_51 : memref<1x125xi32, #tpu.memory_space<vmem>> -> memref<125xi32, #tpu.memory_space<vmem>>
      %dma_start3A_53 = arith.constant 0 : i32
      %dma_start3A_54 = arith.constant 0 : i32
      %dma_start3A_55 = tpu.memref_slice %arg2[%dma_start3A_53, %dma_start3A_54] : memref<10000x64xf32, #tpu.memory_space<hbm>> -> memref<10000x64xf32, #tpu.memory_space<hbm>>
      tpu.enqueue_indirect_dma source(%dma_start3A_55 : memref<10000x64xf32, #tpu.memory_space<hbm>>) target(%dma_start3A_49 : memref<125x64xf32, #tpu.memory_space<vmem>>) offsets(%dma_start3A_52 : memref<125xi32, #tpu.memory_space<vmem>>) semaphore(%arg13 : memref<!tpu.dma_semaphore, #tpu.memory_space<semaphore_mem>>)
      %dma_start3A_56 = arith.constant 2 : i32
      %dma_start3A_57 = arith.constant 2 : i32
      %dma_start3A_58 = arith.constant 0 : i32
      %dma_start3A_59 = arith.constant 0 : i32
      %dma_start3A_60 = tpu.memref_slice %arg9[%dma_start3A_57, %dma_start3A_58, %dma_start3A_59] : memref<4x125x64xf32, #tpu.memory_space<vmem>> -> memref<1x125x64xf32, #tpu.memory_space<vmem>>
      %dma_start3A_61 = tpu.memref_squeeze %dma_start3A_60 : memref<1x125x64xf32, #tpu.memory_space<vmem>> -> memref<125x64xf32, #tpu.memory_space<vmem>>
      %dma_start3A_62 = arith.constant 0 : i32
      %dma_start3A_63 = tpu.memref_slice %arg7[%dma_start3A_56, %dma_start3A_62] : memref<160x125xi32, #tpu.memory_space<vmem>> -> memref<1x125xi32, #tpu.memory_space<vmem>>
      %dma_start3A_64 = tpu.memref_squeeze %dma_start3A_63 : memref<1x125xi32, #tpu.memory_space<vmem>> -> memref<125xi32, #tpu.memory_space<vmem>>
      %dma_start3A_65 = arith.constant 0 : i32
      %dma_start3A_66 = arith.constant 0 : i32
      %dma_start3A_67 = tpu.memref_slice %arg2[%dma_start3A_65, %dma_start3A_66] : memref<10000x64xf32, #tpu.memory_space<hbm>> -> memref<10000x64xf32, #tpu.memory_space<hbm>>
      tpu.enqueue_indirect_dma source(%dma_start3A_67 : memref<10000x64xf32, #tpu.memory_space<hbm>>) target(%dma_start3A_61 : memref<125x64xf32, #tpu.memory_space<vmem>>) offsets(%dma_start3A_64 : memref<125xi32, #tpu.memory_space<vmem>>) semaphore(%arg14 : memref<!tpu.dma_semaphore, #tpu.memory_space<semaphore_mem>>)
      %dma_start3A_68 = arith.constant 3 : i32
      %dma_start3A_69 = arith.constant 3 : i32
      %dma_start3A_70 = arith.constant 0 : i32
      %dma_start3A_71 = arith.constant 0 : i32
      %dma_start3A_72 = tpu.memref_slice %arg9[%dma_start3A_69, %dma_start3A_70, %dma_start3A_71] : memref<4x125x64xf32, #tpu.memory_space<vmem>> -> memref<1x125x64xf32, #tpu.memory_space<vmem>>
      %dma_start3A_73 = tpu.memref_squeeze %dma_start3A_72 : memref<1x125x64xf32, #tpu.memory_space<vmem>> -> memref<125x64xf32, #tpu.memory_space<vmem>>
      %dma_start3A_74 = arith.constant 0 : i32
      %dma_start3A_75 = tpu.memref_slice %arg7[%dma_start3A_68, %dma_start3A_74] : memref<160x125xi32, #tpu.memory_space<vmem>> -> memref<1x125xi32, #tpu.memory_space<vmem>>
      %dma_start3A_76 = tpu.memref_squeeze %dma_start3A_75 : memref<1x125xi32, #tpu.memory_space<vmem>> -> memref<125xi32, #tpu.memory_space<vmem>>
      %dma_start3A_77 = arith.constant 0 : i32
      %dma_start3A_78 = arith.constant 0 : i32
      %dma_start3A_79 = tpu.memref_slice %arg2[%dma_start3A_77, %dma_start3A_78] : memref<10000x64xf32, #tpu.memory_space<hbm>> -> memref<10000x64xf32, #tpu.memory_space<hbm>>
      tpu.enqueue_indirect_dma source(%dma_start3A_79 : memref<10000x64xf32, #tpu.memory_space<hbm>>) target(%dma_start3A_73 : memref<125x64xf32, #tpu.memory_space<vmem>>) offsets(%dma_start3A_76 : memref<125xi32, #tpu.memory_space<vmem>>) semaphore(%arg15 : memref<!tpu.dma_semaphore, #tpu.memory_space<semaphore_mem>>)
      %scan3A_80 = arith.constant 0 : i32
      %scan3A_81 = arith.constant 0 : i32
      %scan3A_82 = arith.constant 40 : i32
      %scan3A_83 = arith.addi %scan3A_81, %scan3A_82 : i32
      %scan3A_84 = arith.constant 1 : i32
      scf.for %scan3A_87 = %scan3A_81 to %scan3A_83 step %scan3A_84  : i32 {
        %mul3A_88 = arith.constant 4 : i32
        %mul3A_89 = arith.muli %mul3A_88, %scan3A_87 : i32
        %dma_wait3A = arith.constant 0 : i32
        %dma_wait3A_90 = arith.constant 0 : i32
        %dma_wait3A_91 = arith.constant 0 : i32
        %dma_wait3A_92 = arith.constant 0 : i32
        %dma_wait3A_93 = tpu.memref_slice %arg9[%dma_wait3A_90, %dma_wait3A_91, %dma_wait3A_92] : memref<4x125x64xf32, #tpu.memory_space<vmem>> -> memref<1x125x64xf32, #tpu.memory_space<vmem>>
        %dma_wait3A_94 = tpu.memref_squeeze %dma_wait3A_93 : memref<1x125x64xf32, #tpu.memory_space<vmem>> -> memref<125x64xf32, #tpu.memory_space<vmem>>
        %dma_wait3A_95 = arith.constant 0 : i32
        %dma_wait3A_96 = tpu.memref_slice %arg7[%dma_wait3A, %dma_wait3A_95] : memref<160x125xi32, #tpu.memory_space<vmem>> -> memref<1x125xi32, #tpu.memory_space<vmem>>
        %dma_wait3A_97 = tpu.memref_squeeze %dma_wait3A_96 : memref<1x125xi32, #tpu.memory_space<vmem>> -> memref<125xi32, #tpu.memory_space<vmem>>
        %dma_wait3A_98 = arith.constant 0 : i32
        %dma_wait3A_99 = arith.constant 0 : i32
        %dma_wait3A_100 = tpu.memref_slice %arg2[%dma_wait3A_98, %dma_wait3A_99] : memref<10000x64xf32, #tpu.memory_space<hbm>> -> memref<10000x64xf32, #tpu.memory_space<hbm>>
        tpu.wait_indirect_dma semaphore(%arg12 : memref<!tpu.dma_semaphore, #tpu.memory_space<semaphore_mem>>) src(%dma_wait3A_100 : memref<10000x64xf32, #tpu.memory_space<hbm>>) dst(%dma_wait3A_94 : memref<125x64xf32, #tpu.memory_space<vmem>>)
        %add3A_101 = arith.constant 0 : i32
        %add3A_102 = arith.addi %mul3A_89, %add3A_101 : i32
        %dma_start3A_103 = arith.constant 0 : i32
        %dma_start3A_104 = arith.constant 0 : i32
        %dma_start3A_105 = arith.constant 0 : i32
        %dma_start3A_106 = tpu.memref_slice %arg9[%dma_start3A_103, %dma_start3A_104, %dma_start3A_105] : memref<4x125x64xf32, #tpu.memory_space<vmem>> -> memref<1x125x64xf32, #tpu.memory_space<vmem>>
        %dma_start3A_107 = tpu.memref_squeeze %dma_start3A_106 : memref<1x125x64xf32, #tpu.memory_space<vmem>> -> memref<125x64xf32, #tpu.memory_space<vmem>>
        %dma_start3A_108 = arith.constant 0 : i32
        %dma_start3A_109 = tpu.memref_slice %arg8[%add3A_102, %dma_start3A_108] : memref<160x125xi32, #tpu.memory_space<vmem>> -> memref<1x125xi32, #tpu.memory_space<vmem>>
        %dma_start3A_110 = tpu.memref_squeeze %dma_start3A_109 : memref<1x125xi32, #tpu.memory_space<vmem>> -> memref<125xi32, #tpu.memory_space<vmem>>
        %dma_start3A_111 = arith.constant 0 : i32
        %dma_start3A_112 = arith.constant 0 : i32
        %dma_start3A_113 = tpu.memref_slice %arg11[%dma_start3A_111, %dma_start3A_112] : memref<10240x64xf32, #tpu.memory_space<vmem_shared>> -> memref<10240x64xf32, #tpu.memory_space<vmem_shared>>
        tpu.enqueue_indirect_dma source(%dma_start3A_107 : memref<125x64xf32, #tpu.memory_space<vmem>>) target(%dma_start3A_113 : memref<10240x64xf32, #tpu.memory_space<vmem_shared>>) offsets(%dma_start3A_110 : memref<125xi32, #tpu.memory_space<vmem>>) semaphore(%arg16 : memref<!tpu.dma_semaphore, #tpu.memory_space<semaphore_mem>>) {add = true}
        %dma_wait3A_114 = arith.constant 0 : i32
        %dma_wait3A_115 = arith.constant 1 : i32
        %dma_wait3A_116 = arith.constant 0 : i32
        %dma_wait3A_117 = arith.constant 0 : i32
        %dma_wait3A_118 = tpu.memref_slice %arg9[%dma_wait3A_115, %dma_wait3A_116, %dma_wait3A_117] : memref<4x125x64xf32, #tpu.memory_space<vmem>> -> memref<1x125x64xf32, #tpu.memory_space<vmem>>
        %dma_wait3A_119 = tpu.memref_squeeze %dma_wait3A_118 : memref<1x125x64xf32, #tpu.memory_space<vmem>> -> memref<125x64xf32, #tpu.memory_space<vmem>>
        %dma_wait3A_120 = arith.constant 0 : i32
        %dma_wait3A_121 = tpu.memref_slice %arg7[%dma_wait3A_114, %dma_wait3A_120] : memref<160x125xi32, #tpu.memory_space<vmem>> -> memref<1x125xi32, #tpu.memory_space<vmem>>
        %dma_wait3A_122 = tpu.memref_squeeze %dma_wait3A_121 : memref<1x125xi32, #tpu.memory_space<vmem>> -> memref<125xi32, #tpu.memory_space<vmem>>
        %dma_wait3A_123 = arith.constant 0 : i32
        %dma_wait3A_124 = arith.constant 0 : i32
        %dma_wait3A_125 = tpu.memref_slice %arg2[%dma_wait3A_123, %dma_wait3A_124] : memref<10000x64xf32, #tpu.memory_space<hbm>> -> memref<10000x64xf32, #tpu.memory_space<hbm>>
        tpu.wait_indirect_dma semaphore(%arg13 : memref<!tpu.dma_semaphore, #tpu.memory_space<semaphore_mem>>) src(%dma_wait3A_125 : memref<10000x64xf32, #tpu.memory_space<hbm>>) dst(%dma_wait3A_119 : memref<125x64xf32, #tpu.memory_space<vmem>>)
        %add3A_126 = arith.constant 1 : i32
        %add3A_127 = arith.addi %mul3A_89, %add3A_126 : i32
        %dma_start3A_128 = arith.constant 1 : i32
        %dma_start3A_129 = arith.constant 0 : i32
        %dma_start3A_130 = arith.constant 0 : i32
        %dma_start3A_131 = tpu.memref_slice %arg9[%dma_start3A_128, %dma_start3A_129, %dma_start3A_130] : memref<4x125x64xf32, #tpu.memory_space<vmem>> -> memref<1x125x64xf32, #tpu.memory_space<vmem>>
        %dma_start3A_132 = tpu.memref_squeeze %dma_start3A_131 : memref<1x125x64xf32, #tpu.memory_space<vmem>> -> memref<125x64xf32, #tpu.memory_space<vmem>>
        %dma_start3A_133 = arith.constant 0 : i32
        %dma_start3A_134 = tpu.memref_slice %arg8[%add3A_127, %dma_start3A_133] : memref<160x125xi32, #tpu.memory_space<vmem>> -> memref<1x125xi32, #tpu.memory_space<vmem>>
        %dma_start3A_135 = tpu.memref_squeeze %dma_start3A_134 : memref<1x125xi32, #tpu.memory_space<vmem>> -> memref<125xi32, #tpu.memory_space<vmem>>
        %dma_start3A_136 = arith.constant 0 : i32
        %dma_start3A_137 = arith.constant 0 : i32
        %dma_start3A_138 = tpu.memref_slice %arg11[%dma_start3A_136, %dma_start3A_137] : memref<10240x64xf32, #tpu.memory_space<vmem_shared>> -> memref<10240x64xf32, #tpu.memory_space<vmem_shared>>
        tpu.enqueue_indirect_dma source(%dma_start3A_132 : memref<125x64xf32, #tpu.memory_space<vmem>>) target(%dma_start3A_138 : memref<10240x64xf32, #tpu.memory_space<vmem_shared>>) offsets(%dma_start3A_135 : memref<125xi32, #tpu.memory_space<vmem>>) semaphore(%arg17 : memref<!tpu.dma_semaphore, #tpu.memory_space<semaphore_mem>>) {add = true}
        %dma_wait3A_139 = arith.constant 0 : i32
        %dma_wait3A_140 = arith.constant 2 : i32
        %dma_wait3A_141 = arith.constant 0 : i32
        %dma_wait3A_142 = arith.constant 0 : i32
        %dma_wait3A_143 = tpu.memref_slice %arg9[%dma_wait3A_140, %dma_wait3A_141, %dma_wait3A_142] : memref<4x125x64xf32, #tpu.memory_space<vmem>> -> memref<1x125x64xf32, #tpu.memory_space<vmem>>
        %dma_wait3A_144 = tpu.memref_squeeze %dma_wait3A_143 : memref<1x125x64xf32, #tpu.memory_space<vmem>> -> memref<125x64xf32, #tpu.memory_space<vmem>>
        %dma_wait3A_145 = arith.constant 0 : i32
        %dma_wait3A_146 = tpu.memref_slice %arg7[%dma_wait3A_139, %dma_wait3A_145] : memref<160x125xi32, #tpu.memory_space<vmem>> -> memref<1x125xi32, #tpu.memory_space<vmem>>
        %dma_wait3A_147 = tpu.memref_squeeze %dma_wait3A_146 : memref<1x125xi32, #tpu.memory_space<vmem>> -> memref<125xi32, #tpu.memory_space<vmem>>
        %dma_wait3A_148 = arith.constant 0 : i32
        %dma_wait3A_149 = arith.constant 0 : i32
        %dma_wait3A_150 = tpu.memref_slice %arg2[%dma_wait3A_148, %dma_wait3A_149] : memref<10000x64xf32, #tpu.memory_space<hbm>> -> memref<10000x64xf32, #tpu.memory_space<hbm>>
        tpu.wait_indirect_dma semaphore(%arg14 : memref<!tpu.dma_semaphore, #tpu.memory_space<semaphore_mem>>) src(%dma_wait3A_150 : memref<10000x64xf32, #tpu.memory_space<hbm>>) dst(%dma_wait3A_144 : memref<125x64xf32, #tpu.memory_space<vmem>>)
        %add3A_151 = arith.constant 2 : i32
        %add3A_152 = arith.addi %mul3A_89, %add3A_151 : i32
        %dma_start3A_153 = arith.constant 2 : i32
        %dma_start3A_154 = arith.constant 0 : i32
        %dma_start3A_155 = arith.constant 0 : i32
        %dma_start3A_156 = tpu.memref_slice %arg9[%dma_start3A_153, %dma_start3A_154, %dma_start3A_155] : memref<4x125x64xf32, #tpu.memory_space<vmem>> -> memref<1x125x64xf32, #tpu.memory_space<vmem>>
        %dma_start3A_157 = tpu.memref_squeeze %dma_start3A_156 : memref<1x125x64xf32, #tpu.memory_space<vmem>> -> memref<125x64xf32, #tpu.memory_space<vmem>>
        %dma_start3A_158 = arith.constant 0 : i32
        %dma_start3A_159 = tpu.memref_slice %arg8[%add3A_152, %dma_start3A_158] : memref<160x125xi32, #tpu.memory_space<vmem>> -> memref<1x125xi32, #tpu.memory_space<vmem>>
        %dma_start3A_160 = tpu.memref_squeeze %dma_start3A_159 : memref<1x125xi32, #tpu.memory_space<vmem>> -> memref<125xi32, #tpu.memory_space<vmem>>
        %dma_start3A_161 = arith.constant 0 : i32
        %dma_start3A_162 = arith.constant 0 : i32
        %dma_start3A_163 = tpu.memref_slice %arg11[%dma_start3A_161, %dma_start3A_162] : memref<10240x64xf32, #tpu.memory_space<vmem_shared>> -> memref<10240x64xf32, #tpu.memory_space<vmem_shared>>
        tpu.enqueue_indirect_dma source(%dma_start3A_157 : memref<125x64xf32, #tpu.memory_space<vmem>>) target(%dma_start3A_163 : memref<10240x64xf32, #tpu.memory_space<vmem_shared>>) offsets(%dma_start3A_160 : memref<125xi32, #tpu.memory_space<vmem>>) semaphore(%arg18 : memref<!tpu.dma_semaphore, #tpu.memory_space<semaphore_mem>>) {add = true}
        %dma_wait3A_164 = arith.constant 0 : i32
        %dma_wait3A_165 = arith.constant 3 : i32
        %dma_wait3A_166 = arith.constant 0 : i32
        %dma_wait3A_167 = arith.constant 0 : i32
        %dma_wait3A_168 = tpu.memref_slice %arg9[%dma_wait3A_165, %dma_wait3A_166, %dma_wait3A_167] : memref<4x125x64xf32, #tpu.memory_space<vmem>> -> memref<1x125x64xf32, #tpu.memory_space<vmem>>
        %dma_wait3A_169 = tpu.memref_squeeze %dma_wait3A_168 : memref<1x125x64xf32, #tpu.memory_space<vmem>> -> memref<125x64xf32, #tpu.memory_space<vmem>>
        %dma_wait3A_170 = arith.constant 0 : i32
        %dma_wait3A_171 = tpu.memref_slice %arg7[%dma_wait3A_164, %dma_wait3A_170] : memref<160x125xi32, #tpu.memory_space<vmem>> -> memref<1x125xi32, #tpu.memory_space<vmem>>
        %dma_wait3A_172 = tpu.memref_squeeze %dma_wait3A_171 : memref<1x125xi32, #tpu.memory_space<vmem>> -> memref<125xi32, #tpu.memory_space<vmem>>
        %dma_wait3A_173 = arith.constant 0 : i32
        %dma_wait3A_174 = arith.constant 0 : i32
        %dma_wait3A_175 = tpu.memref_slice %arg2[%dma_wait3A_173, %dma_wait3A_174] : memref<10000x64xf32, #tpu.memory_space<hbm>> -> memref<10000x64xf32, #tpu.memory_space<hbm>>
        tpu.wait_indirect_dma semaphore(%arg15 : memref<!tpu.dma_semaphore, #tpu.memory_space<semaphore_mem>>) src(%dma_wait3A_175 : memref<10000x64xf32, #tpu.memory_space<hbm>>) dst(%dma_wait3A_169 : memref<125x64xf32, #tpu.memory_space<vmem>>)
        %add3A_176 = arith.constant 3 : i32
        %add3A_177 = arith.addi %mul3A_89, %add3A_176 : i32
        %dma_start3A_178 = arith.constant 3 : i32
        %dma_start3A_179 = arith.constant 0 : i32
        %dma_start3A_180 = arith.constant 0 : i32
        %dma_start3A_181 = tpu.memref_slice %arg9[%dma_start3A_178, %dma_start3A_179, %dma_start3A_180] : memref<4x125x64xf32, #tpu.memory_space<vmem>> -> memref<1x125x64xf32, #tpu.memory_space<vmem>>
        %dma_start3A_182 = tpu.memref_squeeze %dma_start3A_181 : memref<1x125x64xf32, #tpu.memory_space<vmem>> -> memref<125x64xf32, #tpu.memory_space<vmem>>
        %dma_start3A_183 = arith.constant 0 : i32
        %dma_start3A_184 = tpu.memref_slice %arg8[%add3A_177, %dma_start3A_183] : memref<160x125xi32, #tpu.memory_space<vmem>> -> memref<1x125xi32, #tpu.memory_space<vmem>>
        %dma_start3A_185 = tpu.memref_squeeze %dma_start3A_184 : memref<1x125xi32, #tpu.memory_space<vmem>> -> memref<125xi32, #tpu.memory_space<vmem>>
        %dma_start3A_186 = arith.constant 0 : i32
        %dma_start3A_187 = arith.constant 0 : i32
        %dma_start3A_188 = tpu.memref_slice %arg11[%dma_start3A_186, %dma_start3A_187] : memref<10240x64xf32, #tpu.memory_space<vmem_shared>> -> memref<10240x64xf32, #tpu.memory_space<vmem_shared>>
        tpu.enqueue_indirect_dma source(%dma_start3A_182 : memref<125x64xf32, #tpu.memory_space<vmem>>) target(%dma_start3A_188 : memref<10240x64xf32, #tpu.memory_space<vmem_shared>>) offsets(%dma_start3A_185 : memref<125xi32, #tpu.memory_space<vmem>>) semaphore(%arg19 : memref<!tpu.dma_semaphore, #tpu.memory_space<semaphore_mem>>) {add = true}
        %dma_wait3A_189 = arith.constant 0 : i32
        %dma_wait3A_190 = arith.constant 0 : i32
        %dma_wait3A_191 = arith.constant 0 : i32
        %dma_wait3A_192 = arith.constant 0 : i32
        %dma_wait3A_193 = tpu.memref_slice %arg9[%dma_wait3A_189, %dma_wait3A_191, %dma_wait3A_192] : memref<4x125x64xf32, #tpu.memory_space<vmem>> -> memref<1x125x64xf32, #tpu.memory_space<vmem>>
        %dma_wait3A_194 = tpu.memref_squeeze %dma_wait3A_193 : memref<1x125x64xf32, #tpu.memory_space<vmem>> -> memref<125x64xf32, #tpu.memory_space<vmem>>
        %dma_wait3A_195 = arith.constant 0 : i32
        %dma_wait3A_196 = tpu.memref_slice %arg8[%dma_wait3A_190, %dma_wait3A_195] : memref<160x125xi32, #tpu.memory_space<vmem>> -> memref<1x125xi32, #tpu.memory_space<vmem>>
        %dma_wait3A_197 = tpu.memref_squeeze %dma_wait3A_196 : memref<1x125xi32, #tpu.memory_space<vmem>> -> memref<125xi32, #tpu.memory_space<vmem>>
        %dma_wait3A_198 = arith.constant 0 : i32
        %dma_wait3A_199 = arith.constant 0 : i32
        %dma_wait3A_200 = tpu.memref_slice %arg11[%dma_wait3A_198, %dma_wait3A_199] : memref<10240x64xf32, #tpu.memory_space<vmem_shared>> -> memref<10240x64xf32, #tpu.memory_space<vmem_shared>>
        tpu.wait_indirect_dma semaphore(%arg16 : memref<!tpu.dma_semaphore, #tpu.memory_space<semaphore_mem>>) src(%dma_wait3A_194 : memref<125x64xf32, #tpu.memory_space<vmem>>) dst(%dma_wait3A_200 : memref<10240x64xf32, #tpu.memory_space<vmem_shared>>)
        %add3A_201 = arith.constant 1 : i32
        %add3A_202 = arith.addi %scan3A_87, %add3A_201 : i32
        %lt3A = arith.constant 40 : i32
        %lt3A_203 = arith.cmpi slt, %add3A_202, %lt3A : i32
        %convert_element_type3A_204 = arith.extui %lt3A_203 : i1 to i32
        %cond3A_205 = arith.constant 0 : i32
        %cond3A_206 = arith.cmpi ne, %convert_element_type3A_204, %cond3A_205 : i32
        scf.if %cond3A_206 {
          %add3A_264 = arith.constant 4 : i32
          %add3A_265 = arith.addi %mul3A_89, %add3A_264 : i32
          %add3A_266 = arith.constant 0 : i32
          %add3A_267 = arith.addi %add3A_265, %add3A_266 : i32
          %dma_start3A_268 = arith.constant 0 : i32
          %dma_start3A_269 = arith.constant 0 : i32
          %dma_start3A_270 = arith.constant 0 : i32
          %dma_start3A_271 = tpu.memref_slice %arg9[%dma_start3A_268, %dma_start3A_269, %dma_start3A_270] : memref<4x125x64xf32, #tpu.memory_space<vmem>> -> memref<1x125x64xf32, #tpu.memory_space<vmem>>
          %dma_start3A_272 = tpu.memref_squeeze %dma_start3A_271 : memref<1x125x64xf32, #tpu.memory_space<vmem>> -> memref<125x64xf32, #tpu.memory_space<vmem>>
          %dma_start3A_273 = arith.constant 0 : i32
          %dma_start3A_274 = tpu.memref_slice %arg7[%add3A_267, %dma_start3A_273] : memref<160x125xi32, #tpu.memory_space<vmem>> -> memref<1x125xi32, #tpu.memory_space<vmem>>
          %dma_start3A_275 = tpu.memref_squeeze %dma_start3A_274 : memref<1x125xi32, #tpu.memory_space<vmem>> -> memref<125xi32, #tpu.memory_space<vmem>>
          %dma_start3A_276 = arith.constant 0 : i32
          %dma_start3A_277 = arith.constant 0 : i32
          %dma_start3A_278 = tpu.memref_slice %arg2[%dma_start3A_276, %dma_start3A_277] : memref<10000x64xf32, #tpu.memory_space<hbm>> -> memref<10000x64xf32, #tpu.memory_space<hbm>>
          tpu.enqueue_indirect_dma source(%dma_start3A_278 : memref<10000x64xf32, #tpu.memory_space<hbm>>) target(%dma_start3A_272 : memref<125x64xf32, #tpu.memory_space<vmem>>) offsets(%dma_start3A_275 : memref<125xi32, #tpu.memory_space<vmem>>) semaphore(%arg12 : memref<!tpu.dma_semaphore, #tpu.memory_space<semaphore_mem>>)
        } else {
        }
        %dma_wait3A_207 = arith.constant 1 : i32
        %dma_wait3A_208 = arith.constant 0 : i32
        %dma_wait3A_209 = arith.constant 0 : i32
        %dma_wait3A_210 = arith.constant 0 : i32
        %dma_wait3A_211 = tpu.memref_slice %arg9[%dma_wait3A_207, %dma_wait3A_209, %dma_wait3A_210] : memref<4x125x64xf32, #tpu.memory_space<vmem>> -> memref<1x125x64xf32, #tpu.memory_space<vmem>>
        %dma_wait3A_212 = tpu.memref_squeeze %dma_wait3A_211 : memref<1x125x64xf32, #tpu.memory_space<vmem>> -> memref<125x64xf32, #tpu.memory_space<vmem>>
        %dma_wait3A_213 = arith.constant 0 : i32
        %dma_wait3A_214 = tpu.memref_slice %arg8[%dma_wait3A_208, %dma_wait3A_213] : memref<160x125xi32, #tpu.memory_space<vmem>> -> memref<1x125xi32, #tpu.memory_space<vmem>>
        %dma_wait3A_215 = tpu.memref_squeeze %dma_wait3A_214 : memref<1x125xi32, #tpu.memory_space<vmem>> -> memref<125xi32, #tpu.memory_space<vmem>>
        %dma_wait3A_216 = arith.constant 0 : i32
        %dma_wait3A_217 = arith.constant 0 : i32
        %dma_wait3A_218 = tpu.memref_slice %arg11[%dma_wait3A_216, %dma_wait3A_217] : memref<10240x64xf32, #tpu.memory_space<vmem_shared>> -> memref<10240x64xf32, #tpu.memory_space<vmem_shared>>
        tpu.wait_indirect_dma semaphore(%arg17 : memref<!tpu.dma_semaphore, #tpu.memory_space<semaphore_mem>>) src(%dma_wait3A_212 : memref<125x64xf32, #tpu.memory_space<vmem>>) dst(%dma_wait3A_218 : memref<10240x64xf32, #tpu.memory_space<vmem_shared>>)
        %add3A_219 = arith.constant 1 : i32
        %add3A_220 = arith.addi %scan3A_87, %add3A_219 : i32
        %lt3A_221 = arith.constant 40 : i32
        %lt3A_222 = arith.cmpi slt, %add3A_220, %lt3A_221 : i32
        %convert_element_type3A_223 = arith.extui %lt3A_222 : i1 to i32
        %cond3A_224 = arith.constant 0 : i32
        %cond3A_225 = arith.cmpi ne, %convert_element_type3A_223, %cond3A_224 : i32
        scf.if %cond3A_225 {
          %add3A_264 = arith.constant 4 : i32
          %add3A_265 = arith.addi %mul3A_89, %add3A_264 : i32
          %add3A_266 = arith.constant 1 : i32
          %add3A_267 = arith.addi %add3A_265, %add3A_266 : i32
          %dma_start3A_268 = arith.constant 1 : i32
          %dma_start3A_269 = arith.constant 0 : i32
          %dma_start3A_270 = arith.constant 0 : i32
          %dma_start3A_271 = tpu.memref_slice %arg9[%dma_start3A_268, %dma_start3A_269, %dma_start3A_270] : memref<4x125x64xf32, #tpu.memory_space<vmem>> -> memref<1x125x64xf32, #tpu.memory_space<vmem>>
          %dma_start3A_272 = tpu.memref_squeeze %dma_start3A_271 : memref<1x125x64xf32, #tpu.memory_space<vmem>> -> memref<125x64xf32, #tpu.memory_space<vmem>>
          %dma_start3A_273 = arith.constant 0 : i32
          %dma_start3A_274 = tpu.memref_slice %arg7[%add3A_267, %dma_start3A_273] : memref<160x125xi32, #tpu.memory_space<vmem>> -> memref<1x125xi32, #tpu.memory_space<vmem>>
          %dma_start3A_275 = tpu.memref_squeeze %dma_start3A_274 : memref<1x125xi32, #tpu.memory_space<vmem>> -> memref<125xi32, #tpu.memory_space<vmem>>
          %dma_start3A_276 = arith.constant 0 : i32
          %dma_start3A_277 = arith.constant 0 : i32
          %dma_start3A_278 = tpu.memref_slice %arg2[%dma_start3A_276, %dma_start3A_277] : memref<10000x64xf32, #tpu.memory_space<hbm>> -> memref<10000x64xf32, #tpu.memory_space<hbm>>
          tpu.enqueue_indirect_dma source(%dma_start3A_278 : memref<10000x64xf32, #tpu.memory_space<hbm>>) target(%dma_start3A_272 : memref<125x64xf32, #tpu.memory_space<vmem>>) offsets(%dma_start3A_275 : memref<125xi32, #tpu.memory_space<vmem>>) semaphore(%arg13 : memref<!tpu.dma_semaphore, #tpu.memory_space<semaphore_mem>>)
        } else {
        }
        %dma_wait3A_226 = arith.constant 2 : i32
        %dma_wait3A_227 = arith.constant 0 : i32
        %dma_wait3A_228 = arith.constant 0 : i32
        %dma_wait3A_229 = arith.constant 0 : i32
        %dma_wait3A_230 = tpu.memref_slice %arg9[%dma_wait3A_226, %dma_wait3A_228, %dma_wait3A_229] : memref<4x125x64xf32, #tpu.memory_space<vmem>> -> memref<1x125x64xf32, #tpu.memory_space<vmem>>
        %dma_wait3A_231 = tpu.memref_squeeze %dma_wait3A_230 : memref<1x125x64xf32, #tpu.memory_space<vmem>> -> memref<125x64xf32, #tpu.memory_space<vmem>>
        %dma_wait3A_232 = arith.constant 0 : i32
        %dma_wait3A_233 = tpu.memref_slice %arg8[%dma_wait3A_227, %dma_wait3A_232] : memref<160x125xi32, #tpu.memory_space<vmem>> -> memref<1x125xi32, #tpu.memory_space<vmem>>
        %dma_wait3A_234 = tpu.memref_squeeze %dma_wait3A_233 : memref<1x125xi32, #tpu.memory_space<vmem>> -> memref<125xi32, #tpu.memory_space<vmem>>
        %dma_wait3A_235 = arith.constant 0 : i32
        %dma_wait3A_236 = arith.constant 0 : i32
        %dma_wait3A_237 = tpu.memref_slice %arg11[%dma_wait3A_235, %dma_wait3A_236] : memref<10240x64xf32, #tpu.memory_space<vmem_shared>> -> memref<10240x64xf32, #tpu.memory_space<vmem_shared>>
        tpu.wait_indirect_dma semaphore(%arg18 : memref<!tpu.dma_semaphore, #tpu.memory_space<semaphore_mem>>) src(%dma_wait3A_231 : memref<125x64xf32, #tpu.memory_space<vmem>>) dst(%dma_wait3A_237 : memref<10240x64xf32, #tpu.memory_space<vmem_shared>>)
        %add3A_238 = arith.constant 1 : i32
        %add3A_239 = arith.addi %scan3A_87, %add3A_238 : i32
        %lt3A_240 = arith.constant 40 : i32
        %lt3A_241 = arith.cmpi slt, %add3A_239, %lt3A_240 : i32
        %convert_element_type3A_242 = arith.extui %lt3A_241 : i1 to i32
        %cond3A_243 = arith.constant 0 : i32
        %cond3A_244 = arith.cmpi ne, %convert_element_type3A_242, %cond3A_243 : i32
        scf.if %cond3A_244 {
          %add3A_264 = arith.constant 4 : i32
          %add3A_265 = arith.addi %mul3A_89, %add3A_264 : i32
          %add3A_266 = arith.constant 2 : i32
          %add3A_267 = arith.addi %add3A_265, %add3A_266 : i32
          %dma_start3A_268 = arith.constant 2 : i32
          %dma_start3A_269 = arith.constant 0 : i32
          %dma_start3A_270 = arith.constant 0 : i32
          %dma_start3A_271 = tpu.memref_slice %arg9[%dma_start3A_268, %dma_start3A_269, %dma_start3A_270] : memref<4x125x64xf32, #tpu.memory_space<vmem>> -> memref<1x125x64xf32, #tpu.memory_space<vmem>>
          %dma_start3A_272 = tpu.memref_squeeze %dma_start3A_271 : memref<1x125x64xf32, #tpu.memory_space<vmem>> -> memref<125x64xf32, #tpu.memory_space<vmem>>
          %dma_start3A_273 = arith.constant 0 : i32
          %dma_start3A_274 = tpu.memref_slice %arg7[%add3A_267, %dma_start3A_273] : memref<160x125xi32, #tpu.memory_space<vmem>> -> memref<1x125xi32, #tpu.memory_space<vmem>>
          %dma_start3A_275 = tpu.memref_squeeze %dma_start3A_274 : memref<1x125xi32, #tpu.memory_space<vmem>> -> memref<125xi32, #tpu.memory_space<vmem>>
          %dma_start3A_276 = arith.constant 0 : i32
          %dma_start3A_277 = arith.constant 0 : i32
          %dma_start3A_278 = tpu.memref_slice %arg2[%dma_start3A_276, %dma_start3A_277] : memref<10000x64xf32, #tpu.memory_space<hbm>> -> memref<10000x64xf32, #tpu.memory_space<hbm>>
          tpu.enqueue_indirect_dma source(%dma_start3A_278 : memref<10000x64xf32, #tpu.memory_space<hbm>>) target(%dma_start3A_272 : memref<125x64xf32, #tpu.memory_space<vmem>>) offsets(%dma_start3A_275 : memref<125xi32, #tpu.memory_space<vmem>>) semaphore(%arg14 : memref<!tpu.dma_semaphore, #tpu.memory_space<semaphore_mem>>)
        } else {
        }
        %dma_wait3A_245 = arith.constant 3 : i32
        %dma_wait3A_246 = arith.constant 0 : i32
        %dma_wait3A_247 = arith.constant 0 : i32
        %dma_wait3A_248 = arith.constant 0 : i32
        %dma_wait3A_249 = tpu.memref_slice %arg9[%dma_wait3A_245, %dma_wait3A_247, %dma_wait3A_248] : memref<4x125x64xf32, #tpu.memory_space<vmem>> -> memref<1x125x64xf32, #tpu.memory_space<vmem>>
        %dma_wait3A_250 = tpu.memref_squeeze %dma_wait3A_249 : memref<1x125x64xf32, #tpu.memory_space<vmem>> -> memref<125x64xf32, #tpu.memory_space<vmem>>
        %dma_wait3A_251 = arith.constant 0 : i32
        %dma_wait3A_252 = tpu.memref_slice %arg8[%dma_wait3A_246, %dma_wait3A_251] : memref<160x125xi32, #tpu.memory_space<vmem>> -> memref<1x125xi32, #tpu.memory_space<vmem>>
        %dma_wait3A_253 = tpu.memref_squeeze %dma_wait3A_252 : memref<1x125xi32, #tpu.memory_space<vmem>> -> memref<125xi32, #tpu.memory_space<vmem>>
        %dma_wait3A_254 = arith.constant 0 : i32
        %dma_wait3A_255 = arith.constant 0 : i32
        %dma_wait3A_256 = tpu.memref_slice %arg11[%dma_wait3A_254, %dma_wait3A_255] : memref<10240x64xf32, #tpu.memory_space<vmem_shared>> -> memref<10240x64xf32, #tpu.memory_space<vmem_shared>>
        tpu.wait_indirect_dma semaphore(%arg19 : memref<!tpu.dma_semaphore, #tpu.memory_space<semaphore_mem>>) src(%dma_wait3A_250 : memref<125x64xf32, #tpu.memory_space<vmem>>) dst(%dma_wait3A_256 : memref<10240x64xf32, #tpu.memory_space<vmem_shared>>)
        %add3A_257 = arith.constant 1 : i32
        %add3A_258 = arith.addi %scan3A_87, %add3A_257 : i32
        %lt3A_259 = arith.constant 40 : i32
        %lt3A_260 = arith.cmpi slt, %add3A_258, %lt3A_259 : i32
        %convert_element_type3A_261 = arith.extui %lt3A_260 : i1 to i32
        %cond3A_262 = arith.constant 0 : i32
        %cond3A_263 = arith.cmpi ne, %convert_element_type3A_261, %cond3A_262 : i32
        scf.if %cond3A_263 {
          %add3A_264 = arith.constant 4 : i32
          %add3A_265 = arith.addi %mul3A_89, %add3A_264 : i32
          %add3A_266 = arith.constant 3 : i32
          %add3A_267 = arith.addi %add3A_265, %add3A_266 : i32
          %dma_start3A_268 = arith.constant 3 : i32
          %dma_start3A_269 = arith.constant 0 : i32
          %dma_start3A_270 = arith.constant 0 : i32
          %dma_start3A_271 = tpu.memref_slice %arg9[%dma_start3A_268, %dma_start3A_269, %dma_start3A_270] : memref<4x125x64xf32, #tpu.memory_space<vmem>> -> memref<1x125x64xf32, #tpu.memory_space<vmem>>
          %dma_start3A_272 = tpu.memref_squeeze %dma_start3A_271 : memref<1x125x64xf32, #tpu.memory_space<vmem>> -> memref<125x64xf32, #tpu.memory_space<vmem>>
          %dma_start3A_273 = arith.constant 0 : i32
          %dma_start3A_274 = tpu.memref_slice %arg7[%add3A_267, %dma_start3A_273] : memref<160x125xi32, #tpu.memory_space<vmem>> -> memref<1x125xi32, #tpu.memory_space<vmem>>
          %dma_start3A_275 = tpu.memref_squeeze %dma_start3A_274 : memref<1x125xi32, #tpu.memory_space<vmem>> -> memref<125xi32, #tpu.memory_space<vmem>>
          %dma_start3A_276 = arith.constant 0 : i32
          %dma_start3A_277 = arith.constant 0 : i32
          %dma_start3A_278 = tpu.memref_slice %arg2[%dma_start3A_276, %dma_start3A_277] : memref<10000x64xf32, #tpu.memory_space<hbm>> -> memref<10000x64xf32, #tpu.memory_space<hbm>>
          tpu.enqueue_indirect_dma source(%dma_start3A_278 : memref<10000x64xf32, #tpu.memory_space<hbm>>) target(%dma_start3A_272 : memref<125x64xf32, #tpu.memory_space<vmem>>) offsets(%dma_start3A_275 : memref<125xi32, #tpu.memory_space<vmem>>) semaphore(%arg15 : memref<!tpu.dma_semaphore, #tpu.memory_space<semaphore_mem>>)
        } else {
        }
      }
      %scan3A_85 = arith.constant 40 : i32
      %barrier3A_86 = arith.constant 0 : index
      tpu.barrier barrier_id(%barrier3A_86)
      %run_scoped3A = arith.constant 0 : i32
      "tpu.region"() ({
        %run_scoped3A_87 = tpu.sem_alloc : memref<!tpu.dma_semaphore, #tpu.memory_space<semaphore_mem>>
        %dma_start3A_88 = arith.constant 0 : i32
        %dma_start3A_89 = tpu.memref_slice %arg6[%run_scoped3A, %mul3A_0, %dma_start3A_88] : memref<2x10240x64xf32, #tpu.memory_space<hbm>> -> memref<1x640x64xf32, #tpu.memory_space<hbm>>
        %dma_start3A_90 = tpu.memref_squeeze %dma_start3A_89 : memref<1x640x64xf32, #tpu.memory_space<hbm>> -> memref<640x64xf32, #tpu.memory_space<hbm>>
        %dma_start3A_91 = arith.constant 0 : i32
        %dma_start3A_92 = tpu.memref_slice %arg11[%mul3A_0, %dma_start3A_91] : memref<10240x64xf32, #tpu.memory_space<vmem_shared>> -> memref<640x64xf32, #tpu.memory_space<vmem_shared>>
        tpu.enqueue_dma source(%dma_start3A_92 : memref<640x64xf32, #tpu.memory_space<vmem_shared>>) target(%dma_start3A_90 : memref<640x64xf32, #tpu.memory_space<hbm>>) target_semaphore(%run_scoped3A_87 : memref<!tpu.dma_semaphore, #tpu.memory_space<semaphore_mem>>)
        %dma_wait3A = arith.constant 0 : i32
        %dma_wait3A_93 = tpu.memref_slice %arg6[%run_scoped3A, %mul3A_0, %dma_wait3A] : memref<2x10240x64xf32, #tpu.memory_space<hbm>> -> memref<1x640x64xf32, #tpu.memory_space<hbm>>
        %dma_wait3A_94 = tpu.memref_squeeze %dma_wait3A_93 : memref<1x640x64xf32, #tpu.memory_space<hbm>> -> memref<640x64xf32, #tpu.memory_space<hbm>>
        %dma_wait3A_95 = arith.constant 0 : i32
        %dma_wait3A_96 = tpu.memref_slice %arg11[%mul3A_0, %dma_wait3A_95] : memref<10240x64xf32, #tpu.memory_space<vmem_shared>> -> memref<640x64xf32, #tpu.memory_space<vmem_shared>>
        tpu.wait_dma2 semaphore(%run_scoped3A_87 : memref<!tpu.dma_semaphore, #tpu.memory_space<semaphore_mem>>) src(%dma_wait3A_96 : memref<640x64xf32, #tpu.memory_space<vmem_shared>>) dst(%dma_wait3A_94 : memref<640x64xf32, #tpu.memory_space<hbm>>)
        tpu.yield
      }) : () -> ()
    } else {
    }
    %eq3A_28 = arith.constant 1 : i32
    %eq3A_29 = arith.cmpi eq, %arg0, %eq3A_28 : i32
    %convert_element_type3A_30 = arith.extui %eq3A_29 : i1 to i32
    %cond3A_31 = arith.constant 0 : i32
    %cond3A_32 = arith.cmpi ne, %convert_element_type3A_30, %cond3A_31 : i32
    scf.if %cond3A_32 {
      %dma_start3A = arith.constant 0 : i32
      %dma_start3A_33 = arith.constant 0 : i32
      %dma_start3A_34 = arith.constant 0 : i32
      %dma_start3A_35 = arith.constant 0 : i32
      %dma_start3A_36 = tpu.memref_slice %arg9[%dma_start3A_33, %dma_start3A_34, %dma_start3A_35] : memref<4x125x64xf32, #tpu.memory_space<vmem>> -> memref<1x125x64xf32, #tpu.memory_space<vmem>>
      %dma_start3A_37 = tpu.memref_squeeze %dma_start3A_36 : memref<1x125x64xf32, #tpu.memory_space<vmem>> -> memref<125x64xf32, #tpu.memory_space<vmem>>
      %dma_start3A_38 = arith.constant 0 : i32
      %dma_start3A_39 = tpu.memref_slice %arg7[%dma_start3A, %dma_start3A_38] : memref<160x125xi32, #tpu.memory_space<vmem>> -> memref<1x125xi32, #tpu.memory_space<vmem>>
      %dma_start3A_40 = tpu.memref_squeeze %dma_start3A_39 : memref<1x125xi32, #tpu.memory_space<vmem>> -> memref<125xi32, #tpu.memory_space<vmem>>
      %dma_start3A_41 = arith.constant 0 : i32
      %dma_start3A_42 = arith.constant 0 : i32
      %dma_start3A_43 = tpu.memref_slice %arg3[%dma_start3A_41, %dma_start3A_42] : memref<10000x64xf32, #tpu.memory_space<hbm>> -> memref<10000x64xf32, #tpu.memory_space<hbm>>
      tpu.enqueue_indirect_dma source(%dma_start3A_43 : memref<10000x64xf32, #tpu.memory_space<hbm>>) target(%dma_start3A_37 : memref<125x64xf32, #tpu.memory_space<vmem>>) offsets(%dma_start3A_40 : memref<125xi32, #tpu.memory_space<vmem>>) semaphore(%arg12 : memref<!tpu.dma_semaphore, #tpu.memory_space<semaphore_mem>>)
      %dma_start3A_44 = arith.constant 1 : i32
      %dma_start3A_45 = arith.constant 1 : i32
      %dma_start3A_46 = arith.constant 0 : i32
      %dma_start3A_47 = arith.constant 0 : i32
      %dma_start3A_48 = tpu.memref_slice %arg9[%dma_start3A_45, %dma_start3A_46, %dma_start3A_47] : memref<4x125x64xf32, #tpu.memory_space<vmem>> -> memref<1x125x64xf32, #tpu.memory_space<vmem>>
      %dma_start3A_49 = tpu.memref_squeeze %dma_start3A_48 : memref<1x125x64xf32, #tpu.memory_space<vmem>> -> memref<125x64xf32, #tpu.memory_space<vmem>>
      %dma_start3A_50 = arith.constant 0 : i32
      %dma_start3A_51 = tpu.memref_slice %arg7[%dma_start3A_44, %dma_start3A_50] : memref<160x125xi32, #tpu.memory_space<vmem>> -> memref<1x125xi32, #tpu.memory_space<vmem>>
      %dma_start3A_52 = tpu.memref_squeeze %dma_start3A_51 : memref<1x125xi32, #tpu.memory_space<vmem>> -> memref<125xi32, #tpu.memory_space<vmem>>
      %dma_start3A_53 = arith.constant 0 : i32
      %dma_start3A_54 = arith.constant 0 : i32
      %dma_start3A_55 = tpu.memref_slice %arg3[%dma_start3A_53, %dma_start3A_54] : memref<10000x64xf32, #tpu.memory_space<hbm>> -> memref<10000x64xf32, #tpu.memory_space<hbm>>
      tpu.enqueue_indirect_dma source(%dma_start3A_55 : memref<10000x64xf32, #tpu.memory_space<hbm>>) target(%dma_start3A_49 : memref<125x64xf32, #tpu.memory_space<vmem>>) offsets(%dma_start3A_52 : memref<125xi32, #tpu.memory_space<vmem>>) semaphore(%arg13 : memref<!tpu.dma_semaphore, #tpu.memory_space<semaphore_mem>>)
      %dma_start3A_56 = arith.constant 2 : i32
      %dma_start3A_57 = arith.constant 2 : i32
      %dma_start3A_58 = arith.constant 0 : i32
      %dma_start3A_59 = arith.constant 0 : i32
      %dma_start3A_60 = tpu.memref_slice %arg9[%dma_start3A_57, %dma_start3A_58, %dma_start3A_59] : memref<4x125x64xf32, #tpu.memory_space<vmem>> -> memref<1x125x64xf32, #tpu.memory_space<vmem>>
      %dma_start3A_61 = tpu.memref_squeeze %dma_start3A_60 : memref<1x125x64xf32, #tpu.memory_space<vmem>> -> memref<125x64xf32, #tpu.memory_space<vmem>>
      %dma_start3A_62 = arith.constant 0 : i32
      %dma_start3A_63 = tpu.memref_slice %arg7[%dma_start3A_56, %dma_start3A_62] : memref<160x125xi32, #tpu.memory_space<vmem>> -> memref<1x125xi32, #tpu.memory_space<vmem>>
      %dma_start3A_64 = tpu.memref_squeeze %dma_start3A_63 : memref<1x125xi32, #tpu.memory_space<vmem>> -> memref<125xi32, #tpu.memory_space<vmem>>
      %dma_start3A_65 = arith.constant 0 : i32
      %dma_start3A_66 = arith.constant 0 : i32
      %dma_start3A_67 = tpu.memref_slice %arg3[%dma_start3A_65, %dma_start3A_66] : memref<10000x64xf32, #tpu.memory_space<hbm>> -> memref<10000x64xf32, #tpu.memory_space<hbm>>
      tpu.enqueue_indirect_dma source(%dma_start3A_67 : memref<10000x64xf32, #tpu.memory_space<hbm>>) target(%dma_start3A_61 : memref<125x64xf32, #tpu.memory_space<vmem>>) offsets(%dma_start3A_64 : memref<125xi32, #tpu.memory_space<vmem>>) semaphore(%arg14 : memref<!tpu.dma_semaphore, #tpu.memory_space<semaphore_mem>>)
      %dma_start3A_68 = arith.constant 3 : i32
      %dma_start3A_69 = arith.constant 3 : i32
      %dma_start3A_70 = arith.constant 0 : i32
      %dma_start3A_71 = arith.constant 0 : i32
      %dma_start3A_72 = tpu.memref_slice %arg9[%dma_start3A_69, %dma_start3A_70, %dma_start3A_71] : memref<4x125x64xf32, #tpu.memory_space<vmem>> -> memref<1x125x64xf32, #tpu.memory_space<vmem>>
      %dma_start3A_73 = tpu.memref_squeeze %dma_start3A_72 : memref<1x125x64xf32, #tpu.memory_space<vmem>> -> memref<125x64xf32, #tpu.memory_space<vmem>>
      %dma_start3A_74 = arith.constant 0 : i32
      %dma_start3A_75 = tpu.memref_slice %arg7[%dma_start3A_68, %dma_start3A_74] : memref<160x125xi32, #tpu.memory_space<vmem>> -> memref<1x125xi32, #tpu.memory_space<vmem>>
      %dma_start3A_76 = tpu.memref_squeeze %dma_start3A_75 : memref<1x125xi32, #tpu.memory_space<vmem>> -> memref<125xi32, #tpu.memory_space<vmem>>
      %dma_start3A_77 = arith.constant 0 : i32
      %dma_start3A_78 = arith.constant 0 : i32
      %dma_start3A_79 = tpu.memref_slice %arg3[%dma_start3A_77, %dma_start3A_78] : memref<10000x64xf32, #tpu.memory_space<hbm>> -> memref<10000x64xf32, #tpu.memory_space<hbm>>
      tpu.enqueue_indirect_dma source(%dma_start3A_79 : memref<10000x64xf32, #tpu.memory_space<hbm>>) target(%dma_start3A_73 : memref<125x64xf32, #tpu.memory_space<vmem>>) offsets(%dma_start3A_76 : memref<125xi32, #tpu.memory_space<vmem>>) semaphore(%arg15 : memref<!tpu.dma_semaphore, #tpu.memory_space<semaphore_mem>>)
      %scan3A_80 = arith.constant 0 : i32
      %scan3A_81 = arith.constant 0 : i32
      %scan3A_82 = arith.constant 40 : i32
      %scan3A_83 = arith.addi %scan3A_81, %scan3A_82 : i32
      %scan3A_84 = arith.constant 1 : i32
      scf.for %scan3A_87 = %scan3A_81 to %scan3A_83 step %scan3A_84  : i32 {
        %mul3A_88 = arith.constant 4 : i32
        %mul3A_89 = arith.muli %mul3A_88, %scan3A_87 : i32
        %dma_wait3A = arith.constant 0 : i32
        %dma_wait3A_90 = arith.constant 0 : i32
        %dma_wait3A_91 = arith.constant 0 : i32
        %dma_wait3A_92 = arith.constant 0 : i32
        %dma_wait3A_93 = tpu.memref_slice %arg9[%dma_wait3A_90, %dma_wait3A_91, %dma_wait3A_92] : memref<4x125x64xf32, #tpu.memory_space<vmem>> -> memref<1x125x64xf32, #tpu.memory_space<vmem>>
        %dma_wait3A_94 = tpu.memref_squeeze %dma_wait3A_93 : memref<1x125x64xf32, #tpu.memory_space<vmem>> -> memref<125x64xf32, #tpu.memory_space<vmem>>
        %dma_wait3A_95 = arith.constant 0 : i32
        %dma_wait3A_96 = tpu.memref_slice %arg7[%dma_wait3A, %dma_wait3A_95] : memref<160x125xi32, #tpu.memory_space<vmem>> -> memref<1x125xi32, #tpu.memory_space<vmem>>
        %dma_wait3A_97 = tpu.memref_squeeze %dma_wait3A_96 : memref<1x125xi32, #tpu.memory_space<vmem>> -> memref<125xi32, #tpu.memory_space<vmem>>
        %dma_wait3A_98 = arith.constant 0 : i32
        %dma_wait3A_99 = arith.constant 0 : i32
        %dma_wait3A_100 = tpu.memref_slice %arg3[%dma_wait3A_98, %dma_wait3A_99] : memref<10000x64xf32, #tpu.memory_space<hbm>> -> memref<10000x64xf32, #tpu.memory_space<hbm>>
        tpu.wait_indirect_dma semaphore(%arg12 : memref<!tpu.dma_semaphore, #tpu.memory_space<semaphore_mem>>) src(%dma_wait3A_100 : memref<10000x64xf32, #tpu.memory_space<hbm>>) dst(%dma_wait3A_94 : memref<125x64xf32, #tpu.memory_space<vmem>>)
        %add3A_101 = arith.constant 0 : i32
        %add3A_102 = arith.addi %mul3A_89, %add3A_101 : i32
        %dma_start3A_103 = arith.constant 0 : i32
        %dma_start3A_104 = arith.constant 0 : i32
        %dma_start3A_105 = arith.constant 0 : i32
        %dma_start3A_106 = tpu.memref_slice %arg9[%dma_start3A_103, %dma_start3A_104, %dma_start3A_105] : memref<4x125x64xf32, #tpu.memory_space<vmem>> -> memref<1x125x64xf32, #tpu.memory_space<vmem>>
        %dma_start3A_107 = tpu.memref_squeeze %dma_start3A_106 : memref<1x125x64xf32, #tpu.memory_space<vmem>> -> memref<125x64xf32, #tpu.memory_space<vmem>>
        %dma_start3A_108 = arith.constant 0 : i32
        %dma_start3A_109 = tpu.memref_slice %arg8[%add3A_102, %dma_start3A_108] : memref<160x125xi32, #tpu.memory_space<vmem>> -> memref<1x125xi32, #tpu.memory_space<vmem>>
        %dma_start3A_110 = tpu.memref_squeeze %dma_start3A_109 : memref<1x125xi32, #tpu.memory_space<vmem>> -> memref<125xi32, #tpu.memory_space<vmem>>
        %dma_start3A_111 = arith.constant 0 : i32
        %dma_start3A_112 = arith.constant 0 : i32
        %dma_start3A_113 = tpu.memref_slice %arg11[%dma_start3A_111, %dma_start3A_112] : memref<10240x64xf32, #tpu.memory_space<vmem_shared>> -> memref<10240x64xf32, #tpu.memory_space<vmem_shared>>
        tpu.enqueue_indirect_dma source(%dma_start3A_107 : memref<125x64xf32, #tpu.memory_space<vmem>>) target(%dma_start3A_113 : memref<10240x64xf32, #tpu.memory_space<vmem_shared>>) offsets(%dma_start3A_110 : memref<125xi32, #tpu.memory_space<vmem>>) semaphore(%arg16 : memref<!tpu.dma_semaphore, #tpu.memory_space<semaphore_mem>>) {add = true}
        %dma_wait3A_114 = arith.constant 0 : i32
        %dma_wait3A_115 = arith.constant 1 : i32
        %dma_wait3A_116 = arith.constant 0 : i32
        %dma_wait3A_117 = arith.constant 0 : i32
        %dma_wait3A_118 = tpu.memref_slice %arg9[%dma_wait3A_115, %dma_wait3A_116, %dma_wait3A_117] : memref<4x125x64xf32, #tpu.memory_space<vmem>> -> memref<1x125x64xf32, #tpu.memory_space<vmem>>
        %dma_wait3A_119 = tpu.memref_squeeze %dma_wait3A_118 : memref<1x125x64xf32, #tpu.memory_space<vmem>> -> memref<125x64xf32, #tpu.memory_space<vmem>>
        %dma_wait3A_120 = arith.constant 0 : i32
        %dma_wait3A_121 = tpu.memref_slice %arg7[%dma_wait3A_114, %dma_wait3A_120] : memref<160x125xi32, #tpu.memory_space<vmem>> -> memref<1x125xi32, #tpu.memory_space<vmem>>
        %dma_wait3A_122 = tpu.memref_squeeze %dma_wait3A_121 : memref<1x125xi32, #tpu.memory_space<vmem>> -> memref<125xi32, #tpu.memory_space<vmem>>
        %dma_wait3A_123 = arith.constant 0 : i32
        %dma_wait3A_124 = arith.constant 0 : i32
        %dma_wait3A_125 = tpu.memref_slice %arg3[%dma_wait3A_123, %dma_wait3A_124] : memref<10000x64xf32, #tpu.memory_space<hbm>> -> memref<10000x64xf32, #tpu.memory_space<hbm>>
        tpu.wait_indirect_dma semaphore(%arg13 : memref<!tpu.dma_semaphore, #tpu.memory_space<semaphore_mem>>) src(%dma_wait3A_125 : memref<10000x64xf32, #tpu.memory_space<hbm>>) dst(%dma_wait3A_119 : memref<125x64xf32, #tpu.memory_space<vmem>>)
        %add3A_126 = arith.constant 1 : i32
        %add3A_127 = arith.addi %mul3A_89, %add3A_126 : i32
        %dma_start3A_128 = arith.constant 1 : i32
        %dma_start3A_129 = arith.constant 0 : i32
        %dma_start3A_130 = arith.constant 0 : i32
        %dma_start3A_131 = tpu.memref_slice %arg9[%dma_start3A_128, %dma_start3A_129, %dma_start3A_130] : memref<4x125x64xf32, #tpu.memory_space<vmem>> -> memref<1x125x64xf32, #tpu.memory_space<vmem>>
        %dma_start3A_132 = tpu.memref_squeeze %dma_start3A_131 : memref<1x125x64xf32, #tpu.memory_space<vmem>> -> memref<125x64xf32, #tpu.memory_space<vmem>>
        %dma_start3A_133 = arith.constant 0 : i32
        %dma_start3A_134 = tpu.memref_slice %arg8[%add3A_127, %dma_start3A_133] : memref<160x125xi32, #tpu.memory_space<vmem>> -> memref<1x125xi32, #tpu.memory_space<vmem>>
        %dma_start3A_135 = tpu.memref_squeeze %dma_start3A_134 : memref<1x125xi32, #tpu.memory_space<vmem>> -> memref<125xi32, #tpu.memory_space<vmem>>
        %dma_start3A_136 = arith.constant 0 : i32
        %dma_start3A_137 = arith.constant 0 : i32
        %dma_start3A_138 = tpu.memref_slice %arg11[%dma_start3A_136, %dma_start3A_137] : memref<10240x64xf32, #tpu.memory_space<vmem_shared>> -> memref<10240x64xf32, #tpu.memory_space<vmem_shared>>
        tpu.enqueue_indirect_dma source(%dma_start3A_132 : memref<125x64xf32, #tpu.memory_space<vmem>>) target(%dma_start3A_138 : memref<10240x64xf32, #tpu.memory_space<vmem_shared>>) offsets(%dma_start3A_135 : memref<125xi32, #tpu.memory_space<vmem>>) semaphore(%arg17 : memref<!tpu.dma_semaphore, #tpu.memory_space<semaphore_mem>>) {add = true}
        %dma_wait3A_139 = arith.constant 0 : i32
        %dma_wait3A_140 = arith.constant 2 : i32
        %dma_wait3A_141 = arith.constant 0 : i32
        %dma_wait3A_142 = arith.constant 0 : i32
        %dma_wait3A_143 = tpu.memref_slice %arg9[%dma_wait3A_140, %dma_wait3A_141, %dma_wait3A_142] : memref<4x125x64xf32, #tpu.memory_space<vmem>> -> memref<1x125x64xf32, #tpu.memory_space<vmem>>
        %dma_wait3A_144 = tpu.memref_squeeze %dma_wait3A_143 : memref<1x125x64xf32, #tpu.memory_space<vmem>> -> memref<125x64xf32, #tpu.memory_space<vmem>>
        %dma_wait3A_145 = arith.constant 0 : i32
        %dma_wait3A_146 = tpu.memref_slice %arg7[%dma_wait3A_139, %dma_wait3A_145] : memref<160x125xi32, #tpu.memory_space<vmem>> -> memref<1x125xi32, #tpu.memory_space<vmem>>
        %dma_wait3A_147 = tpu.memref_squeeze %dma_wait3A_146 : memref<1x125xi32, #tpu.memory_space<vmem>> -> memref<125xi32, #tpu.memory_space<vmem>>
        %dma_wait3A_148 = arith.constant 0 : i32
        %dma_wait3A_149 = arith.constant 0 : i32
        %dma_wait3A_150 = tpu.memref_slice %arg3[%dma_wait3A_148, %dma_wait3A_149] : memref<10000x64xf32, #tpu.memory_space<hbm>> -> memref<10000x64xf32, #tpu.memory_space<hbm>>
        tpu.wait_indirect_dma semaphore(%arg14 : memref<!tpu.dma_semaphore, #tpu.memory_space<semaphore_mem>>) src(%dma_wait3A_150 : memref<10000x64xf32, #tpu.memory_space<hbm>>) dst(%dma_wait3A_144 : memref<125x64xf32, #tpu.memory_space<vmem>>)
        %add3A_151 = arith.constant 2 : i32
        %add3A_152 = arith.addi %mul3A_89, %add3A_151 : i32
        %dma_start3A_153 = arith.constant 2 : i32
        %dma_start3A_154 = arith.constant 0 : i32
        %dma_start3A_155 = arith.constant 0 : i32
        %dma_start3A_156 = tpu.memref_slice %arg9[%dma_start3A_153, %dma_start3A_154, %dma_start3A_155] : memref<4x125x64xf32, #tpu.memory_space<vmem>> -> memref<1x125x64xf32, #tpu.memory_space<vmem>>
        %dma_start3A_157 = tpu.memref_squeeze %dma_start3A_156 : memref<1x125x64xf32, #tpu.memory_space<vmem>> -> memref<125x64xf32, #tpu.memory_space<vmem>>
        %dma_start3A_158 = arith.constant 0 : i32
        %dma_start3A_159 = tpu.memref_slice %arg8[%add3A_152, %dma_start3A_158] : memref<160x125xi32, #tpu.memory_space<vmem>> -> memref<1x125xi32, #tpu.memory_space<vmem>>
        %dma_start3A_160 = tpu.memref_squeeze %dma_start3A_159 : memref<1x125xi32, #tpu.memory_space<vmem>> -> memref<125xi32, #tpu.memory_space<vmem>>
        %dma_start3A_161 = arith.constant 0 : i32
        %dma_start3A_162 = arith.constant 0 : i32
        %dma_start3A_163 = tpu.memref_slice %arg11[%dma_start3A_161, %dma_start3A_162] : memref<10240x64xf32, #tpu.memory_space<vmem_shared>> -> memref<10240x64xf32, #tpu.memory_space<vmem_shared>>
        tpu.enqueue_indirect_dma source(%dma_start3A_157 : memref<125x64xf32, #tpu.memory_space<vmem>>) target(%dma_start3A_163 : memref<10240x64xf32, #tpu.memory_space<vmem_shared>>) offsets(%dma_start3A_160 : memref<125xi32, #tpu.memory_space<vmem>>) semaphore(%arg18 : memref<!tpu.dma_semaphore, #tpu.memory_space<semaphore_mem>>) {add = true}
        %dma_wait3A_164 = arith.constant 0 : i32
        %dma_wait3A_165 = arith.constant 3 : i32
        %dma_wait3A_166 = arith.constant 0 : i32
        %dma_wait3A_167 = arith.constant 0 : i32
        %dma_wait3A_168 = tpu.memref_slice %arg9[%dma_wait3A_165, %dma_wait3A_166, %dma_wait3A_167] : memref<4x125x64xf32, #tpu.memory_space<vmem>> -> memref<1x125x64xf32, #tpu.memory_space<vmem>>
        %dma_wait3A_169 = tpu.memref_squeeze %dma_wait3A_168 : memref<1x125x64xf32, #tpu.memory_space<vmem>> -> memref<125x64xf32, #tpu.memory_space<vmem>>
        %dma_wait3A_170 = arith.constant 0 : i32
        %dma_wait3A_171 = tpu.memref_slice %arg7[%dma_wait3A_164, %dma_wait3A_170] : memref<160x125xi32, #tpu.memory_space<vmem>> -> memref<1x125xi32, #tpu.memory_space<vmem>>
        %dma_wait3A_172 = tpu.memref_squeeze %dma_wait3A_171 : memref<1x125xi32, #tpu.memory_space<vmem>> -> memref<125xi32, #tpu.memory_space<vmem>>
        %dma_wait3A_173 = arith.constant 0 : i32
        %dma_wait3A_174 = arith.constant 0 : i32
        %dma_wait3A_175 = tpu.memref_slice %arg3[%dma_wait3A_173, %dma_wait3A_174] : memref<10000x64xf32, #tpu.memory_space<hbm>> -> memref<10000x64xf32, #tpu.memory_space<hbm>>
        tpu.wait_indirect_dma semaphore(%arg15 : memref<!tpu.dma_semaphore, #tpu.memory_space<semaphore_mem>>) src(%dma_wait3A_175 : memref<10000x64xf32, #tpu.memory_space<hbm>>) dst(%dma_wait3A_169 : memref<125x64xf32, #tpu.memory_space<vmem>>)
        %add3A_176 = arith.constant 3 : i32
        %add3A_177 = arith.addi %mul3A_89, %add3A_176 : i32
        %dma_start3A_178 = arith.constant 3 : i32
        %dma_start3A_179 = arith.constant 0 : i32
        %dma_start3A_180 = arith.constant 0 : i32
        %dma_start3A_181 = tpu.memref_slice %arg9[%dma_start3A_178, %dma_start3A_179, %dma_start3A_180] : memref<4x125x64xf32, #tpu.memory_space<vmem>> -> memref<1x125x64xf32, #tpu.memory_space<vmem>>
        %dma_start3A_182 = tpu.memref_squeeze %dma_start3A_181 : memref<1x125x64xf32, #tpu.memory_space<vmem>> -> memref<125x64xf32, #tpu.memory_space<vmem>>
        %dma_start3A_183 = arith.constant 0 : i32
        %dma_start3A_184 = tpu.memref_slice %arg8[%add3A_177, %dma_start3A_183] : memref<160x125xi32, #tpu.memory_space<vmem>> -> memref<1x125xi32, #tpu.memory_space<vmem>>
        %dma_start3A_185 = tpu.memref_squeeze %dma_start3A_184 : memref<1x125xi32, #tpu.memory_space<vmem>> -> memref<125xi32, #tpu.memory_space<vmem>>
        %dma_start3A_186 = arith.constant 0 : i32
        %dma_start3A_187 = arith.constant 0 : i32
        %dma_start3A_188 = tpu.memref_slice %arg11[%dma_start3A_186, %dma_start3A_187] : memref<10240x64xf32, #tpu.memory_space<vmem_shared>> -> memref<10240x64xf32, #tpu.memory_space<vmem_shared>>
        tpu.enqueue_indirect_dma source(%dma_start3A_182 : memref<125x64xf32, #tpu.memory_space<vmem>>) target(%dma_start3A_188 : memref<10240x64xf32, #tpu.memory_space<vmem_shared>>) offsets(%dma_start3A_185 : memref<125xi32, #tpu.memory_space<vmem>>) semaphore(%arg19 : memref<!tpu.dma_semaphore, #tpu.memory_space<semaphore_mem>>) {add = true}
        %dma_wait3A_189 = arith.constant 0 : i32
        %dma_wait3A_190 = arith.constant 0 : i32
        %dma_wait3A_191 = arith.constant 0 : i32
        %dma_wait3A_192 = arith.constant 0 : i32
        %dma_wait3A_193 = tpu.memref_slice %arg9[%dma_wait3A_189, %dma_wait3A_191, %dma_wait3A_192] : memref<4x125x64xf32, #tpu.memory_space<vmem>> -> memref<1x125x64xf32, #tpu.memory_space<vmem>>
        %dma_wait3A_194 = tpu.memref_squeeze %dma_wait3A_193 : memref<1x125x64xf32, #tpu.memory_space<vmem>> -> memref<125x64xf32, #tpu.memory_space<vmem>>
        %dma_wait3A_195 = arith.constant 0 : i32
        %dma_wait3A_196 = tpu.memref_slice %arg8[%dma_wait3A_190, %dma_wait3A_195] : memref<160x125xi32, #tpu.memory_space<vmem>> -> memref<1x125xi32, #tpu.memory_space<vmem>>
        %dma_wait3A_197 = tpu.memref_squeeze %dma_wait3A_196 : memref<1x125xi32, #tpu.memory_space<vmem>> -> memref<125xi32, #tpu.memory_space<vmem>>
        %dma_wait3A_198 = arith.constant 0 : i32
        %dma_wait3A_199 = arith.constant 0 : i32
        %dma_wait3A_200 = tpu.memref_slice %arg11[%dma_wait3A_198, %dma_wait3A_199] : memref<10240x64xf32, #tpu.memory_space<vmem_shared>> -> memref<10240x64xf32, #tpu.memory_space<vmem_shared>>
        tpu.wait_indirect_dma semaphore(%arg16 : memref<!tpu.dma_semaphore, #tpu.memory_space<semaphore_mem>>) src(%dma_wait3A_194 : memref<125x64xf32, #tpu.memory_space<vmem>>) dst(%dma_wait3A_200 : memref<10240x64xf32, #tpu.memory_space<vmem_shared>>)
        %add3A_201 = arith.constant 1 : i32
        %add3A_202 = arith.addi %scan3A_87, %add3A_201 : i32
        %lt3A = arith.constant 40 : i32
        %lt3A_203 = arith.cmpi slt, %add3A_202, %lt3A : i32
        %convert_element_type3A_204 = arith.extui %lt3A_203 : i1 to i32
        %cond3A_205 = arith.constant 0 : i32
        %cond3A_206 = arith.cmpi ne, %convert_element_type3A_204, %cond3A_205 : i32
        scf.if %cond3A_206 {
          %add3A_264 = arith.constant 4 : i32
          %add3A_265 = arith.addi %mul3A_89, %add3A_264 : i32
          %add3A_266 = arith.constant 0 : i32
          %add3A_267 = arith.addi %add3A_265, %add3A_266 : i32
          %dma_start3A_268 = arith.constant 0 : i32
          %dma_start3A_269 = arith.constant 0 : i32
          %dma_start3A_270 = arith.constant 0 : i32
          %dma_start3A_271 = tpu.memref_slice %arg9[%dma_start3A_268, %dma_start3A_269, %dma_start3A_270] : memref<4x125x64xf32, #tpu.memory_space<vmem>> -> memref<1x125x64xf32, #tpu.memory_space<vmem>>
          %dma_start3A_272 = tpu.memref_squeeze %dma_start3A_271 : memref<1x125x64xf32, #tpu.memory_space<vmem>> -> memref<125x64xf32, #tpu.memory_space<vmem>>
          %dma_start3A_273 = arith.constant 0 : i32
          %dma_start3A_274 = tpu.memref_slice %arg7[%add3A_267, %dma_start3A_273] : memref<160x125xi32, #tpu.memory_space<vmem>> -> memref<1x125xi32, #tpu.memory_space<vmem>>
          %dma_start3A_275 = tpu.memref_squeeze %dma_start3A_274 : memref<1x125xi32, #tpu.memory_space<vmem>> -> memref<125xi32, #tpu.memory_space<vmem>>
          %dma_start3A_276 = arith.constant 0 : i32
          %dma_start3A_277 = arith.constant 0 : i32
          %dma_start3A_278 = tpu.memref_slice %arg3[%dma_start3A_276, %dma_start3A_277] : memref<10000x64xf32, #tpu.memory_space<hbm>> -> memref<10000x64xf32, #tpu.memory_space<hbm>>
          tpu.enqueue_indirect_dma source(%dma_start3A_278 : memref<10000x64xf32, #tpu.memory_space<hbm>>) target(%dma_start3A_272 : memref<125x64xf32, #tpu.memory_space<vmem>>) offsets(%dma_start3A_275 : memref<125xi32, #tpu.memory_space<vmem>>) semaphore(%arg12 : memref<!tpu.dma_semaphore, #tpu.memory_space<semaphore_mem>>)
        } else {
        }
        %dma_wait3A_207 = arith.constant 1 : i32
        %dma_wait3A_208 = arith.constant 0 : i32
        %dma_wait3A_209 = arith.constant 0 : i32
        %dma_wait3A_210 = arith.constant 0 : i32
        %dma_wait3A_211 = tpu.memref_slice %arg9[%dma_wait3A_207, %dma_wait3A_209, %dma_wait3A_210] : memref<4x125x64xf32, #tpu.memory_space<vmem>> -> memref<1x125x64xf32, #tpu.memory_space<vmem>>
        %dma_wait3A_212 = tpu.memref_squeeze %dma_wait3A_211 : memref<1x125x64xf32, #tpu.memory_space<vmem>> -> memref<125x64xf32, #tpu.memory_space<vmem>>
        %dma_wait3A_213 = arith.constant 0 : i32
        %dma_wait3A_214 = tpu.memref_slice %arg8[%dma_wait3A_208, %dma_wait3A_213] : memref<160x125xi32, #tpu.memory_space<vmem>> -> memref<1x125xi32, #tpu.memory_space<vmem>>
        %dma_wait3A_215 = tpu.memref_squeeze %dma_wait3A_214 : memref<1x125xi32, #tpu.memory_space<vmem>> -> memref<125xi32, #tpu.memory_space<vmem>>
        %dma_wait3A_216 = arith.constant 0 : i32
        %dma_wait3A_217 = arith.constant 0 : i32
        %dma_wait3A_218 = tpu.memref_slice %arg11[%dma_wait3A_216, %dma_wait3A_217] : memref<10240x64xf32, #tpu.memory_space<vmem_shared>> -> memref<10240x64xf32, #tpu.memory_space<vmem_shared>>
        tpu.wait_indirect_dma semaphore(%arg17 : memref<!tpu.dma_semaphore, #tpu.memory_space<semaphore_mem>>) src(%dma_wait3A_212 : memref<125x64xf32, #tpu.memory_space<vmem>>) dst(%dma_wait3A_218 : memref<10240x64xf32, #tpu.memory_space<vmem_shared>>)
        %add3A_219 = arith.constant 1 : i32
        %add3A_220 = arith.addi %scan3A_87, %add3A_219 : i32
        %lt3A_221 = arith.constant 40 : i32
        %lt3A_222 = arith.cmpi slt, %add3A_220, %lt3A_221 : i32
        %convert_element_type3A_223 = arith.extui %lt3A_222 : i1 to i32
        %cond3A_224 = arith.constant 0 : i32
        %cond3A_225 = arith.cmpi ne, %convert_element_type3A_223, %cond3A_224 : i32
        scf.if %cond3A_225 {
          %add3A_264 = arith.constant 4 : i32
          %add3A_265 = arith.addi %mul3A_89, %add3A_264 : i32
          %add3A_266 = arith.constant 1 : i32
          %add3A_267 = arith.addi %add3A_265, %add3A_266 : i32
          %dma_start3A_268 = arith.constant 1 : i32
          %dma_start3A_269 = arith.constant 0 : i32
          %dma_start3A_270 = arith.constant 0 : i32
          %dma_start3A_271 = tpu.memref_slice %arg9[%dma_start3A_268, %dma_start3A_269, %dma_start3A_270] : memref<4x125x64xf32, #tpu.memory_space<vmem>> -> memref<1x125x64xf32, #tpu.memory_space<vmem>>
          %dma_start3A_272 = tpu.memref_squeeze %dma_start3A_271 : memref<1x125x64xf32, #tpu.memory_space<vmem>> -> memref<125x64xf32, #tpu.memory_space<vmem>>
          %dma_start3A_273 = arith.constant 0 : i32
          %dma_start3A_274 = tpu.memref_slice %arg7[%add3A_267, %dma_start3A_273] : memref<160x125xi32, #tpu.memory_space<vmem>> -> memref<1x125xi32, #tpu.memory_space<vmem>>
          %dma_start3A_275 = tpu.memref_squeeze %dma_start3A_274 : memref<1x125xi32, #tpu.memory_space<vmem>> -> memref<125xi32, #tpu.memory_space<vmem>>
          %dma_start3A_276 = arith.constant 0 : i32
          %dma_start3A_277 = arith.constant 0 : i32
          %dma_start3A_278 = tpu.memref_slice %arg3[%dma_start3A_276, %dma_start3A_277] : memref<10000x64xf32, #tpu.memory_space<hbm>> -> memref<10000x64xf32, #tpu.memory_space<hbm>>
          tpu.enqueue_indirect_dma source(%dma_start3A_278 : memref<10000x64xf32, #tpu.memory_space<hbm>>) target(%dma_start3A_272 : memref<125x64xf32, #tpu.memory_space<vmem>>) offsets(%dma_start3A_275 : memref<125xi32, #tpu.memory_space<vmem>>) semaphore(%arg13 : memref<!tpu.dma_semaphore, #tpu.memory_space<semaphore_mem>>)
        } else {
        }
        %dma_wait3A_226 = arith.constant 2 : i32
        %dma_wait3A_227 = arith.constant 0 : i32
        %dma_wait3A_228 = arith.constant 0 : i32
        %dma_wait3A_229 = arith.constant 0 : i32
        %dma_wait3A_230 = tpu.memref_slice %arg9[%dma_wait3A_226, %dma_wait3A_228, %dma_wait3A_229] : memref<4x125x64xf32, #tpu.memory_space<vmem>> -> memref<1x125x64xf32, #tpu.memory_space<vmem>>
        %dma_wait3A_231 = tpu.memref_squeeze %dma_wait3A_230 : memref<1x125x64xf32, #tpu.memory_space<vmem>> -> memref<125x64xf32, #tpu.memory_space<vmem>>
        %dma_wait3A_232 = arith.constant 0 : i32
        %dma_wait3A_233 = tpu.memref_slice %arg8[%dma_wait3A_227, %dma_wait3A_232] : memref<160x125xi32, #tpu.memory_space<vmem>> -> memref<1x125xi32, #tpu.memory_space<vmem>>
        %dma_wait3A_234 = tpu.memref_squeeze %dma_wait3A_233 : memref<1x125xi32, #tpu.memory_space<vmem>> -> memref<125xi32, #tpu.memory_space<vmem>>
        %dma_wait3A_235 = arith.constant 0 : i32
        %dma_wait3A_236 = arith.constant 0 : i32
        %dma_wait3A_237 = tpu.memref_slice %arg11[%dma_wait3A_235, %dma_wait3A_236] : memref<10240x64xf32, #tpu.memory_space<vmem_shared>> -> memref<10240x64xf32, #tpu.memory_space<vmem_shared>>
        tpu.wait_indirect_dma semaphore(%arg18 : memref<!tpu.dma_semaphore, #tpu.memory_space<semaphore_mem>>) src(%dma_wait3A_231 : memref<125x64xf32, #tpu.memory_space<vmem>>) dst(%dma_wait3A_237 : memref<10240x64xf32, #tpu.memory_space<vmem_shared>>)
        %add3A_238 = arith.constant 1 : i32
        %add3A_239 = arith.addi %scan3A_87, %add3A_238 : i32
        %lt3A_240 = arith.constant 40 : i32
        %lt3A_241 = arith.cmpi slt, %add3A_239, %lt3A_240 : i32
        %convert_element_type3A_242 = arith.extui %lt3A_241 : i1 to i32
        %cond3A_243 = arith.constant 0 : i32
        %cond3A_244 = arith.cmpi ne, %convert_element_type3A_242, %cond3A_243 : i32
        scf.if %cond3A_244 {
          %add3A_264 = arith.constant 4 : i32
          %add3A_265 = arith.addi %mul3A_89, %add3A_264 : i32
          %add3A_266 = arith.constant 2 : i32
          %add3A_267 = arith.addi %add3A_265, %add3A_266 : i32
          %dma_start3A_268 = arith.constant 2 : i32
          %dma_start3A_269 = arith.constant 0 : i32
          %dma_start3A_270 = arith.constant 0 : i32
          %dma_start3A_271 = tpu.memref_slice %arg9[%dma_start3A_268, %dma_start3A_269, %dma_start3A_270] : memref<4x125x64xf32, #tpu.memory_space<vmem>> -> memref<1x125x64xf32, #tpu.memory_space<vmem>>
          %dma_start3A_272 = tpu.memref_squeeze %dma_start3A_271 : memref<1x125x64xf32, #tpu.memory_space<vmem>> -> memref<125x64xf32, #tpu.memory_space<vmem>>
          %dma_start3A_273 = arith.constant 0 : i32
          %dma_start3A_274 = tpu.memref_slice %arg7[%add3A_267, %dma_start3A_273] : memref<160x125xi32, #tpu.memory_space<vmem>> -> memref<1x125xi32, #tpu.memory_space<vmem>>
          %dma_start3A_275 = tpu.memref_squeeze %dma_start3A_274 : memref<1x125xi32, #tpu.memory_space<vmem>> -> memref<125xi32, #tpu.memory_space<vmem>>
          %dma_start3A_276 = arith.constant 0 : i32
          %dma_start3A_277 = arith.constant 0 : i32
          %dma_start3A_278 = tpu.memref_slice %arg3[%dma_start3A_276, %dma_start3A_277] : memref<10000x64xf32, #tpu.memory_space<hbm>> -> memref<10000x64xf32, #tpu.memory_space<hbm>>
          tpu.enqueue_indirect_dma source(%dma_start3A_278 : memref<10000x64xf32, #tpu.memory_space<hbm>>) target(%dma_start3A_272 : memref<125x64xf32, #tpu.memory_space<vmem>>) offsets(%dma_start3A_275 : memref<125xi32, #tpu.memory_space<vmem>>) semaphore(%arg14 : memref<!tpu.dma_semaphore, #tpu.memory_space<semaphore_mem>>)
        } else {
        }
        %dma_wait3A_245 = arith.constant 3 : i32
        %dma_wait3A_246 = arith.constant 0 : i32
        %dma_wait3A_247 = arith.constant 0 : i32
        %dma_wait3A_248 = arith.constant 0 : i32
        %dma_wait3A_249 = tpu.memref_slice %arg9[%dma_wait3A_245, %dma_wait3A_247, %dma_wait3A_248] : memref<4x125x64xf32, #tpu.memory_space<vmem>> -> memref<1x125x64xf32, #tpu.memory_space<vmem>>
        %dma_wait3A_250 = tpu.memref_squeeze %dma_wait3A_249 : memref<1x125x64xf32, #tpu.memory_space<vmem>> -> memref<125x64xf32, #tpu.memory_space<vmem>>
        %dma_wait3A_251 = arith.constant 0 : i32
        %dma_wait3A_252 = tpu.memref_slice %arg8[%dma_wait3A_246, %dma_wait3A_251] : memref<160x125xi32, #tpu.memory_space<vmem>> -> memref<1x125xi32, #tpu.memory_space<vmem>>
        %dma_wait3A_253 = tpu.memref_squeeze %dma_wait3A_252 : memref<1x125xi32, #tpu.memory_space<vmem>> -> memref<125xi32, #tpu.memory_space<vmem>>
        %dma_wait3A_254 = arith.constant 0 : i32
        %dma_wait3A_255 = arith.constant 0 : i32
        %dma_wait3A_256 = tpu.memref_slice %arg11[%dma_wait3A_254, %dma_wait3A_255] : memref<10240x64xf32, #tpu.memory_space<vmem_shared>> -> memref<10240x64xf32, #tpu.memory_space<vmem_shared>>
        tpu.wait_indirect_dma semaphore(%arg19 : memref<!tpu.dma_semaphore, #tpu.memory_space<semaphore_mem>>) src(%dma_wait3A_250 : memref<125x64xf32, #tpu.memory_space<vmem>>) dst(%dma_wait3A_256 : memref<10240x64xf32, #tpu.memory_space<vmem_shared>>)
        %add3A_257 = arith.constant 1 : i32
        %add3A_258 = arith.addi %scan3A_87, %add3A_257 : i32
        %lt3A_259 = arith.constant 40 : i32
        %lt3A_260 = arith.cmpi slt, %add3A_258, %lt3A_259 : i32
        %convert_element_type3A_261 = arith.extui %lt3A_260 : i1 to i32
        %cond3A_262 = arith.constant 0 : i32
        %cond3A_263 = arith.cmpi ne, %convert_element_type3A_261, %cond3A_262 : i32
        scf.if %cond3A_263 {
          %add3A_264 = arith.constant 4 : i32
          %add3A_265 = arith.addi %mul3A_89, %add3A_264 : i32
          %add3A_266 = arith.constant 3 : i32
          %add3A_267 = arith.addi %add3A_265, %add3A_266 : i32
          %dma_start3A_268 = arith.constant 3 : i32
          %dma_start3A_269 = arith.constant 0 : i32
          %dma_start3A_270 = arith.constant 0 : i32
          %dma_start3A_271 = tpu.memref_slice %arg9[%dma_start3A_268, %dma_start3A_269, %dma_start3A_270] : memref<4x125x64xf32, #tpu.memory_space<vmem>> -> memref<1x125x64xf32, #tpu.memory_space<vmem>>
          %dma_start3A_272 = tpu.memref_squeeze %dma_start3A_271 : memref<1x125x64xf32, #tpu.memory_space<vmem>> -> memref<125x64xf32, #tpu.memory_space<vmem>>
          %dma_start3A_273 = arith.constant 0 : i32
          %dma_start3A_274 = tpu.memref_slice %arg7[%add3A_267, %dma_start3A_273] : memref<160x125xi32, #tpu.memory_space<vmem>> -> memref<1x125xi32, #tpu.memory_space<vmem>>
          %dma_start3A_275 = tpu.memref_squeeze %dma_start3A_274 : memref<1x125xi32, #tpu.memory_space<vmem>> -> memref<125xi32, #tpu.memory_space<vmem>>
          %dma_start3A_276 = arith.constant 0 : i32
          %dma_start3A_277 = arith.constant 0 : i32
          %dma_start3A_278 = tpu.memref_slice %arg3[%dma_start3A_276, %dma_start3A_277] : memref<10000x64xf32, #tpu.memory_space<hbm>> -> memref<10000x64xf32, #tpu.memory_space<hbm>>
          tpu.enqueue_indirect_dma source(%dma_start3A_278 : memref<10000x64xf32, #tpu.memory_space<hbm>>) target(%dma_start3A_272 : memref<125x64xf32, #tpu.memory_space<vmem>>) offsets(%dma_start3A_275 : memref<125xi32, #tpu.memory_space<vmem>>) semaphore(%arg15 : memref<!tpu.dma_semaphore, #tpu.memory_space<semaphore_mem>>)
        } else {
        }
      }
      %scan3A_85 = arith.constant 40 : i32
      %barrier3A_86 = arith.constant 0 : index
      tpu.barrier barrier_id(%barrier3A_86)
      %run_scoped3A = arith.constant 1 : i32
      "tpu.region"() ({
        %run_scoped3A_87 = tpu.sem_alloc : memref<!tpu.dma_semaphore, #tpu.memory_space<semaphore_mem>>
        %dma_start3A_88 = arith.constant 0 : i32
        %dma_start3A_89 = tpu.memref_slice %arg6[%run_scoped3A, %mul3A_0, %dma_start3A_88] : memref<2x10240x64xf32, #tpu.memory_space<hbm>> -> memref<1x640x64xf32, #tpu.memory_space<hbm>>
        %dma_start3A_90 = tpu.memref_squeeze %dma_start3A_89 : memref<1x640x64xf32, #tpu.memory_space<hbm>> -> memref<640x64xf32, #tpu.memory_space<hbm>>
        %dma_start3A_91 = arith.constant 0 : i32
        %dma_start3A_92 = tpu.memref_slice %arg11[%mul3A_0, %dma_start3A_91] : memref<10240x64xf32, #tpu.memory_space<vmem_shared>> -> memref<640x64xf32, #tpu.memory_space<vmem_shared>>
        tpu.enqueue_dma source(%dma_start3A_92 : memref<640x64xf32, #tpu.memory_space<vmem_shared>>) target(%dma_start3A_90 : memref<640x64xf32, #tpu.memory_space<hbm>>) target_semaphore(%run_scoped3A_87 : memref<!tpu.dma_semaphore, #tpu.memory_space<semaphore_mem>>)
        %dma_wait3A = arith.constant 0 : i32
        %dma_wait3A_93 = tpu.memref_slice %arg6[%run_scoped3A, %mul3A_0, %dma_wait3A] : memref<2x10240x64xf32, #tpu.memory_space<hbm>> -> memref<1x640x64xf32, #tpu.memory_space<hbm>>
        %dma_wait3A_94 = tpu.memref_squeeze %dma_wait3A_93 : memref<1x640x64xf32, #tpu.memory_space<hbm>> -> memref<640x64xf32, #tpu.memory_space<hbm>>
        %dma_wait3A_95 = arith.constant 0 : i32
        %dma_wait3A_96 = tpu.memref_slice %arg11[%mul3A_0, %dma_wait3A_95] : memref<10240x64xf32, #tpu.memory_space<vmem_shared>> -> memref<640x64xf32, #tpu.memory_space<vmem_shared>>
        tpu.wait_dma2 semaphore(%run_scoped3A_87 : memref<!tpu.dma_semaphore, #tpu.memory_space<semaphore_mem>>) src(%dma_wait3A_96 : memref<640x64xf32, #tpu.memory_space<vmem_shared>>) dst(%dma_wait3A_94 : memref<640x64xf32, #tpu.memory_space<hbm>>)
        tpu.yield
      }) : () -> ()
    } else {
    }
    return
  }
}

#map = affine_map<(d0, d1) -> (0, 0)>
#map1 = affine_map<(d0, d1) -> (0, 0, 0)>
module attributes {stable_mosaic.version = 14 : i64} {
  func.func @_sc_scatter1(%arg0: i32, %arg1: i32, %arg2: memref<10000x64xf32, #tpu.memory_space<hbm>>, %arg3: memref<16x160x125xi32, #tpu.memory_space<hbm>>, %arg4: memref<16x160x125xi32, #tpu.memory_space<hbm>>, %arg5: memref<2x10240x64xf32, #tpu.memory_space<hbm>>, %arg6: memref<80x125xi32, #tpu.memory_space<vmem>>, %arg7: memref<80x125xi32, #tpu.memory_space<vmem>>, %arg8: memref<4x125x64xf32, #tpu.memory_space<vmem>>, %arg9: memref<64x64xf32, #tpu.memory_space<vmem>>, %arg10: memref<10240x64xf32, #tpu.memory_space<vmem_shared>>, %arg11: memref<!tpu.dma_semaphore, #tpu.memory_space<semaphore_mem>>, %arg12: memref<!tpu.dma_semaphore, #tpu.memory_space<semaphore_mem>>, %arg13: memref<!tpu.dma_semaphore, #tpu.memory_space<semaphore_mem>>, %arg14: memref<!tpu.dma_semaphore, #tpu.memory_space<semaphore_mem>>, %arg15: memref<!tpu.dma_semaphore, #tpu.memory_space<semaphore_mem>>, %arg16: memref<!tpu.dma_semaphore, #tpu.memory_space<semaphore_mem>>, %arg17: memref<!tpu.dma_semaphore, #tpu.memory_space<semaphore_mem>>, %arg18: memref<!tpu.dma_semaphore, #tpu.memory_space<semaphore_mem>>) attributes {dimension_semantics = [#tpu.dimension_semantics<core_parallel>, #tpu.dimension_semantics<subcore_parallel>], iteration_bounds = array<i64: 2, 16>, scalar_prefetch = 0 : i64, scratch_operands = 13 : i64, tpu.core_type = #tpu.core_type<sc_vector_subcore>, window_params = [{transform_indices = #map}, {transform_indices = #map1}, {transform_indices = #map1}, {transform_indices = #map1}]} {
    %mul3A = arith.constant 640 : i32
    %mul3A_0 = arith.muli %arg1, %mul3A : i32
    %mul3A_1 = arith.constant 80 : i32
    %mul3A_2 = arith.muli %arg0, %mul3A_1 : i32
    "tpu.region"() ({
      %run_scoped3A = tpu.sem_alloc : memref<!tpu.dma_semaphore, #tpu.memory_space<semaphore_mem>>
      %dma_start3A_84 = arith.constant 0 : i32
      %dma_start3A_85 = tpu.memref_slice %arg3[%arg1, %mul3A_2, %dma_start3A_84] : memref<16x160x125xi32, #tpu.memory_space<hbm>> -> memref<1x80x125xi32, #tpu.memory_space<hbm>>
      %dma_start3A_86 = tpu.memref_squeeze %dma_start3A_85 : memref<1x80x125xi32, #tpu.memory_space<hbm>> -> memref<80x125xi32, #tpu.memory_space<hbm>>
      %dma_start3A_87 = arith.constant 0 : i32
      %dma_start3A_88 = tpu.memref_slice %arg3[%arg1, %mul3A_2, %dma_start3A_87] : memref<16x160x125xi32, #tpu.memory_space<hbm>> -> memref<1x80x125xi32, #tpu.memory_space<hbm>>
      %dma_start3A_89 = tpu.memref_squeeze %dma_start3A_88 : memref<1x80x125xi32, #tpu.memory_space<hbm>> -> memref<80x125xi32, #tpu.memory_space<hbm>>
      tpu.enqueue_dma source(%dma_start3A_89 : memref<80x125xi32, #tpu.memory_space<hbm>>) target(%arg6 : memref<80x125xi32, #tpu.memory_space<vmem>>) target_semaphore(%run_scoped3A : memref<!tpu.dma_semaphore, #tpu.memory_space<semaphore_mem>>)
      %dma_wait3A = arith.constant 0 : i32
      %dma_wait3A_90 = tpu.memref_slice %arg3[%arg1, %mul3A_2, %dma_wait3A] : memref<16x160x125xi32, #tpu.memory_space<hbm>> -> memref<1x80x125xi32, #tpu.memory_space<hbm>>
      %dma_wait3A_91 = tpu.memref_squeeze %dma_wait3A_90 : memref<1x80x125xi32, #tpu.memory_space<hbm>> -> memref<80x125xi32, #tpu.memory_space<hbm>>
      %dma_wait3A_92 = arith.constant 0 : i32
      %dma_wait3A_93 = tpu.memref_slice %arg3[%arg1, %mul3A_2, %dma_wait3A_92] : memref<16x160x125xi32, #tpu.memory_space<hbm>> -> memref<1x80x125xi32, #tpu.memory_space<hbm>>
      %dma_wait3A_94 = tpu.memref_squeeze %dma_wait3A_93 : memref<1x80x125xi32, #tpu.memory_space<hbm>> -> memref<80x125xi32, #tpu.memory_space<hbm>>
      tpu.wait_dma2 semaphore(%run_scoped3A : memref<!tpu.dma_semaphore, #tpu.memory_space<semaphore_mem>>) src(%dma_wait3A_94 : memref<80x125xi32, #tpu.memory_space<hbm>>) dst(%arg6 : memref<80x125xi32, #tpu.memory_space<vmem>>)
      tpu.yield
    }) : () -> ()
    %mul3A_3 = arith.constant 80 : i32
    %mul3A_4 = arith.muli %arg0, %mul3A_3 : i32
    "tpu.region"() ({
      %run_scoped3A = tpu.sem_alloc : memref<!tpu.dma_semaphore, #tpu.memory_space<semaphore_mem>>
      %dma_start3A_84 = arith.constant 0 : i32
      %dma_start3A_85 = tpu.memref_slice %arg4[%arg1, %mul3A_4, %dma_start3A_84] : memref<16x160x125xi32, #tpu.memory_space<hbm>> -> memref<1x80x125xi32, #tpu.memory_space<hbm>>
      %dma_start3A_86 = tpu.memref_squeeze %dma_start3A_85 : memref<1x80x125xi32, #tpu.memory_space<hbm>> -> memref<80x125xi32, #tpu.memory_space<hbm>>
      %dma_start3A_87 = arith.constant 0 : i32
      %dma_start3A_88 = tpu.memref_slice %arg4[%arg1, %mul3A_4, %dma_start3A_87] : memref<16x160x125xi32, #tpu.memory_space<hbm>> -> memref<1x80x125xi32, #tpu.memory_space<hbm>>
      %dma_start3A_89 = tpu.memref_squeeze %dma_start3A_88 : memref<1x80x125xi32, #tpu.memory_space<hbm>> -> memref<80x125xi32, #tpu.memory_space<hbm>>
      tpu.enqueue_dma source(%dma_start3A_89 : memref<80x125xi32, #tpu.memory_space<hbm>>) target(%arg7 : memref<80x125xi32, #tpu.memory_space<vmem>>) target_semaphore(%run_scoped3A : memref<!tpu.dma_semaphore, #tpu.memory_space<semaphore_mem>>)
      %dma_wait3A = arith.constant 0 : i32
      %dma_wait3A_90 = tpu.memref_slice %arg4[%arg1, %mul3A_4, %dma_wait3A] : memref<16x160x125xi32, #tpu.memory_space<hbm>> -> memref<1x80x125xi32, #tpu.memory_space<hbm>>
      %dma_wait3A_91 = tpu.memref_squeeze %dma_wait3A_90 : memref<1x80x125xi32, #tpu.memory_space<hbm>> -> memref<80x125xi32, #tpu.memory_space<hbm>>
      %dma_wait3A_92 = arith.constant 0 : i32
      %dma_wait3A_93 = tpu.memref_slice %arg4[%arg1, %mul3A_4, %dma_wait3A_92] : memref<16x160x125xi32, #tpu.memory_space<hbm>> -> memref<1x80x125xi32, #tpu.memory_space<hbm>>
      %dma_wait3A_94 = tpu.memref_squeeze %dma_wait3A_93 : memref<1x80x125xi32, #tpu.memory_space<hbm>> -> memref<80x125xi32, #tpu.memory_space<hbm>>
      tpu.wait_dma2 semaphore(%run_scoped3A : memref<!tpu.dma_semaphore, #tpu.memory_space<semaphore_mem>>) src(%dma_wait3A_94 : memref<80x125xi32, #tpu.memory_space<hbm>>) dst(%arg7 : memref<80x125xi32, #tpu.memory_space<vmem>>)
      tpu.yield
    }) : () -> ()
    %broadcast_in_dim3A = arith.constant 0.000000e+00 : f32
    %broadcast_in_dim3A_5 = vector.broadcast %broadcast_in_dim3A : f32 to vector<16xf32>
    %scan3A = arith.constant 0 : i32
    %scan3A_6 = arith.constant 0 : i32
    %scan3A_7 = arith.constant 64 : i32
    %scan3A_8 = arith.addi %scan3A_6, %scan3A_7 : i32
    %scan3A_9 = arith.constant 1 : i32
    scf.for %scan3A_84 = %scan3A_6 to %scan3A_8 step %scan3A_9  : i32 {
      %swap3A = arith.index_cast %scan3A_84 : i32 to index
      %swap3A_85 = arith.constant 0 : index
      %swap3A_86 = tpu.vector_load %arg9[%swap3A, %swap3A_85] {strides = array<i32>} : memref<64x64xf32, #tpu.memory_space<vmem>>, vector<1x16xf32>,
      %swap3A_87 = vector.shape_cast %swap3A_86 : vector<1x16xf32> to vector<16xf32>
      %swap3A_88 = vector.shape_cast %broadcast_in_dim3A_5 : vector<16xf32> to vector<1x16xf32>
      tpu.vector_store %arg9[%swap3A, %swap3A_85], %swap3A_88 {strides = array<i32>} : memref<64x64xf32, #tpu.memory_space<vmem>>, vector<1x16xf32>,
      %swap3A_89 = arith.index_cast %scan3A_84 : i32 to index
      %swap3A_90 = arith.constant 16 : index
      %swap3A_91 = tpu.vector_load %arg9[%swap3A_89, %swap3A_90] {strides = array<i32>} : memref<64x64xf32, #tpu.memory_space<vmem>>, vector<1x16xf32>,
      %swap3A_92 = vector.shape_cast %swap3A_91 : vector<1x16xf32> to vector<16xf32>
      %swap3A_93 = vector.shape_cast %broadcast_in_dim3A_5 : vector<16xf32> to vector<1x16xf32>
      tpu.vector_store %arg9[%swap3A_89, %swap3A_90], %swap3A_93 {strides = array<i32>} : memref<64x64xf32, #tpu.memory_space<vmem>>, vector<1x16xf32>,
      %swap3A_94 = arith.index_cast %scan3A_84 : i32 to index
      %swap3A_95 = arith.constant 32 : index
      %swap3A_96 = tpu.vector_load %arg9[%swap3A_94, %swap3A_95] {strides = array<i32>} : memref<64x64xf32, #tpu.memory_space<vmem>>, vector<1x16xf32>,
      %swap3A_97 = vector.shape_cast %swap3A_96 : vector<1x16xf32> to vector<16xf32>
      %swap3A_98 = vector.shape_cast %broadcast_in_dim3A_5 : vector<16xf32> to vector<1x16xf32>
      tpu.vector_store %arg9[%swap3A_94, %swap3A_95], %swap3A_98 {strides = array<i32>} : memref<64x64xf32, #tpu.memory_space<vmem>>, vector<1x16xf32>,
      %swap3A_99 = arith.index_cast %scan3A_84 : i32 to index
      %swap3A_100 = arith.constant 48 : index
      %swap3A_101 = tpu.vector_load %arg9[%swap3A_99, %swap3A_100] {strides = array<i32>} : memref<64x64xf32, #tpu.memory_space<vmem>>, vector<1x16xf32>,
      %swap3A_102 = vector.shape_cast %swap3A_101 : vector<1x16xf32> to vector<16xf32>
      %swap3A_103 = vector.shape_cast %broadcast_in_dim3A_5 : vector<16xf32> to vector<1x16xf32>
      tpu.vector_store %arg9[%swap3A_99, %swap3A_100], %swap3A_103 {strides = array<i32>} : memref<64x64xf32, #tpu.memory_space<vmem>>, vector<1x16xf32>,
    }
    %scan3A_10 = arith.constant 64 : i32
    %add3A = arith.constant 0 : i32
    %add3A_11 = arith.addi %mul3A_0, %add3A : i32
    "tpu.region"() ({
      %run_scoped3A = tpu.sem_alloc : memref<!tpu.dma_semaphore, #tpu.memory_space<semaphore_mem>>
      %dma_start3A_84 = arith.constant 0 : i32
      %dma_start3A_85 = tpu.memref_slice %arg10[%add3A_11, %dma_start3A_84] : memref<10240x64xf32, #tpu.memory_space<vmem_shared>> -> memref<64x64xf32, #tpu.memory_space<vmem_shared>>
      %dma_start3A_86 = arith.constant 0 : i32
      %dma_start3A_87 = tpu.memref_slice %arg10[%add3A_11, %dma_start3A_86] : memref<10240x64xf32, #tpu.memory_space<vmem_shared>> -> memref<64x64xf32, #tpu.memory_space<vmem_shared>>
      tpu.enqueue_dma source(%arg9 : memref<64x64xf32, #tpu.memory_space<vmem>>) target(%dma_start3A_87 : memref<64x64xf32, #tpu.memory_space<vmem_shared>>) target_semaphore(%run_scoped3A : memref<!tpu.dma_semaphore, #tpu.memory_space<semaphore_mem>>)
      %dma_wait3A = arith.constant 0 : i32
      %dma_wait3A_88 = tpu.memref_slice %arg10[%add3A_11, %dma_wait3A] : memref<10240x64xf32, #tpu.memory_space<vmem_shared>> -> memref<64x64xf32, #tpu.memory_space<vmem_shared>>
      %dma_wait3A_89 = arith.constant 0 : i32
      %dma_wait3A_90 = tpu.memref_slice %arg10[%add3A_11, %dma_wait3A_89] : memref<10240x64xf32, #tpu.memory_space<vmem_shared>> -> memref<64x64xf32, #tpu.memory_space<vmem_shared>>
      tpu.wait_dma2 semaphore(%run_scoped3A : memref<!tpu.dma_semaphore, #tpu.memory_space<semaphore_mem>>) src(%arg9 : memref<64x64xf32, #tpu.memory_space<vmem>>) dst(%dma_wait3A_90 : memref<64x64xf32, #tpu.memory_space<vmem_shared>>)
      tpu.yield
    }) : () -> ()
    %add3A_12 = arith.constant 64 : i32
    %add3A_13 = arith.addi %mul3A_0, %add3A_12 : i32
    "tpu.region"() ({
      %run_scoped3A = tpu.sem_alloc : memref<!tpu.dma_semaphore, #tpu.memory_space<semaphore_mem>>
      %dma_start3A_84 = arith.constant 0 : i32
      %dma_start3A_85 = tpu.memref_slice %arg10[%add3A_13, %dma_start3A_84] : memref<10240x64xf32, #tpu.memory_space<vmem_shared>> -> memref<64x64xf32, #tpu.memory_space<vmem_shared>>
      %dma_start3A_86 = arith.constant 0 : i32
      %dma_start3A_87 = tpu.memref_slice %arg10[%add3A_13, %dma_start3A_86] : memref<10240x64xf32, #tpu.memory_space<vmem_shared>> -> memref<64x64xf32, #tpu.memory_space<vmem_shared>>
      tpu.enqueue_dma source(%arg9 : memref<64x64xf32, #tpu.memory_space<vmem>>) target(%dma_start3A_87 : memref<64x64xf32, #tpu.memory_space<vmem_shared>>) target_semaphore(%run_scoped3A : memref<!tpu.dma_semaphore, #tpu.memory_space<semaphore_mem>>)
      %dma_wait3A = arith.constant 0 : i32
      %dma_wait3A_88 = tpu.memref_slice %arg10[%add3A_13, %dma_wait3A] : memref<10240x64xf32, #tpu.memory_space<vmem_shared>> -> memref<64x64xf32, #tpu.memory_space<vmem_shared>>
      %dma_wait3A_89 = arith.constant 0 : i32
      %dma_wait3A_90 = tpu.memref_slice %arg10[%add3A_13, %dma_wait3A_89] : memref<10240x64xf32, #tpu.memory_space<vmem_shared>> -> memref<64x64xf32, #tpu.memory_space<vmem_shared>>
      tpu.wait_dma2 semaphore(%run_scoped3A : memref<!tpu.dma_semaphore, #tpu.memory_space<semaphore_mem>>) src(%arg9 : memref<64x64xf32, #tpu.memory_space<vmem>>) dst(%dma_wait3A_90 : memref<64x64xf32, #tpu.memory_space<vmem_shared>>)
      tpu.yield
    }) : () -> ()
    %add3A_14 = arith.constant 128 : i32
    %add3A_15 = arith.addi %mul3A_0, %add3A_14 : i32
    "tpu.region"() ({
      %run_scoped3A = tpu.sem_alloc : memref<!tpu.dma_semaphore, #tpu.memory_space<semaphore_mem>>
      %dma_start3A_84 = arith.constant 0 : i32
      %dma_start3A_85 = tpu.memref_slice %arg10[%add3A_15, %dma_start3A_84] : memref<10240x64xf32, #tpu.memory_space<vmem_shared>> -> memref<64x64xf32, #tpu.memory_space<vmem_shared>>
      %dma_start3A_86 = arith.constant 0 : i32
      %dma_start3A_87 = tpu.memref_slice %arg10[%add3A_15, %dma_start3A_86] : memref<10240x64xf32, #tpu.memory_space<vmem_shared>> -> memref<64x64xf32, #tpu.memory_space<vmem_shared>>
      tpu.enqueue_dma source(%arg9 : memref<64x64xf32, #tpu.memory_space<vmem>>) target(%dma_start3A_87 : memref<64x64xf32, #tpu.memory_space<vmem_shared>>) target_semaphore(%run_scoped3A : memref<!tpu.dma_semaphore, #tpu.memory_space<semaphore_mem>>)
      %dma_wait3A = arith.constant 0 : i32
      %dma_wait3A_88 = tpu.memref_slice %arg10[%add3A_15, %dma_wait3A] : memref<10240x64xf32, #tpu.memory_space<vmem_shared>> -> memref<64x64xf32, #tpu.memory_space<vmem_shared>>
      %dma_wait3A_89 = arith.constant 0 : i32
      %dma_wait3A_90 = tpu.memref_slice %arg10[%add3A_15, %dma_wait3A_89] : memref<10240x64xf32, #tpu.memory_space<vmem_shared>> -> memref<64x64xf32, #tpu.memory_space<vmem_shared>>
      tpu.wait_dma2 semaphore(%run_scoped3A : memref<!tpu.dma_semaphore, #tpu.memory_space<semaphore_mem>>) src(%arg9 : memref<64x64xf32, #tpu.memory_space<vmem>>) dst(%dma_wait3A_90 : memref<64x64xf32, #tpu.memory_space<vmem_shared>>)
      tpu.yield
    }) : () -> ()
    %add3A_16 = arith.constant 192 : i32
    %add3A_17 = arith.addi %mul3A_0, %add3A_16 : i32
    "tpu.region"() ({
      %run_scoped3A = tpu.sem_alloc : memref<!tpu.dma_semaphore, #tpu.memory_space<semaphore_mem>>
      %dma_start3A_84 = arith.constant 0 : i32
      %dma_start3A_85 = tpu.memref_slice %arg10[%add3A_17, %dma_start3A_84] : memref<10240x64xf32, #tpu.memory_space<vmem_shared>> -> memref<64x64xf32, #tpu.memory_space<vmem_shared>>
      %dma_start3A_86 = arith.constant 0 : i32
      %dma_start3A_87 = tpu.memref_slice %arg10[%add3A_17, %dma_start3A_86] : memref<10240x64xf32, #tpu.memory_space<vmem_shared>> -> memref<64x64xf32, #tpu.memory_space<vmem_shared>>
      tpu.enqueue_dma source(%arg9 : memref<64x64xf32, #tpu.memory_space<vmem>>) target(%dma_start3A_87 : memref<64x64xf32, #tpu.memory_space<vmem_shared>>) target_semaphore(%run_scoped3A : memref<!tpu.dma_semaphore, #tpu.memory_space<semaphore_mem>>)
      %dma_wait3A = arith.constant 0 : i32
      %dma_wait3A_88 = tpu.memref_slice %arg10[%add3A_17, %dma_wait3A] : memref<10240x64xf32, #tpu.memory_space<vmem_shared>> -> memref<64x64xf32, #tpu.memory_space<vmem_shared>>
      %dma_wait3A_89 = arith.constant 0 : i32
      %dma_wait3A_90 = tpu.memref_slice %arg10[%add3A_17, %dma_wait3A_89] : memref<10240x64xf32, #tpu.memory_space<vmem_shared>> -> memref<64x64xf32, #tpu.memory_space<vmem_shared>>
      tpu.wait_dma2 semaphore(%run_scoped3A : memref<!tpu.dma_semaphore, #tpu.memory_space<semaphore_mem>>) src(%arg9 : memref<64x64xf32, #tpu.memory_space<vmem>>) dst(%dma_wait3A_90 : memref<64x64xf32, #tpu.memory_space<vmem_shared>>)
      tpu.yield
    }) : () -> ()
    %add3A_18 = arith.constant 256 : i32
    %add3A_19 = arith.addi %mul3A_0, %add3A_18 : i32
    "tpu.region"() ({
      %run_scoped3A = tpu.sem_alloc : memref<!tpu.dma_semaphore, #tpu.memory_space<semaphore_mem>>
      %dma_start3A_84 = arith.constant 0 : i32
      %dma_start3A_85 = tpu.memref_slice %arg10[%add3A_19, %dma_start3A_84] : memref<10240x64xf32, #tpu.memory_space<vmem_shared>> -> memref<64x64xf32, #tpu.memory_space<vmem_shared>>
      %dma_start3A_86 = arith.constant 0 : i32
      %dma_start3A_87 = tpu.memref_slice %arg10[%add3A_19, %dma_start3A_86] : memref<10240x64xf32, #tpu.memory_space<vmem_shared>> -> memref<64x64xf32, #tpu.memory_space<vmem_shared>>
      tpu.enqueue_dma source(%arg9 : memref<64x64xf32, #tpu.memory_space<vmem>>) target(%dma_start3A_87 : memref<64x64xf32, #tpu.memory_space<vmem_shared>>) target_semaphore(%run_scoped3A : memref<!tpu.dma_semaphore, #tpu.memory_space<semaphore_mem>>)
      %dma_wait3A = arith.constant 0 : i32
      %dma_wait3A_88 = tpu.memref_slice %arg10[%add3A_19, %dma_wait3A] : memref<10240x64xf32, #tpu.memory_space<vmem_shared>> -> memref<64x64xf32, #tpu.memory_space<vmem_shared>>
      %dma_wait3A_89 = arith.constant 0 : i32
      %dma_wait3A_90 = tpu.memref_slice %arg10[%add3A_19, %dma_wait3A_89] : memref<10240x64xf32, #tpu.memory_space<vmem_shared>> -> memref<64x64xf32, #tpu.memory_space<vmem_shared>>
      tpu.wait_dma2 semaphore(%run_scoped3A : memref<!tpu.dma_semaphore, #tpu.memory_space<semaphore_mem>>) src(%arg9 : memref<64x64xf32, #tpu.memory_space<vmem>>) dst(%dma_wait3A_90 : memref<64x64xf32, #tpu.memory_space<vmem_shared>>)
      tpu.yield
    }) : () -> ()
    %add3A_20 = arith.constant 320 : i32
    %add3A_21 = arith.addi %mul3A_0, %add3A_20 : i32
    "tpu.region"() ({
      %run_scoped3A = tpu.sem_alloc : memref<!tpu.dma_semaphore, #tpu.memory_space<semaphore_mem>>
      %dma_start3A_84 = arith.constant 0 : i32
      %dma_start3A_85 = tpu.memref_slice %arg10[%add3A_21, %dma_start3A_84] : memref<10240x64xf32, #tpu.memory_space<vmem_shared>> -> memref<64x64xf32, #tpu.memory_space<vmem_shared>>
      %dma_start3A_86 = arith.constant 0 : i32
      %dma_start3A_87 = tpu.memref_slice %arg10[%add3A_21, %dma_start3A_86] : memref<10240x64xf32, #tpu.memory_space<vmem_shared>> -> memref<64x64xf32, #tpu.memory_space<vmem_shared>>
      tpu.enqueue_dma source(%arg9 : memref<64x64xf32, #tpu.memory_space<vmem>>) target(%dma_start3A_87 : memref<64x64xf32, #tpu.memory_space<vmem_shared>>) target_semaphore(%run_scoped3A : memref<!tpu.dma_semaphore, #tpu.memory_space<semaphore_mem>>)
      %dma_wait3A = arith.constant 0 : i32
      %dma_wait3A_88 = tpu.memref_slice %arg10[%add3A_21, %dma_wait3A] : memref<10240x64xf32, #tpu.memory_space<vmem_shared>> -> memref<64x64xf32, #tpu.memory_space<vmem_shared>>
      %dma_wait3A_89 = arith.constant 0 : i32
      %dma_wait3A_90 = tpu.memref_slice %arg10[%add3A_21, %dma_wait3A_89] : memref<10240x64xf32, #tpu.memory_space<vmem_shared>> -> memref<64x64xf32, #tpu.memory_space<vmem_shared>>
      tpu.wait_dma2 semaphore(%run_scoped3A : memref<!tpu.dma_semaphore, #tpu.memory_space<semaphore_mem>>) src(%arg9 : memref<64x64xf32, #tpu.memory_space<vmem>>) dst(%dma_wait3A_90 : memref<64x64xf32, #tpu.memory_space<vmem_shared>>)
      tpu.yield
    }) : () -> ()
    %add3A_22 = arith.constant 384 : i32
    %add3A_23 = arith.addi %mul3A_0, %add3A_22 : i32
    "tpu.region"() ({
      %run_scoped3A = tpu.sem_alloc : memref<!tpu.dma_semaphore, #tpu.memory_space<semaphore_mem>>
      %dma_start3A_84 = arith.constant 0 : i32
      %dma_start3A_85 = tpu.memref_slice %arg10[%add3A_23, %dma_start3A_84] : memref<10240x64xf32, #tpu.memory_space<vmem_shared>> -> memref<64x64xf32, #tpu.memory_space<vmem_shared>>
      %dma_start3A_86 = arith.constant 0 : i32
      %dma_start3A_87 = tpu.memref_slice %arg10[%add3A_23, %dma_start3A_86] : memref<10240x64xf32, #tpu.memory_space<vmem_shared>> -> memref<64x64xf32, #tpu.memory_space<vmem_shared>>
      tpu.enqueue_dma source(%arg9 : memref<64x64xf32, #tpu.memory_space<vmem>>) target(%dma_start3A_87 : memref<64x64xf32, #tpu.memory_space<vmem_shared>>) target_semaphore(%run_scoped3A : memref<!tpu.dma_semaphore, #tpu.memory_space<semaphore_mem>>)
      %dma_wait3A = arith.constant 0 : i32
      %dma_wait3A_88 = tpu.memref_slice %arg10[%add3A_23, %dma_wait3A] : memref<10240x64xf32, #tpu.memory_space<vmem_shared>> -> memref<64x64xf32, #tpu.memory_space<vmem_shared>>
      %dma_wait3A_89 = arith.constant 0 : i32
      %dma_wait3A_90 = tpu.memref_slice %arg10[%add3A_23, %dma_wait3A_89] : memref<10240x64xf32, #tpu.memory_space<vmem_shared>> -> memref<64x64xf32, #tpu.memory_space<vmem_shared>>
      tpu.wait_dma2 semaphore(%run_scoped3A : memref<!tpu.dma_semaphore, #tpu.memory_space<semaphore_mem>>) src(%arg9 : memref<64x64xf32, #tpu.memory_space<vmem>>) dst(%dma_wait3A_90 : memref<64x64xf32, #tpu.memory_space<vmem_shared>>)
      tpu.yield
    }) : () -> ()
    %add3A_24 = arith.constant 448 : i32
    %add3A_25 = arith.addi %mul3A_0, %add3A_24 : i32
    "tpu.region"() ({
      %run_scoped3A = tpu.sem_alloc : memref<!tpu.dma_semaphore, #tpu.memory_space<semaphore_mem>>
      %dma_start3A_84 = arith.constant 0 : i32
      %dma_start3A_85 = tpu.memref_slice %arg10[%add3A_25, %dma_start3A_84] : memref<10240x64xf32, #tpu.memory_space<vmem_shared>> -> memref<64x64xf32, #tpu.memory_space<vmem_shared>>
      %dma_start3A_86 = arith.constant 0 : i32
      %dma_start3A_87 = tpu.memref_slice %arg10[%add3A_25, %dma_start3A_86] : memref<10240x64xf32, #tpu.memory_space<vmem_shared>> -> memref<64x64xf32, #tpu.memory_space<vmem_shared>>
      tpu.enqueue_dma source(%arg9 : memref<64x64xf32, #tpu.memory_space<vmem>>) target(%dma_start3A_87 : memref<64x64xf32, #tpu.memory_space<vmem_shared>>) target_semaphore(%run_scoped3A : memref<!tpu.dma_semaphore, #tpu.memory_space<semaphore_mem>>)
      %dma_wait3A = arith.constant 0 : i32
      %dma_wait3A_88 = tpu.memref_slice %arg10[%add3A_25, %dma_wait3A] : memref<10240x64xf32, #tpu.memory_space<vmem_shared>> -> memref<64x64xf32, #tpu.memory_space<vmem_shared>>
      %dma_wait3A_89 = arith.constant 0 : i32
      %dma_wait3A_90 = tpu.memref_slice %arg10[%add3A_25, %dma_wait3A_89] : memref<10240x64xf32, #tpu.memory_space<vmem_shared>> -> memref<64x64xf32, #tpu.memory_space<vmem_shared>>
      tpu.wait_dma2 semaphore(%run_scoped3A : memref<!tpu.dma_semaphore, #tpu.memory_space<semaphore_mem>>) src(%arg9 : memref<64x64xf32, #tpu.memory_space<vmem>>) dst(%dma_wait3A_90 : memref<64x64xf32, #tpu.memory_space<vmem_shared>>)
      tpu.yield
    }) : () -> ()
    %add3A_26 = arith.constant 512 : i32
    %add3A_27 = arith.addi %mul3A_0, %add3A_26 : i32
    "tpu.region"() ({
      %run_scoped3A = tpu.sem_alloc : memref<!tpu.dma_semaphore, #tpu.memory_space<semaphore_mem>>
      %dma_start3A_84 = arith.constant 0 : i32
      %dma_start3A_85 = tpu.memref_slice %arg10[%add3A_27, %dma_start3A_84] : memref<10240x64xf32, #tpu.memory_space<vmem_shared>> -> memref<64x64xf32, #tpu.memory_space<vmem_shared>>
      %dma_start3A_86 = arith.constant 0 : i32
      %dma_start3A_87 = tpu.memref_slice %arg10[%add3A_27, %dma_start3A_86] : memref<10240x64xf32, #tpu.memory_space<vmem_shared>> -> memref<64x64xf32, #tpu.memory_space<vmem_shared>>
      tpu.enqueue_dma source(%arg9 : memref<64x64xf32, #tpu.memory_space<vmem>>) target(%dma_start3A_87 : memref<64x64xf32, #tpu.memory_space<vmem_shared>>) target_semaphore(%run_scoped3A : memref<!tpu.dma_semaphore, #tpu.memory_space<semaphore_mem>>)
      %dma_wait3A = arith.constant 0 : i32
      %dma_wait3A_88 = tpu.memref_slice %arg10[%add3A_27, %dma_wait3A] : memref<10240x64xf32, #tpu.memory_space<vmem_shared>> -> memref<64x64xf32, #tpu.memory_space<vmem_shared>>
      %dma_wait3A_89 = arith.constant 0 : i32
      %dma_wait3A_90 = tpu.memref_slice %arg10[%add3A_27, %dma_wait3A_89] : memref<10240x64xf32, #tpu.memory_space<vmem_shared>> -> memref<64x64xf32, #tpu.memory_space<vmem_shared>>
      tpu.wait_dma2 semaphore(%run_scoped3A : memref<!tpu.dma_semaphore, #tpu.memory_space<semaphore_mem>>) src(%arg9 : memref<64x64xf32, #tpu.memory_space<vmem>>) dst(%dma_wait3A_90 : memref<64x64xf32, #tpu.memory_space<vmem_shared>>)
      tpu.yield
    }) : () -> ()
    %add3A_28 = arith.constant 576 : i32
    %add3A_29 = arith.addi %mul3A_0, %add3A_28 : i32
    "tpu.region"() ({
      %run_scoped3A = tpu.sem_alloc : memref<!tpu.dma_semaphore, #tpu.memory_space<semaphore_mem>>
      %dma_start3A_84 = arith.constant 0 : i32
      %dma_start3A_85 = tpu.memref_slice %arg10[%add3A_29, %dma_start3A_84] : memref<10240x64xf32, #tpu.memory_space<vmem_shared>> -> memref<64x64xf32, #tpu.memory_space<vmem_shared>>
      %dma_start3A_86 = arith.constant 0 : i32
      %dma_start3A_87 = tpu.memref_slice %arg10[%add3A_29, %dma_start3A_86] : memref<10240x64xf32, #tpu.memory_space<vmem_shared>> -> memref<64x64xf32, #tpu.memory_space<vmem_shared>>
      tpu.enqueue_dma source(%arg9 : memref<64x64xf32, #tpu.memory_space<vmem>>) target(%dma_start3A_87 : memref<64x64xf32, #tpu.memory_space<vmem_shared>>) target_semaphore(%run_scoped3A : memref<!tpu.dma_semaphore, #tpu.memory_space<semaphore_mem>>)
      %dma_wait3A = arith.constant 0 : i32
      %dma_wait3A_88 = tpu.memref_slice %arg10[%add3A_29, %dma_wait3A] : memref<10240x64xf32, #tpu.memory_space<vmem_shared>> -> memref<64x64xf32, #tpu.memory_space<vmem_shared>>
      %dma_wait3A_89 = arith.constant 0 : i32
      %dma_wait3A_90 = tpu.memref_slice %arg10[%add3A_29, %dma_wait3A_89] : memref<10240x64xf32, #tpu.memory_space<vmem_shared>> -> memref<64x64xf32, #tpu.memory_space<vmem_shared>>
      tpu.wait_dma2 semaphore(%run_scoped3A : memref<!tpu.dma_semaphore, #tpu.memory_space<semaphore_mem>>) src(%arg9 : memref<64x64xf32, #tpu.memory_space<vmem>>) dst(%dma_wait3A_90 : memref<64x64xf32, #tpu.memory_space<vmem_shared>>)
      tpu.yield
    }) : () -> ()
    %barrier3A = arith.constant 0 : index
    tpu.barrier barrier_id(%barrier3A)
    %dma_start3A = arith.constant 0 : i32
    %dma_start3A_30 = arith.constant 0 : i32
    %dma_start3A_31 = arith.constant 0 : i32
    %dma_start3A_32 = arith.constant 0 : i32
    %dma_start3A_33 = tpu.memref_slice %arg8[%dma_start3A_30, %dma_start3A_31, %dma_start3A_32] : memref<4x125x64xf32, #tpu.memory_space<vmem>> -> memref<1x125x64xf32, #tpu.memory_space<vmem>>
    %dma_start3A_34 = tpu.memref_squeeze %dma_start3A_33 : memref<1x125x64xf32, #tpu.memory_space<vmem>> -> memref<125x64xf32, #tpu.memory_space<vmem>>
    %dma_start3A_35 = arith.constant 0 : i32
    %dma_start3A_36 = tpu.memref_slice %arg6[%dma_start3A, %dma_start3A_35] : memref<80x125xi32, #tpu.memory_space<vmem>> -> memref<1x125xi32, #tpu.memory_space<vmem>>
    %dma_start3A_37 = tpu.memref_squeeze %dma_start3A_36 : memref<1x125xi32, #tpu.memory_space<vmem>> -> memref<125xi32, #tpu.memory_space<vmem>>
    %dma_start3A_38 = arith.constant 0 : i32
    %dma_start3A_39 = arith.constant 0 : i32
    %dma_start3A_40 = tpu.memref_slice %arg2[%dma_start3A_38, %dma_start3A_39] : memref<10000x64xf32, #tpu.memory_space<hbm>> -> memref<10000x64xf32, #tpu.memory_space<hbm>>
    tpu.enqueue_indirect_dma source(%dma_start3A_40 : memref<10000x64xf32, #tpu.memory_space<hbm>>) target(%dma_start3A_34 : memref<125x64xf32, #tpu.memory_space<vmem>>) offsets(%dma_start3A_37 : memref<125xi32, #tpu.memory_space<vmem>>) semaphore(%arg11 : memref<!tpu.dma_semaphore, #tpu.memory_space<semaphore_mem>>)
    %dma_start3A_41 = arith.constant 1 : i32
    %dma_start3A_42 = arith.constant 1 : i32
    %dma_start3A_43 = arith.constant 0 : i32
    %dma_start3A_44 = arith.constant 0 : i32
    %dma_start3A_45 = tpu.memref_slice %arg8[%dma_start3A_42, %dma_start3A_43, %dma_start3A_44] : memref<4x125x64xf32, #tpu.memory_space<vmem>> -> memref<1x125x64xf32, #tpu.memory_space<vmem>>
    %dma_start3A_46 = tpu.memref_squeeze %dma_start3A_45 : memref<1x125x64xf32, #tpu.memory_space<vmem>> -> memref<125x64xf32, #tpu.memory_space<vmem>>
    %dma_start3A_47 = arith.constant 0 : i32
    %dma_start3A_48 = tpu.memref_slice %arg6[%dma_start3A_41, %dma_start3A_47] : memref<80x125xi32, #tpu.memory_space<vmem>> -> memref<1x125xi32, #tpu.memory_space<vmem>>
    %dma_start3A_49 = tpu.memref_squeeze %dma_start3A_48 : memref<1x125xi32, #tpu.memory_space<vmem>> -> memref<125xi32, #tpu.memory_space<vmem>>
    %dma_start3A_50 = arith.constant 0 : i32
    %dma_start3A_51 = arith.constant 0 : i32
    %dma_start3A_52 = tpu.memref_slice %arg2[%dma_start3A_50, %dma_start3A_51] : memref<10000x64xf32, #tpu.memory_space<hbm>> -> memref<10000x64xf32, #tpu.memory_space<hbm>>
    tpu.enqueue_indirect_dma source(%dma_start3A_52 : memref<10000x64xf32, #tpu.memory_space<hbm>>) target(%dma_start3A_46 : memref<125x64xf32, #tpu.memory_space<vmem>>) offsets(%dma_start3A_49 : memref<125xi32, #tpu.memory_space<vmem>>) semaphore(%arg12 : memref<!tpu.dma_semaphore, #tpu.memory_space<semaphore_mem>>)
    %dma_start3A_53 = arith.constant 2 : i32
    %dma_start3A_54 = arith.constant 2 : i32
    %dma_start3A_55 = arith.constant 0 : i32
    %dma_start3A_56 = arith.constant 0 : i32
    %dma_start3A_57 = tpu.memref_slice %arg8[%dma_start3A_54, %dma_start3A_55, %dma_start3A_56] : memref<4x125x64xf32, #tpu.memory_space<vmem>> -> memref<1x125x64xf32, #tpu.memory_space<vmem>>
    %dma_start3A_58 = tpu.memref_squeeze %dma_start3A_57 : memref<1x125x64xf32, #tpu.memory_space<vmem>> -> memref<125x64xf32, #tpu.memory_space<vmem>>
    %dma_start3A_59 = arith.constant 0 : i32
    %dma_start3A_60 = tpu.memref_slice %arg6[%dma_start3A_53, %dma_start3A_59] : memref<80x125xi32, #tpu.memory_space<vmem>> -> memref<1x125xi32, #tpu.memory_space<vmem>>
    %dma_start3A_61 = tpu.memref_squeeze %dma_start3A_60 : memref<1x125xi32, #tpu.memory_space<vmem>> -> memref<125xi32, #tpu.memory_space<vmem>>
    %dma_start3A_62 = arith.constant 0 : i32
    %dma_start3A_63 = arith.constant 0 : i32
    %dma_start3A_64 = tpu.memref_slice %arg2[%dma_start3A_62, %dma_start3A_63] : memref<10000x64xf32, #tpu.memory_space<hbm>> -> memref<10000x64xf32, #tpu.memory_space<hbm>>
    tpu.enqueue_indirect_dma source(%dma_start3A_64 : memref<10000x64xf32, #tpu.memory_space<hbm>>) target(%dma_start3A_58 : memref<125x64xf32, #tpu.memory_space<vmem>>) offsets(%dma_start3A_61 : memref<125xi32, #tpu.memory_space<vmem>>) semaphore(%arg13 : memref<!tpu.dma_semaphore, #tpu.memory_space<semaphore_mem>>)
    %dma_start3A_65 = arith.constant 3 : i32
    %dma_start3A_66 = arith.constant 3 : i32
    %dma_start3A_67 = arith.constant 0 : i32
    %dma_start3A_68 = arith.constant 0 : i32
    %dma_start3A_69 = tpu.memref_slice %arg8[%dma_start3A_66, %dma_start3A_67, %dma_start3A_68] : memref<4x125x64xf32, #tpu.memory_space<vmem>> -> memref<1x125x64xf32, #tpu.memory_space<vmem>>
    %dma_start3A_70 = tpu.memref_squeeze %dma_start3A_69 : memref<1x125x64xf32, #tpu.memory_space<vmem>> -> memref<125x64xf32, #tpu.memory_space<vmem>>
    %dma_start3A_71 = arith.constant 0 : i32
    %dma_start3A_72 = tpu.memref_slice %arg6[%dma_start3A_65, %dma_start3A_71] : memref<80x125xi32, #tpu.memory_space<vmem>> -> memref<1x125xi32, #tpu.memory_space<vmem>>
    %dma_start3A_73 = tpu.memref_squeeze %dma_start3A_72 : memref<1x125xi32, #tpu.memory_space<vmem>> -> memref<125xi32, #tpu.memory_space<vmem>>
    %dma_start3A_74 = arith.constant 0 : i32
    %dma_start3A_75 = arith.constant 0 : i32
    %dma_start3A_76 = tpu.memref_slice %arg2[%dma_start3A_74, %dma_start3A_75] : memref<10000x64xf32, #tpu.memory_space<hbm>> -> memref<10000x64xf32, #tpu.memory_space<hbm>>
    tpu.enqueue_indirect_dma source(%dma_start3A_76 : memref<10000x64xf32, #tpu.memory_space<hbm>>) target(%dma_start3A_70 : memref<125x64xf32, #tpu.memory_space<vmem>>) offsets(%dma_start3A_73 : memref<125xi32, #tpu.memory_space<vmem>>) semaphore(%arg14 : memref<!tpu.dma_semaphore, #tpu.memory_space<semaphore_mem>>)
    %scan3A_77 = arith.constant 0 : i32
    %scan3A_78 = arith.constant 0 : i32
    %scan3A_79 = arith.constant 20 : i32
    %scan3A_80 = arith.addi %scan3A_78, %scan3A_79 : i32
    %scan3A_81 = arith.constant 1 : i32
    scf.for %scan3A_84 = %scan3A_78 to %scan3A_80 step %scan3A_81  : i32 {
      %mul3A_85 = arith.constant 4 : i32
      %mul3A_86 = arith.muli %mul3A_85, %scan3A_84 : i32
      %dma_wait3A = arith.constant 0 : i32
      %dma_wait3A_87 = arith.constant 0 : i32
      %dma_wait3A_88 = arith.constant 0 : i32
      %dma_wait3A_89 = arith.constant 0 : i32
      %dma_wait3A_90 = tpu.memref_slice %arg8[%dma_wait3A_87, %dma_wait3A_88, %dma_wait3A_89] : memref<4x125x64xf32, #tpu.memory_space<vmem>> -> memref<1x125x64xf32, #tpu.memory_space<vmem>>
      %dma_wait3A_91 = tpu.memref_squeeze %dma_wait3A_90 : memref<1x125x64xf32, #tpu.memory_space<vmem>> -> memref<125x64xf32, #tpu.memory_space<vmem>>
      %dma_wait3A_92 = arith.constant 0 : i32
      %dma_wait3A_93 = tpu.memref_slice %arg6[%dma_wait3A, %dma_wait3A_92] : memref<80x125xi32, #tpu.memory_space<vmem>> -> memref<1x125xi32, #tpu.memory_space<vmem>>
      %dma_wait3A_94 = tpu.memref_squeeze %dma_wait3A_93 : memref<1x125xi32, #tpu.memory_space<vmem>> -> memref<125xi32, #tpu.memory_space<vmem>>
      %dma_wait3A_95 = arith.constant 0 : i32
      %dma_wait3A_96 = arith.constant 0 : i32
      %dma_wait3A_97 = tpu.memref_slice %arg2[%dma_wait3A_95, %dma_wait3A_96] : memref<10000x64xf32, #tpu.memory_space<hbm>> -> memref<10000x64xf32, #tpu.memory_space<hbm>>
      tpu.wait_indirect_dma semaphore(%arg11 : memref<!tpu.dma_semaphore, #tpu.memory_space<semaphore_mem>>) src(%dma_wait3A_97 : memref<10000x64xf32, #tpu.memory_space<hbm>>) dst(%dma_wait3A_91 : memref<125x64xf32, #tpu.memory_space<vmem>>)
      %add3A_98 = arith.constant 0 : i32
      %add3A_99 = arith.addi %mul3A_86, %add3A_98 : i32
      %dma_start3A_100 = arith.constant 0 : i32
      %dma_start3A_101 = arith.constant 0 : i32
      %dma_start3A_102 = arith.constant 0 : i32
      %dma_start3A_103 = tpu.memref_slice %arg8[%dma_start3A_100, %dma_start3A_101, %dma_start3A_102] : memref<4x125x64xf32, #tpu.memory_space<vmem>> -> memref<1x125x64xf32, #tpu.memory_space<vmem>>
      %dma_start3A_104 = tpu.memref_squeeze %dma_start3A_103 : memref<1x125x64xf32, #tpu.memory_space<vmem>> -> memref<125x64xf32, #tpu.memory_space<vmem>>
      %dma_start3A_105 = arith.constant 0 : i32
      %dma_start3A_106 = tpu.memref_slice %arg7[%add3A_99, %dma_start3A_105] : memref<80x125xi32, #tpu.memory_space<vmem>> -> memref<1x125xi32, #tpu.memory_space<vmem>>
      %dma_start3A_107 = tpu.memref_squeeze %dma_start3A_106 : memref<1x125xi32, #tpu.memory_space<vmem>> -> memref<125xi32, #tpu.memory_space<vmem>>
      %dma_start3A_108 = arith.constant 0 : i32
      %dma_start3A_109 = arith.constant 0 : i32
      %dma_start3A_110 = tpu.memref_slice %arg10[%dma_start3A_108, %dma_start3A_109] : memref<10240x64xf32, #tpu.memory_space<vmem_shared>> -> memref<10240x64xf32, #tpu.memory_space<vmem_shared>>
      tpu.enqueue_indirect_dma source(%dma_start3A_104 : memref<125x64xf32, #tpu.memory_space<vmem>>) target(%dma_start3A_110 : memref<10240x64xf32, #tpu.memory_space<vmem_shared>>) offsets(%dma_start3A_107 : memref<125xi32, #tpu.memory_space<vmem>>) semaphore(%arg15 : memref<!tpu.dma_semaphore, #tpu.memory_space<semaphore_mem>>) {add = true}
      %dma_wait3A_111 = arith.constant 0 : i32
      %dma_wait3A_112 = arith.constant 1 : i32
      %dma_wait3A_113 = arith.constant 0 : i32
      %dma_wait3A_114 = arith.constant 0 : i32
      %dma_wait3A_115 = tpu.memref_slice %arg8[%dma_wait3A_112, %dma_wait3A_113, %dma_wait3A_114] : memref<4x125x64xf32, #tpu.memory_space<vmem>> -> memref<1x125x64xf32, #tpu.memory_space<vmem>>
      %dma_wait3A_116 = tpu.memref_squeeze %dma_wait3A_115 : memref<1x125x64xf32, #tpu.memory_space<vmem>> -> memref<125x64xf32, #tpu.memory_space<vmem>>
      %dma_wait3A_117 = arith.constant 0 : i32
      %dma_wait3A_118 = tpu.memref_slice %arg6[%dma_wait3A_111, %dma_wait3A_117] : memref<80x125xi32, #tpu.memory_space<vmem>> -> memref<1x125xi32, #tpu.memory_space<vmem>>
      %dma_wait3A_119 = tpu.memref_squeeze %dma_wait3A_118 : memref<1x125xi32, #tpu.memory_space<vmem>> -> memref<125xi32, #tpu.memory_space<vmem>>
      %dma_wait3A_120 = arith.constant 0 : i32
      %dma_wait3A_121 = arith.constant 0 : i32
      %dma_wait3A_122 = tpu.memref_slice %arg2[%dma_wait3A_120, %dma_wait3A_121] : memref<10000x64xf32, #tpu.memory_space<hbm>> -> memref<10000x64xf32, #tpu.memory_space<hbm>>
      tpu.wait_indirect_dma semaphore(%arg12 : memref<!tpu.dma_semaphore, #tpu.memory_space<semaphore_mem>>) src(%dma_wait3A_122 : memref<10000x64xf32, #tpu.memory_space<hbm>>) dst(%dma_wait3A_116 : memref<125x64xf32, #tpu.memory_space<vmem>>)
      %add3A_123 = arith.constant 1 : i32
      %add3A_124 = arith.addi %mul3A_86, %add3A_123 : i32
      %dma_start3A_125 = arith.constant 1 : i32
      %dma_start3A_126 = arith.constant 0 : i32
      %dma_start3A_127 = arith.constant 0 : i32
      %dma_start3A_128 = tpu.memref_slice %arg8[%dma_start3A_125, %dma_start3A_126, %dma_start3A_127] : memref<4x125x64xf32, #tpu.memory_space<vmem>> -> memref<1x125x64xf32, #tpu.memory_space<vmem>>
      %dma_start3A_129 = tpu.memref_squeeze %dma_start3A_128 : memref<1x125x64xf32, #tpu.memory_space<vmem>> -> memref<125x64xf32, #tpu.memory_space<vmem>>
      %dma_start3A_130 = arith.constant 0 : i32
      %dma_start3A_131 = tpu.memref_slice %arg7[%add3A_124, %dma_start3A_130] : memref<80x125xi32, #tpu.memory_space<vmem>> -> memref<1x125xi32, #tpu.memory_space<vmem>>
      %dma_start3A_132 = tpu.memref_squeeze %dma_start3A_131 : memref<1x125xi32, #tpu.memory_space<vmem>> -> memref<125xi32, #tpu.memory_space<vmem>>
      %dma_start3A_133 = arith.constant 0 : i32
      %dma_start3A_134 = arith.constant 0 : i32
      %dma_start3A_135 = tpu.memref_slice %arg10[%dma_start3A_133, %dma_start3A_134] : memref<10240x64xf32, #tpu.memory_space<vmem_shared>> -> memref<10240x64xf32, #tpu.memory_space<vmem_shared>>
      tpu.enqueue_indirect_dma source(%dma_start3A_129 : memref<125x64xf32, #tpu.memory_space<vmem>>) target(%dma_start3A_135 : memref<10240x64xf32, #tpu.memory_space<vmem_shared>>) offsets(%dma_start3A_132 : memref<125xi32, #tpu.memory_space<vmem>>) semaphore(%arg16 : memref<!tpu.dma_semaphore, #tpu.memory_space<semaphore_mem>>) {add = true}
      %dma_wait3A_136 = arith.constant 0 : i32
      %dma_wait3A_137 = arith.constant 2 : i32
      %dma_wait3A_138 = arith.constant 0 : i32
      %dma_wait3A_139 = arith.constant 0 : i32
      %dma_wait3A_140 = tpu.memref_slice %arg8[%dma_wait3A_137, %dma_wait3A_138, %dma_wait3A_139] : memref<4x125x64xf32, #tpu.memory_space<vmem>> -> memref<1x125x64xf32, #tpu.memory_space<vmem>>
      %dma_wait3A_141 = tpu.memref_squeeze %dma_wait3A_140 : memref<1x125x64xf32, #tpu.memory_space<vmem>> -> memref<125x64xf32, #tpu.memory_space<vmem>>
      %dma_wait3A_142 = arith.constant 0 : i32
      %dma_wait3A_143 = tpu.memref_slice %arg6[%dma_wait3A_136, %dma_wait3A_142] : memref<80x125xi32, #tpu.memory_space<vmem>> -> memref<1x125xi32, #tpu.memory_space<vmem>>
      %dma_wait3A_144 = tpu.memref_squeeze %dma_wait3A_143 : memref<1x125xi32, #tpu.memory_space<vmem>> -> memref<125xi32, #tpu.memory_space<vmem>>
      %dma_wait3A_145 = arith.constant 0 : i32
      %dma_wait3A_146 = arith.constant 0 : i32
      %dma_wait3A_147 = tpu.memref_slice %arg2[%dma_wait3A_145, %dma_wait3A_146] : memref<10000x64xf32, #tpu.memory_space<hbm>> -> memref<10000x64xf32, #tpu.memory_space<hbm>>
      tpu.wait_indirect_dma semaphore(%arg13 : memref<!tpu.dma_semaphore, #tpu.memory_space<semaphore_mem>>) src(%dma_wait3A_147 : memref<10000x64xf32, #tpu.memory_space<hbm>>) dst(%dma_wait3A_141 : memref<125x64xf32, #tpu.memory_space<vmem>>)
      %add3A_148 = arith.constant 2 : i32
      %add3A_149 = arith.addi %mul3A_86, %add3A_148 : i32
      %dma_start3A_150 = arith.constant 2 : i32
      %dma_start3A_151 = arith.constant 0 : i32
      %dma_start3A_152 = arith.constant 0 : i32
      %dma_start3A_153 = tpu.memref_slice %arg8[%dma_start3A_150, %dma_start3A_151, %dma_start3A_152] : memref<4x125x64xf32, #tpu.memory_space<vmem>> -> memref<1x125x64xf32, #tpu.memory_space<vmem>>
      %dma_start3A_154 = tpu.memref_squeeze %dma_start3A_153 : memref<1x125x64xf32, #tpu.memory_space<vmem>> -> memref<125x64xf32, #tpu.memory_space<vmem>>
      %dma_start3A_155 = arith.constant 0 : i32
      %dma_start3A_156 = tpu.memref_slice %arg7[%add3A_149, %dma_start3A_155] : memref<80x125xi32, #tpu.memory_space<vmem>> -> memref<1x125xi32, #tpu.memory_space<vmem>>
      %dma_start3A_157 = tpu.memref_squeeze %dma_start3A_156 : memref<1x125xi32, #tpu.memory_space<vmem>> -> memref<125xi32, #tpu.memory_space<vmem>>
      %dma_start3A_158 = arith.constant 0 : i32
      %dma_start3A_159 = arith.constant 0 : i32
      %dma_start3A_160 = tpu.memref_slice %arg10[%dma_start3A_158, %dma_start3A_159] : memref<10240x64xf32, #tpu.memory_space<vmem_shared>> -> memref<10240x64xf32, #tpu.memory_space<vmem_shared>>
      tpu.enqueue_indirect_dma source(%dma_start3A_154 : memref<125x64xf32, #tpu.memory_space<vmem>>) target(%dma_start3A_160 : memref<10240x64xf32, #tpu.memory_space<vmem_shared>>) offsets(%dma_start3A_157 : memref<125xi32, #tpu.memory_space<vmem>>) semaphore(%arg17 : memref<!tpu.dma_semaphore, #tpu.memory_space<semaphore_mem>>) {add = true}
      %dma_wait3A_161 = arith.constant 0 : i32
      %dma_wait3A_162 = arith.constant 3 : i32
      %dma_wait3A_163 = arith.constant 0 : i32
      %dma_wait3A_164 = arith.constant 0 : i32
      %dma_wait3A_165 = tpu.memref_slice %arg8[%dma_wait3A_162, %dma_wait3A_163, %dma_wait3A_164] : memref<4x125x64xf32, #tpu.memory_space<vmem>> -> memref<1x125x64xf32, #tpu.memory_space<vmem>>
      %dma_wait3A_166 = tpu.memref_squeeze %dma_wait3A_165 : memref<1x125x64xf32, #tpu.memory_space<vmem>> -> memref<125x64xf32, #tpu.memory_space<vmem>>
      %dma_wait3A_167 = arith.constant 0 : i32
      %dma_wait3A_168 = tpu.memref_slice %arg6[%dma_wait3A_161, %dma_wait3A_167] : memref<80x125xi32, #tpu.memory_space<vmem>> -> memref<1x125xi32, #tpu.memory_space<vmem>>
      %dma_wait3A_169 = tpu.memref_squeeze %dma_wait3A_168 : memref<1x125xi32, #tpu.memory_space<vmem>> -> memref<125xi32, #tpu.memory_space<vmem>>
      %dma_wait3A_170 = arith.constant 0 : i32
      %dma_wait3A_171 = arith.constant 0 : i32
      %dma_wait3A_172 = tpu.memref_slice %arg2[%dma_wait3A_170, %dma_wait3A_171] : memref<10000x64xf32, #tpu.memory_space<hbm>> -> memref<10000x64xf32, #tpu.memory_space<hbm>>
      tpu.wait_indirect_dma semaphore(%arg14 : memref<!tpu.dma_semaphore, #tpu.memory_space<semaphore_mem>>) src(%dma_wait3A_172 : memref<10000x64xf32, #tpu.memory_space<hbm>>) dst(%dma_wait3A_166 : memref<125x64xf32, #tpu.memory_space<vmem>>)
      %add3A_173 = arith.constant 3 : i32
      %add3A_174 = arith.addi %mul3A_86, %add3A_173 : i32
      %dma_start3A_175 = arith.constant 3 : i32
      %dma_start3A_176 = arith.constant 0 : i32
      %dma_start3A_177 = arith.constant 0 : i32
      %dma_start3A_178 = tpu.memref_slice %arg8[%dma_start3A_175, %dma_start3A_176, %dma_start3A_177] : memref<4x125x64xf32, #tpu.memory_space<vmem>> -> memref<1x125x64xf32, #tpu.memory_space<vmem>>
      %dma_start3A_179 = tpu.memref_squeeze %dma_start3A_178 : memref<1x125x64xf32, #tpu.memory_space<vmem>> -> memref<125x64xf32, #tpu.memory_space<vmem>>
      %dma_start3A_180 = arith.constant 0 : i32
      %dma_start3A_181 = tpu.memref_slice %arg7[%add3A_174, %dma_start3A_180] : memref<80x125xi32, #tpu.memory_space<vmem>> -> memref<1x125xi32, #tpu.memory_space<vmem>>
      %dma_start3A_182 = tpu.memref_squeeze %dma_start3A_181 : memref<1x125xi32, #tpu.memory_space<vmem>> -> memref<125xi32, #tpu.memory_space<vmem>>
      %dma_start3A_183 = arith.constant 0 : i32
      %dma_start3A_184 = arith.constant 0 : i32
      %dma_start3A_185 = tpu.memref_slice %arg10[%dma_start3A_183, %dma_start3A_184] : memref<10240x64xf32, #tpu.memory_space<vmem_shared>> -> memref<10240x64xf32, #tpu.memory_space<vmem_shared>>
      tpu.enqueue_indirect_dma source(%dma_start3A_179 : memref<125x64xf32, #tpu.memory_space<vmem>>) target(%dma_start3A_185 : memref<10240x64xf32, #tpu.memory_space<vmem_shared>>) offsets(%dma_start3A_182 : memref<125xi32, #tpu.memory_space<vmem>>) semaphore(%arg18 : memref<!tpu.dma_semaphore, #tpu.memory_space<semaphore_mem>>) {add = true}
      %dma_wait3A_186 = arith.constant 0 : i32
      %dma_wait3A_187 = arith.constant 0 : i32
      %dma_wait3A_188 = arith.constant 0 : i32
      %dma_wait3A_189 = arith.constant 0 : i32
      %dma_wait3A_190 = tpu.memref_slice %arg8[%dma_wait3A_186, %dma_wait3A_188, %dma_wait3A_189] : memref<4x125x64xf32, #tpu.memory_space<vmem>> -> memref<1x125x64xf32, #tpu.memory_space<vmem>>
      %dma_wait3A_191 = tpu.memref_squeeze %dma_wait3A_190 : memref<1x125x64xf32, #tpu.memory_space<vmem>> -> memref<125x64xf32, #tpu.memory_space<vmem>>
      %dma_wait3A_192 = arith.constant 0 : i32
      %dma_wait3A_193 = tpu.memref_slice %arg7[%dma_wait3A_187, %dma_wait3A_192] : memref<80x125xi32, #tpu.memory_space<vmem>> -> memref<1x125xi32, #tpu.memory_space<vmem>>
      %dma_wait3A_194 = tpu.memref_squeeze %dma_wait3A_193 : memref<1x125xi32, #tpu.memory_space<vmem>> -> memref<125xi32, #tpu.memory_space<vmem>>
      %dma_wait3A_195 = arith.constant 0 : i32
      %dma_wait3A_196 = arith.constant 0 : i32
      %dma_wait3A_197 = tpu.memref_slice %arg10[%dma_wait3A_195, %dma_wait3A_196] : memref<10240x64xf32, #tpu.memory_space<vmem_shared>> -> memref<10240x64xf32, #tpu.memory_space<vmem_shared>>
      tpu.wait_indirect_dma semaphore(%arg15 : memref<!tpu.dma_semaphore, #tpu.memory_space<semaphore_mem>>) src(%dma_wait3A_191 : memref<125x64xf32, #tpu.memory_space<vmem>>) dst(%dma_wait3A_197 : memref<10240x64xf32, #tpu.memory_space<vmem_shared>>)
      %add3A_198 = arith.constant 1 : i32
      %add3A_199 = arith.addi %scan3A_84, %add3A_198 : i32
      %lt3A = arith.constant 20 : i32
      %lt3A_200 = arith.cmpi slt, %add3A_199, %lt3A : i32
      %convert_element_type3A = arith.extui %lt3A_200 : i1 to i32
      %cond3A = arith.constant 0 : i32
      %cond3A_201 = arith.cmpi ne, %convert_element_type3A, %cond3A : i32
      scf.if %cond3A_201 {
        %add3A_259 = arith.constant 4 : i32
        %add3A_260 = arith.addi %mul3A_86, %add3A_259 : i32
        %add3A_261 = arith.constant 0 : i32
        %add3A_262 = arith.addi %add3A_260, %add3A_261 : i32
        %dma_start3A_263 = arith.constant 0 : i32
        %dma_start3A_264 = arith.constant 0 : i32
        %dma_start3A_265 = arith.constant 0 : i32
        %dma_start3A_266 = tpu.memref_slice %arg8[%dma_start3A_263, %dma_start3A_264, %dma_start3A_265] : memref<4x125x64xf32, #tpu.memory_space<vmem>> -> memref<1x125x64xf32, #tpu.memory_space<vmem>>
        %dma_start3A_267 = tpu.memref_squeeze %dma_start3A_266 : memref<1x125x64xf32, #tpu.memory_space<vmem>> -> memref<125x64xf32, #tpu.memory_space<vmem>>
        %dma_start3A_268 = arith.constant 0 : i32
        %dma_start3A_269 = tpu.memref_slice %arg6[%add3A_262, %dma_start3A_268] : memref<80x125xi32, #tpu.memory_space<vmem>> -> memref<1x125xi32, #tpu.memory_space<vmem>>
        %dma_start3A_270 = tpu.memref_squeeze %dma_start3A_269 : memref<1x125xi32, #tpu.memory_space<vmem>> -> memref<125xi32, #tpu.memory_space<vmem>>
        %dma_start3A_271 = arith.constant 0 : i32
        %dma_start3A_272 = arith.constant 0 : i32
        %dma_start3A_273 = tpu.memref_slice %arg2[%dma_start3A_271, %dma_start3A_272] : memref<10000x64xf32, #tpu.memory_space<hbm>> -> memref<10000x64xf32, #tpu.memory_space<hbm>>
        tpu.enqueue_indirect_dma source(%dma_start3A_273 : memref<10000x64xf32, #tpu.memory_space<hbm>>) target(%dma_start3A_267 : memref<125x64xf32, #tpu.memory_space<vmem>>) offsets(%dma_start3A_270 : memref<125xi32, #tpu.memory_space<vmem>>) semaphore(%arg11 : memref<!tpu.dma_semaphore, #tpu.memory_space<semaphore_mem>>)
      } else {
      }
      %dma_wait3A_202 = arith.constant 1 : i32
      %dma_wait3A_203 = arith.constant 0 : i32
      %dma_wait3A_204 = arith.constant 0 : i32
      %dma_wait3A_205 = arith.constant 0 : i32
      %dma_wait3A_206 = tpu.memref_slice %arg8[%dma_wait3A_202, %dma_wait3A_204, %dma_wait3A_205] : memref<4x125x64xf32, #tpu.memory_space<vmem>> -> memref<1x125x64xf32, #tpu.memory_space<vmem>>
      %dma_wait3A_207 = tpu.memref_squeeze %dma_wait3A_206 : memref<1x125x64xf32, #tpu.memory_space<vmem>> -> memref<125x64xf32, #tpu.memory_space<vmem>>
      %dma_wait3A_208 = arith.constant 0 : i32
      %dma_wait3A_209 = tpu.memref_slice %arg7[%dma_wait3A_203, %dma_wait3A_208] : memref<80x125xi32, #tpu.memory_space<vmem>> -> memref<1x125xi32, #tpu.memory_space<vmem>>
      %dma_wait3A_210 = tpu.memref_squeeze %dma_wait3A_209 : memref<1x125xi32, #tpu.memory_space<vmem>> -> memref<125xi32, #tpu.memory_space<vmem>>
      %dma_wait3A_211 = arith.constant 0 : i32
      %dma_wait3A_212 = arith.constant 0 : i32
      %dma_wait3A_213 = tpu.memref_slice %arg10[%dma_wait3A_211, %dma_wait3A_212] : memref<10240x64xf32, #tpu.memory_space<vmem_shared>> -> memref<10240x64xf32, #tpu.memory_space<vmem_shared>>
      tpu.wait_indirect_dma semaphore(%arg16 : memref<!tpu.dma_semaphore, #tpu.memory_space<semaphore_mem>>) src(%dma_wait3A_207 : memref<125x64xf32, #tpu.memory_space<vmem>>) dst(%dma_wait3A_213 : memref<10240x64xf32, #tpu.memory_space<vmem_shared>>)
      %add3A_214 = arith.constant 1 : i32
      %add3A_215 = arith.addi %scan3A_84, %add3A_214 : i32
      %lt3A_216 = arith.constant 20 : i32
      %lt3A_217 = arith.cmpi slt, %add3A_215, %lt3A_216 : i32
      %convert_element_type3A_218 = arith.extui %lt3A_217 : i1 to i32
      %cond3A_219 = arith.constant 0 : i32
      %cond3A_220 = arith.cmpi ne, %convert_element_type3A_218, %cond3A_219 : i32
      scf.if %cond3A_220 {
        %add3A_259 = arith.constant 4 : i32
        %add3A_260 = arith.addi %mul3A_86, %add3A_259 : i32
        %add3A_261 = arith.constant 1 : i32
        %add3A_262 = arith.addi %add3A_260, %add3A_261 : i32
        %dma_start3A_263 = arith.constant 1 : i32
        %dma_start3A_264 = arith.constant 0 : i32
        %dma_start3A_265 = arith.constant 0 : i32
        %dma_start3A_266 = tpu.memref_slice %arg8[%dma_start3A_263, %dma_start3A_264, %dma_start3A_265] : memref<4x125x64xf32, #tpu.memory_space<vmem>> -> memref<1x125x64xf32, #tpu.memory_space<vmem>>
        %dma_start3A_267 = tpu.memref_squeeze %dma_start3A_266 : memref<1x125x64xf32, #tpu.memory_space<vmem>> -> memref<125x64xf32, #tpu.memory_space<vmem>>
        %dma_start3A_268 = arith.constant 0 : i32
        %dma_start3A_269 = tpu.memref_slice %arg6[%add3A_262, %dma_start3A_268] : memref<80x125xi32, #tpu.memory_space<vmem>> -> memref<1x125xi32, #tpu.memory_space<vmem>>
        %dma_start3A_270 = tpu.memref_squeeze %dma_start3A_269 : memref<1x125xi32, #tpu.memory_space<vmem>> -> memref<125xi32, #tpu.memory_space<vmem>>
        %dma_start3A_271 = arith.constant 0 : i32
        %dma_start3A_272 = arith.constant 0 : i32
        %dma_start3A_273 = tpu.memref_slice %arg2[%dma_start3A_271, %dma_start3A_272] : memref<10000x64xf32, #tpu.memory_space<hbm>> -> memref<10000x64xf32, #tpu.memory_space<hbm>>
        tpu.enqueue_indirect_dma source(%dma_start3A_273 : memref<10000x64xf32, #tpu.memory_space<hbm>>) target(%dma_start3A_267 : memref<125x64xf32, #tpu.memory_space<vmem>>) offsets(%dma_start3A_270 : memref<125xi32, #tpu.memory_space<vmem>>) semaphore(%arg12 : memref<!tpu.dma_semaphore, #tpu.memory_space<semaphore_mem>>)
      } else {
      }
      %dma_wait3A_221 = arith.constant 2 : i32
      %dma_wait3A_222 = arith.constant 0 : i32
      %dma_wait3A_223 = arith.constant 0 : i32
      %dma_wait3A_224 = arith.constant 0 : i32
      %dma_wait3A_225 = tpu.memref_slice %arg8[%dma_wait3A_221, %dma_wait3A_223, %dma_wait3A_224] : memref<4x125x64xf32, #tpu.memory_space<vmem>> -> memref<1x125x64xf32, #tpu.memory_space<vmem>>
      %dma_wait3A_226 = tpu.memref_squeeze %dma_wait3A_225 : memref<1x125x64xf32, #tpu.memory_space<vmem>> -> memref<125x64xf32, #tpu.memory_space<vmem>>
      %dma_wait3A_227 = arith.constant 0 : i32
      %dma_wait3A_228 = tpu.memref_slice %arg7[%dma_wait3A_222, %dma_wait3A_227] : memref<80x125xi32, #tpu.memory_space<vmem>> -> memref<1x125xi32, #tpu.memory_space<vmem>>
      %dma_wait3A_229 = tpu.memref_squeeze %dma_wait3A_228 : memref<1x125xi32, #tpu.memory_space<vmem>> -> memref<125xi32, #tpu.memory_space<vmem>>
      %dma_wait3A_230 = arith.constant 0 : i32
      %dma_wait3A_231 = arith.constant 0 : i32
      %dma_wait3A_232 = tpu.memref_slice %arg10[%dma_wait3A_230, %dma_wait3A_231] : memref<10240x64xf32, #tpu.memory_space<vmem_shared>> -> memref<10240x64xf32, #tpu.memory_space<vmem_shared>>
      tpu.wait_indirect_dma semaphore(%arg17 : memref<!tpu.dma_semaphore, #tpu.memory_space<semaphore_mem>>) src(%dma_wait3A_226 : memref<125x64xf32, #tpu.memory_space<vmem>>) dst(%dma_wait3A_232 : memref<10240x64xf32, #tpu.memory_space<vmem_shared>>)
      %add3A_233 = arith.constant 1 : i32
      %add3A_234 = arith.addi %scan3A_84, %add3A_233 : i32
      %lt3A_235 = arith.constant 20 : i32
      %lt3A_236 = arith.cmpi slt, %add3A_234, %lt3A_235 : i32
      %convert_element_type3A_237 = arith.extui %lt3A_236 : i1 to i32
      %cond3A_238 = arith.constant 0 : i32
      %cond3A_239 = arith.cmpi ne, %convert_element_type3A_237, %cond3A_238 : i32
      scf.if %cond3A_239 {
        %add3A_259 = arith.constant 4 : i32
        %add3A_260 = arith.addi %mul3A_86, %add3A_259 : i32
        %add3A_261 = arith.constant 2 : i32
        %add3A_262 = arith.addi %add3A_260, %add3A_261 : i32
        %dma_start3A_263 = arith.constant 2 : i32
        %dma_start3A_264 = arith.constant 0 : i32
        %dma_start3A_265 = arith.constant 0 : i32
        %dma_start3A_266 = tpu.memref_slice %arg8[%dma_start3A_263, %dma_start3A_264, %dma_start3A_265] : memref<4x125x64xf32, #tpu.memory_space<vmem>> -> memref<1x125x64xf32, #tpu.memory_space<vmem>>
        %dma_start3A_267 = tpu.memref_squeeze %dma_start3A_266 : memref<1x125x64xf32, #tpu.memory_space<vmem>> -> memref<125x64xf32, #tpu.memory_space<vmem>>
        %dma_start3A_268 = arith.constant 0 : i32
        %dma_start3A_269 = tpu.memref_slice %arg6[%add3A_262, %dma_start3A_268] : memref<80x125xi32, #tpu.memory_space<vmem>> -> memref<1x125xi32, #tpu.memory_space<vmem>>
        %dma_start3A_270 = tpu.memref_squeeze %dma_start3A_269 : memref<1x125xi32, #tpu.memory_space<vmem>> -> memref<125xi32, #tpu.memory_space<vmem>>
        %dma_start3A_271 = arith.constant 0 : i32
        %dma_start3A_272 = arith.constant 0 : i32
        %dma_start3A_273 = tpu.memref_slice %arg2[%dma_start3A_271, %dma_start3A_272] : memref<10000x64xf32, #tpu.memory_space<hbm>> -> memref<10000x64xf32, #tpu.memory_space<hbm>>
        tpu.enqueue_indirect_dma source(%dma_start3A_273 : memref<10000x64xf32, #tpu.memory_space<hbm>>) target(%dma_start3A_267 : memref<125x64xf32, #tpu.memory_space<vmem>>) offsets(%dma_start3A_270 : memref<125xi32, #tpu.memory_space<vmem>>) semaphore(%arg13 : memref<!tpu.dma_semaphore, #tpu.memory_space<semaphore_mem>>)
      } else {
      }
      %dma_wait3A_240 = arith.constant 3 : i32
      %dma_wait3A_241 = arith.constant 0 : i32
      %dma_wait3A_242 = arith.constant 0 : i32
      %dma_wait3A_243 = arith.constant 0 : i32
      %dma_wait3A_244 = tpu.memref_slice %arg8[%dma_wait3A_240, %dma_wait3A_242, %dma_wait3A_243] : memref<4x125x64xf32, #tpu.memory_space<vmem>> -> memref<1x125x64xf32, #tpu.memory_space<vmem>>
      %dma_wait3A_245 = tpu.memref_squeeze %dma_wait3A_244 : memref<1x125x64xf32, #tpu.memory_space<vmem>> -> memref<125x64xf32, #tpu.memory_space<vmem>>
      %dma_wait3A_246 = arith.constant 0 : i32
      %dma_wait3A_247 = tpu.memref_slice %arg7[%dma_wait3A_241, %dma_wait3A_246] : memref<80x125xi32, #tpu.memory_space<vmem>> -> memref<1x125xi32, #tpu.memory_space<vmem>>
      %dma_wait3A_248 = tpu.memref_squeeze %dma_wait3A_247 : memref<1x125xi32, #tpu.memory_space<vmem>> -> memref<125xi32, #tpu.memory_space<vmem>>
      %dma_wait3A_249 = arith.constant 0 : i32
      %dma_wait3A_250 = arith.constant 0 : i32
      %dma_wait3A_251 = tpu.memref_slice %arg10[%dma_wait3A_249, %dma_wait3A_250] : memref<10240x64xf32, #tpu.memory_space<vmem_shared>> -> memref<10240x64xf32, #tpu.memory_space<vmem_shared>>
      tpu.wait_indirect_dma semaphore(%arg18 : memref<!tpu.dma_semaphore, #tpu.memory_space<semaphore_mem>>) src(%dma_wait3A_245 : memref<125x64xf32, #tpu.memory_space<vmem>>) dst(%dma_wait3A_251 : memref<10240x64xf32, #tpu.memory_space<vmem_shared>>)
      %add3A_252 = arith.constant 1 : i32
      %add3A_253 = arith.addi %scan3A_84, %add3A_252 : i32
      %lt3A_254 = arith.constant 20 : i32
      %lt3A_255 = arith.cmpi slt, %add3A_253, %lt3A_254 : i32
      %convert_element_type3A_256 = arith.extui %lt3A_255 : i1 to i32
      %cond3A_257 = arith.constant 0 : i32
      %cond3A_258 = arith.cmpi ne, %convert_element_type3A_256, %cond3A_257 : i32
      scf.if %cond3A_258 {
        %add3A_259 = arith.constant 4 : i32
        %add3A_260 = arith.addi %mul3A_86, %add3A_259 : i32
        %add3A_261 = arith.constant 3 : i32
        %add3A_262 = arith.addi %add3A_260, %add3A_261 : i32
        %dma_start3A_263 = arith.constant 3 : i32
        %dma_start3A_264 = arith.constant 0 : i32
        %dma_start3A_265 = arith.constant 0 : i32
        %dma_start3A_266 = tpu.memref_slice %arg8[%dma_start3A_263, %dma_start3A_264, %dma_start3A_265] : memref<4x125x64xf32, #tpu.memory_space<vmem>> -> memref<1x125x64xf32, #tpu.memory_space<vmem>>
        %dma_start3A_267 = tpu.memref_squeeze %dma_start3A_266 : memref<1x125x64xf32, #tpu.memory_space<vmem>> -> memref<125x64xf32, #tpu.memory_space<vmem>>
        %dma_start3A_268 = arith.constant 0 : i32
        %dma_start3A_269 = tpu.memref_slice %arg6[%add3A_262, %dma_start3A_268] : memref<80x125xi32, #tpu.memory_space<vmem>> -> memref<1x125xi32, #tpu.memory_space<vmem>>
        %dma_start3A_270 = tpu.memref_squeeze %dma_start3A_269 : memref<1x125xi32, #tpu.memory_space<vmem>> -> memref<125xi32, #tpu.memory_space<vmem>>
        %dma_start3A_271 = arith.constant 0 : i32
        %dma_start3A_272 = arith.constant 0 : i32
        %dma_start3A_273 = tpu.memref_slice %arg2[%dma_start3A_271, %dma_start3A_272] : memref<10000x64xf32, #tpu.memory_space<hbm>> -> memref<10000x64xf32, #tpu.memory_space<hbm>>
        tpu.enqueue_indirect_dma source(%dma_start3A_273 : memref<10000x64xf32, #tpu.memory_space<hbm>>) target(%dma_start3A_267 : memref<125x64xf32, #tpu.memory_space<vmem>>) offsets(%dma_start3A_270 : memref<125xi32, #tpu.memory_space<vmem>>) semaphore(%arg14 : memref<!tpu.dma_semaphore, #tpu.memory_space<semaphore_mem>>)
      } else {
      }
    }
    %scan3A_82 = arith.constant 20 : i32
    %barrier3A_83 = arith.constant 0 : index
    tpu.barrier barrier_id(%barrier3A_83)
    "tpu.region"() ({
      %run_scoped3A = tpu.sem_alloc : memref<!tpu.dma_semaphore, #tpu.memory_space<semaphore_mem>>
      %dma_start3A_84 = arith.constant 0 : i32
      %dma_start3A_85 = tpu.memref_slice %arg5[%arg0, %mul3A_0, %dma_start3A_84] : memref<2x10240x64xf32, #tpu.memory_space<hbm>> -> memref<1x640x64xf32, #tpu.memory_space<hbm>>
      %dma_start3A_86 = tpu.memref_squeeze %dma_start3A_85 : memref<1x640x64xf32, #tpu.memory_space<hbm>> -> memref<640x64xf32, #tpu.memory_space<hbm>>
      %dma_start3A_87 = arith.constant 0 : i32
      %dma_start3A_88 = tpu.memref_slice %arg10[%mul3A_0, %dma_start3A_87] : memref<10240x64xf32, #tpu.memory_space<vmem_shared>> -> memref<640x64xf32, #tpu.memory_space<vmem_shared>>
      tpu.enqueue_dma source(%dma_start3A_88 : memref<640x64xf32, #tpu.memory_space<vmem_shared>>) target(%dma_start3A_86 : memref<640x64xf32, #tpu.memory_space<hbm>>) target_semaphore(%run_scoped3A : memref<!tpu.dma_semaphore, #tpu.memory_space<semaphore_mem>>)
      %dma_wait3A = arith.constant 0 : i32
      %dma_wait3A_89 = tpu.memref_slice %arg5[%arg0, %mul3A_0, %dma_wait3A] : memref<2x10240x64xf32, #tpu.memory_space<hbm>> -> memref<1x640x64xf32, #tpu.memory_space<hbm>>
      %dma_wait3A_90 = tpu.memref_squeeze %dma_wait3A_89 : memref<1x640x64xf32, #tpu.memory_space<hbm>> -> memref<640x64xf32, #tpu.memory_space<hbm>>
      %dma_wait3A_91 = arith.constant 0 : i32
      %dma_wait3A_92 = tpu.memref_slice %arg10[%mul3A_0, %dma_wait3A_91] : memref<10240x64xf32, #tpu.memory_space<vmem_shared>> -> memref<640x64xf32, #tpu.memory_space<vmem_shared>>
      tpu.wait_dma2 semaphore(%run_scoped3A : memref<!tpu.dma_semaphore, #tpu.memory_space<semaphore_mem>>) src(%dma_wait3A_92 : memref<640x64xf32, #tpu.memory_space<vmem_shared>>) dst(%dma_wait3A_90 : memref<640x64xf32, #tpu.memory_space<hbm>>)
      tpu.yield
    }) : () -> ()
    return
  }
}

module attributes {stable_mosaic.version = 14 : i64} {
  func.func @body(%arg0: i32, %arg1: memref<2x2048xf32, #tpu.memory_space<vmem>>, %arg2: memref<2048x128xf32, #tpu.memory_space<vmem>>, %arg3: memref<128x128xf32, #tpu.memory_space<vmem>>, %arg4: memref<2048x64xf32, #tpu.memory_space<vmem>>, %arg5: memref<2048x64xf32, #tpu.memory_space<vmem>>, %arg6: memref<2048x1xf32, #tpu.memory_space<vmem>>) attributes {dimension_semantics = [#tpu.dimension_semantics<arbitrary>], iteration_bounds = array<i64: 5>, scalar_prefetch = 0 : i64, scratch_operands = 0 : i64, tpu.core_type = #tpu.core_type<tc>, window_params = [{transform_indices = @transform_0, window_bounds = array<i64: 2, 2048>}, {transform_indices = @transform_1, window_bounds = array<i64: 2048, 128>}, {pipeline_mode = #tpu.pipeline_mode<synchronous>, transform_indices = @transform_2, window_bounds = array<i64: 128, 128>}, {transform_indices = @transform_3, window_bounds = array<i64: 2048, 64>}, {transform_indices = @transform_4, window_bounds = array<i64: 2048, 64>}, {transform_indices = @transform_5, window_bounds = array<i64: 2048, 1>}]} {
    %get3A = arith.constant 0 : index
    %get3A_0 = arith.constant 0 : index
    %get3A_1 = vector.load %arg1[%get3A, %get3A_0] : memref<2x2048xf32, #tpu.memory_space<vmem>>, vector<1x2048xf32>
    %get3A_2 = vector.shape_cast %get3A_1 : vector<1x2048xf32> to vector<2048xf32>
    %get3A_3 = arith.constant 1 : index
    %get3A_4 = arith.constant 0 : index
    %get3A_5 = vector.load %arg1[%get3A_3, %get3A_4] : memref<2x2048xf32, #tpu.memory_space<vmem>>, vector<1x2048xf32>
    %get3A_6 = vector.shape_cast %get3A_5 : vector<1x2048xf32> to vector<2048xf32>
    %add3A = arith.addf %get3A_2, %get3A_6 : vector<2048xf32>
    %add3A_7 = arith.constant 1.000000e+00 : f32
    %add3A_8 = vector.broadcast %add3A_7 : f32 to vector<2048xf32>
    %add3A_9 = arith.addf %add3A, %add3A_8 : vector<2048xf32>
    %rsqrt3A = math.rsqrt %add3A_9 : vector<2048xf32>
    %get3A_10 = arith.constant 0 : index
    %get3A_11 = arith.constant 0 : index
    %get3A_12 = vector.load %arg2[%get3A_10, %get3A_11] : memref<2048x128xf32, #tpu.memory_space<vmem>>, vector<2048x128xf32>
    %get3A_13 = arith.constant 0 : index
    %get3A_14 = arith.constant 0 : index
    %get3A_15 = vector.load %arg3[%get3A_13, %get3A_14] : memref<128x128xf32, #tpu.memory_space<vmem>>, vector<128x128xf32>
    %dot_general3A = arith.constant dense<0.000000e+00> : vector<2048x128xf32>
    %dot_general3A_16 = tpu.matmul %get3A_12, %get3A_15, %dot_general3A {dimension_numbers = #tpu.dot_dimension_numbers<[1], [0], [0], [1], [0, 0, 1, 1], [], []>, transpose_lhs_hint = false} : vector<2048x128xf32>, vector<128x128xf32>, vector<2048x128xf32> -> vector<2048x128xf32>
    %broadcast_in_dim3A = vector.shape_cast %rsqrt3A : vector<2048xf32> to vector<2048x1xf32>
    %mul3A = vector.broadcast %broadcast_in_dim3A : vector<2048x1xf32> to vector<2048x128xf32>
    %mul3A_17 = arith.mulf %dot_general3A_16, %mul3A : vector<2048x128xf32>
    %slice3A = vector.extract_strided_slice %mul3A_17 {offsets = [0, 0], sizes = [2048, 64], strides = [1, 1]} : vector<2048x128xf32> to vector<2048x64xf32>
    %swap3A = arith.constant 0 : index
    %swap3A_18 = arith.constant 0 : index
    %swap3A_19 = vector.load %arg4[%swap3A, %swap3A_18] : memref<2048x64xf32, #tpu.memory_space<vmem>>, vector<2048x64xf32>
    tpu.vector_store %arg4[%swap3A, %swap3A_18], %slice3A {strides = array<i32>} : memref<2048x64xf32, #tpu.memory_space<vmem>>, vector<2048x64xf32>,
    %slice3A_20 = vector.extract_strided_slice %mul3A_17 {offsets = [0, 64], sizes = [2048, 64], strides = [1, 1]} : vector<2048x128xf32> to vector<2048x64xf32>
    %swap3A_21 = arith.constant 0 : index
    %swap3A_22 = arith.constant 0 : index
    %swap3A_23 = vector.load %arg5[%swap3A_21, %swap3A_22] : memref<2048x64xf32, #tpu.memory_space<vmem>>, vector<2048x64xf32>
    tpu.vector_store %arg5[%swap3A_21, %swap3A_22], %slice3A_20 {strides = array<i32>} : memref<2048x64xf32, #tpu.memory_space<vmem>>, vector<2048x64xf32>,
    %broadcast_in_dim3A_24 = vector.shape_cast %rsqrt3A : vector<2048xf32> to vector<2048x1xf32>
    %swap3A_25 = arith.constant 0 : index
    %swap3A_26 = arith.constant 0 : index
    %swap3A_27 = vector.load %arg6[%swap3A_25, %swap3A_26] : memref<2048x1xf32, #tpu.memory_space<vmem>>, vector<2048x1xf32>
    tpu.vector_store %arg6[%swap3A_25, %swap3A_26], %broadcast_in_dim3A_24 {strides = array<i32>} : memref<2048x1xf32, #tpu.memory_space<vmem>>, vector<2048x1xf32>,
    return
  }
  func.func @transform_0(%arg0: i32) -> (i32, i32) {
    %c0_i32 = arith.constant 0 : i32
    %c0_i32_0 = arith.constant 0 : i32
    return %c0_i32, %arg0 : i32, i32
  }
  func.func @transform_1(%arg0: i32) -> (i32, i32) {
    %c0_i32 = arith.constant 0 : i32
    %c0_i32_0 = arith.constant 0 : i32
    return %arg0, %c0_i32 : i32, i32
  }
  func.func @transform_2(%arg0: i32) -> (i32, i32) {
    %c0_i32 = arith.constant 0 : i32
    %c0_i32_0 = arith.constant 0 : i32
    %c0_i32_1 = arith.constant 0 : i32
    return %c0_i32, %c0_i32_0 : i32, i32
  }
  func.func @transform_3(%arg0: i32) -> (i32, i32) {
    %c0_i32 = arith.constant 0 : i32
    %c0_i32_0 = arith.constant 0 : i32
    return %arg0, %c0_i32 : i32, i32
  }
  func.func @transform_4(%arg0: i32) -> (i32, i32) {
    %c0_i32 = arith.constant 0 : i32
    %c0_i32_0 = arith.constant 0 : i32
    return %arg0, %c0_i32 : i32, i32
  }
  func.func @transform_5(%arg0: i32) -> (i32, i32) {
    %c0_i32 = arith.constant 0 : i32
    %c0_i32_0 = arith.constant 0 : i32
    return %arg0, %c0_i32 : i32, i32
  }
}

module attributes {stable_mosaic.version = 14 : i64} {
  func.func @body(%arg0: i32, %arg1: memref<2x2048x64xf32, #tpu.memory_space<vmem>>, %arg2: memref<2048x64xf32, #tpu.memory_space<vmem>>, %arg3: memref<2048x64xf32, #tpu.memory_space<vmem>>, %arg4: memref<2048x1xf32, #tpu.memory_space<vmem>>, %arg5: memref<2048x128xf32, #tpu.memory_space<vmem>>, %arg6: memref<1x128xf32, #tpu.memory_space<vmem>>, %arg7: memref<128x128xf32, #tpu.memory_space<vmem>>, %arg8: memref<2048x64xf32, #tpu.memory_space<vmem>>, %arg9: memref<2048x64xf32, #tpu.memory_space<vmem>>) attributes {dimension_semantics = [#tpu.dimension_semantics<arbitrary>], iteration_bounds = array<i64: 5>, scalar_prefetch = 0 : i64, scratch_operands = 0 : i64, tpu.core_type = #tpu.core_type<tc>, window_params = [{transform_indices = @transform_0, window_bounds = array<i64: 2, 2048, 64>}, {transform_indices = @transform_1, window_bounds = array<i64: 2048, 64>}, {transform_indices = @transform_2, window_bounds = array<i64: 2048, 64>}, {transform_indices = @transform_3, window_bounds = array<i64: 2048, 1>}, {transform_indices = @transform_4, window_bounds = array<i64: 2048, 128>}, {pipeline_mode = #tpu.pipeline_mode<synchronous>, transform_indices = @transform_5, window_bounds = array<i64: 1, 128>}, {pipeline_mode = #tpu.pipeline_mode<synchronous>, transform_indices = @transform_6, window_bounds = array<i64: 128, 128>}, {transform_indices = @transform_7, window_bounds = array<i64: 2048, 64>}, {transform_indices = @transform_8, window_bounds = array<i64: 2048, 64>}]} {
    %get3A = arith.constant 0 : index
    %get3A_0 = arith.constant 0 : index
    %get3A_1 = vector.load %arg4[%get3A, %get3A_0] : memref<2048x1xf32, #tpu.memory_space<vmem>>, vector<2048x1xf32>
    %get3A_2 = arith.constant 0 : index
    %get3A_3 = arith.constant 0 : index
    %get3A_4 = arith.constant 0 : index
    %get3A_5 = vector.load %arg1[%get3A_2, %get3A_3, %get3A_4] : memref<2x2048x64xf32, #tpu.memory_space<vmem>>, vector<1x2048x64xf32>
    %get3A_6 = vector.shape_cast %get3A_5 : vector<1x2048x64xf32> to vector<2048x64xf32>
    %get3A_7 = arith.constant 0 : index
    %get3A_8 = arith.constant 0 : index
    %get3A_9 = vector.load %arg2[%get3A_7, %get3A_8] : memref<2048x64xf32, #tpu.memory_space<vmem>>, vector<2048x64xf32>
    %add3A = arith.addf %get3A_6, %get3A_9 : vector<2048x64xf32>
    %mul3A = vector.broadcast %get3A_1 : vector<2048x1xf32> to vector<2048x64xf32>
    %mul3A_10 = arith.mulf %mul3A, %add3A : vector<2048x64xf32>
    %get3A_11 = arith.constant 0 : index
    %get3A_12 = arith.constant 0 : index
    %get3A_13 = vector.load %arg6[%get3A_11, %get3A_12] : memref<1x128xf32, #tpu.memory_space<vmem>>, vector<1x64xf32>
    %add3A_14 = vector.broadcast %get3A_13 : vector<1x64xf32> to vector<2048x64xf32>
    %add3A_15 = arith.addf %mul3A_10, %add3A_14 : vector<2048x64xf32>
    %get3A_16 = arith.constant 1 : index
    %get3A_17 = arith.constant 0 : index
    %get3A_18 = arith.constant 0 : index
    %get3A_19 = vector.load %arg1[%get3A_16, %get3A_17, %get3A_18] : memref<2x2048x64xf32, #tpu.memory_space<vmem>>, vector<1x2048x64xf32>
    %get3A_20 = vector.shape_cast %get3A_19 : vector<1x2048x64xf32> to vector<2048x64xf32>
    %get3A_21 = arith.constant 0 : index
    %get3A_22 = arith.constant 0 : index
    %get3A_23 = vector.load %arg3[%get3A_21, %get3A_22] : memref<2048x64xf32, #tpu.memory_space<vmem>>, vector<2048x64xf32>
    %add3A_24 = arith.addf %get3A_20, %get3A_23 : vector<2048x64xf32>
    %mul3A_25 = vector.broadcast %get3A_1 : vector<2048x1xf32> to vector<2048x64xf32>
    %mul3A_26 = arith.mulf %mul3A_25, %add3A_24 : vector<2048x64xf32>
    %get3A_27 = arith.constant 0 : index
    %get3A_28 = arith.constant 64 : index
    %get3A_29 = vector.load %arg6[%get3A_27, %get3A_28] : memref<1x128xf32, #tpu.memory_space<vmem>>, vector<1x64xf32>
    %add3A_30 = vector.broadcast %get3A_29 : vector<1x64xf32> to vector<2048x64xf32>
    %add3A_31 = arith.addf %mul3A_26, %add3A_30 : vector<2048x64xf32>
    %concatenate3A = tpu.concatenate %add3A_15, %add3A_31 in 1 : vector<2048x64xf32>, vector<2048x64xf32> -> vector<2048x128xf32>
    %gt3A = arith.constant 0.000000e+00 : f32
    %gt3A_32 = vector.broadcast %gt3A : f32 to vector<2048x128xf32>
    %gt3A_33 = arith.cmpf ogt, %concatenate3A, %gt3A_32 : vector<2048x128xf32>
    %exp3A = math.exp %concatenate3A : vector<2048x128xf32>
    %sub3A = arith.constant 1.000000e+00 : f32
    %sub3A_34 = vector.broadcast %sub3A : f32 to vector<2048x128xf32>
    %sub3A_35 = arith.subf %exp3A, %sub3A_34 : vector<2048x128xf32>
    %select_n3A = arith.select %gt3A_33, %concatenate3A, %sub3A_35 : vector<2048x128xi1>, vector<2048x128xf32>
    %get3A_36 = arith.constant 0 : index
    %get3A_37 = arith.constant 0 : index
    %get3A_38 = vector.load %arg5[%get3A_36, %get3A_37] : memref<2048x128xf32, #tpu.memory_space<vmem>>, vector<2048x128xf32>
    %mul3A_39 = arith.mulf %select_n3A, %get3A_38 : vector<2048x128xf32>
    %get3A_40 = arith.constant 0 : index
    %get3A_41 = arith.constant 0 : index
    %get3A_42 = vector.load %arg7[%get3A_40, %get3A_41] : memref<128x128xf32, #tpu.memory_space<vmem>>, vector<128x128xf32>
    %dot_general3A = arith.constant dense<0.000000e+00> : vector<2048x128xf32>
    %dot_general3A_43 = tpu.matmul %mul3A_39, %get3A_42, %dot_general3A {dimension_numbers = #tpu.dot_dimension_numbers<[1], [0], [0], [1], [0, 0, 1, 1], [], []>, transpose_lhs_hint = false} : vector<2048x128xf32>, vector<128x128xf32>, vector<2048x128xf32> -> vector<2048x128xf32>
    %mul3A_44 = vector.broadcast %get3A_1 : vector<2048x1xf32> to vector<2048x128xf32>
    %mul3A_45 = arith.mulf %dot_general3A_43, %mul3A_44 : vector<2048x128xf32>
    %slice3A = vector.extract_strided_slice %mul3A_45 {offsets = [0, 0], sizes = [2048, 64], strides = [1, 1]} : vector<2048x128xf32> to vector<2048x64xf32>
    %swap3A = arith.constant 0 : index
    %swap3A_46 = arith.constant 0 : index
    %swap3A_47 = vector.load %arg8[%swap3A, %swap3A_46] : memref<2048x64xf32, #tpu.memory_space<vmem>>, vector<2048x64xf32>
    tpu.vector_store %arg8[%swap3A, %swap3A_46], %slice3A {strides = array<i32>} : memref<2048x64xf32, #tpu.memory_space<vmem>>, vector<2048x64xf32>,
    %slice3A_48 = vector.extract_strided_slice %mul3A_45 {offsets = [0, 64], sizes = [2048, 64], strides = [1, 1]} : vector<2048x128xf32> to vector<2048x64xf32>
    %swap3A_49 = arith.constant 0 : index
    %swap3A_50 = arith.constant 0 : index
    %swap3A_51 = vector.load %arg9[%swap3A_49, %swap3A_50] : memref<2048x64xf32, #tpu.memory_space<vmem>>, vector<2048x64xf32>
    tpu.vector_store %arg9[%swap3A_49, %swap3A_50], %slice3A_48 {strides = array<i32>} : memref<2048x64xf32, #tpu.memory_space<vmem>>, vector<2048x64xf32>,
    return
  }
  func.func @transform_0(%arg0: i32) -> (i32, i32, i32) {
    %c0_i32 = arith.constant 0 : i32
    %c0_i32_0 = arith.constant 0 : i32
    %c0_i32_1 = arith.constant 0 : i32
    return %c0_i32, %arg0, %c0_i32_0 : i32, i32, i32
  }
  func.func @transform_1(%arg0: i32) -> (i32, i32) {
    %c0_i32 = arith.constant 0 : i32
    %c0_i32_0 = arith.constant 0 : i32
    return %arg0, %c0_i32 : i32, i32
  }
  func.func @transform_2(%arg0: i32) -> (i32, i32) {
    %c0_i32 = arith.constant 0 : i32
    %c0_i32_0 = arith.constant 0 : i32
    return %arg0, %c0_i32 : i32, i32
  }
  func.func @transform_3(%arg0: i32) -> (i32, i32) {
    %c0_i32 = arith.constant 0 : i32
    %c0_i32_0 = arith.constant 0 : i32
    return %arg0, %c0_i32 : i32, i32
  }
  func.func @transform_4(%arg0: i32) -> (i32, i32) {
    %c0_i32 = arith.constant 0 : i32
    %c0_i32_0 = arith.constant 0 : i32
    return %arg0, %c0_i32 : i32, i32
  }
  func.func @transform_5(%arg0: i32) -> (i32, i32) {
    %c0_i32 = arith.constant 0 : i32
    %c0_i32_0 = arith.constant 0 : i32
    %c0_i32_1 = arith.constant 0 : i32
    return %c0_i32, %c0_i32_0 : i32, i32
  }
  func.func @transform_6(%arg0: i32) -> (i32, i32) {
    %c0_i32 = arith.constant 0 : i32
    %c0_i32_0 = arith.constant 0 : i32
    %c0_i32_1 = arith.constant 0 : i32
    return %c0_i32, %c0_i32_0 : i32, i32
  }
  func.func @transform_7(%arg0: i32) -> (i32, i32) {
    %c0_i32 = arith.constant 0 : i32
    %c0_i32_0 = arith.constant 0 : i32
    return %arg0, %c0_i32 : i32, i32
  }
  func.func @transform_8(%arg0: i32) -> (i32, i32) {
    %c0_i32 = arith.constant 0 : i32
    %c0_i32_0 = arith.constant 0 : i32
    return %arg0, %c0_i32 : i32, i32
  }
}

module attributes {stable_mosaic.version = 14 : i64} {
  func.func @body(%arg0: i32, %arg1: memref<2x2048x64xf32, #tpu.memory_space<vmem>>, %arg2: memref<2048x64xf32, #tpu.memory_space<vmem>>, %arg3: memref<2048x64xf32, #tpu.memory_space<vmem>>, %arg4: memref<2048x1xf32, #tpu.memory_space<vmem>>, %arg5: memref<2048x128xf32, #tpu.memory_space<vmem>>, %arg6: memref<1x128xf32, #tpu.memory_space<vmem>>, %arg7: memref<128x64xf32, #tpu.memory_space<vmem>>, %arg8: memref<2048x64xf32, #tpu.memory_space<vmem>>) attributes {dimension_semantics = [#tpu.dimension_semantics<arbitrary>], iteration_bounds = array<i64: 5>, scalar_prefetch = 0 : i64, scratch_operands = 0 : i64, tpu.core_type = #tpu.core_type<tc>, window_params = [{transform_indices = @transform_0, window_bounds = array<i64: 2, 2048, 64>}, {transform_indices = @transform_1, window_bounds = array<i64: 2048, 64>}, {transform_indices = @transform_2, window_bounds = array<i64: 2048, 64>}, {transform_indices = @transform_3, window_bounds = array<i64: 2048, 1>}, {transform_indices = @transform_4, window_bounds = array<i64: 2048, 128>}, {pipeline_mode = #tpu.pipeline_mode<synchronous>, transform_indices = @transform_5, window_bounds = array<i64: 1, 128>}, {pipeline_mode = #tpu.pipeline_mode<synchronous>, transform_indices = @transform_6, window_bounds = array<i64: 128, 64>}, {transform_indices = @transform_7, window_bounds = array<i64: 2048, 64>}]} {
    %get3A = arith.constant 0 : index
    %get3A_0 = arith.constant 0 : index
    %get3A_1 = vector.load %arg4[%get3A, %get3A_0] : memref<2048x1xf32, #tpu.memory_space<vmem>>, vector<2048x1xf32>
    %get3A_2 = arith.constant 0 : index
    %get3A_3 = arith.constant 0 : index
    %get3A_4 = arith.constant 0 : index
    %get3A_5 = vector.load %arg1[%get3A_2, %get3A_3, %get3A_4] : memref<2x2048x64xf32, #tpu.memory_space<vmem>>, vector<1x2048x64xf32>
    %get3A_6 = vector.shape_cast %get3A_5 : vector<1x2048x64xf32> to vector<2048x64xf32>
    %get3A_7 = arith.constant 0 : index
    %get3A_8 = arith.constant 0 : index
    %get3A_9 = vector.load %arg2[%get3A_7, %get3A_8] : memref<2048x64xf32, #tpu.memory_space<vmem>>, vector<2048x64xf32>
    %add3A = arith.addf %get3A_6, %get3A_9 : vector<2048x64xf32>
    %mul3A = vector.broadcast %get3A_1 : vector<2048x1xf32> to vector<2048x64xf32>
    %mul3A_10 = arith.mulf %mul3A, %add3A : vector<2048x64xf32>
    %get3A_11 = arith.constant 0 : index
    %get3A_12 = arith.constant 0 : index
    %get3A_13 = vector.load %arg6[%get3A_11, %get3A_12] : memref<1x128xf32, #tpu.memory_space<vmem>>, vector<1x64xf32>
    %add3A_14 = vector.broadcast %get3A_13 : vector<1x64xf32> to vector<2048x64xf32>
    %add3A_15 = arith.addf %mul3A_10, %add3A_14 : vector<2048x64xf32>
    %get3A_16 = arith.constant 1 : index
    %get3A_17 = arith.constant 0 : index
    %get3A_18 = arith.constant 0 : index
    %get3A_19 = vector.load %arg1[%get3A_16, %get3A_17, %get3A_18] : memref<2x2048x64xf32, #tpu.memory_space<vmem>>, vector<1x2048x64xf32>
    %get3A_20 = vector.shape_cast %get3A_19 : vector<1x2048x64xf32> to vector<2048x64xf32>
    %get3A_21 = arith.constant 0 : index
    %get3A_22 = arith.constant 0 : index
    %get3A_23 = vector.load %arg3[%get3A_21, %get3A_22] : memref<2048x64xf32, #tpu.memory_space<vmem>>, vector<2048x64xf32>
    %add3A_24 = arith.addf %get3A_20, %get3A_23 : vector<2048x64xf32>
    %mul3A_25 = vector.broadcast %get3A_1 : vector<2048x1xf32> to vector<2048x64xf32>
    %mul3A_26 = arith.mulf %mul3A_25, %add3A_24 : vector<2048x64xf32>
    %get3A_27 = arith.constant 0 : index
    %get3A_28 = arith.constant 64 : index
    %get3A_29 = vector.load %arg6[%get3A_27, %get3A_28] : memref<1x128xf32, #tpu.memory_space<vmem>>, vector<1x64xf32>
    %add3A_30 = vector.broadcast %get3A_29 : vector<1x64xf32> to vector<2048x64xf32>
    %add3A_31 = arith.addf %mul3A_26, %add3A_30 : vector<2048x64xf32>
    %concatenate3A = tpu.concatenate %add3A_15, %add3A_31 in 1 : vector<2048x64xf32>, vector<2048x64xf32> -> vector<2048x128xf32>
    %gt3A = arith.constant 0.000000e+00 : f32
    %gt3A_32 = vector.broadcast %gt3A : f32 to vector<2048x128xf32>
    %gt3A_33 = arith.cmpf ogt, %concatenate3A, %gt3A_32 : vector<2048x128xf32>
    %exp3A = math.exp %concatenate3A : vector<2048x128xf32>
    %sub3A = arith.constant 1.000000e+00 : f32
    %sub3A_34 = vector.broadcast %sub3A : f32 to vector<2048x128xf32>
    %sub3A_35 = arith.subf %exp3A, %sub3A_34 : vector<2048x128xf32>
    %select_n3A = arith.select %gt3A_33, %concatenate3A, %sub3A_35 : vector<2048x128xi1>, vector<2048x128xf32>
    %get3A_36 = arith.constant 0 : index
    %get3A_37 = arith.constant 0 : index
    %get3A_38 = vector.load %arg5[%get3A_36, %get3A_37] : memref<2048x128xf32, #tpu.memory_space<vmem>>, vector<2048x128xf32>
    %mul3A_39 = arith.mulf %select_n3A, %get3A_38 : vector<2048x128xf32>
    %get3A_40 = arith.constant 0 : index
    %get3A_41 = arith.constant 0 : index
    %get3A_42 = vector.load %arg7[%get3A_40, %get3A_41] : memref<128x64xf32, #tpu.memory_space<vmem>>, vector<128x64xf32>
    %dot_general3A = arith.constant dense<0.000000e+00> : vector<2048x64xf32>
    %dot_general3A_43 = tpu.matmul %mul3A_39, %get3A_42, %dot_general3A {dimension_numbers = #tpu.dot_dimension_numbers<[1], [0], [0], [1], [0, 0, 1, 1], [], []>, transpose_lhs_hint = false} : vector<2048x128xf32>, vector<128x64xf32>, vector<2048x64xf32> -> vector<2048x64xf32>
    %mul3A_44 = vector.broadcast %get3A_1 : vector<2048x1xf32> to vector<2048x64xf32>
    %mul3A_45 = arith.mulf %dot_general3A_43, %mul3A_44 : vector<2048x64xf32>
    %swap3A = arith.constant 0 : index
    %swap3A_46 = arith.constant 0 : index
    %swap3A_47 = vector.load %arg8[%swap3A, %swap3A_46] : memref<2048x64xf32, #tpu.memory_space<vmem>>, vector<2048x64xf32>
    tpu.vector_store %arg8[%swap3A, %swap3A_46], %mul3A_45 {strides = array<i32>} : memref<2048x64xf32, #tpu.memory_space<vmem>>, vector<2048x64xf32>,
    return
  }
  func.func @transform_0(%arg0: i32) -> (i32, i32, i32) {
    %c0_i32 = arith.constant 0 : i32
    %c0_i32_0 = arith.constant 0 : i32
    %c0_i32_1 = arith.constant 0 : i32
    return %c0_i32, %arg0, %c0_i32_0 : i32, i32, i32
  }
  func.func @transform_1(%arg0: i32) -> (i32, i32) {
    %c0_i32 = arith.constant 0 : i32
    %c0_i32_0 = arith.constant 0 : i32
    return %arg0, %c0_i32 : i32, i32
  }
  func.func @transform_2(%arg0: i32) -> (i32, i32) {
    %c0_i32 = arith.constant 0 : i32
    %c0_i32_0 = arith.constant 0 : i32
    return %arg0, %c0_i32 : i32, i32
  }
  func.func @transform_3(%arg0: i32) -> (i32, i32) {
    %c0_i32 = arith.constant 0 : i32
    %c0_i32_0 = arith.constant 0 : i32
    return %arg0, %c0_i32 : i32, i32
  }
  func.func @transform_4(%arg0: i32) -> (i32, i32) {
    %c0_i32 = arith.constant 0 : i32
    %c0_i32_0 = arith.constant 0 : i32
    return %arg0, %c0_i32 : i32, i32
  }
  func.func @transform_5(%arg0: i32) -> (i32, i32) {
    %c0_i32 = arith.constant 0 : i32
    %c0_i32_0 = arith.constant 0 : i32
    %c0_i32_1 = arith.constant 0 : i32
    return %c0_i32, %c0_i32_0 : i32, i32
  }
  func.func @transform_6(%arg0: i32) -> (i32, i32) {
    %c0_i32 = arith.constant 0 : i32
    %c0_i32_0 = arith.constant 0 : i32
    %c0_i32_1 = arith.constant 0 : i32
    return %c0_i32, %c0_i32_0 : i32, i32
  }
  func.func @transform_7(%arg0: i32) -> (i32, i32) {
    %c0_i32 = arith.constant 0 : i32
    %c0_i32_0 = arith.constant 0 : i32
    return %arg0, %c0_i32 : i32, i32
  }
}

module attributes {stable_mosaic.version = 14 : i64} {
  func.func @body(%arg0: i32, %arg1: memref<2x2048x64xf32, #tpu.memory_space<vmem>>, %arg2: memref<2048x64xf32, #tpu.memory_space<vmem>>, %arg3: memref<2048x1xf32, #tpu.memory_space<vmem>>, %arg4: memref<1x64xf32, #tpu.memory_space<vmem>>, %arg5: memref<2048x40xf32, #tpu.memory_space<vmem>>) attributes {dimension_semantics = [#tpu.dimension_semantics<arbitrary>], iteration_bounds = array<i64: 5>, scalar_prefetch = 0 : i64, scratch_operands = 0 : i64, tpu.core_type = #tpu.core_type<tc>, window_params = [{transform_indices = @transform_0, window_bounds = array<i64: 2, 2048, 64>}, {transform_indices = @transform_1, window_bounds = array<i64: 2048, 64>}, {transform_indices = @transform_2, window_bounds = array<i64: 2048, 1>}, {pipeline_mode = #tpu.pipeline_mode<synchronous>, transform_indices = @transform_3, window_bounds = array<i64: 1, 64>}, {transform_indices = @transform_4, window_bounds = array<i64: 2048, 40>}]} {
    %get3A = arith.constant 0 : index
    %get3A_0 = arith.constant 0 : index
    %get3A_1 = vector.load %arg3[%get3A, %get3A_0] : memref<2048x1xf32, #tpu.memory_space<vmem>>, vector<2048x1xf32>
    %get3A_2 = arith.constant 0 : index
    %get3A_3 = arith.constant 0 : index
    %get3A_4 = arith.constant 0 : index
    %get3A_5 = vector.load %arg1[%get3A_2, %get3A_3, %get3A_4] : memref<2x2048x64xf32, #tpu.memory_space<vmem>>, vector<1x2048x64xf32>
    %get3A_6 = vector.shape_cast %get3A_5 : vector<1x2048x64xf32> to vector<2048x64xf32>
    %get3A_7 = arith.constant 1 : index
    %get3A_8 = arith.constant 0 : index
    %get3A_9 = arith.constant 0 : index
    %get3A_10 = vector.load %arg1[%get3A_7, %get3A_8, %get3A_9] : memref<2x2048x64xf32, #tpu.memory_space<vmem>>, vector<1x2048x64xf32>
    %get3A_11 = vector.shape_cast %get3A_10 : vector<1x2048x64xf32> to vector<2048x64xf32>
    %add3A = arith.addf %get3A_6, %get3A_11 : vector<2048x64xf32>
    %get3A_12 = arith.constant 0 : index
    %get3A_13 = arith.constant 0 : index
    %get3A_14 = vector.load %arg2[%get3A_12, %get3A_13] : memref<2048x64xf32, #tpu.memory_space<vmem>>, vector<2048x64xf32>
    %add3A_15 = arith.addf %add3A, %get3A_14 : vector<2048x64xf32>
    %mul3A = vector.broadcast %get3A_1 : vector<2048x1xf32> to vector<2048x64xf32>
    %mul3A_16 = arith.mulf %mul3A, %add3A_15 : vector<2048x64xf32>
    %get3A_17 = arith.constant 0 : index
    %get3A_18 = arith.constant 0 : index
    %get3A_19 = vector.load %arg4[%get3A_17, %get3A_18] : memref<1x64xf32, #tpu.memory_space<vmem>>, vector<1x64xf32>
    %add3A_20 = vector.broadcast %get3A_19 : vector<1x64xf32> to vector<2048x64xf32>
    %add3A_21 = arith.addf %mul3A_16, %add3A_20 : vector<2048x64xf32>
    %reduce_max3A = arith.constant dense<0xFF800000> : vector<2048xf32>
    %reduce_max3A_22 = vector.multi_reduction <maximumf>, %add3A_21, %reduce_max3A [1] : vector<2048x64xf32> to vector<2048xf32>
    %broadcast_in_dim3A = vector.shape_cast %reduce_max3A_22 : vector<2048xf32> to vector<2048x1xf32>
    %sub3A = vector.broadcast %broadcast_in_dim3A : vector<2048x1xf32> to vector<2048x64xf32>
    %sub3A_23 = arith.subf %add3A_21, %sub3A : vector<2048x64xf32>
    %exp3A = math.exp %sub3A_23 : vector<2048x64xf32>
    %reduce_sum3A = arith.constant dense<0.000000e+00> : vector<2048xf32>
    %reduce_sum3A_24 = vector.multi_reduction <add>, %exp3A, %reduce_sum3A [1] : vector<2048x64xf32> to vector<2048xf32>
    %broadcast_in_dim3A_25 = vector.shape_cast %reduce_sum3A_24 : vector<2048xf32> to vector<2048x1xf32>
    %log3A = math.log %broadcast_in_dim3A_25 : vector<2048x1xf32>
    %add3A_26 = arith.addf %log3A, %broadcast_in_dim3A : vector<2048x1xf32>
    %sub3A_27 = vector.broadcast %add3A_26 : vector<2048x1xf32> to vector<2048x64xf32>
    %sub3A_28 = arith.subf %add3A_21, %sub3A_27 : vector<2048x64xf32>
    %slice3A = vector.extract_strided_slice %sub3A_28 {offsets = [0, 0], sizes = [2048, 40], strides = [1, 1]} : vector<2048x64xf32> to vector<2048x40xf32>
    %swap3A = arith.constant 0 : index
    %swap3A_29 = arith.constant 0 : index
    %swap3A_30 = vector.load %arg5[%swap3A, %swap3A_29] : memref<2048x40xf32, #tpu.memory_space<vmem>>, vector<2048x40xf32>
    tpu.vector_store %arg5[%swap3A, %swap3A_29], %slice3A {strides = array<i32>} : memref<2048x40xf32, #tpu.memory_space<vmem>>, vector<2048x40xf32>,
    return
  }
  func.func @transform_0(%arg0: i32) -> (i32, i32, i32) {
    %c0_i32 = arith.constant 0 : i32
    %c0_i32_0 = arith.constant 0 : i32
    %c0_i32_1 = arith.constant 0 : i32
    return %c0_i32, %arg0, %c0_i32_0 : i32, i32, i32
  }
  func.func @transform_1(%arg0: i32) -> (i32, i32) {
    %c0_i32 = arith.constant 0 : i32
    %c0_i32_0 = arith.constant 0 : i32
    return %arg0, %c0_i32 : i32, i32
  }
  func.func @transform_2(%arg0: i32) -> (i32, i32) {
    %c0_i32 = arith.constant 0 : i32
    %c0_i32_0 = arith.constant 0 : i32
    return %arg0, %c0_i32 : i32, i32
  }
  func.func @transform_3(%arg0: i32) -> (i32, i32) {
    %c0_i32 = arith.constant 0 : i32
    %c0_i32_0 = arith.constant 0 : i32
    %c0_i32_1 = arith.constant 0 : i32
    return %c0_i32, %c0_i32_0 : i32, i32
  }
  func.func @transform_4(%arg0: i32) -> (i32, i32) {
    %c0_i32 = arith.constant 0 : i32
    %c0_i32_0 = arith.constant 0 : i32
    return %arg0, %c0_i32 : i32, i32
  }
}

</mosaic_0001>

<sc_bundles>
// kernel: kernel.10.cloned.1.call-start
scs
__scs_entry_jumppad:
0x0: {  	(pc) =	sbr.rel $0x88, $3  }
0x1: {  	(tag) =	ssettag $0x0;
	lr =	simm.s32 $0x1  }
0x2: {  	[smem:$0x3F99] =	sst lr;
	_ =	strace $0xD0000000  }
0x3: {  	_ = 	snop  }
0x4: {  	_ = 	snop  }
0x5: {  	_ = 	snop  }
0x6: {  	_ = 	snop  }
0x7: {  	_ = 	snop  }
__scs_overlays_trampoline_lowered:
0x8: {  	[smem:$0x3FA8] =	sst s0  }
0x9: {  	[smem:$0x3FA9] =	sst s1  }
0xa: {  	[smem:$0x3FAA] =	sst s2  }
0xb: {  	[smem:$0x3FAB] =	sst s3  }
0xc: {  	[smem:$0x3FAC] =	sst s4  }
0xd: {  	[smem:$0x3FAD] =	sst s5  }
0xe: {  	[smem:$0x3FAE] =	sst s6  }
0xf: {  	[smem:$0x3FAF] =	sst s7  }
0x10: {  	[smem:$0x3FB0] =	sst s8  }
0x11: {  	[smem:$0x3FB1] =	sst s9;
	s0 =	simm.s32 @!p0 $0x0  }
0x12: {  	s1 =	sld [smem:$0x3F97];
	s0 =	simm.s32 @p0 $0x1  }
0x13: {  	[smem:$0x3FB2] =	sst s0;
	s0 =	simm.s32 @!p1 $0x0  }
0x14: {  	s2 =	sld [smem:$0x3F96];
	s0 =	simm.s32 @p1 $0x1  }
0x15: {  	[smem:$0x3FB3] =	sst s0;
	s0 =	simm.s32 @!p2 $0x0  }
0x16: {  	s3 =	sld [smem:$0x3FDB];
	s0 =	simm.s32 @p2 $0x1  }
0x17: {  	s4 =	simm.s32 $0x1BF5;
	[smem:$0x3FB5] =	sst s0  }
0x18: {  	s0 =	sld [smem:$0x3F98];
	_ =	swait.ge [sflag:s4], $0x0  }
0x19: {  	s7 =	sld [smem:$0x3F99]  }
0x1a: {  	s8 =	sadd.s32 $0xFFFFE003, lr  }
0x1b: {  	s9 =	sadd.s32 $0xFFFFFEF7, lr;
	s5 =	simm.s32 $0xFFFFFFFF;
	p2 =	slt.u32 s8, $0xFFFFF086  }
0x1c: {  	p1 =	slt.u32 s9, $0xF7A;
	s5 =	simm.s32 @!p2 $0x0  }
0x1d: {  	s5 =	simm.s32 @p1 $0x1;
	p0 =	seq.s32 s7, s2  }
0x1e: {  	s7 =	smul.u32 @!p0 $0xF7A, s2;
	p2 =	seq.s32 @!p0 s5, $0x0  }
0x1f: {  	s9 =	smul.u32 $0xF7A, s1;
	s8 =	simm.s32 @!p0 $0x1BF5;
	p2 =	por !p2, p0  }
0x20: {  	[sflag:s8] =	ssyncset.s32 @!p0 $0xFFFFF086;
	s6 =	sadd.s32 @!p0 s3, s7;
	s7 =	simm.s32 @!p0 $0x108  }
0x21: {  	s3 =	sadd.s32 s3, s9;
	s6 =	sadd.s32 @!p0 $0x88, s6;
	s7 =	simm.s32 @p2 $0x1082  }
0x22: {  	[simem:s7], [sflag:s8] =	dma.local @!p0 [hbm:s6], $0xF7A  }
0x23: {  	s9 =	sor.u32 $0xD0000000, s2;
	s6 =	simm.s32 $0x108;
	_ =	swait.ge @!p0 [sflag:s8], $0x0  }
0x24: {  	s3 =	sadd.s32 $0x88, s3;
	s6 =	simm.s32 @!p1 $0x1082;
	[sflag:s4] =	ssyncset.s32 $0xFFFFF086  }
0x25: {  	[simem:s6], [sflag:s4] =	dma.local [hbm:s3], $0xF7A  }
0x26: {  	[smem:$0x3F99] =	sst s1;
	(tag) =	ssettag s2;
	_ =	strace s9  }
0x27: {  	s1 =	sld [smem:$0x3FA9]  }
0x28: {  	s2 =	sld [smem:$0x3FAA]  }
0x29: {  	s4 =	sld [smem:$0x3FAC]  }
0x2a: {  	p0 =	seq.s32 s5, $0x0;
	s5 =	sld [smem:$0x3FAD]  }
0x2b: {  	s6 =	sld [smem:$0x3FAE]  }
0x2c: {  	s7 =	sld [smem:$0x3FAF]  }
0x2d: {  	s3 =	simm.s32 $0x108;
	s8 =	sld [smem:$0x3FB0]  }
0x2e: {  	s3 =	simm.s32 @!p0 $0x1082;
	s9 =	sld [smem:$0x3FB1]  }
0x2f: {  	lr =	sadd.s32 s0, s3;
	s0 =	sld [smem:$0x3FA8]  }
0x30: {  	s3 =	sld [smem:$0x3FAB]  }
0x31: {  	[smem:$0x3FB4] =	sst s10  }
0x32: {  	s10 =	sld [smem:$0x3FB2];
	_ =	sdelay $0x3  }
0x33: {  	p0 =	seq.s32 s10, $0x1;
	s10 =	sld [smem:$0x3FB4];
	_ =	sdelay $0x3  }
0x34: {  	[smem:$0x3FB4] =	sst s10  }
0x35: {  	s10 =	sld [smem:$0x3FB3];
	_ =	sdelay $0x3  }
0x36: {  	p1 =	seq.s32 s10, $0x1;
	s10 =	sld [smem:$0x3FB4];
	_ =	sdelay $0x3  }
0x37: {  	[smem:$0x3FB4] =	sst s10  }
0x38: {  	s10 =	sld [smem:$0x3FB5]  }
0x39: {  	_ = 	snop;
	(pc) =	sbr.ind lr, $3  }
0x3a: {  	_ = 	snop  }
0x3b: {  	_ = 	snop  }
0x3c: {  	p2 =	seq.s32 s10, $0x1;
	s10 =	sld [smem:$0x3FB4]  }
0x3d: {  	_ =	shalt  }
0x3e: {  	_ =	shalt  }
0x3f: {  	_ =	shalt  }
0x40: {  	_ =	shalt  }
0x41: {  	_ =	shalt  }
0x42: {  	_ =	shalt  }
0x43: {  	_ =	shalt  }
0x44: {  	_ =	shalt  }
0x45: {  	_ =	shalt  }
0x46: {  	_ =	shalt  }
0x47: {  	_ =	shalt  }
0x48: {  	_ =	shalt  }
0x49: {  	_ =	shalt  }
0x4a: {  	_ =	shalt  }
0x4b: {  	_ =	shalt  }
0x4c: {  	_ =	shalt  }
0x4d: {  	_ =	shalt  }
0x4e: {  	_ =	shalt  }
0x4f: {  	_ =	shalt  }
0x50: {  	_ =	shalt  }
0x51: {  	_ =	shalt  }
0x52: {  	_ =	shalt  }
0x53: {  	_ =	shalt  }
0x54: {  	_ =	shalt  }
0x55: {  	_ =	shalt  }
0x56: {  	_ =	shalt  }
0x57: {  	_ =	shalt  }
0x58: {  	_ =	shalt  }
0x59: {  	_ =	shalt  }
0x5a: {  	_ =	shalt  }
0x5b: {  	_ =	shalt  }
0x5c: {  	_ =	shalt  }
0x5d: {  	_ =	shalt  }
0x5e: {  	_ =	shalt  }
0x5f: {  	_ =	shalt  }
0x60: {  	_ =	shalt  }
0x61: {  	_ =	shalt  }
0x62: {  	_ =	shalt  }
0x63: {  	_ =	shalt  }
0x64: {  	_ =	shalt  }
0x65: {  	_ =	shalt  }
0x66: {  	_ =	shalt  }
0x67: {  	_ =	shalt  }
0x68: {  	_ =	shalt  }
0x69: {  	_ =	shalt  }
0x6a: {  	_ =	shalt  }
0x6b: {  	_ =	shalt  }
0x6c: {  	_ =	shalt  }
0x6d: {  	_ =	shalt  }
0x6e: {  	_ =	shalt  }
0x6f: {  	_ =	shalt  }
0x70: {  	_ =	shalt  }
0x71: {  	_ =	shalt  }
0x72: {  	_ =	shalt  }
0x73: {  	_ =	shalt  }
0x74: {  	_ =	shalt  }
0x75: {  	_ =	shalt  }
0x76: {  	_ =	shalt  }
0x77: {  	_ =	shalt  }
0x78: {  	_ =	shalt  }
0x79: {  	_ =	shalt  }
0x7a: {  	_ =	shalt  }
0x7b: {  	_ =	shalt  }
0x7c: {  	_ =	shalt  }
0x7d: {  	_ =	shalt  }
0x7e: {  	_ =	shalt  }
0x7f: {  	_ =	shalt  }
0x80: {  	_ =	shalt  }
0x81: {  	_ =	shalt  }
0x82: {  	_ =	shalt  }
0x83: {  	_ =	shalt  }
0x84: {  	_ =	shalt  }
0x85: {  	_ =	shalt  }
0x86: {  	_ =	shalt  }
0x87: {  	_ =	shalt  }
.Lfunc_end0:
.L_simem_size_0:
called_computation_lowered:
.L_overlay_start_0:
0x88: {  	s2 =	sld [smem:$0x3FD9]  }
0x89: {  	s3 =	sld [smem:$0x3FFE];
	_ =	sdelay $0x1  }
0x8a: {  	s1 =	srdreg.scid  }
0x8b: {  	s0 =	sand.u32 $0x1, s1  }
0x8c: {  	s17 =	sshll.u32 s0, $0xA;
	s2 =	sadd.s32 s3, s2  }
0x8d: {  	s2 =	sadd.s32 s2, s17  }
0x8e: {  	[smem:$0x3FC0] =	sst s2  }
0x8f: {  	_ = 	snop  }
0x90: {  	s2 =	sld [smem:$0x3FD0];
	(tm) =	ssettm $0x1  }
0x91: {  	s18 =	sld [smem:$0x3FFB];
	_ =	sdelay $0x3  }
0x92: {  	_ =	strace s18  }
0x93: {  	s3 =	sld [smem:$0x3FFC];
	_ =	sdelay $0x3  }
0x94: {  	_ =	strace s3  }
0x95: {  	s3 =	sld [smem:$0x3FFD];
	_ =	sdelay $0x3  }
0x96: {  	_ =	strace s3  }
0x97: {  	_ =	strace $0x8FFFFFFF  }
0x98: {  	s19 =	sld [smem:$0x3FDB];
	_ =	sdelay $0x1  }
0x99: {  	s4 =	simm.s32 $_scs_section_size  }
0x9a: {  	s5 =	simm.s32 $_size__tile_overlayer_lowered;
	s6 =	simm.s32 $_tile_overlayer_lowered  }
0x9b: {  	s22 =	simm.s32 $0x1BFF;
	s21 =	sshll.u32 s6, $0x1;
	s3 =	sadd.s32 s4, s19  }
0x9c: {  	s7 =	simm.s32 $0x0;
	s20 =	sshll.u32 s5, $0x1;
	s5 =	sadd.s32 s21, s3  }
0x9d: {  	[timem:s7], [sflag:s22] =	dma.local [hbm:s5], s20  }
0x9e: {  	_ =	swait.ge [sflag:s22], s20  }
0x9f: {  	s4 =	ssub.s32 $0x0, s20;
	[sflag:s22] =	ssyncset.done $0x0  }
0xa0: {  	[sflag:s22] =	ssyncadd.s32 s4;
	_ =	sdelay $0x1  }
0xa1: {  	s23 =	simm.s32 $0x1B8B  }
0xa2: {  	_ =	swait.ge [sflag:s23], $0x1  }
0xa3: {  	[sflag:s23] =	ssyncset.done $0x0  }
0xa4: {  	s25 =	simm.s32 $0x1B8E;
	s24 =	sld [smem:$0x3FFE];
	[sflag:s23] =	ssyncadd.s32 $0xFFFFFFFF  }
0xa5: {  	s26 =	simm.s32 $execute0_lowered;
	[smem:$0x3FD2] =	sst s25  }
0xa6: {  	s5 =	sshll.u32 s26, $0x1;
	_ =	strace $0x80000046;
	[dreg:$0x1] =	wrdreg $0xFFFFFFFF  }
0xa7: {  	s28 =	simm.s32 $_size_execute0_lowered;
	s3 =	sadd.s32 s3, s5;
	[dreg:$0x0] =	wrdreg $0x0  }
0xa8: {  	s5 =	sshll.u32 s28, $0x1;
	[dreg:$0x2] =	wrdreg s3  }
0xa9: {  	[dreg:$0x3] =	wrdreg s5  }
0xaa: {  	[dreg:$0x4] =	wrdreg $0xC0  }
0xab: {  	_ =	task [dreg:s7], $0x5FFFF  }
0xac: {  	[dreg:$0x1] =	wrdreg $0xFFFFFFFF  }
0xad: {  	[dreg:$0x0] =	wrdreg $0x60  }
0xae: {  	[dreg:$0x2] =	wrdreg s2  }
0xaf: {  	[dreg:$0x3] =	wrdreg s24  }
0xb0: {  	[dreg:$0x4] =	wrdreg $0x2B000  }
0xb1: {  	[dreg:$0x5] =	wrdreg $0x9  }
0xb2: {  	_ =	task.clear_ibuf [dreg:s7], $0x6FFFF;
	_ =	strace $0x90000046  }
0xb3: {  	s29 =	simm.s32 $0x9;
	_ =	strace $0x80000048  }
0xb4: {  	_ =	swait.ge [sflag:s29], $0x1  }
0xb5: {  	[sflag:s29] =	ssyncadd.s32 $0xFFFFFFFF  }
0xb6: {  	_ =	strace $0x90000048  }
0xb7: {  	_ =	sfence  }
0xb8: {  	s30 =	sld [smem:$0x0];
	_ =	sdelay $0x2  }
0xb9: {  	s31 =	sshll.u32 s1, $0xD;
	s1 =	sshrl.u32 s1, $0x2  }
0xba: {  	s3 =	sand.u32 $0x4000, s31;
	s1 =	sadd.s32 s1, s30  }
0xbb: {  	s0 =	sor.u32 s3, s0;
	s1 =	sshll.u32 s1, $0x11  }
0xbc: {  	s0 =	sor.u32 s1, s0  }
0xbd: {  	s0 =	sadd.s32 $0x8F2B, s0  }
0xbe: {  	[sflag:s0] =	ssyncadd.remote.s32 $0x1  }
0xbf: {  	_ =	sfence.sel $0xFFFF  }
0xc0: {  	[dreg:$0x0] =	wrdreg $0xFFFFFFFF;
	(pc) =	sbr.abs _section_cstart, $3  }
0xc1: {  	[dreg:$0x1] =	wrdreg $0xFFFFFFFF  }
0xc2: {  	_ =	task.clear_ibuf [dreg:s7], $0x2FFFF;
	_ =	strace $0x9FFFFFFF  }
0xc3: {  	(tm) =	ssettm $0x7FFFFFFF  }
tec
execute0_lowered:
.L_overlay_start_1:
0x0: {  	(tag) =	ssettag $0x1  }
0x1: {  	s4 =	rddreg [dreg:$0x0]  }
0x2: {  	s5 =	rddreg [dreg:$0x1];
	s0 =	srdreg.scid  }
0x3: {  	s2 =	rddreg [dreg:$0x2];
	s1 =	stileid.u32;
	s3 =	simm.s32 $0x0  }
0x4: {  	s6 =	sand.u32 $0x1, s0;
	s0 =	rddreg [dreg:$0x3];
	s8 =	smul.u32 $0x280, s1  }
0x5: {  	s14 =	simm.s32 $0x0;
	[smem:$0x7FF] =	sst s3;
	s9 =	smul.u32 $0x5000, s1  }
0x6: {  	s12 =	sshll.u32 s1, $0x6;
	s7 =	smul.u32 $0x2800, s6;
	s6 =	ssub.s32 $0x2, s6  }
0x7: {  	_ =	strace $0x80000047;
	s12 =	sor.u32 $0x1C01, s12;
	s11 =	sshrl.u32 s6, $0x1  }
0x8: {  	s10 =	sadd.s32 s8, s7;
	s7 =	sadd.s32 s7, s9;
	s30 =	ssub.s32 s6, s11  }
0x9: {  	s9 =	simm.s32 $0x2880;
	s11 =	simm.s32 $0x2800;
	s10 =	sshrl.u32 s10, $0x3  }
0xa: {  	s31 =	sshrl.u32 s7, $0x3;
	s7 =	smax.u32 s30, $0x1;
	s29 =	sadd.s32 s10, s5  }
0xb: {  	s4 =	sadd.s32 s4, s31;
	s5 =	sadd.s32 s8, s2;
	s8 =	simm.s32 $0x1  }
0xc: {  	v0 =	vimm.f32 $1.000000000e+00;
	v1 =	vimm.f32 $0.0e+00;
	s10 =	simm.s32 $0x7D;
	s6 =	sadd.s32 $0x3800, s29;
	s13 =	sshrl.u32 s5, $0x3  }
.LBB2_1:
0xd: {  	[tilespmem:s3], [sflag:$0x1] =	stream.linear.gather [hbm4b:s4+s3], $0x2800, $0x38;
	[tilespmem:$0x2D80] =	vst v63  }
0xe: {  	_ =	swait.ge [sflag:s8], $0x2800  }
0xf: {  	[sflag:s8] =	ssyncset.done $0x0  }
0x10: {  	[sflag:s8] =	ssyncadd.s32 $0xFFFFD800  }
0x11: {  	[tilespmem:$0x2800] =	vst v0  }
0x12: {  	[tilespmem:$0x2810] =	vst v0  }
0x13: {  	[tilespmem:$0x2820] =	vst v0  }
0x14: {  	[tilespmem:$0x2830] =	vst v0  }
0x15: {  	[tilespmem:$0x2840] =	vst v0  }
0x16: {  	[tilespmem:$0x2850] =	vst v0  }
0x17: {  	[tilespmem:$0x2860] =	vst v0  }
0x18: {  	[tilespmem:$0x2870] =	vst v0  }
0x19: {  	[tilespmem:$0x2880] =	vst v1  }
0x1a: {  	[tilespmem:$0x2890] =	vst v1  }
0x1b: {  	[tilespmem:$0x28A0] =	vst v1  }
0x1c: {  	[tilespmem:$0x28B0] =	vst v1  }
0x1d: {  	[tilespmem:$0x28C0] =	vst v1  }
0x1e: {  	[tilespmem:$0x28D0] =	vst v1  }
0x1f: {  	[tilespmem:$0x28E0] =	vst v1  }
0x20: {  	[tilespmem:$0x28F0] =	vst v1  }
0x21: {  	[tilespmem:$0x2900] =	vst v1  }
0x22: {  	[tilespmem:$0x2910] =	vst v1  }
0x23: {  	[tilespmem:$0x2920] =	vst v1  }
0x24: {  	[tilespmem:$0x2930] =	vst v1  }
0x25: {  	[tilespmem:$0x2940] =	vst v1  }
0x26: {  	[tilespmem:$0x2950] =	vst v1  }
0x27: {  	[tilespmem:$0x2960] =	vst v1  }
0x28: {  	[tilespmem:$0x2970] =	vst v1  }
0x29: {  	[tilespmem:$0x2980] =	vst v1  }
0x2a: {  	[tilespmem:$0x2990] =	vst v1  }
0x2b: {  	[tilespmem:$0x29A0] =	vst v1  }
0x2c: {  	[tilespmem:$0x29B0] =	vst v1  }
0x2d: {  	[tilespmem:$0x29C0] =	vst v1  }
0x2e: {  	[tilespmem:$0x29D0] =	vst v1  }
0x2f: {  	[tilespmem:$0x29E0] =	vst v1  }
0x30: {  	[tilespmem:$0x29F0] =	vst v1  }
0x31: {  	[tilespmem:$0x2A00] =	vst v1  }
0x32: {  	[tilespmem:$0x2A10] =	vst v1  }
0x33: {  	[tilespmem:$0x2A20] =	vst v1  }
0x34: {  	[tilespmem:$0x2A30] =	vst v1  }
0x35: {  	[tilespmem:$0x2A40] =	vst v1  }
0x36: {  	[tilespmem:$0x2A50] =	vst v1  }
0x37: {  	[tilespmem:$0x2A60] =	vst v1  }
0x38: {  	[tilespmem:$0x2A70] =	vst v1  }
0x39: {  	[tilespmem:$0x2A80] =	vst v1  }
0x3a: {  	[tilespmem:$0x2A90] =	vst v1  }
0x3b: {  	[tilespmem:$0x2AA0] =	vst v1  }
0x3c: {  	[tilespmem:$0x2AB0] =	vst v1  }
0x3d: {  	[tilespmem:$0x2AC0] =	vst v1  }
0x3e: {  	[tilespmem:$0x2AD0] =	vst v1  }
0x3f: {  	[tilespmem:$0x2AE0] =	vst v1  }
0x40: {  	[tilespmem:$0x2AF0] =	vst v1  }
0x41: {  	[spmem:s5] =	stream.linear.scatter [tilespmem:s9], [sflag:$0x1], $0x280, $0x38;
	[tilespmem:$0x2D80] =	vst v63  }
0x42: {  	_ =	swait.ge [sflag:s8], $0x280  }
0x43: {  	[sflag:s8] =	ssyncset.done $0x0  }
0x44: {  	[sflag:s8] =	ssyncadd.s32 $0xFFFFFD80  }
0x45: {  	s15 =	simm.s32 $0x0;
	[bflag:$0x0] =	sbarrier.arrive $0xFFFF  }
0x46: {  	[spmem:s2] =	stream.indirect.scatter.add.f32 [tilespmem:s11], [sflag:$0x1], $0x1, s15, s10, $0xb8;
	[tilespmem:$0x2D80] =	vst v63  }
0x47: {  	_ =	swait.ge [sflag:s8], $0x7D  }
0x48: {  	s15 =	simm.s32 $0x200;
	[sflag:s8] =	ssyncset.done $0x0  }
.LBB2_2:
0x49: {  	s16 =	sshra.s32 s15, $0x2;
	[sflag:s8] =	ssyncadd.s32 $0xFFFFFF83;
	p0 =	sne.s32 s15, $0x9E00  }
0x4a: {  	[spmem:s2] =	stream.indirect.scatter.add.f32 [tilespmem:s11], [sflag:$0x1], $0x1, s16, s10, $0xb8;
	[tilespmem:$0x2D80] =	vst v63  }
.Ltmp0:
0x4b: {  	_ = 	snop;
	(pc) =	sbr.rel @p0 .LBB2_2-.Ltmp0, $4  }
0x4c: {  	_ = 	snop  }
0x4d: {  	s15 =	sadd.s32 $0x200, s15  }
0x4e: {  	_ =	swait.ge [sflag:s8], $0x7D  }
0x4f: {  	[sflag:s8] =	ssyncset.done $0x0  }
0x50: {  	s14 =	sadd.s32 $0x1, s14  }
0x51: {  	[sflag:s8] =	ssyncadd.s32 $0xFFFFFF83;
	p0 =	sne.s32 s14, s7  }
.Ltmp1:
0x52: {  	[bflag:$0x0] =	sbarrier.arrive $0xFFFF;
	(pc) =	sbr.rel @p0 .LBB2_1-.Ltmp1, $4  }
0x53: {  	[hbm:s6], [sflag:s12] =	dma.local [spmem:s13], $0x50  }
0x54: {  	_ =	swait.ge [sflag:s8], $0x50  }
0x55: {  	[sflag:s8] =	ssyncset.done $0x0  }
0x56: {  	[sflag:s8] =	ssyncadd.s32 $0xFFFFFFB0  }
0x57: {  	_ =	sfence.sel $0x180000  }
0x58: {  	[bflag:$0x0] =	sbarrier.arrive $0xFFFF  }
0x59: {  	p0 =	sne.s32 s1, $0x0;
	_ =	strace $0x90000047  }
0x5a: {  	s0 =	sadd.s32 @!p0 $0x100000, s0;
	[bflag:$0x2] =	sbarrier.arrive $0xFFFF  }
0x5b: {  	[sflag:s0] =	ssyncadd.tile.s32 @!p0 $0x1;
	_ =	shalt  }
.Lfunc_end2:
_tile_overlayer_lowered:
.L_overlay_start_2:
0x5c: {  	(tag) =	ssettag $0x2  }
0x5d: {  	s0 =	rddreg [dreg:$0x0];
	s2 =	stileid.u32  }
0x5e: {  	s1 =	rddreg [dreg:$0x1];
	p0 =	sne.s32 s2, $0x0  }
0x5f: {  	s3 =	rddreg [dreg:$0x2];
	[bflag:$0x3] =	sbarrier.arrive $0xFFFF;
	s2 =	simm.s32 @!p0 $0x1C01  }
0x60: {  	[timem:s3], [sflag:s2] =	dma.local @!p0 [hbm:s0], s1  }
0x61: {  	s0 =	simm.s32 @!p0 $0x1  }
0x62: {  	_ =	swait.ge @!p0 [sflag:s0], s1  }
0x63: {  	s1 =	ssub.s32 @!p0 $0x0, s1;
	[sflag:s0] =	ssyncset.done @!p0 $0x0  }
0x64: {  	[sflag:s0] =	ssyncadd.s32 @!p0 s1  }
0x65: {  	[bflag:$0x3] =	sbarrier.arrive $0xFFFF  }
0x66: {  	_ =	shalt  }

// kernel: kernel.13.cloned.1.call-start
scs
__scs_entry_jumppad:
0x0: {  	(pc) =	sbr.rel $0x88, $3  }
0x1: {  	(tag) =	ssettag $0x0;
	lr =	simm.s32 $0x1  }
0x2: {  	[smem:$0x3F99] =	sst lr;
	_ =	strace $0xD0000000  }
0x3: {  	_ = 	snop  }
0x4: {  	_ = 	snop  }
0x5: {  	_ = 	snop  }
0x6: {  	_ = 	snop  }
0x7: {  	_ = 	snop  }
__scs_overlays_trampoline_lowered:
0x8: {  	[smem:$0x3FA8] =	sst s0  }
0x9: {  	[smem:$0x3FA9] =	sst s1  }
0xa: {  	[smem:$0x3FAA] =	sst s2  }
0xb: {  	[smem:$0x3FAB] =	sst s3  }
0xc: {  	[smem:$0x3FAC] =	sst s4  }
0xd: {  	[smem:$0x3FAD] =	sst s5  }
0xe: {  	[smem:$0x3FAE] =	sst s6  }
0xf: {  	[smem:$0x3FAF] =	sst s7  }
0x10: {  	[smem:$0x3FB0] =	sst s8  }
0x11: {  	[smem:$0x3FB1] =	sst s9;
	s0 =	simm.s32 @!p0 $0x0  }
0x12: {  	s1 =	sld [smem:$0x3F97];
	s0 =	simm.s32 @p0 $0x1  }
0x13: {  	[smem:$0x3FB2] =	sst s0;
	s0 =	simm.s32 @!p1 $0x0  }
0x14: {  	s2 =	sld [smem:$0x3F96];
	s0 =	simm.s32 @p1 $0x1  }
0x15: {  	[smem:$0x3FB3] =	sst s0;
	s0 =	simm.s32 @!p2 $0x0  }
0x16: {  	s3 =	sld [smem:$0x3FDB];
	s0 =	simm.s32 @p2 $0x1  }
0x17: {  	s4 =	simm.s32 $0x1BF5;
	[smem:$0x3FB5] =	sst s0  }
0x18: {  	s0 =	sld [smem:$0x3F98];
	_ =	swait.ge [sflag:s4], $0x0  }
0x19: {  	s7 =	sld [smem:$0x3F99]  }
0x1a: {  	s8 =	sadd.s32 $0xFFFFE003, lr  }
0x1b: {  	s9 =	sadd.s32 $0xFFFFFEF7, lr;
	s5 =	simm.s32 $0xFFFFFFFF;
	p2 =	slt.u32 s8, $0xFFFFF086  }
0x1c: {  	p1 =	slt.u32 s9, $0xF7A;
	s5 =	simm.s32 @!p2 $0x0  }
0x1d: {  	s5 =	simm.s32 @p1 $0x1;
	p0 =	seq.s32 s7, s2  }
0x1e: {  	s7 =	smul.u32 @!p0 $0xF7A, s2;
	p2 =	seq.s32 @!p0 s5, $0x0  }
0x1f: {  	s9 =	smul.u32 $0xF7A, s1;
	s8 =	simm.s32 @!p0 $0x1BF5;
	p2 =	por !p2, p0  }
0x20: {  	[sflag:s8] =	ssyncset.s32 @!p0 $0xFFFFF086;
	s6 =	sadd.s32 @!p0 s3, s7;
	s7 =	simm.s32 @!p0 $0x108  }
0x21: {  	s3 =	sadd.s32 s3, s9;
	s6 =	sadd.s32 @!p0 $0x88, s6;
	s7 =	simm.s32 @p2 $0x1082  }
0x22: {  	[simem:s7], [sflag:s8] =	dma.local @!p0 [hbm:s6], $0xF7A  }
0x23: {  	s9 =	sor.u32 $0xD0000000, s2;
	s6 =	simm.s32 $0x108;
	_ =	swait.ge @!p0 [sflag:s8], $0x0  }
0x24: {  	s3 =	sadd.s32 $0x88, s3;
	s6 =	simm.s32 @!p1 $0x1082;
	[sflag:s4] =	ssyncset.s32 $0xFFFFF086  }
0x25: {  	[simem:s6], [sflag:s4] =	dma.local [hbm:s3], $0xF7A  }
0x26: {  	[smem:$0x3F99] =	sst s1;
	(tag) =	ssettag s2;
	_ =	strace s9  }
0x27: {  	s1 =	sld [smem:$0x3FA9]  }
0x28: {  	s2 =	sld [smem:$0x3FAA]  }
0x29: {  	s4 =	sld [smem:$0x3FAC]  }
0x2a: {  	p0 =	seq.s32 s5, $0x0;
	s5 =	sld [smem:$0x3FAD]  }
0x2b: {  	s6 =	sld [smem:$0x3FAE]  }
0x2c: {  	s7 =	sld [smem:$0x3FAF]  }
0x2d: {  	s3 =	simm.s32 $0x108;
	s8 =	sld [smem:$0x3FB0]  }
0x2e: {  	s3 =	simm.s32 @!p0 $0x1082;
	s9 =	sld [smem:$0x3FB1]  }
0x2f: {  	lr =	sadd.s32 s0, s3;
	s0 =	sld [smem:$0x3FA8]  }
0x30: {  	s3 =	sld [smem:$0x3FAB]  }
0x31: {  	[smem:$0x3FB4] =	sst s10  }
0x32: {  	s10 =	sld [smem:$0x3FB2];
	_ =	sdelay $0x3  }
0x33: {  	p0 =	seq.s32 s10, $0x1;
	s10 =	sld [smem:$0x3FB4];
	_ =	sdelay $0x3  }
0x34: {  	[smem:$0x3FB4] =	sst s10  }
0x35: {  	s10 =	sld [smem:$0x3FB3];
	_ =	sdelay $0x3  }
0x36: {  	p1 =	seq.s32 s10, $0x1;
	s10 =	sld [smem:$0x3FB4];
	_ =	sdelay $0x3  }
0x37: {  	[smem:$0x3FB4] =	sst s10  }
0x38: {  	s10 =	sld [smem:$0x3FB5]  }
0x39: {  	_ = 	snop;
	(pc) =	sbr.ind lr, $3  }
0x3a: {  	_ = 	snop  }
0x3b: {  	_ = 	snop  }
0x3c: {  	p2 =	seq.s32 s10, $0x1;
	s10 =	sld [smem:$0x3FB4]  }
0x3d: {  	_ =	shalt  }
0x3e: {  	_ =	shalt  }
0x3f: {  	_ =	shalt  }
0x40: {  	_ =	shalt  }
0x41: {  	_ =	shalt  }
0x42: {  	_ =	shalt  }
0x43: {  	_ =	shalt  }
0x44: {  	_ =	shalt  }
0x45: {  	_ =	shalt  }
0x46: {  	_ =	shalt  }
0x47: {  	_ =	shalt  }
0x48: {  	_ =	shalt  }
0x49: {  	_ =	shalt  }
0x4a: {  	_ =	shalt  }
0x4b: {  	_ =	shalt  }
0x4c: {  	_ =	shalt  }
0x4d: {  	_ =	shalt  }
0x4e: {  	_ =	shalt  }
0x4f: {  	_ =	shalt  }
0x50: {  	_ =	shalt  }
0x51: {  	_ =	shalt  }
0x52: {  	_ =	shalt  }
0x53: {  	_ =	shalt  }
0x54: {  	_ =	shalt  }
0x55: {  	_ =	shalt  }
0x56: {  	_ =	shalt  }
0x57: {  	_ =	shalt  }
0x58: {  	_ =	shalt  }
0x59: {  	_ =	shalt  }
0x5a: {  	_ =	shalt  }
0x5b: {  	_ =	shalt  }
0x5c: {  	_ =	shalt  }
0x5d: {  	_ =	shalt  }
0x5e: {  	_ =	shalt  }
0x5f: {  	_ =	shalt  }
0x60: {  	_ =	shalt  }
0x61: {  	_ =	shalt  }
0x62: {  	_ =	shalt  }
0x63: {  	_ =	shalt  }
0x64: {  	_ =	shalt  }
0x65: {  	_ =	shalt  }
0x66: {  	_ =	shalt  }
0x67: {  	_ =	shalt  }
0x68: {  	_ =	shalt  }
0x69: {  	_ =	shalt  }
0x6a: {  	_ =	shalt  }
0x6b: {  	_ =	shalt  }
0x6c: {  	_ =	shalt  }
0x6d: {  	_ =	shalt  }
0x6e: {  	_ =	shalt  }
0x6f: {  	_ =	shalt  }
0x70: {  	_ =	shalt  }
0x71: {  	_ =	shalt  }
0x72: {  	_ =	shalt  }
0x73: {  	_ =	shalt  }
0x74: {  	_ =	shalt  }
0x75: {  	_ =	shalt  }
0x76: {  	_ =	shalt  }
0x77: {  	_ =	shalt  }
0x78: {  	_ =	shalt  }
0x79: {  	_ =	shalt  }
0x7a: {  	_ =	shalt  }
0x7b: {  	_ =	shalt  }
0x7c: {  	_ =	shalt  }
0x7d: {  	_ =	shalt  }
0x7e: {  	_ =	shalt  }
0x7f: {  	_ =	shalt  }
0x80: {  	_ =	shalt  }
0x81: {  	_ =	shalt  }
0x82: {  	_ =	shalt  }
0x83: {  	_ =	shalt  }
0x84: {  	_ =	shalt  }
0x85: {  	_ =	shalt  }
0x86: {  	_ =	shalt  }
0x87: {  	_ =	shalt  }
.Lfunc_end0:
.L_simem_size_0:
called_computation.1_lowered:
.L_overlay_start_0:
0x88: {  	s2 =	sld [smem:$0x3FD9]  }
0x89: {  	s3 =	sld [smem:$0x3FFE];
	_ =	sdelay $0x1  }
0x8a: {  	s1 =	srdreg.scid  }
0x8b: {  	s0 =	sand.u32 $0x1, s1  }
0x8c: {  	s17 =	sshll.u32 s0, $0xA;
	s2 =	sadd.s32 s3, s2  }
0x8d: {  	s2 =	sadd.s32 s2, s17  }
0x8e: {  	[smem:$0x3FC0] =	sst s2  }
0x8f: {  	_ = 	snop  }
0x90: {  	s2 =	sld [smem:$0x3FD0];
	(tm) =	ssettm $0x1  }
0x91: {  	s18 =	sld [smem:$0x3FFB];
	_ =	sdelay $0x3  }
0x92: {  	_ =	strace s18  }
0x93: {  	s3 =	sld [smem:$0x3FFC];
	_ =	sdelay $0x3  }
0x94: {  	_ =	strace s3  }
0x95: {  	s3 =	sld [smem:$0x3FFD];
	_ =	sdelay $0x3  }
0x96: {  	_ =	strace s3  }
0x97: {  	_ =	strace $0x8FFFFFFF  }
0x98: {  	s19 =	sld [smem:$0x3FDB];
	_ =	sdelay $0x1  }
0x99: {  	s4 =	simm.s32 $_scs_section_size  }
0x9a: {  	s5 =	simm.s32 $_size__tile_overlayer_lowered;
	s6 =	simm.s32 $_tile_overlayer_lowered  }
0x9b: {  	s22 =	simm.s32 $0x1BFF;
	s21 =	sshll.u32 s6, $0x1;
	s3 =	sadd.s32 s4, s19  }
0x9c: {  	s7 =	simm.s32 $0x0;
	s20 =	sshll.u32 s5, $0x1;
	s5 =	sadd.s32 s21, s3  }
0x9d: {  	[timem:s7], [sflag:s22] =	dma.local [hbm:s5], s20  }
0x9e: {  	_ =	swait.ge [sflag:s22], s20  }
0x9f: {  	s4 =	ssub.s32 $0x0, s20;
	[sflag:s22] =	ssyncset.done $0x0  }
0xa0: {  	[sflag:s22] =	ssyncadd.s32 s4;
	_ =	sdelay $0x1  }
0xa1: {  	s23 =	simm.s32 $0x1B8B  }
0xa2: {  	_ =	swait.ge [sflag:s23], $0x1  }
0xa3: {  	[sflag:s23] =	ssyncset.done $0x0  }
0xa4: {  	s25 =	simm.s32 $0x1B8E;
	s24 =	sld [smem:$0x3FFE];
	[sflag:s23] =	ssyncadd.s32 $0xFFFFFFFF  }
0xa5: {  	s26 =	simm.s32 $execute0_lowered;
	[smem:$0x3FD2] =	sst s25  }
0xa6: {  	s5 =	sshll.u32 s26, $0x1;
	_ =	strace $0x80000049;
	[dreg:$0x1] =	wrdreg $0xFFFFFFFF  }
0xa7: {  	s28 =	simm.s32 $_size_execute0_lowered;
	s3 =	sadd.s32 s3, s5;
	[dreg:$0x0] =	wrdreg $0x0  }
0xa8: {  	s5 =	sshll.u32 s28, $0x1;
	[dreg:$0x2] =	wrdreg s3  }
0xa9: {  	[dreg:$0x3] =	wrdreg s5  }
0xaa: {  	[dreg:$0x4] =	wrdreg $0xC0  }
0xab: {  	_ =	task [dreg:s7], $0x5FFFF  }
0xac: {  	[dreg:$0x1] =	wrdreg $0xFFFFFFFF  }
0xad: {  	[dreg:$0x0] =	wrdreg $0x60  }
0xae: {  	[dreg:$0x2] =	wrdreg s24  }
0xaf: {  	[dreg:$0x3] =	wrdreg s2  }
0xb0: {  	[dreg:$0x4] =	wrdreg $0x12D000  }
0xb1: {  	[dreg:$0x5] =	wrdreg $0x9  }
0xb2: {  	_ =	task.clear_ibuf [dreg:s7], $0x6FFFF;
	_ =	strace $0x90000049  }
0xb3: {  	s29 =	simm.s32 $0x9;
	_ =	strace $0x8000004B  }
0xb4: {  	_ =	swait.ge [sflag:s29], $0x1  }
0xb5: {  	[sflag:s29] =	ssyncadd.s32 $0xFFFFFFFF  }
0xb6: {  	_ =	strace $0x9000004B  }
0xb7: {  	_ =	sfence  }
0xb8: {  	s30 =	sld [smem:$0x0];
	_ =	sdelay $0x2  }
0xb9: {  	s31 =	sshll.u32 s1, $0xD;
	s1 =	sshrl.u32 s1, $0x2  }
0xba: {  	s3 =	sand.u32 $0x4000, s31;
	s1 =	sadd.s32 s1, s30  }
0xbb: {  	s0 =	sor.u32 s3, s0;
	s1 =	sshll.u32 s1, $0x11  }
0xbc: {  	s0 =	sor.u32 s1, s0  }
0xbd: {  	s0 =	sadd.s32 $0x8F2B, s0  }
0xbe: {  	[sflag:s0] =	ssyncadd.remote.s32 $0x1  }
0xbf: {  	_ =	sfence.sel $0xFFFF  }
0xc0: {  	[dreg:$0x0] =	wrdreg $0xFFFFFFFF;
	(pc) =	sbr.abs _section_cstart, $3  }
0xc1: {  	[dreg:$0x1] =	wrdreg $0xFFFFFFFF  }
0xc2: {  	_ =	task.clear_ibuf [dreg:s7], $0x2FFFF;
	_ =	strace $0x9FFFFFFF  }
0xc3: {  	(tm) =	ssettm $0x7FFFFFFF  }
tec
execute0_lowered:
.L_overlay_start_1:
0x0: {  	(tag) =	ssettag $0x1  }
0x1: {  	s0 =	rddreg [dreg:$0x0]  }
0x2: {  	s1 =	rddreg [dreg:$0x1]  }
0x3: {  	s2 =	rddreg [dreg:$0x2]  }
0x4: {  	s3 =	simm.s32 $0x0;
	s10 =	stileid.u32;
	s6 =	srdreg.scid  }
0x5: {  	s29 =	simm.s32 $0xBF40;
	s31 =	simm.s32 $0xDE80;
	s28 =	simm.s32 $0x1  }
0x6: {  	s30 =	simm.s32 $0x2;
	[smem:$0x7FF] =	sst s3;
	s20 =	smul.u32 $0xA00, s10  }
0x7: {  	s4 =	sadd.s32 $0x70000, s0;
	s5 =	sadd.s32 $0x35400, s0;
	s9 =	smul.u32 $0x28000, s10  }
0x8: {  	s6 =	sand.u32 $0x1, s6;
	s11 =	smul.u32 $0xA000, s10;
	s3 =	simm.s32 $0x7  }
0x9: {  	_ =	strace $0x8000004A;
	s8 =	ssub.s32 $0x2, s6;
	p0 =	seq.s32 s6, $0x1  }
0xa: {  	s6 =	simm.s32 $0x8;
	s7 =	sadd.s32 s20, s0;
	s0 =	sadd.s32 $0xAAC00, s0  }
0xb: {  	s21 =	sshrl.u32 s8, $0x1;
	s22 =	sshrl.u32 s9, $0x2;
	s1 =	sadd.s32 s1, s20  }
0xc: {  	s10 =	sadd.s32 s11, s2;
	[dreg:$0x5] =	wrdreg s11;
	s26 =	sadd.s32 $0xA0000, s11  }
0xd: {  	s20 =	simm.s32 $0x4;
	[dreg:$0x4] =	wrdreg s0;
	s0 =	ssub.s32 s8, s21  }
0xe: {  	s7 =	sadd.s32 $0x4200, s7;
	[dreg:$0x7] =	wrdreg s1;
	s23 =	sadd.s32 s22, s2  }
0xf: {  	[dreg:$0xa] =	wrdreg s26;
	s22 =	simm.s32 $0x9;
	s26 =	simm.s32 $0xA000  }
0x10: {  	s1 =	simm.s32 $0x5;
	s8 =	simm.s32 $0x0;
	[dreg:$0x6] =	wrdreg s7  }
0x11: {  	s24 =	sadd.s32 $0x1000, s23;
	s25 =	sadd.s32 $0x2000, s23;
	s13 =	sadd.s32 $0x3000, s23  }
.Ltmp0:
0x12: {  	s14 =	sadd.s32 $0x4000, s23;
	s15 =	sadd.s32 $0x5000, s23;
	(pc) =	sbr.rel .LBB2_1-.Ltmp0, $4  }
0x13: {  	s16 =	sadd.s32 $0x6000, s23;
	s17 =	sadd.s32 $0x7000, s23;
	s18 =	sadd.s32 $0x8000, s23  }
0x14: {  	s19 =	sadd.s32 $0x9000, s23;
	s21 =	smax.u32 s0, $0x1;
	s23 =	simm.s32 $0xFDC0  }
0x15: {  	s0 =	simm.s32 $0x3;
	s7 =	simm.s32 $0x6;
	[dreg:$0x8] =	wrdreg s24  }
0x16: {  	v0 =	vimm.f32 $0.0e+00;
	[dreg:$0x9] =	wrdreg s25;
	s24 =	simm.s32 $0x11D00;
	s25 =	simm.s32 $0x7D  }
.LBB2_6:
0x17: {  	[tilespmem:s23], [sflag:$0x4] =	stream.indirect.gather [hbm4b:s4+s25], $0x40, s11, s25, $0xb8;
	[tilespmem:$0x1CD00] =	vst v63  }
0x18: {  	s9 =	rddreg [dreg:$0x5]  }
.LBB2_10:
0x19: {  	_ =	swait.ge [sflag:s28], $0x1F40  }
0x1a: {  	[sflag:s28] =	ssyncset.done $0x0  }
0x1b: {  	s11 =	simm.s32 $0x9E00;
	[sflag:s28] =	ssyncadd.s32 $0xFFFFE0C0  }
0x1c: {  	[spmem:s2] =	stream.indirect.scatter.add.f32 [tilespmem:s26], [sflag:$0x5], $0x40, s11, s25, $0xb8;
	[tilespmem:$0x1CD00] =	vst v63  }
0x1d: {  	_ =	swait.ge [sflag:s30], $0x1F40  }
0x1e: {  	[sflag:s30] =	ssyncset.done $0x0  }
0x1f: {  	s12 =	simm.s32 $0x9E80;
	[sflag:s30] =	ssyncadd.s32 $0xFFFFE0C0  }
0x20: {  	[spmem:s2] =	stream.indirect.scatter.add.f32 [tilespmem:s29], [sflag:$0x6], $0x40, s12, s25, $0xb8;
	[tilespmem:$0x1CD00] =	vst v63  }
0x21: {  	_ =	swait.ge [sflag:s0], $0x1F40  }
0x22: {  	[sflag:s0] =	ssyncset.done $0x0  }
0x23: {  	s12 =	simm.s32 $0x9F00;
	[sflag:s0] =	ssyncadd.s32 $0xFFFFE0C0  }
0x24: {  	[spmem:s2] =	stream.indirect.scatter.add.f32 [tilespmem:s31], [sflag:$0x7], $0x40, s12, s25, $0xb8;
	[tilespmem:$0x1CD00] =	vst v63  }
0x25: {  	_ =	swait.ge [sflag:s20], $0x1F40  }
0x26: {  	[sflag:s20] =	ssyncset.done $0x0  }
0x27: {  	s12 =	simm.s32 $0x9F80;
	[sflag:s20] =	ssyncadd.s32 $0xFFFFE0C0  }
0x28: {  	[spmem:s2] =	stream.indirect.scatter.add.f32 [tilespmem:s23], [sflag:$0x8], $0x40, s12, s25, $0xb8;
	[tilespmem:$0x1CD00] =	vst v63  }
0x29: {  	_ =	swait.ge [sflag:s1], $0x1F40  }
0x2a: {  	[sflag:s1] =	ssyncset.done $0x0  }
0x2b: {  	[sflag:s1] =	ssyncadd.s32 $0xFFFFE0C0  }
0x2c: {  	_ =	swait.ge [sflag:s7], $0x1F40  }
0x2d: {  	[sflag:s7] =	ssyncset.done $0x0  }
0x2e: {  	[sflag:s7] =	ssyncadd.s32 $0xFFFFE0C0  }
0x2f: {  	_ =	swait.ge [sflag:s3], $0x1F40  }
0x30: {  	[sflag:s3] =	ssyncset.done $0x0  }
0x31: {  	[sflag:s3] =	ssyncadd.s32 $0xFFFFE0C0  }
0x32: {  	s9 =	sshrl.u32 s9, $0x3;
	_ =	swait.ge [sflag:s6], $0x1F40  }
0x33: {  	s8 =	sadd.s32 $0x1, s8;
	[sflag:s6] =	ssyncset.done $0x0;
	s12 =	rddreg [dreg:$0x4]  }
0x34: {  	s9 =	sadd.s32 s12, s9;
	[sflag:s6] =	ssyncadd.s32 $0xFFFFE0C0;
	s12 =	stileid.u32  }
0x35: {  	p1 =	sne.s32 s8, s21;
	s11 =	sshll.u32 s12, $0x6;
	[bflag:$0x0] =	sbarrier.arrive $0xFFFF  }
.Ltmp1:
0x36: {  	s12 =	sshrl.u32 s10, $0x3;
	s11 =	sor.u32 $0x1C09, s11;
	(pc) =	sbr.rel @!p1 .LBB2_11-.Ltmp1, $4  }
0x37: {  	[hbm:s9], [sflag:s11] =	dma.local [spmem:s12], $0x1400  }
0x38: {  	_ =	swait.ge [sflag:s22], $0x1400  }
0x39: {  	[sflag:s22] =	ssyncset.done $0x0  }
0x3a: {  	[sflag:s22] =	ssyncadd.s32 $0xFFFFEC00  }
.LBB2_1:
0x3b: {  	s9 =	simm.s32 $0x0;
	s11 =	rddreg [dreg:$0x6]  }
0x3c: {  	[tilespmem:s9], [sflag:$0x9] =	stream.linear.gather [hbm4b:s11+s9], $0x5000, $0x38;
	[tilespmem:$0x1CD00] =	vst v63  }
0x3d: {  	_ =	swait.ge [sflag:s22], $0x5000  }
0x3e: {  	[sflag:s22] =	ssyncset.done $0x0  }
0x3f: {  	s12 =	simm.s32 $0x5000;
	s11 =	rddreg [dreg:$0x7];
	[sflag:s22] =	ssyncadd.s32 $0xFFFFB000  }
0x40: {  	[tilespmem:s12], [sflag:$0x9] =	stream.linear.gather [hbm4b:s11+s9], $0x5000, $0x38;
	[tilespmem:$0x1CD00] =	vst v63  }
0x41: {  	_ =	swait.ge [sflag:s22], $0x5000  }
0x42: {  	[sflag:s22] =	ssyncset.done $0x0  }
0x43: {  	s11 =	simm.s32 $0x100;
	s9 =	simm.s32 $0x0;
	[sflag:s22] =	ssyncadd.s32 $0xFFFFB000  }
.LBB2_2:
0x44: {  	p1 =	sne.s32 s11, $0x3F00;
	[tilespmem:s9+$0x11D30] =	vst v0;
	s12 =	smov.u32 s11;
	s11 =	sadd.s32 $0x100, s11  }
.Ltmp2:
0x45: {  	[tilespmem:s9+$0x11D20] =	vst v0;
	(pc) =	sbr.rel @p1 .LBB2_2-.Ltmp2, $3  }
0x46: {  	[tilespmem:s9+$0x11D00] =	vst v0  }
0x47: {  	[tilespmem:s9+$0x11D10] =	vst v0;
	_ =	sdelay $0x1  }
0x48: {  	s9 =	sshra.s32 s12, $0x2  }
0x49: {  	[tilespmem:s9+$0x11D30] =	vst v0  }
0x4a: {  	[tilespmem:s9+$0x11D20] =	vst v0  }
0x4b: {  	[tilespmem:s9+$0x11D00] =	vst v0  }
0x4c: {  	[tilespmem:s9+$0x11D10] =	vst v0  }
0x4d: {  	[spmem:s10] =	stream.linear.scatter [tilespmem:s24], [sflag:$0x9], $0x1000, $0x38;
	[tilespmem:$0x1CD00] =	vst v63  }
0x4e: {  	_ =	swait.ge [sflag:s22], $0x1000  }
0x4f: {  	[sflag:s22] =	ssyncset.done $0x0  }
0x50: {  	s11 =	rddreg [dreg:$0x8];
	[sflag:s22] =	ssyncadd.s32 $0xFFFFF000  }
0x51: {  	[spmem:s11] =	stream.linear.scatter [tilespmem:s24], [sflag:$0x9], $0x1000, $0x38;
	[tilespmem:$0x1CD00] =	vst v63  }
0x52: {  	_ =	swait.ge [sflag:s22], $0x1000  }
0x53: {  	[sflag:s22] =	ssyncset.done $0x0  }
0x54: {  	s12 =	rddreg [dreg:$0x9];
	[sflag:s22] =	ssyncadd.s32 $0xFFFFF000  }
0x55: {  	[spmem:s12] =	stream.linear.scatter [tilespmem:s24], [sflag:$0x9], $0x1000, $0x38;
	[tilespmem:$0x1CD00] =	vst v63  }
0x56: {  	_ =	swait.ge [sflag:s22], $0x1000  }
0x57: {  	[sflag:s22] =	ssyncset.done $0x0  }
0x58: {  	[sflag:s22] =	ssyncadd.s32 $0xFFFFF000  }
0x59: {  	[spmem:s13] =	stream.linear.scatter [tilespmem:s24], [sflag:$0x9], $0x1000, $0x38;
	[tilespmem:$0x1CD00] =	vst v63  }
0x5a: {  	_ =	swait.ge [sflag:s22], $0x1000  }
0x5b: {  	[sflag:s22] =	ssyncset.done $0x0  }
0x5c: {  	[sflag:s22] =	ssyncadd.s32 $0xFFFFF000  }
0x5d: {  	[spmem:s14] =	stream.linear.scatter [tilespmem:s24], [sflag:$0x9], $0x1000, $0x38;
	[tilespmem:$0x1CD00] =	vst v63  }
0x5e: {  	_ =	swait.ge [sflag:s22], $0x1000  }
0x5f: {  	[sflag:s22] =	ssyncset.done $0x0  }
0x60: {  	[sflag:s22] =	ssyncadd.s32 $0xFFFFF000  }
0x61: {  	[spmem:s15] =	stream.linear.scatter [tilespmem:s24], [sflag:$0x9], $0x1000, $0x38;
	[tilespmem:$0x1CD00] =	vst v63  }
0x62: {  	_ =	swait.ge [sflag:s22], $0x1000  }
0x63: {  	[sflag:s22] =	ssyncset.done $0x0  }
0x64: {  	[sflag:s22] =	ssyncadd.s32 $0xFFFFF000  }
0x65: {  	[spmem:s16] =	stream.linear.scatter [tilespmem:s24], [sflag:$0x9], $0x1000, $0x38;
	[tilespmem:$0x1CD00] =	vst v63  }
0x66: {  	_ =	swait.ge [sflag:s22], $0x1000  }
0x67: {  	[sflag:s22] =	ssyncset.done $0x0  }
0x68: {  	[sflag:s22] =	ssyncadd.s32 $0xFFFFF000  }
0x69: {  	[spmem:s17] =	stream.linear.scatter [tilespmem:s24], [sflag:$0x9], $0x1000, $0x38;
	[tilespmem:$0x1CD00] =	vst v63  }
0x6a: {  	_ =	swait.ge [sflag:s22], $0x1000  }
0x6b: {  	[sflag:s22] =	ssyncset.done $0x0  }
0x6c: {  	[sflag:s22] =	ssyncadd.s32 $0xFFFFF000  }
0x6d: {  	[spmem:s18] =	stream.linear.scatter [tilespmem:s24], [sflag:$0x9], $0x1000, $0x38;
	[tilespmem:$0x1CD00] =	vst v63  }
0x6e: {  	_ =	swait.ge [sflag:s22], $0x1000  }
0x6f: {  	[sflag:s22] =	ssyncset.done $0x0  }
0x70: {  	[sflag:s22] =	ssyncadd.s32 $0xFFFFF000  }
0x71: {  	[spmem:s19] =	stream.linear.scatter [tilespmem:s24], [sflag:$0x9], $0x1000, $0x38;
	[tilespmem:$0x1CD00] =	vst v63  }
.Ltmp3:
0x72: {  	_ =	swait.ge [sflag:s22], $0x1000;
	(pc) =	sbr.rel @!p0 .LBB2_4-.Ltmp3, $4  }
0x73: {  	[sflag:s22] =	ssyncset.done $0x0  }
0x74: {  	[sflag:s22] =	ssyncadd.s32 $0xFFFFF000  }
0x75: {  	[bflag:$0x0] =	sbarrier.arrive $0xFFFF  }
0x76: {  	s9 =	simm.s32 $0x0  }
0x77: {  	[tilespmem:s26], [sflag:$0x1] =	stream.indirect.gather [hbm4b:s5+s25], $0x40, s9, s25, $0xb8;
	[tilespmem:$0x1CD00] =	vst v63  }
0x78: {  	s11 =	simm.s32 $0x80  }
0x79: {  	[tilespmem:s29], [sflag:$0x2] =	stream.indirect.gather [hbm4b:s5+s25], $0x40, s11, s25, $0xb8;
	[tilespmem:$0x1CD00] =	vst v63  }
0x7a: {  	s12 =	simm.s32 $0x100  }
0x7b: {  	[tilespmem:s31], [sflag:$0x3] =	stream.indirect.gather [hbm4b:s5+s25], $0x40, s12, s25, $0xb8;
	[tilespmem:$0x1CD00] =	vst v63  }
0x7c: {  	s11 =	simm.s32 $0x180  }
0x7d: {  	[tilespmem:s23], [sflag:$0x4] =	stream.indirect.gather [hbm4b:s5+s25], $0x40, s11, s25, $0xb8;
	[tilespmem:$0x1CD00] =	vst v63  }
0x7e: {  	_ =	swait.ge [sflag:s28], $0x1F40  }
0x7f: {  	[sflag:s28] =	ssyncset.done $0x0  }
0x80: {  	s12 =	simm.s32 $0x5000;
	[sflag:s28] =	ssyncadd.s32 $0xFFFFE0C0  }
0x81: {  	[spmem:s2] =	stream.indirect.scatter.add.f32 [tilespmem:s26], [sflag:$0x5], $0x40, s12, s25, $0xb8;
	[tilespmem:$0x1CD00] =	vst v63  }
0x82: {  	_ =	swait.ge [sflag:s30], $0x1F40  }
0x83: {  	[sflag:s30] =	ssyncset.done $0x0  }
0x84: {  	s11 =	simm.s32 $0x5080;
	[sflag:s30] =	ssyncadd.s32 $0xFFFFE0C0  }
0x85: {  	[spmem:s2] =	stream.indirect.scatter.add.f32 [tilespmem:s29], [sflag:$0x6], $0x40, s11, s25, $0xb8;
	[tilespmem:$0x1CD00] =	vst v63  }
0x86: {  	_ =	swait.ge [sflag:s0], $0x1F40  }
0x87: {  	[sflag:s0] =	ssyncset.done $0x0  }
0x88: {  	s12 =	simm.s32 $0x5100;
	[sflag:s0] =	ssyncadd.s32 $0xFFFFE0C0  }
0x89: {  	[spmem:s2] =	stream.indirect.scatter.add.f32 [tilespmem:s31], [sflag:$0x7], $0x40, s12, s25, $0xb8;
	[tilespmem:$0x1CD00] =	vst v63  }
0x8a: {  	_ =	swait.ge [sflag:s20], $0x1F40  }
0x8b: {  	[sflag:s20] =	ssyncset.done $0x0  }
0x8c: {  	s11 =	simm.s32 $0x5180;
	[sflag:s20] =	ssyncadd.s32 $0xFFFFE0C0  }
0x8d: {  	[spmem:s2] =	stream.indirect.scatter.add.f32 [tilespmem:s23], [sflag:$0x8], $0x40, s11, s25, $0xb8;
	[tilespmem:$0x1CD00] =	vst v63  }
0x8e: {  	_ =	swait.ge [sflag:s1], $0x1F40  }
0x8f: {  	[sflag:s1] =	ssyncset.done $0x0  }
0x90: {  	s12 =	simm.s32 $0x200;
	[sflag:s1] =	ssyncadd.s32 $0xFFFFE0C0  }
0x91: {  	[tilespmem:s26], [sflag:$0x1] =	stream.indirect.gather [hbm4b:s5+s25], $0x40, s12, s25, $0xb8;
	[tilespmem:$0x1CD00] =	vst v63  }
0x92: {  	_ =	swait.ge [sflag:s7], $0x1F40  }
0x93: {  	[sflag:s7] =	ssyncset.done $0x0  }
0x94: {  	s11 =	simm.s32 $0x280;
	[sflag:s7] =	ssyncadd.s32 $0xFFFFE0C0  }
0x95: {  	[tilespmem:s29], [sflag:$0x2] =	stream.indirect.gather [hbm4b:s5+s25], $0x40, s11, s25, $0xb8;
	[tilespmem:$0x1CD00] =	vst v63  }
0x96: {  	_ =	swait.ge [sflag:s3], $0x1F40  }
0x97: {  	[sflag:s3] =	ssyncset.done $0x0  }
0x98: {  	s12 =	simm.s32 $0x300;
	[sflag:s3] =	ssyncadd.s32 $0xFFFFE0C0  }
0x99: {  	[tilespmem:s31], [sflag:$0x3] =	stream.indirect.gather [hbm4b:s5+s25], $0x40, s12, s25, $0xb8;
	[tilespmem:$0x1CD00] =	vst v63  }
0x9a: {  	_ =	swait.ge [sflag:s6], $0x1F40  }
0x9b: {  	[sflag:s6] =	ssyncset.done $0x0  }
0x9c: {  	s9 =	simm.s32 $0x800;
	s11 =	simm.s32 $0x380;
	[sflag:s6] =	ssyncadd.s32 $0xFFFFE0C0  }
.LBB2_8:
0x9d: {  	[tilespmem:s23], [sflag:$0x4] =	stream.indirect.gather [hbm4b:s5+s25], $0x40, s11, s25, $0xb8;
	[tilespmem:$0x1CD00] =	vst v63  }
0x9e: {  	s11 =	smov.u32 s9  }
0x9f: {  	p1 =	sne.s32 s9, $0x13000;
	s9 =	sadd.s32 $0x800, s9;
	_ =	swait.ge [sflag:s28], $0x1F40  }
0xa0: {  	s11 =	sshra.s32 s11, $0x2;
	[sflag:s28] =	ssyncset.done $0x0  }
0xa1: {  	s12 =	sadd.s32 $0x5000, s11;
	[sflag:s28] =	ssyncadd.s32 $0xFFFFE0C0  }
0xa2: {  	[spmem:s2] =	stream.indirect.scatter.add.f32 [tilespmem:s26], [sflag:$0x5], $0x40, s12, s25, $0xb8;
	[tilespmem:$0x1CD00] =	vst v63  }
0xa3: {  	_ =	swait.ge [sflag:s30], $0x1F40  }
0xa4: {  	[sflag:s30] =	ssyncset.done $0x0  }
0xa5: {  	s12 =	sadd.s32 $0x5080, s11;
	[sflag:s30] =	ssyncadd.s32 $0xFFFFE0C0  }
0xa6: {  	[spmem:s2] =	stream.indirect.scatter.add.f32 [tilespmem:s29], [sflag:$0x6], $0x40, s12, s25, $0xb8;
	[tilespmem:$0x1CD00] =	vst v63  }
0xa7: {  	_ =	swait.ge [sflag:s0], $0x1F40  }
0xa8: {  	[sflag:s0] =	ssyncset.done $0x0  }
0xa9: {  	s12 =	sadd.s32 $0x5100, s11;
	[sflag:s0] =	ssyncadd.s32 $0xFFFFE0C0  }
0xaa: {  	[spmem:s2] =	stream.indirect.scatter.add.f32 [tilespmem:s31], [sflag:$0x7], $0x40, s12, s25, $0xb8;
	[tilespmem:$0x1CD00] =	vst v63  }
0xab: {  	_ =	swait.ge [sflag:s20], $0x1F40  }
0xac: {  	[sflag:s20] =	ssyncset.done $0x0  }
0xad: {  	s12 =	sadd.s32 $0x5180, s11;
	[sflag:s20] =	ssyncadd.s32 $0xFFFFE0C0  }
0xae: {  	[spmem:s2] =	stream.indirect.scatter.add.f32 [tilespmem:s23], [sflag:$0x8], $0x40, s12, s25, $0xb8;
	[tilespmem:$0x1CD00] =	vst v63  }
0xaf: {  	_ =	swait.ge [sflag:s1], $0x1F40  }
0xb0: {  	[sflag:s1] =	ssyncset.done $0x0  }
0xb1: {  	s12 =	sadd.s32 $0x200, s11;
	[sflag:s1] =	ssyncadd.s32 $0xFFFFE0C0  }
0xb2: {  	[tilespmem:s26], [sflag:$0x1] =	stream.indirect.gather [hbm4b:s5+s25], $0x40, s12, s25, $0xb8;
	[tilespmem:$0x1CD00] =	vst v63  }
0xb3: {  	_ =	swait.ge [sflag:s7], $0x1F40  }
0xb4: {  	[sflag:s7] =	ssyncset.done $0x0  }
0xb5: {  	s12 =	sadd.s32 $0x280, s11;
	[sflag:s7] =	ssyncadd.s32 $0xFFFFE0C0  }
0xb6: {  	[tilespmem:s29], [sflag:$0x2] =	stream.indirect.gather [hbm4b:s5+s25], $0x40, s12, s25, $0xb8;
	[tilespmem:$0x1CD00] =	vst v63  }
0xb7: {  	_ =	swait.ge [sflag:s3], $0x1F40  }
0xb8: {  	[sflag:s3] =	ssyncset.done $0x0  }
.Ltmp4:
0xb9: {  	s12 =	sadd.s32 $0x300, s11;
	[sflag:s3] =	ssyncadd.s32 $0xFFFFE0C0;
	(pc) =	sbr.rel @p1 .LBB2_8-.Ltmp4, $4  }
0xba: {  	[tilespmem:s31], [sflag:$0x3] =	stream.indirect.gather [hbm4b:s5+s25], $0x40, s12, s25, $0xb8;
	[tilespmem:$0x1CD00] =	vst v63  }
0xbb: {  	_ =	swait.ge [sflag:s6], $0x1F40  }
0xbc: {  	[sflag:s6] =	ssyncset.done $0x0  }
0xbd: {  	s11 =	sadd.s32 $0x380, s11;
	[sflag:s6] =	ssyncadd.s32 $0xFFFFE0C0  }
.Ltmp5:
0xbe: {  	(pc) =	sbr.rel .LBB2_10-.Ltmp5, $3  }
0xbf: {  	_ =	sdelay $0x1  }
0xc0: {  	[tilespmem:s23], [sflag:$0x4] =	stream.indirect.gather [hbm4b:s5+s25], $0x40, s11, s25, $0xb8;
	[tilespmem:$0x1CD00] =	vst v63  }
0xc1: {  	s9 =	rddreg [dreg:$0xa]  }
.LBB2_4:
0xc2: {  	[tilespmem:s26], [sflag:$0x1] =	stream.indirect.gather [hbm4b:s4+s25], $0x40, s9, s25, $0xb8;
	[tilespmem:$0x1CD00] =	vst v63  }
0xc3: {  	s11 =	simm.s32 $0x80  }
0xc4: {  	[tilespmem:s29], [sflag:$0x2] =	stream.indirect.gather [hbm4b:s4+s25], $0x40, s11, s25, $0xb8;
	[tilespmem:$0x1CD00] =	vst v63  }
0xc5: {  	s12 =	simm.s32 $0x100  }
0xc6: {  	[tilespmem:s31], [sflag:$0x3] =	stream.indirect.gather [hbm4b:s4+s25], $0x40, s12, s25, $0xb8;
	[tilespmem:$0x1CD00] =	vst v63  }
0xc7: {  	s11 =	simm.s32 $0x180  }
0xc8: {  	[tilespmem:s23], [sflag:$0x4] =	stream.indirect.gather [hbm4b:s4+s25], $0x40, s11, s25, $0xb8;
	[tilespmem:$0x1CD00] =	vst v63  }
0xc9: {  	_ =	swait.ge [sflag:s28], $0x1F40  }
0xca: {  	[sflag:s28] =	ssyncset.done $0x0  }
0xcb: {  	s12 =	simm.s32 $0x5000;
	[sflag:s28] =	ssyncadd.s32 $0xFFFFE0C0  }
0xcc: {  	[spmem:s2] =	stream.indirect.scatter.add.f32 [tilespmem:s26], [sflag:$0x5], $0x40, s12, s25, $0xb8;
	[tilespmem:$0x1CD00] =	vst v63  }
0xcd: {  	_ =	swait.ge [sflag:s30], $0x1F40  }
0xce: {  	[sflag:s30] =	ssyncset.done $0x0  }
0xcf: {  	s11 =	simm.s32 $0x5080;
	[sflag:s30] =	ssyncadd.s32 $0xFFFFE0C0  }
0xd0: {  	[spmem:s2] =	stream.indirect.scatter.add.f32 [tilespmem:s29], [sflag:$0x6], $0x40, s11, s25, $0xb8;
	[tilespmem:$0x1CD00] =	vst v63  }
0xd1: {  	_ =	swait.ge [sflag:s0], $0x1F40  }
0xd2: {  	[sflag:s0] =	ssyncset.done $0x0  }
0xd3: {  	s12 =	simm.s32 $0x5100;
	[sflag:s0] =	ssyncadd.s32 $0xFFFFE0C0  }
0xd4: {  	[spmem:s2] =	stream.indirect.scatter.add.f32 [tilespmem:s31], [sflag:$0x7], $0x40, s12, s25, $0xb8;
	[tilespmem:$0x1CD00] =	vst v63  }
0xd5: {  	_ =	swait.ge [sflag:s20], $0x1F40  }
0xd6: {  	[sflag:s20] =	ssyncset.done $0x0  }
0xd7: {  	s11 =	simm.s32 $0x5180;
	[sflag:s20] =	ssyncadd.s32 $0xFFFFE0C0  }
0xd8: {  	[spmem:s2] =	stream.indirect.scatter.add.f32 [tilespmem:s23], [sflag:$0x8], $0x40, s11, s25, $0xb8;
	[tilespmem:$0x1CD00] =	vst v63  }
0xd9: {  	_ =	swait.ge [sflag:s1], $0x1F40  }
0xda: {  	[sflag:s1] =	ssyncset.done $0x0  }
0xdb: {  	s12 =	simm.s32 $0x200;
	[sflag:s1] =	ssyncadd.s32 $0xFFFFE0C0  }
0xdc: {  	[tilespmem:s26], [sflag:$0x1] =	stream.indirect.gather [hbm4b:s4+s25], $0x40, s12, s25, $0xb8;
	[tilespmem:$0x1CD00] =	vst v63  }
0xdd: {  	_ =	swait.ge [sflag:s7], $0x1F40  }
0xde: {  	[sflag:s7] =	ssyncset.done $0x0  }
0xdf: {  	s11 =	simm.s32 $0x280;
	[sflag:s7] =	ssyncadd.s32 $0xFFFFE0C0  }
0xe0: {  	[tilespmem:s29], [sflag:$0x2] =	stream.indirect.gather [hbm4b:s4+s25], $0x40, s11, s25, $0xb8;
	[tilespmem:$0x1CD00] =	vst v63  }
0xe1: {  	_ =	swait.ge [sflag:s3], $0x1F40  }
0xe2: {  	[sflag:s3] =	ssyncset.done $0x0  }
0xe3: {  	s12 =	simm.s32 $0x300;
	[sflag:s3] =	ssyncadd.s32 $0xFFFFE0C0  }
0xe4: {  	[tilespmem:s31], [sflag:$0x3] =	stream.indirect.gather [hbm4b:s4+s25], $0x40, s12, s25, $0xb8;
	[tilespmem:$0x1CD00] =	vst v63  }
0xe5: {  	_ =	swait.ge [sflag:s6], $0x1F40  }
0xe6: {  	[sflag:s6] =	ssyncset.done $0x0  }
0xe7: {  	s9 =	simm.s32 $0x800;
	s11 =	simm.s32 $0x380;
	[sflag:s6] =	ssyncadd.s32 $0xFFFFE0C0  }
.LBB2_5:
0xe8: {  	[tilespmem:s23], [sflag:$0x4] =	stream.indirect.gather [hbm4b:s4+s25], $0x40, s11, s25, $0xb8;
	[tilespmem:$0x1CD00] =	vst v63  }
0xe9: {  	s11 =	smov.u32 s9  }
0xea: {  	p1 =	seq.s32 s9, $0x13000;
	s9 =	sadd.s32 $0x800, s9;
	_ =	swait.ge [sflag:s28], $0x1F40  }
0xeb: {  	s11 =	sshra.s32 s11, $0x2;
	[sflag:s28] =	ssyncset.done $0x0  }
0xec: {  	s12 =	sadd.s32 $0x5000, s11;
	[sflag:s28] =	ssyncadd.s32 $0xFFFFE0C0  }
0xed: {  	[spmem:s2] =	stream.indirect.scatter.add.f32 [tilespmem:s26], [sflag:$0x5], $0x40, s12, s25, $0xb8;
	[tilespmem:$0x1CD00] =	vst v63  }
0xee: {  	_ =	swait.ge [sflag:s30], $0x1F40  }
0xef: {  	[sflag:s30] =	ssyncset.done $0x0  }
0xf0: {  	s12 =	sadd.s32 $0x5080, s11;
	[sflag:s30] =	ssyncadd.s32 $0xFFFFE0C0  }
0xf1: {  	[spmem:s2] =	stream.indirect.scatter.add.f32 [tilespmem:s29], [sflag:$0x6], $0x40, s12, s25, $0xb8;
	[tilespmem:$0x1CD00] =	vst v63  }
0xf2: {  	_ =	swait.ge [sflag:s0], $0x1F40  }
0xf3: {  	[sflag:s0] =	ssyncset.done $0x0  }
0xf4: {  	s12 =	sadd.s32 $0x5100, s11;
	[sflag:s0] =	ssyncadd.s32 $0xFFFFE0C0  }
0xf5: {  	[spmem:s2] =	stream.indirect.scatter.add.f32 [tilespmem:s31], [sflag:$0x7], $0x40, s12, s25, $0xb8;
	[tilespmem:$0x1CD00] =	vst v63  }
0xf6: {  	_ =	swait.ge [sflag:s20], $0x1F40  }
0xf7: {  	[sflag:s20] =	ssyncset.done $0x0  }
0xf8: {  	s12 =	sadd.s32 $0x5180, s11;
	[sflag:s20] =	ssyncadd.s32 $0xFFFFE0C0  }
0xf9: {  	[spmem:s2] =	stream.indirect.scatter.add.f32 [tilespmem:s23], [sflag:$0x8], $0x40, s12, s25, $0xb8;
	[tilespmem:$0x1CD00] =	vst v63  }
0xfa: {  	_ =	swait.ge [sflag:s1], $0x1F40  }
0xfb: {  	[sflag:s1] =	ssyncset.done $0x0  }
0xfc: {  	s12 =	sadd.s32 $0x200, s11;
	[sflag:s1] =	ssyncadd.s32 $0xFFFFE0C0  }
0xfd: {  	[tilespmem:s26], [sflag:$0x1] =	stream.indirect.gather [hbm4b:s4+s25], $0x40, s12, s25, $0xb8;
	[tilespmem:$0x1CD00] =	vst v63  }
0xfe: {  	_ =	swait.ge [sflag:s7], $0x1F40  }
0xff: {  	[sflag:s7] =	ssyncset.done $0x0  }
0x100: {  	s12 =	sadd.s32 $0x280, s11;
	[sflag:s7] =	ssyncadd.s32 $0xFFFFE0C0  }
0x101: {  	[tilespmem:s29], [sflag:$0x2] =	stream.indirect.gather [hbm4b:s4+s25], $0x40, s12, s25, $0xb8;
	[tilespmem:$0x1CD00] =	vst v63  }
0x102: {  	_ =	swait.ge [sflag:s3], $0x1F40  }
0x103: {  	[sflag:s3] =	ssyncset.done $0x0  }
.Ltmp6:
0x104: {  	s12 =	sadd.s32 $0x300, s11;
	[sflag:s3] =	ssyncadd.s32 $0xFFFFE0C0;
	(pc) =	sbr.rel @!p1 .LBB2_5-.Ltmp6, $4  }
0x105: {  	[tilespmem:s31], [sflag:$0x3] =	stream.indirect.gather [hbm4b:s4+s25], $0x40, s12, s25, $0xb8;
	[tilespmem:$0x1CD00] =	vst v63  }
0x106: {  	_ =	swait.ge [sflag:s6], $0x1F40  }
0x107: {  	[sflag:s6] =	ssyncset.done $0x0  }
0x108: {  	s11 =	sadd.s32 $0x380, s11;
	[sflag:s6] =	ssyncadd.s32 $0xFFFFE0C0  }
.Ltmp7:
0x109: {  	_ = 	snop;
	(pc) =	sbr.rel .LBB2_6-.Ltmp7, $1  }
0x10a: {  	_ =	sdelay $0x3  }
.LBB2_11:
0x10b: {  	_ =	sfence.sel $0x180000  }
0x10c: {  	[bflag:$0x0] =	sbarrier.arrive $0xFFFF  }
0x10d: {  	_ =	strace $0x9000004A  }
0x10e: {  	s0 =	stileid.u32;
	[bflag:$0x2] =	sbarrier.arrive $0xFFFF  }
0x10f: {  	p0 =	sne.s32 s0, $0x0;
	s0 =	rddreg [dreg:$0x3]  }
0x110: {  	s0 =	sadd.s32 @!p0 $0x100000, s0  }
0x111: {  	[sflag:s0] =	ssyncadd.tile.s32 @!p0 $0x1;
	_ =	shalt  }
.Lfunc_end2:
_tile_overlayer_lowered:
.L_overlay_start_2:
0x112: {  	(tag) =	ssettag $0x2  }
0x113: {  	s0 =	rddreg [dreg:$0x0];
	s2 =	stileid.u32  }
0x114: {  	s1 =	rddreg [dreg:$0x1];
	p0 =	sne.s32 s2, $0x0  }
0x115: {  	s3 =	rddreg [dreg:$0x2];
	[bflag:$0x3] =	sbarrier.arrive $0xFFFF;
	s2 =	simm.s32 @!p0 $0x1C09  }
0x116: {  	[timem:s3], [sflag:s2] =	dma.local @!p0 [hbm:s0], s1  }
0x117: {  	s0 =	simm.s32 @!p0 $0x9  }
0x118: {  	_ =	swait.ge @!p0 [sflag:s0], s1  }
0x119: {  	s1 =	ssub.s32 @!p0 $0x0, s1;
	[sflag:s0] =	ssyncset.done @!p0 $0x0  }
0x11a: {  	[sflag:s0] =	ssyncadd.s32 @!p0 s1  }
0x11b: {  	[bflag:$0x3] =	sbarrier.arrive $0xFFFF  }
0x11c: {  	_ =	shalt  }

// kernel: kernel.16.cloned.1.call-start
scs
__scs_entry_jumppad:
0x0: {  	(pc) =	sbr.rel $0x88, $3  }
0x1: {  	(tag) =	ssettag $0x0;
	lr =	simm.s32 $0x1  }
0x2: {  	[smem:$0x3F99] =	sst lr;
	_ =	strace $0xD0000000  }
0x3: {  	_ = 	snop  }
0x4: {  	_ = 	snop  }
0x5: {  	_ = 	snop  }
0x6: {  	_ = 	snop  }
0x7: {  	_ = 	snop  }
__scs_overlays_trampoline_lowered:
0x8: {  	[smem:$0x3FA8] =	sst s0  }
0x9: {  	[smem:$0x3FA9] =	sst s1  }
0xa: {  	[smem:$0x3FAA] =	sst s2  }
0xb: {  	[smem:$0x3FAB] =	sst s3  }
0xc: {  	[smem:$0x3FAC] =	sst s4  }
0xd: {  	[smem:$0x3FAD] =	sst s5  }
0xe: {  	[smem:$0x3FAE] =	sst s6  }
0xf: {  	[smem:$0x3FAF] =	sst s7  }
0x10: {  	[smem:$0x3FB0] =	sst s8  }
0x11: {  	[smem:$0x3FB1] =	sst s9;
	s0 =	simm.s32 @!p0 $0x0  }
0x12: {  	s1 =	sld [smem:$0x3F97];
	s0 =	simm.s32 @p0 $0x1  }
0x13: {  	[smem:$0x3FB2] =	sst s0;
	s0 =	simm.s32 @!p1 $0x0  }
0x14: {  	s2 =	sld [smem:$0x3F96];
	s0 =	simm.s32 @p1 $0x1  }
0x15: {  	[smem:$0x3FB3] =	sst s0;
	s0 =	simm.s32 @!p2 $0x0  }
0x16: {  	s3 =	sld [smem:$0x3FDB];
	s0 =	simm.s32 @p2 $0x1  }
0x17: {  	s4 =	simm.s32 $0x1BF5;
	[smem:$0x3FB5] =	sst s0  }
0x18: {  	s0 =	sld [smem:$0x3F98];
	_ =	swait.ge [sflag:s4], $0x0  }
0x19: {  	s7 =	sld [smem:$0x3F99]  }
0x1a: {  	s8 =	sadd.s32 $0xFFFFE003, lr  }
0x1b: {  	s9 =	sadd.s32 $0xFFFFFEF7, lr;
	s5 =	simm.s32 $0xFFFFFFFF;
	p2 =	slt.u32 s8, $0xFFFFF086  }
0x1c: {  	p1 =	slt.u32 s9, $0xF7A;
	s5 =	simm.s32 @!p2 $0x0  }
0x1d: {  	s5 =	simm.s32 @p1 $0x1;
	p0 =	seq.s32 s7, s2  }
0x1e: {  	s7 =	smul.u32 @!p0 $0xF7A, s2;
	p2 =	seq.s32 @!p0 s5, $0x0  }
0x1f: {  	s9 =	smul.u32 $0xF7A, s1;
	s8 =	simm.s32 @!p0 $0x1BF5;
	p2 =	por !p2, p0  }
0x20: {  	[sflag:s8] =	ssyncset.s32 @!p0 $0xFFFFF086;
	s6 =	sadd.s32 @!p0 s3, s7;
	s7 =	simm.s32 @!p0 $0x108  }
0x21: {  	s3 =	sadd.s32 s3, s9;
	s6 =	sadd.s32 @!p0 $0x88, s6;
	s7 =	simm.s32 @p2 $0x1082  }
0x22: {  	[simem:s7], [sflag:s8] =	dma.local @!p0 [hbm:s6], $0xF7A  }
0x23: {  	s9 =	sor.u32 $0xD0000000, s2;
	s6 =	simm.s32 $0x108;
	_ =	swait.ge @!p0 [sflag:s8], $0x0  }
0x24: {  	s3 =	sadd.s32 $0x88, s3;
	s6 =	simm.s32 @!p1 $0x1082;
	[sflag:s4] =	ssyncset.s32 $0xFFFFF086  }
0x25: {  	[simem:s6], [sflag:s4] =	dma.local [hbm:s3], $0xF7A  }
0x26: {  	[smem:$0x3F99] =	sst s1;
	(tag) =	ssettag s2;
	_ =	strace s9  }
0x27: {  	s1 =	sld [smem:$0x3FA9]  }
0x28: {  	s2 =	sld [smem:$0x3FAA]  }
0x29: {  	s4 =	sld [smem:$0x3FAC]  }
0x2a: {  	p0 =	seq.s32 s5, $0x0;
	s5 =	sld [smem:$0x3FAD]  }
0x2b: {  	s6 =	sld [smem:$0x3FAE]  }
0x2c: {  	s7 =	sld [smem:$0x3FAF]  }
0x2d: {  	s3 =	simm.s32 $0x108;
	s8 =	sld [smem:$0x3FB0]  }
0x2e: {  	s3 =	simm.s32 @!p0 $0x1082;
	s9 =	sld [smem:$0x3FB1]  }
0x2f: {  	lr =	sadd.s32 s0, s3;
	s0 =	sld [smem:$0x3FA8]  }
0x30: {  	s3 =	sld [smem:$0x3FAB]  }
0x31: {  	[smem:$0x3FB4] =	sst s10  }
0x32: {  	s10 =	sld [smem:$0x3FB2];
	_ =	sdelay $0x3  }
0x33: {  	p0 =	seq.s32 s10, $0x1;
	s10 =	sld [smem:$0x3FB4];
	_ =	sdelay $0x3  }
0x34: {  	[smem:$0x3FB4] =	sst s10  }
0x35: {  	s10 =	sld [smem:$0x3FB3];
	_ =	sdelay $0x3  }
0x36: {  	p1 =	seq.s32 s10, $0x1;
	s10 =	sld [smem:$0x3FB4];
	_ =	sdelay $0x3  }
0x37: {  	[smem:$0x3FB4] =	sst s10  }
0x38: {  	s10 =	sld [smem:$0x3FB5]  }
0x39: {  	_ = 	snop;
	(pc) =	sbr.ind lr, $3  }
0x3a: {  	_ = 	snop  }
0x3b: {  	_ = 	snop  }
0x3c: {  	p2 =	seq.s32 s10, $0x1;
	s10 =	sld [smem:$0x3FB4]  }
0x3d: {  	_ =	shalt  }
0x3e: {  	_ =	shalt  }
0x3f: {  	_ =	shalt  }
0x40: {  	_ =	shalt  }
0x41: {  	_ =	shalt  }
0x42: {  	_ =	shalt  }
0x43: {  	_ =	shalt  }
0x44: {  	_ =	shalt  }
0x45: {  	_ =	shalt  }
0x46: {  	_ =	shalt  }
0x47: {  	_ =	shalt  }
0x48: {  	_ =	shalt  }
0x49: {  	_ =	shalt  }
0x4a: {  	_ =	shalt  }
0x4b: {  	_ =	shalt  }
0x4c: {  	_ =	shalt  }
0x4d: {  	_ =	shalt  }
0x4e: {  	_ =	shalt  }
0x4f: {  	_ =	shalt  }
0x50: {  	_ =	shalt  }
0x51: {  	_ =	shalt  }
0x52: {  	_ =	shalt  }
0x53: {  	_ =	shalt  }
0x54: {  	_ =	shalt  }
0x55: {  	_ =	shalt  }
0x56: {  	_ =	shalt  }
0x57: {  	_ =	shalt  }
0x58: {  	_ =	shalt  }
0x59: {  	_ =	shalt  }
0x5a: {  	_ =	shalt  }
0x5b: {  	_ =	shalt  }
0x5c: {  	_ =	shalt  }
0x5d: {  	_ =	shalt  }
0x5e: {  	_ =	shalt  }
0x5f: {  	_ =	shalt  }
0x60: {  	_ =	shalt  }
0x61: {  	_ =	shalt  }
0x62: {  	_ =	shalt  }
0x63: {  	_ =	shalt  }
0x64: {  	_ =	shalt  }
0x65: {  	_ =	shalt  }
0x66: {  	_ =	shalt  }
0x67: {  	_ =	shalt  }
0x68: {  	_ =	shalt  }
0x69: {  	_ =	shalt  }
0x6a: {  	_ =	shalt  }
0x6b: {  	_ =	shalt  }
0x6c: {  	_ =	shalt  }
0x6d: {  	_ =	shalt  }
0x6e: {  	_ =	shalt  }
0x6f: {  	_ =	shalt  }
0x70: {  	_ =	shalt  }
0x71: {  	_ =	shalt  }
0x72: {  	_ =	shalt  }
0x73: {  	_ =	shalt  }
0x74: {  	_ =	shalt  }
0x75: {  	_ =	shalt  }
0x76: {  	_ =	shalt  }
0x77: {  	_ =	shalt  }
0x78: {  	_ =	shalt  }
0x79: {  	_ =	shalt  }
0x7a: {  	_ =	shalt  }
0x7b: {  	_ =	shalt  }
0x7c: {  	_ =	shalt  }
0x7d: {  	_ =	shalt  }
0x7e: {  	_ =	shalt  }
0x7f: {  	_ =	shalt  }
0x80: {  	_ =	shalt  }
0x81: {  	_ =	shalt  }
0x82: {  	_ =	shalt  }
0x83: {  	_ =	shalt  }
0x84: {  	_ =	shalt  }
0x85: {  	_ =	shalt  }
0x86: {  	_ =	shalt  }
0x87: {  	_ =	shalt  }
.Lfunc_end0:
.L_simem_size_0:
called_computation.2_lowered:
.L_overlay_start_0:
0x88: {  	s2 =	sld [smem:$0x3FD9]  }
0x89: {  	s3 =	sld [smem:$0x3FFE];
	_ =	sdelay $0x1  }
0x8a: {  	s1 =	srdreg.scid  }
0x8b: {  	s0 =	sand.u32 $0x1, s1  }
0x8c: {  	s17 =	sshll.u32 s0, $0xA;
	s2 =	sadd.s32 s3, s2  }
0x8d: {  	s2 =	sadd.s32 s2, s17  }
0x8e: {  	[smem:$0x3FC0] =	sst s2  }
0x8f: {  	_ = 	snop  }
0x90: {  	s2 =	sld [smem:$0x3FD0];
	(tm) =	ssettm $0x1  }
0x91: {  	s18 =	sld [smem:$0x3FFB];
	_ =	sdelay $0x3  }
0x92: {  	_ =	strace s18  }
0x93: {  	s3 =	sld [smem:$0x3FFC];
	_ =	sdelay $0x3  }
0x94: {  	_ =	strace s3  }
0x95: {  	s3 =	sld [smem:$0x3FFD];
	_ =	sdelay $0x3  }
0x96: {  	_ =	strace s3  }
0x97: {  	_ =	strace $0x8FFFFFFF  }
0x98: {  	s19 =	sld [smem:$0x3FDB];
	_ =	sdelay $0x1  }
0x99: {  	s4 =	simm.s32 $_scs_section_size  }
0x9a: {  	s5 =	simm.s32 $_size__tile_overlayer_lowered;
	s6 =	simm.s32 $_tile_overlayer_lowered  }
0x9b: {  	s22 =	simm.s32 $0x1BFF;
	s21 =	sshll.u32 s6, $0x1;
	s3 =	sadd.s32 s4, s19  }
0x9c: {  	s7 =	simm.s32 $0x0;
	s20 =	sshll.u32 s5, $0x1;
	s5 =	sadd.s32 s21, s3  }
0x9d: {  	[timem:s7], [sflag:s22] =	dma.local [hbm:s5], s20  }
0x9e: {  	_ =	swait.ge [sflag:s22], s20  }
0x9f: {  	s4 =	ssub.s32 $0x0, s20;
	[sflag:s22] =	ssyncset.done $0x0  }
0xa0: {  	[sflag:s22] =	ssyncadd.s32 s4;
	_ =	sdelay $0x1  }
0xa1: {  	s23 =	simm.s32 $0x1B8B  }
0xa2: {  	_ =	swait.ge [sflag:s23], $0x1  }
0xa3: {  	[sflag:s23] =	ssyncset.done $0x0  }
0xa4: {  	s25 =	simm.s32 $0x1B8E;
	s24 =	sld [smem:$0x3FFE];
	[sflag:s23] =	ssyncadd.s32 $0xFFFFFFFF  }
0xa5: {  	s26 =	simm.s32 $execute0_lowered;
	[smem:$0x3FD2] =	sst s25  }
0xa6: {  	s5 =	sshll.u32 s26, $0x1;
	_ =	strace $0x8000004C;
	[dreg:$0x1] =	wrdreg $0xFFFFFFFF  }
0xa7: {  	s28 =	simm.s32 $_size_execute0_lowered;
	s3 =	sadd.s32 s3, s5;
	[dreg:$0x0] =	wrdreg $0x0  }
0xa8: {  	s5 =	sshll.u32 s28, $0x1;
	[dreg:$0x2] =	wrdreg s3  }
0xa9: {  	[dreg:$0x3] =	wrdreg s5  }
0xaa: {  	[dreg:$0x4] =	wrdreg $0xC0  }
0xab: {  	_ =	task [dreg:s7], $0x5FFFF  }
0xac: {  	[dreg:$0x1] =	wrdreg $0xFFFFFFFF  }
0xad: {  	[dreg:$0x0] =	wrdreg $0x60  }
0xae: {  	[dreg:$0x2] =	wrdreg s24  }
0xaf: {  	[dreg:$0x3] =	wrdreg s2  }
0xb0: {  	[dreg:$0x4] =	wrdreg $0x12D000  }
0xb1: {  	[dreg:$0x5] =	wrdreg $0x9  }
0xb2: {  	_ =	task.clear_ibuf [dreg:s7], $0x6FFFF;
	_ =	strace $0x9000004C  }
0xb3: {  	s29 =	simm.s32 $0x9;
	_ =	strace $0x8000004E  }
0xb4: {  	_ =	swait.ge [sflag:s29], $0x1  }
0xb5: {  	[sflag:s29] =	ssyncadd.s32 $0xFFFFFFFF  }
0xb6: {  	_ =	strace $0x9000004E  }
0xb7: {  	_ =	sfence  }
0xb8: {  	s30 =	sld [smem:$0x0];
	_ =	sdelay $0x2  }
0xb9: {  	s31 =	sshll.u32 s1, $0xD;
	s1 =	sshrl.u32 s1, $0x2  }
0xba: {  	s3 =	sand.u32 $0x4000, s31;
	s1 =	sadd.s32 s1, s30  }
0xbb: {  	s0 =	sor.u32 s3, s0;
	s1 =	sshll.u32 s1, $0x11  }
0xbc: {  	s0 =	sor.u32 s1, s0  }
0xbd: {  	s0 =	sadd.s32 $0x8F2B, s0  }
0xbe: {  	[sflag:s0] =	ssyncadd.remote.s32 $0x1  }
0xbf: {  	_ =	sfence.sel $0xFFFF  }
0xc0: {  	[dreg:$0x0] =	wrdreg $0xFFFFFFFF;
	(pc) =	sbr.abs _section_cstart, $3  }
0xc1: {  	[dreg:$0x1] =	wrdreg $0xFFFFFFFF  }
0xc2: {  	_ =	task.clear_ibuf [dreg:s7], $0x2FFFF;
	_ =	strace $0x9FFFFFFF  }
0xc3: {  	(tm) =	ssettm $0x7FFFFFFF  }
tec
execute0_lowered:
.L_overlay_start_1:
0x0: {  	(tag) =	ssettag $0x1  }
0x1: {  	s0 =	rddreg [dreg:$0x0]  }
0x2: {  	s1 =	rddreg [dreg:$0x1]  }
0x3: {  	s2 =	rddreg [dreg:$0x2]  }
0x4: {  	s3 =	simm.s32 $0x0;
	s10 =	stileid.u32;
	s6 =	srdreg.scid  }
0x5: {  	s29 =	simm.s32 $0xBF40;
	s31 =	simm.s32 $0xDE80;
	s28 =	simm.s32 $0x1  }
0x6: {  	s30 =	simm.s32 $0x2;
	[smem:$0x7FF] =	sst s3;
	s20 =	smul.u32 $0xA00, s10  }
0x7: {  	s4 =	sadd.s32 $0x48E00, s0;
	s5 =	sadd.s32 $0x35400, s0;
	s9 =	smul.u32 $0x28000, s10  }
0x8: {  	s6 =	sand.u32 $0x1, s6;
	s11 =	smul.u32 $0xA000, s10;
	s3 =	simm.s32 $0x7  }
0x9: {  	_ =	strace $0x8000004D;
	s8 =	ssub.s32 $0x2, s6;
	p0 =	seq.s32 s6, $0x1  }
0xa: {  	s6 =	simm.s32 $0x8;
	s7 =	sadd.s32 s20, s0;
	s0 =	sadd.s32 $0x5C800, s0  }
0xb: {  	s21 =	sshrl.u32 s8, $0x1;
	s22 =	sshrl.u32 s9, $0x2;
	s1 =	sadd.s32 s1, s20  }
0xc: {  	s10 =	sadd.s32 s11, s2;
	[dreg:$0x5] =	wrdreg s11;
	s26 =	sadd.s32 $0xA0000, s11  }
0xd: {  	s20 =	simm.s32 $0x4;
	[dreg:$0x4] =	wrdreg s0;
	s0 =	ssub.s32 s8, s21  }
0xe: {  	s7 =	sadd.s32 $0x4200, s7;
	[dreg:$0x7] =	wrdreg s1;
	s23 =	sadd.s32 s22, s2  }
0xf: {  	[dreg:$0xa] =	wrdreg s26;
	s22 =	simm.s32 $0x9;
	s26 =	simm.s32 $0xA000  }
0x10: {  	s1 =	simm.s32 $0x5;
	s8 =	simm.s32 $0x0;
	[dreg:$0x6] =	wrdreg s7  }
0x11: {  	s24 =	sadd.s32 $0x1000, s23;
	s25 =	sadd.s32 $0x2000, s23;
	s13 =	sadd.s32 $0x3000, s23  }
.Ltmp0:
0x12: {  	s14 =	sadd.s32 $0x4000, s23;
	s15 =	sadd.s32 $0x5000, s23;
	(pc) =	sbr.rel .LBB2_1-.Ltmp0, $4  }
0x13: {  	s16 =	sadd.s32 $0x6000, s23;
	s17 =	sadd.s32 $0x7000, s23;
	s18 =	sadd.s32 $0x8000, s23  }
0x14: {  	s19 =	sadd.s32 $0x9000, s23;
	s21 =	smax.u32 s0, $0x1;
	s23 =	simm.s32 $0xFDC0  }
0x15: {  	s0 =	simm.s32 $0x3;
	s7 =	simm.s32 $0x6;
	[dreg:$0x8] =	wrdreg s24  }
0x16: {  	v0 =	vimm.f32 $0.0e+00;
	[dreg:$0x9] =	wrdreg s25;
	s24 =	simm.s32 $0x11D00;
	s25 =	simm.s32 $0x7D  }
.LBB2_6:
0x17: {  	[tilespmem:s23], [sflag:$0x4] =	stream.indirect.gather [hbm4b:s4+s25], $0x40, s11, s25, $0xb8;
	[tilespmem:$0x1CD00] =	vst v63  }
0x18: {  	s9 =	rddreg [dreg:$0x5]  }
.LBB2_10:
0x19: {  	_ =	swait.ge [sflag:s28], $0x1F40  }
0x1a: {  	[sflag:s28] =	ssyncset.done $0x0  }
0x1b: {  	s11 =	simm.s32 $0x9E00;
	[sflag:s28] =	ssyncadd.s32 $0xFFFFE0C0  }
0x1c: {  	[spmem:s2] =	stream.indirect.scatter.add.f32 [tilespmem:s26], [sflag:$0x5], $0x40, s11, s25, $0xb8;
	[tilespmem:$0x1CD00] =	vst v63  }
0x1d: {  	_ =	swait.ge [sflag:s30], $0x1F40  }
0x1e: {  	[sflag:s30] =	ssyncset.done $0x0  }
0x1f: {  	s12 =	simm.s32 $0x9E80;
	[sflag:s30] =	ssyncadd.s32 $0xFFFFE0C0  }
0x20: {  	[spmem:s2] =	stream.indirect.scatter.add.f32 [tilespmem:s29], [sflag:$0x6], $0x40, s12, s25, $0xb8;
	[tilespmem:$0x1CD00] =	vst v63  }
0x21: {  	_ =	swait.ge [sflag:s0], $0x1F40  }
0x22: {  	[sflag:s0] =	ssyncset.done $0x0  }
0x23: {  	s12 =	simm.s32 $0x9F00;
	[sflag:s0] =	ssyncadd.s32 $0xFFFFE0C0  }
0x24: {  	[spmem:s2] =	stream.indirect.scatter.add.f32 [tilespmem:s31], [sflag:$0x7], $0x40, s12, s25, $0xb8;
	[tilespmem:$0x1CD00] =	vst v63  }
0x25: {  	_ =	swait.ge [sflag:s20], $0x1F40  }
0x26: {  	[sflag:s20] =	ssyncset.done $0x0  }
0x27: {  	s12 =	simm.s32 $0x9F80;
	[sflag:s20] =	ssyncadd.s32 $0xFFFFE0C0  }
0x28: {  	[spmem:s2] =	stream.indirect.scatter.add.f32 [tilespmem:s23], [sflag:$0x8], $0x40, s12, s25, $0xb8;
	[tilespmem:$0x1CD00] =	vst v63  }
0x29: {  	_ =	swait.ge [sflag:s1], $0x1F40  }
0x2a: {  	[sflag:s1] =	ssyncset.done $0x0  }
0x2b: {  	[sflag:s1] =	ssyncadd.s32 $0xFFFFE0C0  }
0x2c: {  	_ =	swait.ge [sflag:s7], $0x1F40  }
0x2d: {  	[sflag:s7] =	ssyncset.done $0x0  }
0x2e: {  	[sflag:s7] =	ssyncadd.s32 $0xFFFFE0C0  }
0x2f: {  	_ =	swait.ge [sflag:s3], $0x1F40  }
0x30: {  	[sflag:s3] =	ssyncset.done $0x0  }
0x31: {  	[sflag:s3] =	ssyncadd.s32 $0xFFFFE0C0  }
0x32: {  	s9 =	sshrl.u32 s9, $0x3;
	_ =	swait.ge [sflag:s6], $0x1F40  }
0x33: {  	s8 =	sadd.s32 $0x1, s8;
	[sflag:s6] =	ssyncset.done $0x0;
	s12 =	rddreg [dreg:$0x4]  }
0x34: {  	s9 =	sadd.s32 s12, s9;
	[sflag:s6] =	ssyncadd.s32 $0xFFFFE0C0;
	s12 =	stileid.u32  }
0x35: {  	p1 =	sne.s32 s8, s21;
	s11 =	sshll.u32 s12, $0x6;
	[bflag:$0x0] =	sbarrier.arrive $0xFFFF  }
.Ltmp1:
0x36: {  	s12 =	sshrl.u32 s10, $0x3;
	s11 =	sor.u32 $0x1C09, s11;
	(pc) =	sbr.rel @!p1 .LBB2_11-.Ltmp1, $4  }
0x37: {  	[hbm:s9], [sflag:s11] =	dma.local [spmem:s12], $0x1400  }
0x38: {  	_ =	swait.ge [sflag:s22], $0x1400  }
0x39: {  	[sflag:s22] =	ssyncset.done $0x0  }
0x3a: {  	[sflag:s22] =	ssyncadd.s32 $0xFFFFEC00  }
.LBB2_1:
0x3b: {  	s9 =	simm.s32 $0x0;
	s11 =	rddreg [dreg:$0x6]  }
0x3c: {  	[tilespmem:s9], [sflag:$0x9] =	stream.linear.gather [hbm4b:s11+s9], $0x5000, $0x38;
	[tilespmem:$0x1CD00] =	vst v63  }
0x3d: {  	_ =	swait.ge [sflag:s22], $0x5000  }
0x3e: {  	[sflag:s22] =	ssyncset.done $0x0  }
0x3f: {  	s12 =	simm.s32 $0x5000;
	s11 =	rddreg [dreg:$0x7];
	[sflag:s22] =	ssyncadd.s32 $0xFFFFB000  }
0x40: {  	[tilespmem:s12], [sflag:$0x9] =	stream.linear.gather [hbm4b:s11+s9], $0x5000, $0x38;
	[tilespmem:$0x1CD00] =	vst v63  }
0x41: {  	_ =	swait.ge [sflag:s22], $0x5000  }
0x42: {  	[sflag:s22] =	ssyncset.done $0x0  }
0x43: {  	s11 =	simm.s32 $0x100;
	s9 =	simm.s32 $0x0;
	[sflag:s22] =	ssyncadd.s32 $0xFFFFB000  }
.LBB2_2:
0x44: {  	p1 =	sne.s32 s11, $0x3F00;
	[tilespmem:s9+$0x11D30] =	vst v0;
	s12 =	smov.u32 s11;
	s11 =	sadd.s32 $0x100, s11  }
.Ltmp2:
0x45: {  	[tilespmem:s9+$0x11D20] =	vst v0;
	(pc) =	sbr.rel @p1 .LBB2_2-.Ltmp2, $3  }
0x46: {  	[tilespmem:s9+$0x11D00] =	vst v0  }
0x47: {  	[tilespmem:s9+$0x11D10] =	vst v0;
	_ =	sdelay $0x1  }
0x48: {  	s9 =	sshra.s32 s12, $0x2  }
0x49: {  	[tilespmem:s9+$0x11D30] =	vst v0  }
0x4a: {  	[tilespmem:s9+$0x11D20] =	vst v0  }
0x4b: {  	[tilespmem:s9+$0x11D00] =	vst v0  }
0x4c: {  	[tilespmem:s9+$0x11D10] =	vst v0  }
0x4d: {  	[spmem:s10] =	stream.linear.scatter [tilespmem:s24], [sflag:$0x9], $0x1000, $0x38;
	[tilespmem:$0x1CD00] =	vst v63  }
0x4e: {  	_ =	swait.ge [sflag:s22], $0x1000  }
0x4f: {  	[sflag:s22] =	ssyncset.done $0x0  }
0x50: {  	s11 =	rddreg [dreg:$0x8];
	[sflag:s22] =	ssyncadd.s32 $0xFFFFF000  }
0x51: {  	[spmem:s11] =	stream.linear.scatter [tilespmem:s24], [sflag:$0x9], $0x1000, $0x38;
	[tilespmem:$0x1CD00] =	vst v63  }
0x52: {  	_ =	swait.ge [sflag:s22], $0x1000  }
0x53: {  	[sflag:s22] =	ssyncset.done $0x0  }
0x54: {  	s12 =	rddreg [dreg:$0x9];
	[sflag:s22] =	ssyncadd.s32 $0xFFFFF000  }
0x55: {  	[spmem:s12] =	stream.linear.scatter [tilespmem:s24], [sflag:$0x9], $0x1000, $0x38;
	[tilespmem:$0x1CD00] =	vst v63  }
0x56: {  	_ =	swait.ge [sflag:s22], $0x1000  }
0x57: {  	[sflag:s22] =	ssyncset.done $0x0  }
0x58: {  	[sflag:s22] =	ssyncadd.s32 $0xFFFFF000  }
0x59: {  	[spmem:s13] =	stream.linear.scatter [tilespmem:s24], [sflag:$0x9], $0x1000, $0x38;
	[tilespmem:$0x1CD00] =	vst v63  }
0x5a: {  	_ =	swait.ge [sflag:s22], $0x1000  }
0x5b: {  	[sflag:s22] =	ssyncset.done $0x0  }
0x5c: {  	[sflag:s22] =	ssyncadd.s32 $0xFFFFF000  }
0x5d: {  	[spmem:s14] =	stream.linear.scatter [tilespmem:s24], [sflag:$0x9], $0x1000, $0x38;
	[tilespmem:$0x1CD00] =	vst v63  }
0x5e: {  	_ =	swait.ge [sflag:s22], $0x1000  }
0x5f: {  	[sflag:s22] =	ssyncset.done $0x0  }
0x60: {  	[sflag:s22] =	ssyncadd.s32 $0xFFFFF000  }
0x61: {  	[spmem:s15] =	stream.linear.scatter [tilespmem:s24], [sflag:$0x9], $0x1000, $0x38;
	[tilespmem:$0x1CD00] =	vst v63  }
0x62: {  	_ =	swait.ge [sflag:s22], $0x1000  }
0x63: {  	[sflag:s22] =	ssyncset.done $0x0  }
0x64: {  	[sflag:s22] =	ssyncadd.s32 $0xFFFFF000  }
0x65: {  	[spmem:s16] =	stream.linear.scatter [tilespmem:s24], [sflag:$0x9], $0x1000, $0x38;
	[tilespmem:$0x1CD00] =	vst v63  }
0x66: {  	_ =	swait.ge [sflag:s22], $0x1000  }
0x67: {  	[sflag:s22] =	ssyncset.done $0x0  }
0x68: {  	[sflag:s22] =	ssyncadd.s32 $0xFFFFF000  }
0x69: {  	[spmem:s17] =	stream.linear.scatter [tilespmem:s24], [sflag:$0x9], $0x1000, $0x38;
	[tilespmem:$0x1CD00] =	vst v63  }
0x6a: {  	_ =	swait.ge [sflag:s22], $0x1000  }
0x6b: {  	[sflag:s22] =	ssyncset.done $0x0  }
0x6c: {  	[sflag:s22] =	ssyncadd.s32 $0xFFFFF000  }
0x6d: {  	[spmem:s18] =	stream.linear.scatter [tilespmem:s24], [sflag:$0x9], $0x1000, $0x38;
	[tilespmem:$0x1CD00] =	vst v63  }
0x6e: {  	_ =	swait.ge [sflag:s22], $0x1000  }
0x6f: {  	[sflag:s22] =	ssyncset.done $0x0  }
0x70: {  	[sflag:s22] =	ssyncadd.s32 $0xFFFFF000  }
0x71: {  	[spmem:s19] =	stream.linear.scatter [tilespmem:s24], [sflag:$0x9], $0x1000, $0x38;
	[tilespmem:$0x1CD00] =	vst v63  }
.Ltmp3:
0x72: {  	_ =	swait.ge [sflag:s22], $0x1000;
	(pc) =	sbr.rel @!p0 .LBB2_4-.Ltmp3, $4  }
0x73: {  	[sflag:s22] =	ssyncset.done $0x0  }
0x74: {  	[sflag:s22] =	ssyncadd.s32 $0xFFFFF000  }
0x75: {  	[bflag:$0x0] =	sbarrier.arrive $0xFFFF  }
0x76: {  	s9 =	simm.s32 $0x0  }
0x77: {  	[tilespmem:s26], [sflag:$0x1] =	stream.indirect.gather [hbm4b:s5+s25], $0x40, s9, s25, $0xb8;
	[tilespmem:$0x1CD00] =	vst v63  }
0x78: {  	s11 =	simm.s32 $0x80  }
0x79: {  	[tilespmem:s29], [sflag:$0x2] =	stream.indirect.gather [hbm4b:s5+s25], $0x40, s11, s25, $0xb8;
	[tilespmem:$0x1CD00] =	vst v63  }
0x7a: {  	s12 =	simm.s32 $0x100  }
0x7b: {  	[tilespmem:s31], [sflag:$0x3] =	stream.indirect.gather [hbm4b:s5+s25], $0x40, s12, s25, $0xb8;
	[tilespmem:$0x1CD00] =	vst v63  }
0x7c: {  	s11 =	simm.s32 $0x180  }
0x7d: {  	[tilespmem:s23], [sflag:$0x4] =	stream.indirect.gather [hbm4b:s5+s25], $0x40, s11, s25, $0xb8;
	[tilespmem:$0x1CD00] =	vst v63  }
0x7e: {  	_ =	swait.ge [sflag:s28], $0x1F40  }
0x7f: {  	[sflag:s28] =	ssyncset.done $0x0  }
0x80: {  	s12 =	simm.s32 $0x5000;
	[sflag:s28] =	ssyncadd.s32 $0xFFFFE0C0  }
0x81: {  	[spmem:s2] =	stream.indirect.scatter.add.f32 [tilespmem:s26], [sflag:$0x5], $0x40, s12, s25, $0xb8;
	[tilespmem:$0x1CD00] =	vst v63  }
0x82: {  	_ =	swait.ge [sflag:s30], $0x1F40  }
0x83: {  	[sflag:s30] =	ssyncset.done $0x0  }
0x84: {  	s11 =	simm.s32 $0x5080;
	[sflag:s30] =	ssyncadd.s32 $0xFFFFE0C0  }
0x85: {  	[spmem:s2] =	stream.indirect.scatter.add.f32 [tilespmem:s29], [sflag:$0x6], $0x40, s11, s25, $0xb8;
	[tilespmem:$0x1CD00] =	vst v63  }
0x86: {  	_ =	swait.ge [sflag:s0], $0x1F40  }
0x87: {  	[sflag:s0] =	ssyncset.done $0x0  }
0x88: {  	s12 =	simm.s32 $0x5100;
	[sflag:s0] =	ssyncadd.s32 $0xFFFFE0C0  }
0x89: {  	[spmem:s2] =	stream.indirect.scatter.add.f32 [tilespmem:s31], [sflag:$0x7], $0x40, s12, s25, $0xb8;
	[tilespmem:$0x1CD00] =	vst v63  }
0x8a: {  	_ =	swait.ge [sflag:s20], $0x1F40  }
0x8b: {  	[sflag:s20] =	ssyncset.done $0x0  }
0x8c: {  	s11 =	simm.s32 $0x5180;
	[sflag:s20] =	ssyncadd.s32 $0xFFFFE0C0  }
0x8d: {  	[spmem:s2] =	stream.indirect.scatter.add.f32 [tilespmem:s23], [sflag:$0x8], $0x40, s11, s25, $0xb8;
	[tilespmem:$0x1CD00] =	vst v63  }
0x8e: {  	_ =	swait.ge [sflag:s1], $0x1F40  }
0x8f: {  	[sflag:s1] =	ssyncset.done $0x0  }
0x90: {  	s12 =	simm.s32 $0x200;
	[sflag:s1] =	ssyncadd.s32 $0xFFFFE0C0  }
0x91: {  	[tilespmem:s26], [sflag:$0x1] =	stream.indirect.gather [hbm4b:s5+s25], $0x40, s12, s25, $0xb8;
	[tilespmem:$0x1CD00] =	vst v63  }
0x92: {  	_ =	swait.ge [sflag:s7], $0x1F40  }
0x93: {  	[sflag:s7] =	ssyncset.done $0x0  }
0x94: {  	s11 =	simm.s32 $0x280;
	[sflag:s7] =	ssyncadd.s32 $0xFFFFE0C0  }
0x95: {  	[tilespmem:s29], [sflag:$0x2] =	stream.indirect.gather [hbm4b:s5+s25], $0x40, s11, s25, $0xb8;
	[tilespmem:$0x1CD00] =	vst v63  }
0x96: {  	_ =	swait.ge [sflag:s3], $0x1F40  }
0x97: {  	[sflag:s3] =	ssyncset.done $0x0  }
0x98: {  	s12 =	simm.s32 $0x300;
	[sflag:s3] =	ssyncadd.s32 $0xFFFFE0C0  }
0x99: {  	[tilespmem:s31], [sflag:$0x3] =	stream.indirect.gather [hbm4b:s5+s25], $0x40, s12, s25, $0xb8;
	[tilespmem:$0x1CD00] =	vst v63  }
0x9a: {  	_ =	swait.ge [sflag:s6], $0x1F40  }
0x9b: {  	[sflag:s6] =	ssyncset.done $0x0  }
0x9c: {  	s9 =	simm.s32 $0x800;
	s11 =	simm.s32 $0x380;
	[sflag:s6] =	ssyncadd.s32 $0xFFFFE0C0  }
.LBB2_8:
0x9d: {  	[tilespmem:s23], [sflag:$0x4] =	stream.indirect.gather [hbm4b:s5+s25], $0x40, s11, s25, $0xb8;
	[tilespmem:$0x1CD00] =	vst v63  }
0x9e: {  	s11 =	smov.u32 s9  }
0x9f: {  	p1 =	sne.s32 s9, $0x13000;
	s9 =	sadd.s32 $0x800, s9;
	_ =	swait.ge [sflag:s28], $0x1F40  }
0xa0: {  	s11 =	sshra.s32 s11, $0x2;
	[sflag:s28] =	ssyncset.done $0x0  }
0xa1: {  	s12 =	sadd.s32 $0x5000, s11;
	[sflag:s28] =	ssyncadd.s32 $0xFFFFE0C0  }
0xa2: {  	[spmem:s2] =	stream.indirect.scatter.add.f32 [tilespmem:s26], [sflag:$0x5], $0x40, s12, s25, $0xb8;
	[tilespmem:$0x1CD00] =	vst v63  }
0xa3: {  	_ =	swait.ge [sflag:s30], $0x1F40  }
0xa4: {  	[sflag:s30] =	ssyncset.done $0x0  }
0xa5: {  	s12 =	sadd.s32 $0x5080, s11;
	[sflag:s30] =	ssyncadd.s32 $0xFFFFE0C0  }
0xa6: {  	[spmem:s2] =	stream.indirect.scatter.add.f32 [tilespmem:s29], [sflag:$0x6], $0x40, s12, s25, $0xb8;
	[tilespmem:$0x1CD00] =	vst v63  }
0xa7: {  	_ =	swait.ge [sflag:s0], $0x1F40  }
0xa8: {  	[sflag:s0] =	ssyncset.done $0x0  }
0xa9: {  	s12 =	sadd.s32 $0x5100, s11;
	[sflag:s0] =	ssyncadd.s32 $0xFFFFE0C0  }
0xaa: {  	[spmem:s2] =	stream.indirect.scatter.add.f32 [tilespmem:s31], [sflag:$0x7], $0x40, s12, s25, $0xb8;
	[tilespmem:$0x1CD00] =	vst v63  }
0xab: {  	_ =	swait.ge [sflag:s20], $0x1F40  }
0xac: {  	[sflag:s20] =	ssyncset.done $0x0  }
0xad: {  	s12 =	sadd.s32 $0x5180, s11;
	[sflag:s20] =	ssyncadd.s32 $0xFFFFE0C0  }
0xae: {  	[spmem:s2] =	stream.indirect.scatter.add.f32 [tilespmem:s23], [sflag:$0x8], $0x40, s12, s25, $0xb8;
	[tilespmem:$0x1CD00] =	vst v63  }
0xaf: {  	_ =	swait.ge [sflag:s1], $0x1F40  }
0xb0: {  	[sflag:s1] =	ssyncset.done $0x0  }
0xb1: {  	s12 =	sadd.s32 $0x200, s11;
	[sflag:s1] =	ssyncadd.s32 $0xFFFFE0C0  }
0xb2: {  	[tilespmem:s26], [sflag:$0x1] =	stream.indirect.gather [hbm4b:s5+s25], $0x40, s12, s25, $0xb8;
	[tilespmem:$0x1CD00] =	vst v63  }
0xb3: {  	_ =	swait.ge [sflag:s7], $0x1F40  }
0xb4: {  	[sflag:s7] =	ssyncset.done $0x0  }
0xb5: {  	s12 =	sadd.s32 $0x280, s11;
	[sflag:s7] =	ssyncadd.s32 $0xFFFFE0C0  }
0xb6: {  	[tilespmem:s29], [sflag:$0x2] =	stream.indirect.gather [hbm4b:s5+s25], $0x40, s12, s25, $0xb8;
	[tilespmem:$0x1CD00] =	vst v63  }
0xb7: {  	_ =	swait.ge [sflag:s3], $0x1F40  }
0xb8: {  	[sflag:s3] =	ssyncset.done $0x0  }
.Ltmp4:
0xb9: {  	s12 =	sadd.s32 $0x300, s11;
	[sflag:s3] =	ssyncadd.s32 $0xFFFFE0C0;
	(pc) =	sbr.rel @p1 .LBB2_8-.Ltmp4, $4  }
0xba: {  	[tilespmem:s31], [sflag:$0x3] =	stream.indirect.gather [hbm4b:s5+s25], $0x40, s12, s25, $0xb8;
	[tilespmem:$0x1CD00] =	vst v63  }
0xbb: {  	_ =	swait.ge [sflag:s6], $0x1F40  }
0xbc: {  	[sflag:s6] =	ssyncset.done $0x0  }
0xbd: {  	s11 =	sadd.s32 $0x380, s11;
	[sflag:s6] =	ssyncadd.s32 $0xFFFFE0C0  }
.Ltmp5:
0xbe: {  	(pc) =	sbr.rel .LBB2_10-.Ltmp5, $3  }
0xbf: {  	_ =	sdelay $0x1  }
0xc0: {  	[tilespmem:s23], [sflag:$0x4] =	stream.indirect.gather [hbm4b:s5+s25], $0x40, s11, s25, $0xb8;
	[tilespmem:$0x1CD00] =	vst v63  }
0xc1: {  	s9 =	rddreg [dreg:$0xa]  }
.LBB2_4:
0xc2: {  	[tilespmem:s26], [sflag:$0x1] =	stream.indirect.gather [hbm4b:s4+s25], $0x40, s9, s25, $0xb8;
	[tilespmem:$0x1CD00] =	vst v63  }
0xc3: {  	s11 =	simm.s32 $0x80  }
0xc4: {  	[tilespmem:s29], [sflag:$0x2] =	stream.indirect.gather [hbm4b:s4+s25], $0x40, s11, s25, $0xb8;
	[tilespmem:$0x1CD00] =	vst v63  }
0xc5: {  	s12 =	simm.s32 $0x100  }
0xc6: {  	[tilespmem:s31], [sflag:$0x3] =	stream.indirect.gather [hbm4b:s4+s25], $0x40, s12, s25, $0xb8;
	[tilespmem:$0x1CD00] =	vst v63  }
0xc7: {  	s11 =	simm.s32 $0x180  }
0xc8: {  	[tilespmem:s23], [sflag:$0x4] =	stream.indirect.gather [hbm4b:s4+s25], $0x40, s11, s25, $0xb8;
	[tilespmem:$0x1CD00] =	vst v63  }
0xc9: {  	_ =	swait.ge [sflag:s28], $0x1F40  }
0xca: {  	[sflag:s28] =	ssyncset.done $0x0  }
0xcb: {  	s12 =	simm.s32 $0x5000;
	[sflag:s28] =	ssyncadd.s32 $0xFFFFE0C0  }
0xcc: {  	[spmem:s2] =	stream.indirect.scatter.add.f32 [tilespmem:s26], [sflag:$0x5], $0x40, s12, s25, $0xb8;
	[tilespmem:$0x1CD00] =	vst v63  }
0xcd: {  	_ =	swait.ge [sflag:s30], $0x1F40  }
0xce: {  	[sflag:s30] =	ssyncset.done $0x0  }
0xcf: {  	s11 =	simm.s32 $0x5080;
	[sflag:s30] =	ssyncadd.s32 $0xFFFFE0C0  }
0xd0: {  	[spmem:s2] =	stream.indirect.scatter.add.f32 [tilespmem:s29], [sflag:$0x6], $0x40, s11, s25, $0xb8;
	[tilespmem:$0x1CD00] =	vst v63  }
0xd1: {  	_ =	swait.ge [sflag:s0], $0x1F40  }
0xd2: {  	[sflag:s0] =	ssyncset.done $0x0  }
0xd3: {  	s12 =	simm.s32 $0x5100;
	[sflag:s0] =	ssyncadd.s32 $0xFFFFE0C0  }
0xd4: {  	[spmem:s2] =	stream.indirect.scatter.add.f32 [tilespmem:s31], [sflag:$0x7], $0x40, s12, s25, $0xb8;
	[tilespmem:$0x1CD00] =	vst v63  }
0xd5: {  	_ =	swait.ge [sflag:s20], $0x1F40  }
0xd6: {  	[sflag:s20] =	ssyncset.done $0x0  }
0xd7: {  	s11 =	simm.s32 $0x5180;
	[sflag:s20] =	ssyncadd.s32 $0xFFFFE0C0  }
0xd8: {  	[spmem:s2] =	stream.indirect.scatter.add.f32 [tilespmem:s23], [sflag:$0x8], $0x40, s11, s25, $0xb8;
	[tilespmem:$0x1CD00] =	vst v63  }
0xd9: {  	_ =	swait.ge [sflag:s1], $0x1F40  }
0xda: {  	[sflag:s1] =	ssyncset.done $0x0  }
0xdb: {  	s12 =	simm.s32 $0x200;
	[sflag:s1] =	ssyncadd.s32 $0xFFFFE0C0  }
0xdc: {  	[tilespmem:s26], [sflag:$0x1] =	stream.indirect.gather [hbm4b:s4+s25], $0x40, s12, s25, $0xb8;
	[tilespmem:$0x1CD00] =	vst v63  }
0xdd: {  	_ =	swait.ge [sflag:s7], $0x1F40  }
0xde: {  	[sflag:s7] =	ssyncset.done $0x0  }
0xdf: {  	s11 =	simm.s32 $0x280;
	[sflag:s7] =	ssyncadd.s32 $0xFFFFE0C0  }
0xe0: {  	[tilespmem:s29], [sflag:$0x2] =	stream.indirect.gather [hbm4b:s4+s25], $0x40, s11, s25, $0xb8;
	[tilespmem:$0x1CD00] =	vst v63  }
0xe1: {  	_ =	swait.ge [sflag:s3], $0x1F40  }
0xe2: {  	[sflag:s3] =	ssyncset.done $0x0  }
0xe3: {  	s12 =	simm.s32 $0x300;
	[sflag:s3] =	ssyncadd.s32 $0xFFFFE0C0  }
0xe4: {  	[tilespmem:s31], [sflag:$0x3] =	stream.indirect.gather [hbm4b:s4+s25], $0x40, s12, s25, $0xb8;
	[tilespmem:$0x1CD00] =	vst v63  }
0xe5: {  	_ =	swait.ge [sflag:s6], $0x1F40  }
0xe6: {  	[sflag:s6] =	ssyncset.done $0x0  }
0xe7: {  	s9 =	simm.s32 $0x800;
	s11 =	simm.s32 $0x380;
	[sflag:s6] =	ssyncadd.s32 $0xFFFFE0C0  }
.LBB2_5:
0xe8: {  	[tilespmem:s23], [sflag:$0x4] =	stream.indirect.gather [hbm4b:s4+s25], $0x40, s11, s25, $0xb8;
	[tilespmem:$0x1CD00] =	vst v63  }
0xe9: {  	s11 =	smov.u32 s9  }
0xea: {  	p1 =	seq.s32 s9, $0x13000;
	s9 =	sadd.s32 $0x800, s9;
	_ =	swait.ge [sflag:s28], $0x1F40  }
0xeb: {  	s11 =	sshra.s32 s11, $0x2;
	[sflag:s28] =	ssyncset.done $0x0  }
0xec: {  	s12 =	sadd.s32 $0x5000, s11;
	[sflag:s28] =	ssyncadd.s32 $0xFFFFE0C0  }
0xed: {  	[spmem:s2] =	stream.indirect.scatter.add.f32 [tilespmem:s26], [sflag:$0x5], $0x40, s12, s25, $0xb8;
	[tilespmem:$0x1CD00] =	vst v63  }
0xee: {  	_ =	swait.ge [sflag:s30], $0x1F40  }
0xef: {  	[sflag:s30] =	ssyncset.done $0x0  }
0xf0: {  	s12 =	sadd.s32 $0x5080, s11;
	[sflag:s30] =	ssyncadd.s32 $0xFFFFE0C0  }
0xf1: {  	[spmem:s2] =	stream.indirect.scatter.add.f32 [tilespmem:s29], [sflag:$0x6], $0x40, s12, s25, $0xb8;
	[tilespmem:$0x1CD00] =	vst v63  }
0xf2: {  	_ =	swait.ge [sflag:s0], $0x1F40  }
0xf3: {  	[sflag:s0] =	ssyncset.done $0x0  }
0xf4: {  	s12 =	sadd.s32 $0x5100, s11;
	[sflag:s0] =	ssyncadd.s32 $0xFFFFE0C0  }
0xf5: {  	[spmem:s2] =	stream.indirect.scatter.add.f32 [tilespmem:s31], [sflag:$0x7], $0x40, s12, s25, $0xb8;
	[tilespmem:$0x1CD00] =	vst v63  }
0xf6: {  	_ =	swait.ge [sflag:s20], $0x1F40  }
0xf7: {  	[sflag:s20] =	ssyncset.done $0x0  }
0xf8: {  	s12 =	sadd.s32 $0x5180, s11;
	[sflag:s20] =	ssyncadd.s32 $0xFFFFE0C0  }
0xf9: {  	[spmem:s2] =	stream.indirect.scatter.add.f32 [tilespmem:s23], [sflag:$0x8], $0x40, s12, s25, $0xb8;
	[tilespmem:$0x1CD00] =	vst v63  }
0xfa: {  	_ =	swait.ge [sflag:s1], $0x1F40  }
0xfb: {  	[sflag:s1] =	ssyncset.done $0x0  }
0xfc: {  	s12 =	sadd.s32 $0x200, s11;
	[sflag:s1] =	ssyncadd.s32 $0xFFFFE0C0  }
0xfd: {  	[tilespmem:s26], [sflag:$0x1] =	stream.indirect.gather [hbm4b:s4+s25], $0x40, s12, s25, $0xb8;
	[tilespmem:$0x1CD00] =	vst v63  }
0xfe: {  	_ =	swait.ge [sflag:s7], $0x1F40  }
0xff: {  	[sflag:s7] =	ssyncset.done $0x0  }
0x100: {  	s12 =	sadd.s32 $0x280, s11;
	[sflag:s7] =	ssyncadd.s32 $0xFFFFE0C0  }
0x101: {  	[tilespmem:s29], [sflag:$0x2] =	stream.indirect.gather [hbm4b:s4+s25], $0x40, s12, s25, $0xb8;
	[tilespmem:$0x1CD00] =	vst v63  }
0x102: {  	_ =	swait.ge [sflag:s3], $0x1F40  }
0x103: {  	[sflag:s3] =	ssyncset.done $0x0  }
.Ltmp6:
0x104: {  	s12 =	sadd.s32 $0x300, s11;
	[sflag:s3] =	ssyncadd.s32 $0xFFFFE0C0;
	(pc) =	sbr.rel @!p1 .LBB2_5-.Ltmp6, $4  }
0x105: {  	[tilespmem:s31], [sflag:$0x3] =	stream.indirect.gather [hbm4b:s4+s25], $0x40, s12, s25, $0xb8;
	[tilespmem:$0x1CD00] =	vst v63  }
0x106: {  	_ =	swait.ge [sflag:s6], $0x1F40  }
0x107: {  	[sflag:s6] =	ssyncset.done $0x0  }
0x108: {  	s11 =	sadd.s32 $0x380, s11;
	[sflag:s6] =	ssyncadd.s32 $0xFFFFE0C0  }
.Ltmp7:
0x109: {  	_ = 	snop;
	(pc) =	sbr.rel .LBB2_6-.Ltmp7, $1  }
0x10a: {  	_ =	sdelay $0x3  }
.LBB2_11:
0x10b: {  	_ =	sfence.sel $0x180000  }
0x10c: {  	[bflag:$0x0] =	sbarrier.arrive $0xFFFF  }
0x10d: {  	_ =	strace $0x9000004D  }
0x10e: {  	s0 =	stileid.u32;
	[bflag:$0x2] =	sbarrier.arrive $0xFFFF  }
0x10f: {  	p0 =	sne.s32 s0, $0x0;
	s0 =	rddreg [dreg:$0x3]  }
0x110: {  	s0 =	sadd.s32 @!p0 $0x100000, s0  }
0x111: {  	[sflag:s0] =	ssyncadd.tile.s32 @!p0 $0x1;
	_ =	shalt  }
.Lfunc_end2:
_tile_overlayer_lowered:
.L_overlay_start_2:
0x112: {  	(tag) =	ssettag $0x2  }
0x113: {  	s0 =	rddreg [dreg:$0x0];
	s2 =	stileid.u32  }
0x114: {  	s1 =	rddreg [dreg:$0x1];
	p0 =	sne.s32 s2, $0x0  }
0x115: {  	s3 =	rddreg [dreg:$0x2];
	[bflag:$0x3] =	sbarrier.arrive $0xFFFF;
	s2 =	simm.s32 @!p0 $0x1C09  }
0x116: {  	[timem:s3], [sflag:s2] =	dma.local @!p0 [hbm:s0], s1  }
0x117: {  	s0 =	simm.s32 @!p0 $0x9  }
0x118: {  	_ =	swait.ge @!p0 [sflag:s0], s1  }
0x119: {  	s1 =	ssub.s32 @!p0 $0x0, s1;
	[sflag:s0] =	ssyncset.done @!p0 $0x0  }
0x11a: {  	[sflag:s0] =	ssyncadd.s32 @!p0 s1  }
0x11b: {  	[bflag:$0x3] =	sbarrier.arrive $0xFFFF  }
0x11c: {  	_ =	shalt  }

// kernel: kernel.19.cloned.1.call-start
scs
__scs_entry_jumppad:
0x0: {  	(pc) =	sbr.rel $0x88, $3  }
0x1: {  	(tag) =	ssettag $0x0;
	lr =	simm.s32 $0x1  }
0x2: {  	[smem:$0x3F99] =	sst lr;
	_ =	strace $0xD0000000  }
0x3: {  	_ = 	snop  }
0x4: {  	_ = 	snop  }
0x5: {  	_ = 	snop  }
0x6: {  	_ = 	snop  }
0x7: {  	_ = 	snop  }
__scs_overlays_trampoline_lowered:
0x8: {  	[smem:$0x3FA8] =	sst s0  }
0x9: {  	[smem:$0x3FA9] =	sst s1  }
0xa: {  	[smem:$0x3FAA] =	sst s2  }
0xb: {  	[smem:$0x3FAB] =	sst s3  }
0xc: {  	[smem:$0x3FAC] =	sst s4  }
0xd: {  	[smem:$0x3FAD] =	sst s5  }
0xe: {  	[smem:$0x3FAE] =	sst s6  }
0xf: {  	[smem:$0x3FAF] =	sst s7  }
0x10: {  	[smem:$0x3FB0] =	sst s8  }
0x11: {  	[smem:$0x3FB1] =	sst s9;
	s0 =	simm.s32 @!p0 $0x0  }
0x12: {  	s1 =	sld [smem:$0x3F97];
	s0 =	simm.s32 @p0 $0x1  }
0x13: {  	[smem:$0x3FB2] =	sst s0;
	s0 =	simm.s32 @!p1 $0x0  }
0x14: {  	s2 =	sld [smem:$0x3F96];
	s0 =	simm.s32 @p1 $0x1  }
0x15: {  	[smem:$0x3FB3] =	sst s0;
	s0 =	simm.s32 @!p2 $0x0  }
0x16: {  	s3 =	sld [smem:$0x3FDB];
	s0 =	simm.s32 @p2 $0x1  }
0x17: {  	s4 =	simm.s32 $0x1BF5;
	[smem:$0x3FB5] =	sst s0  }
0x18: {  	s0 =	sld [smem:$0x3F98];
	_ =	swait.ge [sflag:s4], $0x0  }
0x19: {  	s7 =	sld [smem:$0x3F99]  }
0x1a: {  	s8 =	sadd.s32 $0xFFFFE003, lr  }
0x1b: {  	s9 =	sadd.s32 $0xFFFFFEF7, lr;
	s5 =	simm.s32 $0xFFFFFFFF;
	p2 =	slt.u32 s8, $0xFFFFF086  }
0x1c: {  	p1 =	slt.u32 s9, $0xF7A;
	s5 =	simm.s32 @!p2 $0x0  }
0x1d: {  	s5 =	simm.s32 @p1 $0x1;
	p0 =	seq.s32 s7, s2  }
0x1e: {  	s7 =	smul.u32 @!p0 $0xF7A, s2;
	p2 =	seq.s32 @!p0 s5, $0x0  }
0x1f: {  	s9 =	smul.u32 $0xF7A, s1;
	s8 =	simm.s32 @!p0 $0x1BF5;
	p2 =	por !p2, p0  }
0x20: {  	[sflag:s8] =	ssyncset.s32 @!p0 $0xFFFFF086;
	s6 =	sadd.s32 @!p0 s3, s7;
	s7 =	simm.s32 @!p0 $0x108  }
0x21: {  	s3 =	sadd.s32 s3, s9;
	s6 =	sadd.s32 @!p0 $0x88, s6;
	s7 =	simm.s32 @p2 $0x1082  }
0x22: {  	[simem:s7], [sflag:s8] =	dma.local @!p0 [hbm:s6], $0xF7A  }
0x23: {  	s9 =	sor.u32 $0xD0000000, s2;
	s6 =	simm.s32 $0x108;
	_ =	swait.ge @!p0 [sflag:s8], $0x0  }
0x24: {  	s3 =	sadd.s32 $0x88, s3;
	s6 =	simm.s32 @!p1 $0x1082;
	[sflag:s4] =	ssyncset.s32 $0xFFFFF086  }
0x25: {  	[simem:s6], [sflag:s4] =	dma.local [hbm:s3], $0xF7A  }
0x26: {  	[smem:$0x3F99] =	sst s1;
	(tag) =	ssettag s2;
	_ =	strace s9  }
0x27: {  	s1 =	sld [smem:$0x3FA9]  }
0x28: {  	s2 =	sld [smem:$0x3FAA]  }
0x29: {  	s4 =	sld [smem:$0x3FAC]  }
0x2a: {  	p0 =	seq.s32 s5, $0x0;
	s5 =	sld [smem:$0x3FAD]  }
0x2b: {  	s6 =	sld [smem:$0x3FAE]  }
0x2c: {  	s7 =	sld [smem:$0x3FAF]  }
0x2d: {  	s3 =	simm.s32 $0x108;
	s8 =	sld [smem:$0x3FB0]  }
0x2e: {  	s3 =	simm.s32 @!p0 $0x1082;
	s9 =	sld [smem:$0x3FB1]  }
0x2f: {  	lr =	sadd.s32 s0, s3;
	s0 =	sld [smem:$0x3FA8]  }
0x30: {  	s3 =	sld [smem:$0x3FAB]  }
0x31: {  	[smem:$0x3FB4] =	sst s10  }
0x32: {  	s10 =	sld [smem:$0x3FB2];
	_ =	sdelay $0x3  }
0x33: {  	p0 =	seq.s32 s10, $0x1;
	s10 =	sld [smem:$0x3FB4];
	_ =	sdelay $0x3  }
0x34: {  	[smem:$0x3FB4] =	sst s10  }
0x35: {  	s10 =	sld [smem:$0x3FB3];
	_ =	sdelay $0x3  }
0x36: {  	p1 =	seq.s32 s10, $0x1;
	s10 =	sld [smem:$0x3FB4];
	_ =	sdelay $0x3  }
0x37: {  	[smem:$0x3FB4] =	sst s10  }
0x38: {  	s10 =	sld [smem:$0x3FB5]  }
0x39: {  	_ = 	snop;
	(pc) =	sbr.ind lr, $3  }
0x3a: {  	_ = 	snop  }
0x3b: {  	_ = 	snop  }
0x3c: {  	p2 =	seq.s32 s10, $0x1;
	s10 =	sld [smem:$0x3FB4]  }
0x3d: {  	_ =	shalt  }
0x3e: {  	_ =	shalt  }
0x3f: {  	_ =	shalt  }
0x40: {  	_ =	shalt  }
0x41: {  	_ =	shalt  }
0x42: {  	_ =	shalt  }
0x43: {  	_ =	shalt  }
0x44: {  	_ =	shalt  }
0x45: {  	_ =	shalt  }
0x46: {  	_ =	shalt  }
0x47: {  	_ =	shalt  }
0x48: {  	_ =	shalt  }
0x49: {  	_ =	shalt  }
0x4a: {  	_ =	shalt  }
0x4b: {  	_ =	shalt  }
0x4c: {  	_ =	shalt  }
0x4d: {  	_ =	shalt  }
0x4e: {  	_ =	shalt  }
0x4f: {  	_ =	shalt  }
0x50: {  	_ =	shalt  }
0x51: {  	_ =	shalt  }
0x52: {  	_ =	shalt  }
0x53: {  	_ =	shalt  }
0x54: {  	_ =	shalt  }
0x55: {  	_ =	shalt  }
0x56: {  	_ =	shalt  }
0x57: {  	_ =	shalt  }
0x58: {  	_ =	shalt  }
0x59: {  	_ =	shalt  }
0x5a: {  	_ =	shalt  }
0x5b: {  	_ =	shalt  }
0x5c: {  	_ =	shalt  }
0x5d: {  	_ =	shalt  }
0x5e: {  	_ =	shalt  }
0x5f: {  	_ =	shalt  }
0x60: {  	_ =	shalt  }
0x61: {  	_ =	shalt  }
0x62: {  	_ =	shalt  }
0x63: {  	_ =	shalt  }
0x64: {  	_ =	shalt  }
0x65: {  	_ =	shalt  }
0x66: {  	_ =	shalt  }
0x67: {  	_ =	shalt  }
0x68: {  	_ =	shalt  }
0x69: {  	_ =	shalt  }
0x6a: {  	_ =	shalt  }
0x6b: {  	_ =	shalt  }
0x6c: {  	_ =	shalt  }
0x6d: {  	_ =	shalt  }
0x6e: {  	_ =	shalt  }
0x6f: {  	_ =	shalt  }
0x70: {  	_ =	shalt  }
0x71: {  	_ =	shalt  }
0x72: {  	_ =	shalt  }
0x73: {  	_ =	shalt  }
0x74: {  	_ =	shalt  }
0x75: {  	_ =	shalt  }
0x76: {  	_ =	shalt  }
0x77: {  	_ =	shalt  }
0x78: {  	_ =	shalt  }
0x79: {  	_ =	shalt  }
0x7a: {  	_ =	shalt  }
0x7b: {  	_ =	shalt  }
0x7c: {  	_ =	shalt  }
0x7d: {  	_ =	shalt  }
0x7e: {  	_ =	shalt  }
0x7f: {  	_ =	shalt  }
0x80: {  	_ =	shalt  }
0x81: {  	_ =	shalt  }
0x82: {  	_ =	shalt  }
0x83: {  	_ =	shalt  }
0x84: {  	_ =	shalt  }
0x85: {  	_ =	shalt  }
0x86: {  	_ =	shalt  }
0x87: {  	_ =	shalt  }
.Lfunc_end0:
.L_simem_size_0:
called_computation.3_lowered:
.L_overlay_start_0:
0x88: {  	s2 =	sld [smem:$0x3FD9]  }
0x89: {  	s3 =	sld [smem:$0x3FFE];
	_ =	sdelay $0x1  }
0x8a: {  	s1 =	srdreg.scid  }
0x8b: {  	s0 =	sand.u32 $0x1, s1  }
0x8c: {  	s17 =	sshll.u32 s0, $0xA;
	s2 =	sadd.s32 s3, s2  }
0x8d: {  	s2 =	sadd.s32 s2, s17  }
0x8e: {  	[smem:$0x3FC0] =	sst s2  }
0x8f: {  	_ = 	snop  }
0x90: {  	s2 =	sld [smem:$0x3FD0];
	(tm) =	ssettm $0x1  }
0x91: {  	s18 =	sld [smem:$0x3FFB];
	_ =	sdelay $0x3  }
0x92: {  	_ =	strace s18  }
0x93: {  	s3 =	sld [smem:$0x3FFC];
	_ =	sdelay $0x3  }
0x94: {  	_ =	strace s3  }
0x95: {  	s3 =	sld [smem:$0x3FFD];
	_ =	sdelay $0x3  }
0x96: {  	_ =	strace s3  }
0x97: {  	_ =	strace $0x8FFFFFFF  }
0x98: {  	s19 =	sld [smem:$0x3FDB];
	_ =	sdelay $0x1  }
0x99: {  	s4 =	simm.s32 $_scs_section_size  }
0x9a: {  	s5 =	simm.s32 $_size__tile_overlayer_lowered;
	s6 =	simm.s32 $_tile_overlayer_lowered  }
0x9b: {  	s22 =	simm.s32 $0x1BFF;
	s21 =	sshll.u32 s6, $0x1;
	s3 =	sadd.s32 s4, s19  }
0x9c: {  	s7 =	simm.s32 $0x0;
	s20 =	sshll.u32 s5, $0x1;
	s5 =	sadd.s32 s21, s3  }
0x9d: {  	[timem:s7], [sflag:s22] =	dma.local [hbm:s5], s20  }
0x9e: {  	_ =	swait.ge [sflag:s22], s20  }
0x9f: {  	s4 =	ssub.s32 $0x0, s20;
	[sflag:s22] =	ssyncset.done $0x0  }
0xa0: {  	[sflag:s22] =	ssyncadd.s32 s4;
	_ =	sdelay $0x1  }
0xa1: {  	s23 =	simm.s32 $0x1B8B  }
0xa2: {  	_ =	swait.ge [sflag:s23], $0x1  }
0xa3: {  	[sflag:s23] =	ssyncset.done $0x0  }
0xa4: {  	s25 =	simm.s32 $0x1B8E;
	s24 =	sld [smem:$0x3FFE];
	[sflag:s23] =	ssyncadd.s32 $0xFFFFFFFF  }
0xa5: {  	s26 =	simm.s32 $execute0_lowered;
	[smem:$0x3FD2] =	sst s25  }
0xa6: {  	s5 =	sshll.u32 s26, $0x1;
	_ =	strace $0x8000004F;
	[dreg:$0x1] =	wrdreg $0xFFFFFFFF  }
0xa7: {  	s28 =	simm.s32 $_size_execute0_lowered;
	s3 =	sadd.s32 s3, s5;
	[dreg:$0x0] =	wrdreg $0x0  }
0xa8: {  	s5 =	sshll.u32 s28, $0x1;
	[dreg:$0x2] =	wrdreg s3  }
0xa9: {  	[dreg:$0x3] =	wrdreg s5  }
0xaa: {  	[dreg:$0x4] =	wrdreg $0xC0  }
0xab: {  	_ =	task [dreg:s7], $0x5FFFF  }
0xac: {  	[dreg:$0x1] =	wrdreg $0xFFFFFFFF  }
0xad: {  	[dreg:$0x0] =	wrdreg $0x60  }
0xae: {  	[dreg:$0x2] =	wrdreg s24  }
0xaf: {  	[dreg:$0x3] =	wrdreg s2  }
0xb0: {  	[dreg:$0x4] =	wrdreg $0xDD000  }
0xb1: {  	[dreg:$0x5] =	wrdreg $0x9  }
0xb2: {  	_ =	task.clear_ibuf [dreg:s7], $0x6FFFF;
	_ =	strace $0x9000004F  }
0xb3: {  	s29 =	simm.s32 $0x9;
	_ =	strace $0x80000051  }
0xb4: {  	_ =	swait.ge [sflag:s29], $0x1  }
0xb5: {  	[sflag:s29] =	ssyncadd.s32 $0xFFFFFFFF  }
0xb6: {  	_ =	strace $0x90000051  }
0xb7: {  	_ =	sfence  }
0xb8: {  	s30 =	sld [smem:$0x0];
	_ =	sdelay $0x2  }
0xb9: {  	s31 =	sshll.u32 s1, $0xD;
	s1 =	sshrl.u32 s1, $0x2  }
0xba: {  	s3 =	sand.u32 $0x4000, s31;
	s1 =	sadd.s32 s1, s30  }
0xbb: {  	s0 =	sor.u32 s3, s0;
	s1 =	sshll.u32 s1, $0x11  }
0xbc: {  	s0 =	sor.u32 s1, s0  }
0xbd: {  	s0 =	sadd.s32 $0x8F2B, s0  }
0xbe: {  	[sflag:s0] =	ssyncadd.remote.s32 $0x1  }
0xbf: {  	_ =	sfence.sel $0xFFFF  }
0xc0: {  	[dreg:$0x0] =	wrdreg $0xFFFFFFFF;
	(pc) =	sbr.abs _section_cstart, $3  }
0xc1: {  	[dreg:$0x1] =	wrdreg $0xFFFFFFFF  }
0xc2: {  	_ =	task.clear_ibuf [dreg:s7], $0x2FFFF;
	_ =	strace $0x9FFFFFFF  }
0xc3: {  	(tm) =	ssettm $0x7FFFFFFF  }
tec
execute0_lowered:
.L_overlay_start_1:
0x0: {  	(tag) =	ssettag $0x1  }
0x1: {  	s0 =	rddreg [dreg:$0x0]  }
0x2: {  	s1 =	srdreg.scid;
	s3 =	rddreg [dreg:$0x1]  }
0x3: {  	s8 =	stileid.u32;
	s2 =	rddreg [dreg:$0x2];
	s7 =	simm.s32 $0x0  }
0x4: {  	s19 =	simm.s32 $0x9;
	s28 =	simm.s32 $0x8E80;
	s4 =	smul.u32 $0x5000, s8  }
0x5: {  	s30 =	simm.s32 $0xADC0;
	s31 =	simm.s32 $0x1;
	s6 =	smul.u32 $0xA000, s8  }
0x6: {  	s20 =	simm.s32 $0x4;
	s1 =	sand.u32 $0x1, s1;
	s8 =	smul.u32 $0x28000, s8  }
0x7: {  	s29 =	simm.s32 $0x7;
	[smem:$0x7FF] =	sst s7;
	s5 =	smul.u32 $0x2800, s1  }
0x8: {  	s21 =	smul.u32 $0xA0000, s1;
	_ =	strace $0x80000050;
	s1 =	ssub.s32 $0x2, s1  }
0x9: {  	s10 =	sshrl.u32 s1, $0x1;
	s22 =	sshrl.u32 s8, $0x2;
	s5 =	sadd.s32 s5, s4  }
0xa: {  	s4 =	sadd.s32 $0xE200, s0;
	s7 =	sadd.s32 s6, s21;
	s1 =	ssub.s32 s1, s10  }
0xb: {  	s24 =	sadd.s32 s22, s2;
	s21 =	simm.s32 $0xCD00;
	s22 =	simm.s32 $0x7D  }
0xc: {  	s5 =	sshrl.u32 s5, $0x3;
	s7 =	sshrl.u32 s7, $0x3;
	s25 =	sadd.s32 $0x1000, s24  }
0xd: {  	s26 =	sadd.s32 $0x2000, s24;
	s10 =	sadd.s32 $0x3000, s24;
	s11 =	sadd.s32 $0x4000, s24  }
0xe: {  	s12 =	sadd.s32 $0x5000, s24;
	s13 =	sadd.s32 $0x6000, s24;
	s14 =	sadd.s32 $0x7000, s24  }
0xf: {  	s15 =	sadd.s32 $0x8000, s24;
	s16 =	sadd.s32 $0x9000, s24;
	s18 =	smax.u32 s1, $0x1  }
0x10: {  	s1 =	simm.s32 $0x2;
	s24 =	simm.s32 $0x5;
	s9 =	sadd.s32 s5, s0  }
0x11: {  	s0 =	sadd.s32 s7, s0;
	s3 =	sadd.s32 s3, s5;
	[dreg:$0x6] =	wrdreg s25  }
0x12: {  	s7 =	sadd.s32 s6, s2;
	[dreg:$0x7] =	wrdreg s26;
	s25 =	simm.s32 $0x6F40  }
0x13: {  	s26 =	simm.s32 $0x6;
	s5 =	simm.s32 $0x0;
	s23 =	sadd.s32 $0x4200, s9  }
0x14: {  	[dreg:$0x5] =	wrdreg s3;
	s17 =	sadd.s32 $0x21C00, s0;
	s0 =	simm.s32 $0x3  }
0x15: {  	v0 =	vimm.f32 $0.0e+00;
	s3 =	simm.s32 $0x8;
	[dreg:$0x4] =	wrdreg s23;
	s23 =	simm.s32 $0x5000  }
.LBB2_1:
0x16: {  	s6 =	simm.s32 $0x0;
	s8 =	rddreg [dreg:$0x4]  }
0x17: {  	[tilespmem:s6], [sflag:$0x9] =	stream.linear.gather [hbm4b:s8+s6], $0x2800, $0x38;
	[tilespmem:$0x17D00] =	vst v63  }
0x18: {  	_ =	swait.ge [sflag:s19], $0x2800  }
0x19: {  	[sflag:s19] =	ssyncset.done $0x0  }
0x1a: {  	s9 =	simm.s32 $0x2800;
	s8 =	rddreg [dreg:$0x5];
	[sflag:s19] =	ssyncadd.s32 $0xFFFFD800  }
0x1b: {  	[tilespmem:s9], [sflag:$0x9] =	stream.linear.gather [hbm4b:s8+s6], $0x2800, $0x38;
	[tilespmem:$0x17D00] =	vst v63  }
0x1c: {  	_ =	swait.ge [sflag:s19], $0x2800  }
0x1d: {  	[sflag:s19] =	ssyncset.done $0x0  }
0x1e: {  	s8 =	simm.s32 $0x100;
	s6 =	simm.s32 $0x0;
	[sflag:s19] =	ssyncadd.s32 $0xFFFFD800  }
.LBB2_2:
0x1f: {  	p0 =	sne.s32 s8, $0x3F00;
	[tilespmem:s6+$0xCD30] =	vst v0;
	s9 =	smov.u32 s8;
	s8 =	sadd.s32 $0x100, s8  }
.Ltmp0:
0x20: {  	[tilespmem:s6+$0xCD20] =	vst v0;
	(pc) =	sbr.rel @p0 .LBB2_2-.Ltmp0, $3  }
0x21: {  	[tilespmem:s6+$0xCD00] =	vst v0  }
0x22: {  	[tilespmem:s6+$0xCD10] =	vst v0;
	_ =	sdelay $0x1  }
0x23: {  	s6 =	sshra.s32 s9, $0x2  }
0x24: {  	[tilespmem:s6+$0xCD30] =	vst v0  }
0x25: {  	[tilespmem:s6+$0xCD20] =	vst v0  }
0x26: {  	[tilespmem:s6+$0xCD00] =	vst v0  }
0x27: {  	[tilespmem:s6+$0xCD10] =	vst v0  }
0x28: {  	[spmem:s7] =	stream.linear.scatter [tilespmem:s21], [sflag:$0x9], $0x1000, $0x38;
	[tilespmem:$0x17D00] =	vst v63  }
0x29: {  	_ =	swait.ge [sflag:s19], $0x1000  }
0x2a: {  	[sflag:s19] =	ssyncset.done $0x0  }
0x2b: {  	s9 =	rddreg [dreg:$0x6];
	[sflag:s19] =	ssyncadd.s32 $0xFFFFF000  }
0x2c: {  	[spmem:s9] =	stream.linear.scatter [tilespmem:s21], [sflag:$0x9], $0x1000, $0x38;
	[tilespmem:$0x17D00] =	vst v63  }
0x2d: {  	_ =	swait.ge [sflag:s19], $0x1000  }
0x2e: {  	[sflag:s19] =	ssyncset.done $0x0  }
0x2f: {  	s8 =	rddreg [dreg:$0x7];
	[sflag:s19] =	ssyncadd.s32 $0xFFFFF000  }
0x30: {  	[spmem:s8] =	stream.linear.scatter [tilespmem:s21], [sflag:$0x9], $0x1000, $0x38;
	[tilespmem:$0x17D00] =	vst v63  }
0x31: {  	_ =	swait.ge [sflag:s19], $0x1000  }
0x32: {  	[sflag:s19] =	ssyncset.done $0x0  }
0x33: {  	[sflag:s19] =	ssyncadd.s32 $0xFFFFF000  }
0x34: {  	[spmem:s10] =	stream.linear.scatter [tilespmem:s21], [sflag:$0x9], $0x1000, $0x38;
	[tilespmem:$0x17D00] =	vst v63  }
0x35: {  	_ =	swait.ge [sflag:s19], $0x1000  }
0x36: {  	[sflag:s19] =	ssyncset.done $0x0  }
0x37: {  	[sflag:s19] =	ssyncadd.s32 $0xFFFFF000  }
0x38: {  	[spmem:s11] =	stream.linear.scatter [tilespmem:s21], [sflag:$0x9], $0x1000, $0x38;
	[tilespmem:$0x17D00] =	vst v63  }
0x39: {  	_ =	swait.ge [sflag:s19], $0x1000  }
0x3a: {  	[sflag:s19] =	ssyncset.done $0x0  }
0x3b: {  	[sflag:s19] =	ssyncadd.s32 $0xFFFFF000  }
0x3c: {  	[spmem:s12] =	stream.linear.scatter [tilespmem:s21], [sflag:$0x9], $0x1000, $0x38;
	[tilespmem:$0x17D00] =	vst v63  }
0x3d: {  	_ =	swait.ge [sflag:s19], $0x1000  }
0x3e: {  	[sflag:s19] =	ssyncset.done $0x0  }
0x3f: {  	[sflag:s19] =	ssyncadd.s32 $0xFFFFF000  }
0x40: {  	[spmem:s13] =	stream.linear.scatter [tilespmem:s21], [sflag:$0x9], $0x1000, $0x38;
	[tilespmem:$0x17D00] =	vst v63  }
0x41: {  	_ =	swait.ge [sflag:s19], $0x1000  }
0x42: {  	[sflag:s19] =	ssyncset.done $0x0  }
0x43: {  	[sflag:s19] =	ssyncadd.s32 $0xFFFFF000  }
0x44: {  	[spmem:s14] =	stream.linear.scatter [tilespmem:s21], [sflag:$0x9], $0x1000, $0x38;
	[tilespmem:$0x17D00] =	vst v63  }
0x45: {  	_ =	swait.ge [sflag:s19], $0x1000  }
0x46: {  	[sflag:s19] =	ssyncset.done $0x0  }
0x47: {  	[sflag:s19] =	ssyncadd.s32 $0xFFFFF000  }
0x48: {  	[spmem:s15] =	stream.linear.scatter [tilespmem:s21], [sflag:$0x9], $0x1000, $0x38;
	[tilespmem:$0x17D00] =	vst v63  }
0x49: {  	_ =	swait.ge [sflag:s19], $0x1000  }
0x4a: {  	[sflag:s19] =	ssyncset.done $0x0  }
0x4b: {  	[sflag:s19] =	ssyncadd.s32 $0xFFFFF000  }
0x4c: {  	[spmem:s16] =	stream.linear.scatter [tilespmem:s21], [sflag:$0x9], $0x1000, $0x38;
	[tilespmem:$0x17D00] =	vst v63  }
0x4d: {  	_ =	swait.ge [sflag:s19], $0x1000  }
0x4e: {  	[sflag:s19] =	ssyncset.done $0x0  }
0x4f: {  	[sflag:s19] =	ssyncadd.s32 $0xFFFFF000  }
0x50: {  	s9 =	simm.s32 $0x0;
	[bflag:$0x0] =	sbarrier.arrive $0xFFFF  }
0x51: {  	[tilespmem:s23], [sflag:$0x1] =	stream.indirect.gather [hbm4b:s4+s22], $0x40, s9, s22, $0xb8;
	[tilespmem:$0x17D00] =	vst v63  }
0x52: {  	s8 =	simm.s32 $0x80  }
0x53: {  	[tilespmem:s25], [sflag:$0x2] =	stream.indirect.gather [hbm4b:s4+s22], $0x40, s8, s22, $0xb8;
	[tilespmem:$0x17D00] =	vst v63  }
0x54: {  	s9 =	simm.s32 $0x100  }
0x55: {  	[tilespmem:s28], [sflag:$0x3] =	stream.indirect.gather [hbm4b:s4+s22], $0x40, s9, s22, $0xb8;
	[tilespmem:$0x17D00] =	vst v63  }
0x56: {  	s8 =	simm.s32 $0x180  }
0x57: {  	[tilespmem:s30], [sflag:$0x4] =	stream.indirect.gather [hbm4b:s4+s22], $0x40, s8, s22, $0xb8;
	[tilespmem:$0x17D00] =	vst v63  }
0x58: {  	_ =	swait.ge [sflag:s31], $0x1F40  }
0x59: {  	[sflag:s31] =	ssyncset.done $0x0  }
0x5a: {  	s9 =	simm.s32 $0x2800;
	[sflag:s31] =	ssyncadd.s32 $0xFFFFE0C0  }
0x5b: {  	[spmem:s2] =	stream.indirect.scatter.add.f32 [tilespmem:s23], [sflag:$0x5], $0x40, s9, s22, $0xb8;
	[tilespmem:$0x17D00] =	vst v63  }
0x5c: {  	_ =	swait.ge [sflag:s1], $0x1F40  }
0x5d: {  	[sflag:s1] =	ssyncset.done $0x0  }
0x5e: {  	s8 =	simm.s32 $0x2880;
	[sflag:s1] =	ssyncadd.s32 $0xFFFFE0C0  }
0x5f: {  	[spmem:s2] =	stream.indirect.scatter.add.f32 [tilespmem:s25], [sflag:$0x6], $0x40, s8, s22, $0xb8;
	[tilespmem:$0x17D00] =	vst v63  }
0x60: {  	_ =	swait.ge [sflag:s0], $0x1F40  }
0x61: {  	[sflag:s0] =	ssyncset.done $0x0  }
0x62: {  	s9 =	simm.s32 $0x2900;
	[sflag:s0] =	ssyncadd.s32 $0xFFFFE0C0  }
0x63: {  	[spmem:s2] =	stream.indirect.scatter.add.f32 [tilespmem:s28], [sflag:$0x7], $0x40, s9, s22, $0xb8;
	[tilespmem:$0x17D00] =	vst v63  }
0x64: {  	_ =	swait.ge [sflag:s20], $0x1F40  }
0x65: {  	[sflag:s20] =	ssyncset.done $0x0  }
0x66: {  	s8 =	simm.s32 $0x2980;
	[sflag:s20] =	ssyncadd.s32 $0xFFFFE0C0  }
0x67: {  	[spmem:s2] =	stream.indirect.scatter.add.f32 [tilespmem:s30], [sflag:$0x8], $0x40, s8, s22, $0xb8;
	[tilespmem:$0x17D00] =	vst v63  }
0x68: {  	_ =	swait.ge [sflag:s24], $0x1F40  }
0x69: {  	[sflag:s24] =	ssyncset.done $0x0  }
0x6a: {  	s9 =	simm.s32 $0x200;
	[sflag:s24] =	ssyncadd.s32 $0xFFFFE0C0  }
0x6b: {  	[tilespmem:s23], [sflag:$0x1] =	stream.indirect.gather [hbm4b:s4+s22], $0x40, s9, s22, $0xb8;
	[tilespmem:$0x17D00] =	vst v63  }
0x6c: {  	_ =	swait.ge [sflag:s26], $0x1F40  }
0x6d: {  	[sflag:s26] =	ssyncset.done $0x0  }
0x6e: {  	s8 =	simm.s32 $0x280;
	[sflag:s26] =	ssyncadd.s32 $0xFFFFE0C0  }
0x6f: {  	[tilespmem:s25], [sflag:$0x2] =	stream.indirect.gather [hbm4b:s4+s22], $0x40, s8, s22, $0xb8;
	[tilespmem:$0x17D00] =	vst v63  }
0x70: {  	_ =	swait.ge [sflag:s29], $0x1F40  }
0x71: {  	[sflag:s29] =	ssyncset.done $0x0  }
0x72: {  	s9 =	simm.s32 $0x300;
	[sflag:s29] =	ssyncadd.s32 $0xFFFFE0C0  }
0x73: {  	[tilespmem:s28], [sflag:$0x3] =	stream.indirect.gather [hbm4b:s4+s22], $0x40, s9, s22, $0xb8;
	[tilespmem:$0x17D00] =	vst v63  }
0x74: {  	_ =	swait.ge [sflag:s3], $0x1F40  }
0x75: {  	[sflag:s3] =	ssyncset.done $0x0  }
0x76: {  	s6 =	simm.s32 $0x800;
	s8 =	simm.s32 $0x380;
	[sflag:s3] =	ssyncadd.s32 $0xFFFFE0C0  }
.LBB2_4:
0x77: {  	[tilespmem:s30], [sflag:$0x4] =	stream.indirect.gather [hbm4b:s4+s22], $0x40, s8, s22, $0xb8;
	[tilespmem:$0x17D00] =	vst v63  }
0x78: {  	s8 =	smov.u32 s6  }
0x79: {  	p0 =	sne.s32 s6, $0x9000;
	s6 =	sadd.s32 $0x800, s6;
	_ =	swait.ge [sflag:s31], $0x1F40  }
0x7a: {  	s8 =	sshra.s32 s8, $0x2;
	[sflag:s31] =	ssyncset.done $0x0  }
0x7b: {  	s9 =	sadd.s32 $0x2800, s8;
	[sflag:s31] =	ssyncadd.s32 $0xFFFFE0C0  }
0x7c: {  	[spmem:s2] =	stream.indirect.scatter.add.f32 [tilespmem:s23], [sflag:$0x5], $0x40, s9, s22, $0xb8;
	[tilespmem:$0x17D00] =	vst v63  }
0x7d: {  	_ =	swait.ge [sflag:s1], $0x1F40  }
0x7e: {  	[sflag:s1] =	ssyncset.done $0x0  }
0x7f: {  	s9 =	sadd.s32 $0x2880, s8;
	[sflag:s1] =	ssyncadd.s32 $0xFFFFE0C0  }
0x80: {  	[spmem:s2] =	stream.indirect.scatter.add.f32 [tilespmem:s25], [sflag:$0x6], $0x40, s9, s22, $0xb8;
	[tilespmem:$0x17D00] =	vst v63  }
0x81: {  	_ =	swait.ge [sflag:s0], $0x1F40  }
0x82: {  	[sflag:s0] =	ssyncset.done $0x0  }
0x83: {  	s9 =	sadd.s32 $0x2900, s8;
	[sflag:s0] =	ssyncadd.s32 $0xFFFFE0C0  }
0x84: {  	[spmem:s2] =	stream.indirect.scatter.add.f32 [tilespmem:s28], [sflag:$0x7], $0x40, s9, s22, $0xb8;
	[tilespmem:$0x17D00] =	vst v63  }
0x85: {  	_ =	swait.ge [sflag:s20], $0x1F40  }
0x86: {  	[sflag:s20] =	ssyncset.done $0x0  }
0x87: {  	s9 =	sadd.s32 $0x2980, s8;
	[sflag:s20] =	ssyncadd.s32 $0xFFFFE0C0  }
0x88: {  	[spmem:s2] =	stream.indirect.scatter.add.f32 [tilespmem:s30], [sflag:$0x8], $0x40, s9, s22, $0xb8;
	[tilespmem:$0x17D00] =	vst v63  }
0x89: {  	_ =	swait.ge [sflag:s24], $0x1F40  }
0x8a: {  	[sflag:s24] =	ssyncset.done $0x0  }
0x8b: {  	s9 =	sadd.s32 $0x200, s8;
	[sflag:s24] =	ssyncadd.s32 $0xFFFFE0C0  }
0x8c: {  	[tilespmem:s23], [sflag:$0x1] =	stream.indirect.gather [hbm4b:s4+s22], $0x40, s9, s22, $0xb8;
	[tilespmem:$0x17D00] =	vst v63  }
0x8d: {  	_ =	swait.ge [sflag:s26], $0x1F40  }
0x8e: {  	[sflag:s26] =	ssyncset.done $0x0  }
0x8f: {  	s9 =	sadd.s32 $0x280, s8;
	[sflag:s26] =	ssyncadd.s32 $0xFFFFE0C0  }
0x90: {  	[tilespmem:s25], [sflag:$0x2] =	stream.indirect.gather [hbm4b:s4+s22], $0x40, s9, s22, $0xb8;
	[tilespmem:$0x17D00] =	vst v63  }
0x91: {  	_ =	swait.ge [sflag:s29], $0x1F40  }
0x92: {  	[sflag:s29] =	ssyncset.done $0x0  }
.Ltmp1:
0x93: {  	s9 =	sadd.s32 $0x300, s8;
	[sflag:s29] =	ssyncadd.s32 $0xFFFFE0C0;
	(pc) =	sbr.rel @p0 .LBB2_4-.Ltmp1, $4  }
0x94: {  	[tilespmem:s28], [sflag:$0x3] =	stream.indirect.gather [hbm4b:s4+s22], $0x40, s9, s22, $0xb8;
	[tilespmem:$0x17D00] =	vst v63  }
0x95: {  	_ =	swait.ge [sflag:s3], $0x1F40  }
0x96: {  	[sflag:s3] =	ssyncset.done $0x0  }
0x97: {  	s8 =	sadd.s32 $0x380, s8;
	[sflag:s3] =	ssyncadd.s32 $0xFFFFE0C0  }
0x98: {  	[tilespmem:s30], [sflag:$0x4] =	stream.indirect.gather [hbm4b:s4+s22], $0x40, s8, s22, $0xb8;
	[tilespmem:$0x17D00] =	vst v63  }
0x99: {  	_ =	swait.ge [sflag:s31], $0x1F40  }
0x9a: {  	[sflag:s31] =	ssyncset.done $0x0  }
0x9b: {  	s6 =	simm.s32 $0x4E00;
	[sflag:s31] =	ssyncadd.s32 $0xFFFFE0C0  }
0x9c: {  	[spmem:s2] =	stream.indirect.scatter.add.f32 [tilespmem:s23], [sflag:$0x5], $0x40, s6, s22, $0xb8;
	[tilespmem:$0x17D00] =	vst v63  }
0x9d: {  	_ =	swait.ge [sflag:s1], $0x1F40  }
0x9e: {  	[sflag:s1] =	ssyncset.done $0x0  }
0x9f: {  	s9 =	simm.s32 $0x4E80;
	[sflag:s1] =	ssyncadd.s32 $0xFFFFE0C0  }
0xa0: {  	[spmem:s2] =	stream.indirect.scatter.add.f32 [tilespmem:s25], [sflag:$0x6], $0x40, s9, s22, $0xb8;
	[tilespmem:$0x17D00] =	vst v63  }
0xa1: {  	_ =	swait.ge [sflag:s0], $0x1F40  }
0xa2: {  	[sflag:s0] =	ssyncset.done $0x0  }
0xa3: {  	s8 =	simm.s32 $0x4F00;
	[sflag:s0] =	ssyncadd.s32 $0xFFFFE0C0  }
0xa4: {  	[spmem:s2] =	stream.indirect.scatter.add.f32 [tilespmem:s28], [sflag:$0x7], $0x40, s8, s22, $0xb8;
	[tilespmem:$0x17D00] =	vst v63  }
0xa5: {  	_ =	swait.ge [sflag:s20], $0x1F40  }
0xa6: {  	[sflag:s20] =	ssyncset.done $0x0  }
0xa7: {  	s9 =	simm.s32 $0x4F80;
	[sflag:s20] =	ssyncadd.s32 $0xFFFFE0C0  }
0xa8: {  	[spmem:s2] =	stream.indirect.scatter.add.f32 [tilespmem:s30], [sflag:$0x8], $0x40, s9, s22, $0xb8;
	[tilespmem:$0x17D00] =	vst v63  }
0xa9: {  	_ =	swait.ge [sflag:s24], $0x1F40  }
0xaa: {  	[sflag:s24] =	ssyncset.done $0x0  }
0xab: {  	[sflag:s24] =	ssyncadd.s32 $0xFFFFE0C0  }
0xac: {  	_ =	swait.ge [sflag:s26], $0x1F40  }
0xad: {  	[sflag:s26] =	ssyncset.done $0x0  }
0xae: {  	[sflag:s26] =	ssyncadd.s32 $0xFFFFE0C0  }
0xaf: {  	_ =	swait.ge [sflag:s29], $0x1F40  }
0xb0: {  	[sflag:s29] =	ssyncset.done $0x0  }
0xb1: {  	[sflag:s29] =	ssyncadd.s32 $0xFFFFE0C0  }
0xb2: {  	s8 =	stileid.u32;
	_ =	swait.ge [sflag:s3], $0x1F40  }
0xb3: {  	s5 =	sadd.s32 $0x1, s5;
	s6 =	sshll.u32 s8, $0x6;
	[sflag:s3] =	ssyncset.done $0x0  }
0xb4: {  	p0 =	sne.s32 s5, s18;
	s6 =	sor.u32 $0x1C09, s6;
	[sflag:s3] =	ssyncadd.s32 $0xFFFFE0C0  }
.Ltmp2:
0xb5: {  	s9 =	sshrl.u32 s7, $0x3;
	[bflag:$0x0] =	sbarrier.arrive $0xFFFF;
	(pc) =	sbr.rel @p0 .LBB2_1-.Ltmp2, $4  }
0xb6: {  	[hbm:s17], [sflag:s6] =	dma.local [spmem:s9], $0x1400  }
0xb7: {  	_ =	swait.ge [sflag:s19], $0x1400  }
0xb8: {  	[sflag:s19] =	ssyncset.done $0x0  }
0xb9: {  	[sflag:s19] =	ssyncadd.s32 $0xFFFFEC00  }
0xba: {  	_ =	sfence.sel $0x180000  }
0xbb: {  	[bflag:$0x0] =	sbarrier.arrive $0xFFFF  }
0xbc: {  	_ =	strace $0x90000050  }
0xbd: {  	s0 =	stileid.u32;
	[bflag:$0x2] =	sbarrier.arrive $0xFFFF  }
0xbe: {  	p0 =	sne.s32 s0, $0x0;
	s0 =	rddreg [dreg:$0x3]  }
0xbf: {  	s0 =	sadd.s32 @!p0 $0x100000, s0  }
0xc0: {  	[sflag:s0] =	ssyncadd.tile.s32 @!p0 $0x1;
	_ =	shalt  }
.Lfunc_end2:
_tile_overlayer_lowered:
.L_overlay_start_2:
0xc1: {  	(tag) =	ssettag $0x2  }
0xc2: {  	s0 =	rddreg [dreg:$0x0];
	s2 =	stileid.u32  }
0xc3: {  	s1 =	rddreg [dreg:$0x1];
	p0 =	sne.s32 s2, $0x0  }
0xc4: {  	s3 =	rddreg [dreg:$0x2];
	[bflag:$0x3] =	sbarrier.arrive $0xFFFF;
	s2 =	simm.s32 @!p0 $0x1C09  }
0xc5: {  	[timem:s3], [sflag:s2] =	dma.local @!p0 [hbm:s0], s1  }
0xc6: {  	s0 =	simm.s32 @!p0 $0x9  }
0xc7: {  	_ =	swait.ge @!p0 [sflag:s0], s1  }
0xc8: {  	s1 =	ssub.s32 @!p0 $0x0, s1;
	[sflag:s0] =	ssyncset.done @!p0 $0x0  }
0xc9: {  	[sflag:s0] =	ssyncadd.s32 @!p0 s1  }
0xca: {  	[bflag:$0x3] =	sbarrier.arrive $0xFFFF  }
0xcb: {  	_ =	shalt  }

</sc_bundles>
